<compile_context>
chip_gen: v7x
topology: tpu7x:2x2x1
jax: 0.10.2.dev20260603
libtpu: 0.0.44.dev20260713+nightly
codegen_flags: <defaults>
</compile_context>

<pallas_src>
import functools

import jax
import jax.numpy as jnp
from jax import lax
from jax.experimental import pallas as pl
from jax.experimental.pallas import tpu as pltpu
from jax.experimental.pallas import tpu_sc as plsc

TOP_K = 2
BT = 256



def _router_body(hs_ref, gw_ref, i1_ref, i2_ref, wa_ref, wb_ref):
    x = hs_ref[...]
    gw = gw_ref[...]
    logits = lax.dot_general(x, gw, (((1,), (1,)), ((), ())),
                             preferred_element_type=jnp.float32)
    tb, e = logits.shape
    iota = lax.broadcasted_iota(jnp.int32, (tb, e), 1)
    m1 = jnp.max(logits, axis=1, keepdims=True)
    i1 = jnp.min(jnp.where(logits == m1, iota, e), axis=1, keepdims=True)
    masked = jnp.where(iota == i1, -jnp.inf, logits)
    m2 = jnp.max(masked, axis=1, keepdims=True)
    i2 = jnp.min(jnp.where(masked == m2, iota, e), axis=1, keepdims=True)
    wa = jax.nn.sigmoid(m1 - m2)
    i1_ref[...] = i1
    i2_ref[...] = i2
    wa_ref[...] = wa
    wb_ref[...] = 1.0 - wa


def _router(hs, gw):
    T, D = hs.shape
    E = gw.shape[0]
    TB = 256
    grid = (T // TB,)
    out_shape = (
        jax.ShapeDtypeStruct((T, 1), jnp.int32),
        jax.ShapeDtypeStruct((T, 1), jnp.int32),
        jax.ShapeDtypeStruct((T, 1), jnp.float32),
        jax.ShapeDtypeStruct((T, 1), jnp.float32),
    )
    spec1 = pl.BlockSpec((TB, 1), lambda g: (g, 0))
    return pl.pallas_call(
        _router_body,
        grid=grid,
        in_specs=[
            pl.BlockSpec((TB, D), lambda g: (g, 0)),
            pl.BlockSpec((E, D), lambda g: (0, 0)),
        ],
        out_specs=(spec1, spec1, spec1, spec1),
        out_shape=out_shape,
    )(hs, gw)



def _metadata(i1, i2, wa, wb, E, Gmax, S):
    T = i1.shape[0]
    ex = jnp.stack([i1, i2], axis=1).reshape(-1)
    wx = jnp.stack([wa, wb], axis=1).reshape(-1)
    onehot = (ex[:, None] == jnp.arange(E)[None, :]).astype(jnp.int32)
    incl = jnp.cumsum(onehot, axis=0)
    counts = incl[-1]
    rank = jnp.take_along_axis(incl, ex[:, None], axis=1)[:, 0] - 1
    padded = ((counts + BT - 1) // BT) * BT
    seg_end = jnp.cumsum(padded)
    seg_start = seg_end - padded
    dest = seg_start[ex] + rank
    token_of_slot = jnp.zeros((S,), jnp.int32).at[dest].set(
        jnp.arange(2 * T, dtype=jnp.int32) // 2)
    weight_of_slot = jnp.zeros((S,), jnp.float32).at[dest].set(wx)
    p0 = dest[0::2].astype(jnp.int32)
    p1 = dest[1::2].astype(jnp.int32)
    n_active = (seg_end[-1] // BT).astype(jnp.int32)
    blk = jnp.arange(Gmax, dtype=jnp.int32) * BT
    block_expert = jnp.minimum(
        jnp.searchsorted(seg_end, blk, side='right'), E - 1).astype(jnp.int32)
    return (token_of_slot, weight_of_slot, p0, p1, block_expert,
            n_active[None])



def _sc_gather(hs_rows, token_of_slot, S):
    T, W = hs_rows.shape
    info = plsc.get_sparse_core_info()
    NW = info.num_cores * info.num_subcores
    per_w = S // NW
    CH = 48
    n_ch = per_w // CH
    mesh = plsc.VectorSubcoreMesh(core_axis_name="c", subcore_axis_name="s")

    @functools.partial(
        pl.kernel, mesh=mesh,
        out_type=jax.ShapeDtypeStruct((S, W), hs_rows.dtype),
        scratch_types=[
            pltpu.VMEM((per_w,), jnp.int32),
            pltpu.VMEM((CH, W), hs_rows.dtype),
            pltpu.VMEM((CH, W), hs_rows.dtype),
            pltpu.SemaphoreType.DMA,
            pltpu.SemaphoreType.DMA,
        ],
    )
    def gather_k(hs_hbm, tos_hbm, out_hbm, idx_v, buf0, buf1, sem0, sem1):
        nc = info.num_cores
        wid = lax.axis_index("s") * nc + lax.axis_index("c")
        base = wid * per_w
        pltpu.sync_copy(tos_hbm.at[pl.ds(base, per_w)], idx_v)
        bufs, sems = [buf0, buf1], [sem0, sem1]
        handles = [None, None]
        handles[0] = pltpu.async_copy(
            hs_hbm.at[idx_v.at[pl.ds(0, CH)]], bufs[0], sems[0])
        for c in range(n_ch):
            if c + 1 < n_ch:
                j = (c + 1) % 2
                handles[j] = pltpu.async_copy(
                    hs_hbm.at[idx_v.at[pl.ds((c + 1) * CH, CH)]],
                    bufs[j], sems[j])
            handles[c % 2].wait()
            pltpu.sync_copy(bufs[c % 2], out_hbm.at[pl.ds(base + c * CH, CH)])

    return gather_k(hs_rows, token_of_slot)



def _ffn_body(be_ref, na_ref, x_ref, w1_ref, w3_ref, w2_ref, ws_ref, y_ref):
    g = pl.program_id(0)

    @pl.when(g < na_ref[0])
    def _():
        x = x_ref[...]
        a = lax.dot_general(x, w1_ref[0], (((1,), (1,)), ((), ())),
                            preferred_element_type=jnp.float32)
        b = lax.dot_general(x, w3_ref[0], (((1,), (1,)), ((), ())),
                            preferred_element_type=jnp.float32)
        h = ((a * jax.nn.sigmoid(a)) * b).astype(jnp.bfloat16)
        y = lax.dot_general(h, w2_ref[0], (((1,), (1,)), ((), ())),
                            preferred_element_type=jnp.float32)
        y_ref[...] = y * ws_ref[...]


def _ffn(xg, w1, w3, w2, weight_of_slot, block_expert, n_active, Gmax, S):
    E, F, D = w1.shape
    ws2d = weight_of_slot.reshape(S, 1)
    grid_spec = pltpu.PrefetchScalarGridSpec(
        num_scalar_prefetch=2,
        grid=(Gmax,),
        in_specs=[
            pl.BlockSpec((BT, D), lambda g, be, na: (g, 0)),
            pl.BlockSpec((1, F, D), lambda g, be, na: (be[g], 0, 0)),
            pl.BlockSpec((1, F, D), lambda g, be, na: (be[g], 0, 0)),
            pl.BlockSpec((1, D, F), lambda g, be, na: (be[g], 0, 0)),
            pl.BlockSpec((BT, 1), lambda g, be, na: (g, 0)),
        ],
        out_specs=pl.BlockSpec((BT, D), lambda g, be, na: (g, 0)),
    )
    return pl.pallas_call(
        _ffn_body,
        grid_spec=grid_spec,
        out_shape=jax.ShapeDtypeStruct((S, D), jnp.float32),
    )(block_expert, n_active, xg, w1, w3, w2, ws2d)



def _sc_combine(yg, p0, p1, T, D):
    info = plsc.get_sparse_core_info()
    NW = info.num_cores * info.num_subcores
    L = info.num_lanes
    per_w = T // NW
    CH = 8
    n_ch = per_w // CH
    mesh = plsc.VectorSubcoreMesh(core_axis_name="c", subcore_axis_name="s")

    @functools.partial(
        pl.kernel, mesh=mesh,
        out_type=jax.ShapeDtypeStruct((T, D), jnp.float32),
        scratch_types=[
            pltpu.VMEM((per_w,), jnp.int32),
            pltpu.VMEM((per_w,), jnp.int32),
            pltpu.VMEM((CH, D), jnp.float32),
            pltpu.VMEM((CH, D), jnp.float32),
            pltpu.VMEM((CH, D), jnp.float32),
            pltpu.VMEM((CH, D), jnp.float32),
            pltpu.SemaphoreType.DMA,
            pltpu.SemaphoreType.DMA,
            pltpu.SemaphoreType.DMA,
            pltpu.SemaphoreType.DMA,
        ],
    )
    def combine_k(yg_hbm, p0_hbm, p1_hbm, out_hbm, p0_v, p1_v,
                  ba0, bb0, ba1, bb1, sa0, sb0, sa1, sb1):
        nc = info.num_cores
        wid = lax.axis_index("s") * nc + lax.axis_index("c")
        base = wid * per_w
        pltpu.sync_copy(p0_hbm.at[pl.ds(base, per_w)], p0_v)
        pltpu.sync_copy(p1_hbm.at[pl.ds(base, per_w)], p1_v)
        bas, bbs = [ba0, ba1], [bb0, bb1]
        sas, sbs = [sa0, sa1], [sb0, sb1]
        ha, hb = [None, None], [None, None]

        def issue(c):
            j = c % 2
            ha[j] = pltpu.async_copy(
                yg_hbm.at[p0_v.at[pl.ds(c * CH, CH)]], bas[j], sas[j])
            hb[j] = pltpu.async_copy(
                yg_hbm.at[p1_v.at[pl.ds(c * CH, CH)]], bbs[j], sbs[j])

        issue(0)
        for c in range(n_ch):
            j = c % 2
            if c + 1 < n_ch:
                issue(c + 1)
            ha[j].wait()
            hb[j].wait()
            for r in range(CH):
                def add_row(k, _, r=r, j=j):
                    sl = pl.ds(k * L, L)
                    bas[j][r, sl] = bas[j][r, sl] + bbs[j][r, sl]
                    return 0
                lax.fori_loop(0, D // L, add_row, 0)
            pltpu.sync_copy(bas[j], out_hbm.at[pl.ds(base + c * CH, CH)])

    return combine_k(yg, p0, p1)



def kernel(hidden_states, gate_weight, w1, w3, w2):
    T, D = hidden_states.shape
    E = gate_weight.shape[0]
    Gmax = (TOP_K * T) // BT + E
    S = Gmax * BT

    i1, i2, wa, wb = _router(hidden_states, gate_weight)
    (token_of_slot, weight_of_slot, p0, p1, block_expert,
     n_active) = _metadata(i1[:, 0], i2[:, 0], wa[:, 0], wb[:, 0], E, Gmax, S)
    hs_b = hidden_states.astype(jnp.bfloat16)
    hs_rows = lax.bitcast_convert_type(
        hs_b.reshape(T, D // 2, 2), jnp.int32)
    xg_i32 = _sc_gather(hs_rows, token_of_slot, S)
    xg = lax.bitcast_convert_type(xg_i32, jnp.bfloat16).reshape(S, D)
    yg = _ffn(xg, w1.astype(jnp.bfloat16), w3.astype(jnp.bfloat16),
              w2.astype(jnp.bfloat16), weight_of_slot, block_expert,
              n_active, Gmax, S)
    return _sc_combine(yg, p0, p1, T, D)

# --- scband reference (transcript-rebuilt; emitter-appended) ---
"""Pipeline reference for scband-ascend-qwen3-moe-sparse-moe-block-24885040513652 (READ-ONLY COPY).

The authoritative reference and input builder live on the scoring server;
editing this copy changes nothing except your own understanding.
"""

import jax, jax.numpy as jnp
import numpy as np

TOP_K = 2

def setup_inputs(seed: int = 0) -> dict:
    key = jax.random.key(seed)
    k0, k1, k2, k3, k4 = jax.random.split(key, 5)
    T, D, E, F = 2048, 2048, 8, 768
    hidden_states = jax.random.normal(k0, (T, D), dtype=jnp.float32)
    gate_weight = jax.random.normal(k1, (E, D), dtype=jnp.float32) * 0.02
    w1 = jax.random.normal(k2, (E, F, D), dtype=jnp.float32) * 0.02
    w3 = jax.random.normal(k3, (E, F, D), dtype=jnp.float32) * 0.02
    w2 = jax.random.normal(k4, (E, D, F), dtype=jnp.float32) * 0.02
    return {"hidden_states": hidden_states, "gate_weight": gate_weight, "w1": w1, "w3": w3, "w2": w2}

def reference(hidden_states, gate_weight, w1, w3, w2):
    T, D = hidden_states.shape
    E = gate_weight.shape[0]
    # gate: ReplicatedLinear(hidden_size, num_experts, bias=False)
    router_logits = hidden_states @ gate_weight.T
    probs = jax.nn.softmax(router_logits.astype(jnp.float32), axis=-1)
    topk_vals, topk_idx = jax.lax.top_k(probs, TOP_K)
    # renormalize (norm_topk_prob=True)
    topk_vals = topk_vals / jnp.sum(topk_vals, axis=-1, keepdims=True)
    # dense combine weights [T, E] via scatter-add (SparseCore-friendly)
    rows = jnp.arange(T)[:, None]
    combine = jnp.zeros((T, E), dtype=jnp.float32).at[rows, topk_idx].add(topk_vals)
    # fused MoE: SwiGLU expert FFNs, combined by routing weights
    def body(acc, xs):
        w1e, w3e, w2e, ce = xs
        a = jax.nn.silu(hidden_states @ w1e.T) * (hidden_states @ w3e.T)
        y = a @ w2e.T
        return acc + ce[:, None] * y, None
    out, _ = jax.lax.scan(body, jnp.zeros((T, D), dtype=jnp.float32), (w1, w3, w2, combine.T))
    return out

if __name__ == "__main__":
    import jax
    _d = setup_inputs()
    print(jax.jit(kernel)(*tuple(_d.values())))

</pallas_src>

<mosaic_0001>
#map = affine_map<(d0, d1) -> (0, 0)>
#map1 = affine_map<(d0, d1) -> (0)>
module attributes {stable_mosaic.version = 14 : i64} {
  func.func @combine_k(%arg0: i32, %arg1: i32, %arg2: memref<6144x2048xf32, #tpu.memory_space<hbm>>, %arg3: memref<2048xi32, #tpu.memory_space<hbm>>, %arg4: memref<2048xi32, #tpu.memory_space<hbm>>, %arg5: memref<2048x2048xf32, #tpu.memory_space<hbm>>, %arg6: memref<64xi32, #tpu.memory_space<vmem>>, %arg7: memref<64xi32, #tpu.memory_space<vmem>>, %arg8: memref<8x2048xf32, #tpu.memory_space<vmem>>, %arg9: memref<8x2048xf32, #tpu.memory_space<vmem>>, %arg10: memref<8x2048xf32, #tpu.memory_space<vmem>>, %arg11: memref<8x2048xf32, #tpu.memory_space<vmem>>, %arg12: memref<!tpu.dma_semaphore, #tpu.memory_space<semaphore_mem>>, %arg13: memref<!tpu.dma_semaphore, #tpu.memory_space<semaphore_mem>>, %arg14: memref<!tpu.dma_semaphore, #tpu.memory_space<semaphore_mem>>, %arg15: memref<!tpu.dma_semaphore, #tpu.memory_space<semaphore_mem>>) attributes {dimension_semantics = [#tpu.dimension_semantics<core_parallel>, #tpu.dimension_semantics<subcore_parallel>], iteration_bounds = array<i64: 2, 16>, scalar_prefetch = 0 : i64, scratch_operands = 10 : i64, tpu.core_type = #tpu.core_type<sc_vector_subcore>, window_params = [{transform_indices = #map}, {transform_indices = #map1}, {transform_indices = #map1}, {transform_indices = #map}]} {
    %mul3A = arith.constant 2 : i32
    %mul3A_0 = arith.muli %arg1, %mul3A : i32
    %add3A = arith.addi %mul3A_0, %arg0 : i32
    %mul3A_1 = arith.constant 64 : i32
    %mul3A_2 = arith.muli %add3A, %mul3A_1 : i32
    "tpu.region"() ({
      %run_scoped3A = tpu.sem_alloc : memref<!tpu.dma_semaphore, #tpu.memory_space<semaphore_mem>>
      %dma_start3A_624 = tpu.memref_slice %arg3[%mul3A_2] : memref<2048xi32, #tpu.memory_space<hbm>> -> memref<64xi32, #tpu.memory_space<hbm>>
      %dma_start3A_625 = tpu.memref_slice %arg3[%mul3A_2] : memref<2048xi32, #tpu.memory_space<hbm>> -> memref<64xi32, #tpu.memory_space<hbm>>
      tpu.enqueue_dma source(%dma_start3A_625 : memref<64xi32, #tpu.memory_space<hbm>>) target(%arg6 : memref<64xi32, #tpu.memory_space<vmem>>) target_semaphore(%run_scoped3A : memref<!tpu.dma_semaphore, #tpu.memory_space<semaphore_mem>>)
      %dma_wait3A_626 = tpu.memref_slice %arg3[%mul3A_2] : memref<2048xi32, #tpu.memory_space<hbm>> -> memref<64xi32, #tpu.memory_space<hbm>>
      %dma_wait3A_627 = tpu.memref_slice %arg3[%mul3A_2] : memref<2048xi32, #tpu.memory_space<hbm>> -> memref<64xi32, #tpu.memory_space<hbm>>
      tpu.wait_dma2 semaphore(%run_scoped3A : memref<!tpu.dma_semaphore, #tpu.memory_space<semaphore_mem>>) src(%dma_wait3A_627 : memref<64xi32, #tpu.memory_space<hbm>>) dst(%arg6 : memref<64xi32, #tpu.memory_space<vmem>>)
      tpu.yield
    }) : () -> ()
    "tpu.region"() ({
      %run_scoped3A = tpu.sem_alloc : memref<!tpu.dma_semaphore, #tpu.memory_space<semaphore_mem>>
      %dma_start3A_624 = tpu.memref_slice %arg4[%mul3A_2] : memref<2048xi32, #tpu.memory_space<hbm>> -> memref<64xi32, #tpu.memory_space<hbm>>
      %dma_start3A_625 = tpu.memref_slice %arg4[%mul3A_2] : memref<2048xi32, #tpu.memory_space<hbm>> -> memref<64xi32, #tpu.memory_space<hbm>>
      tpu.enqueue_dma source(%dma_start3A_625 : memref<64xi32, #tpu.memory_space<hbm>>) target(%arg7 : memref<64xi32, #tpu.memory_space<vmem>>) target_semaphore(%run_scoped3A : memref<!tpu.dma_semaphore, #tpu.memory_space<semaphore_mem>>)
      %dma_wait3A_626 = tpu.memref_slice %arg4[%mul3A_2] : memref<2048xi32, #tpu.memory_space<hbm>> -> memref<64xi32, #tpu.memory_space<hbm>>
      %dma_wait3A_627 = tpu.memref_slice %arg4[%mul3A_2] : memref<2048xi32, #tpu.memory_space<hbm>> -> memref<64xi32, #tpu.memory_space<hbm>>
      tpu.wait_dma2 semaphore(%run_scoped3A : memref<!tpu.dma_semaphore, #tpu.memory_space<semaphore_mem>>) src(%dma_wait3A_627 : memref<64xi32, #tpu.memory_space<hbm>>) dst(%arg7 : memref<64xi32, #tpu.memory_space<vmem>>)
      tpu.yield
    }) : () -> ()
    %dma_start3A = arith.constant 0 : i32
    %dma_start3A_3 = tpu.memref_slice %arg6[%dma_start3A] : memref<64xi32, #tpu.memory_space<vmem>> -> memref<8xi32, #tpu.memory_space<vmem>>
    %dma_start3A_4 = arith.constant 0 : i32
    %dma_start3A_5 = arith.constant 0 : i32
    %dma_start3A_6 = tpu.memref_slice %arg2[%dma_start3A_4, %dma_start3A_5] : memref<6144x2048xf32, #tpu.memory_space<hbm>> -> memref<6144x2048xf32, #tpu.memory_space<hbm>>
    tpu.enqueue_indirect_dma source(%dma_start3A_6 : memref<6144x2048xf32, #tpu.memory_space<hbm>>) target(%arg8 : memref<8x2048xf32, #tpu.memory_space<vmem>>) offsets(%dma_start3A_3 : memref<8xi32, #tpu.memory_space<vmem>>) semaphore(%arg12 : memref<!tpu.dma_semaphore, #tpu.memory_space<semaphore_mem>>)
    %dma_start3A_7 = arith.constant 0 : i32
    %dma_start3A_8 = tpu.memref_slice %arg7[%dma_start3A_7] : memref<64xi32, #tpu.memory_space<vmem>> -> memref<8xi32, #tpu.memory_space<vmem>>
    %dma_start3A_9 = arith.constant 0 : i32
    %dma_start3A_10 = arith.constant 0 : i32
    %dma_start3A_11 = tpu.memref_slice %arg2[%dma_start3A_9, %dma_start3A_10] : memref<6144x2048xf32, #tpu.memory_space<hbm>> -> memref<6144x2048xf32, #tpu.memory_space<hbm>>
    tpu.enqueue_indirect_dma source(%dma_start3A_11 : memref<6144x2048xf32, #tpu.memory_space<hbm>>) target(%arg9 : memref<8x2048xf32, #tpu.memory_space<vmem>>) offsets(%dma_start3A_8 : memref<8xi32, #tpu.memory_space<vmem>>) semaphore(%arg13 : memref<!tpu.dma_semaphore, #tpu.memory_space<semaphore_mem>>)
    %dma_start3A_12 = arith.constant 8 : i32
    %dma_start3A_13 = tpu.memref_slice %arg6[%dma_start3A_12] : memref<64xi32, #tpu.memory_space<vmem>> -> memref<8xi32, #tpu.memory_space<vmem>>
    %dma_start3A_14 = arith.constant 0 : i32
    %dma_start3A_15 = arith.constant 0 : i32
    %dma_start3A_16 = tpu.memref_slice %arg2[%dma_start3A_14, %dma_start3A_15] : memref<6144x2048xf32, #tpu.memory_space<hbm>> -> memref<6144x2048xf32, #tpu.memory_space<hbm>>
    tpu.enqueue_indirect_dma source(%dma_start3A_16 : memref<6144x2048xf32, #tpu.memory_space<hbm>>) target(%arg10 : memref<8x2048xf32, #tpu.memory_space<vmem>>) offsets(%dma_start3A_13 : memref<8xi32, #tpu.memory_space<vmem>>) semaphore(%arg14 : memref<!tpu.dma_semaphore, #tpu.memory_space<semaphore_mem>>)
    %dma_start3A_17 = arith.constant 8 : i32
    %dma_start3A_18 = tpu.memref_slice %arg7[%dma_start3A_17] : memref<64xi32, #tpu.memory_space<vmem>> -> memref<8xi32, #tpu.memory_space<vmem>>
    %dma_start3A_19 = arith.constant 0 : i32
    %dma_start3A_20 = arith.constant 0 : i32
    %dma_start3A_21 = tpu.memref_slice %arg2[%dma_start3A_19, %dma_start3A_20] : memref<6144x2048xf32, #tpu.memory_space<hbm>> -> memref<6144x2048xf32, #tpu.memory_space<hbm>>
    tpu.enqueue_indirect_dma source(%dma_start3A_21 : memref<6144x2048xf32, #tpu.memory_space<hbm>>) target(%arg11 : memref<8x2048xf32, #tpu.memory_space<vmem>>) offsets(%dma_start3A_18 : memref<8xi32, #tpu.memory_space<vmem>>) semaphore(%arg15 : memref<!tpu.dma_semaphore, #tpu.memory_space<semaphore_mem>>)
    %dma_wait3A = arith.constant 0 : i32
    %dma_wait3A_22 = tpu.memref_slice %arg6[%dma_wait3A] : memref<64xi32, #tpu.memory_space<vmem>> -> memref<8xi32, #tpu.memory_space<vmem>>
    %dma_wait3A_23 = arith.constant 0 : i32
    %dma_wait3A_24 = arith.constant 0 : i32
    %dma_wait3A_25 = tpu.memref_slice %arg2[%dma_wait3A_23, %dma_wait3A_24] : memref<6144x2048xf32, #tpu.memory_space<hbm>> -> memref<6144x2048xf32, #tpu.memory_space<hbm>>
    tpu.wait_indirect_dma semaphore(%arg12 : memref<!tpu.dma_semaphore, #tpu.memory_space<semaphore_mem>>) src(%dma_wait3A_25 : memref<6144x2048xf32, #tpu.memory_space<hbm>>) dst(%arg8 : memref<8x2048xf32, #tpu.memory_space<vmem>>)
    %dma_wait3A_26 = arith.constant 0 : i32
    %dma_wait3A_27 = tpu.memref_slice %arg7[%dma_wait3A_26] : memref<64xi32, #tpu.memory_space<vmem>> -> memref<8xi32, #tpu.memory_space<vmem>>
    %dma_wait3A_28 = arith.constant 0 : i32
    %dma_wait3A_29 = arith.constant 0 : i32
    %dma_wait3A_30 = tpu.memref_slice %arg2[%dma_wait3A_28, %dma_wait3A_29] : memref<6144x2048xf32, #tpu.memory_space<hbm>> -> memref<6144x2048xf32, #tpu.memory_space<hbm>>
    tpu.wait_indirect_dma semaphore(%arg13 : memref<!tpu.dma_semaphore, #tpu.memory_space<semaphore_mem>>) src(%dma_wait3A_30 : memref<6144x2048xf32, #tpu.memory_space<hbm>>) dst(%arg9 : memref<8x2048xf32, #tpu.memory_space<vmem>>)
    %scan3A = arith.constant 0 : i32
    %scan3A_31 = arith.constant 0 : i32
    %scan3A_32 = arith.constant 128 : i32
    %scan3A_33 = arith.addi %scan3A_31, %scan3A_32 : i32
    %scan3A_34 = arith.constant 1 : i32
    %scan3A_35 = scf.for %scan3A_624 = %scan3A_31 to %scan3A_33 step %scan3A_34 iter_args(%scan3A_625 = %scan3A) -> (i32)  : i32 {
      %mul3A_626 = arith.constant 16 : i32
      %mul3A_627 = arith.muli %scan3A_624, %mul3A_626 : i32
      %get3A = arith.constant 0 : i32
      %get3A_628 = arith.index_cast %get3A : i32 to index
      %get3A_629 = arith.index_cast %mul3A_627 : i32 to index
      %get3A_630 = tpu.vector_load %arg8[%get3A_628, %get3A_629] {strides = array<i32>} : memref<8x2048xf32, #tpu.memory_space<vmem>>, vector<1x16xf32>,
      %get3A_631 = vector.shape_cast %get3A_630 : vector<1x16xf32> to vector<16xf32>
      %get3A_632 = arith.constant 0 : i32
      %get3A_633 = arith.index_cast %get3A_632 : i32 to index
      %get3A_634 = arith.index_cast %mul3A_627 : i32 to index
      %get3A_635 = tpu.vector_load %arg9[%get3A_633, %get3A_634] {strides = array<i32>} : memref<8x2048xf32, #tpu.memory_space<vmem>>, vector<1x16xf32>,
      %get3A_636 = vector.shape_cast %get3A_635 : vector<1x16xf32> to vector<16xf32>
      %add3A_637 = arith.addf %get3A_631, %get3A_636 : vector<16xf32>
      %swap3A = arith.constant 0 : i32
      %swap3A_638 = arith.index_cast %swap3A : i32 to index
      %swap3A_639 = arith.index_cast %mul3A_627 : i32 to index
      %swap3A_640 = tpu.vector_load %arg8[%swap3A_638, %swap3A_639] {strides = array<i32>} : memref<8x2048xf32, #tpu.memory_space<vmem>>, vector<1x16xf32>,
      %swap3A_641 = vector.shape_cast %swap3A_640 : vector<1x16xf32> to vector<16xf32>
      %swap3A_642 = vector.shape_cast %add3A_637 : vector<16xf32> to vector<1x16xf32>
      tpu.vector_store %arg8[%swap3A_638, %swap3A_639], %swap3A_642 {strides = array<i32>} : memref<8x2048xf32, #tpu.memory_space<vmem>>, vector<1x16xf32>,
      %scan3A_643 = arith.constant 0 : i32
      scf.yield %scan3A_643 : i32
    }
    %scan3A_36 = arith.constant 128 : i32
    %scan3A_37 = arith.constant 0 : i32
    %scan3A_38 = arith.constant 0 : i32
    %scan3A_39 = arith.constant 128 : i32
    %scan3A_40 = arith.addi %scan3A_38, %scan3A_39 : i32
    %scan3A_41 = arith.constant 1 : i32
    %scan3A_42 = scf.for %scan3A_624 = %scan3A_38 to %scan3A_40 step %scan3A_41 iter_args(%scan3A_625 = %scan3A_37) -> (i32)  : i32 {
      %mul3A_626 = arith.constant 16 : i32
      %mul3A_627 = arith.muli %scan3A_624, %mul3A_626 : i32
      %get3A = arith.constant 1 : i32
      %get3A_628 = arith.index_cast %get3A : i32 to index
      %get3A_629 = arith.index_cast %mul3A_627 : i32 to index
      %get3A_630 = tpu.vector_load %arg8[%get3A_628, %get3A_629] {strides = array<i32>} : memref<8x2048xf32, #tpu.memory_space<vmem>>, vector<1x16xf32>,
      %get3A_631 = vector.shape_cast %get3A_630 : vector<1x16xf32> to vector<16xf32>
      %get3A_632 = arith.constant 1 : i32
      %get3A_633 = arith.index_cast %get3A_632 : i32 to index
      %get3A_634 = arith.index_cast %mul3A_627 : i32 to index
      %get3A_635 = tpu.vector_load %arg9[%get3A_633, %get3A_634] {strides = array<i32>} : memref<8x2048xf32, #tpu.memory_space<vmem>>, vector<1x16xf32>,
      %get3A_636 = vector.shape_cast %get3A_635 : vector<1x16xf32> to vector<16xf32>
      %add3A_637 = arith.addf %get3A_631, %get3A_636 : vector<16xf32>
      %swap3A = arith.constant 1 : i32
      %swap3A_638 = arith.index_cast %swap3A : i32 to index
      %swap3A_639 = arith.index_cast %mul3A_627 : i32 to index
      %swap3A_640 = tpu.vector_load %arg8[%swap3A_638, %swap3A_639] {strides = array<i32>} : memref<8x2048xf32, #tpu.memory_space<vmem>>, vector<1x16xf32>,
      %swap3A_641 = vector.shape_cast %swap3A_640 : vector<1x16xf32> to vector<16xf32>
      %swap3A_642 = vector.shape_cast %add3A_637 : vector<16xf32> to vector<1x16xf32>
      tpu.vector_store %arg8[%swap3A_638, %swap3A_639], %swap3A_642 {strides = array<i32>} : memref<8x2048xf32, #tpu.memory_space<vmem>>, vector<1x16xf32>,
      %scan3A_643 = arith.constant 0 : i32
      scf.yield %scan3A_643 : i32
    }
    %scan3A_43 = arith.constant 128 : i32
    %scan3A_44 = arith.constant 0 : i32
    %scan3A_45 = arith.constant 0 : i32
    %scan3A_46 = arith.constant 128 : i32
    %scan3A_47 = arith.addi %scan3A_45, %scan3A_46 : i32
    %scan3A_48 = arith.constant 1 : i32
    %scan3A_49 = scf.for %scan3A_624 = %scan3A_45 to %scan3A_47 step %scan3A_48 iter_args(%scan3A_625 = %scan3A_44) -> (i32)  : i32 {
      %mul3A_626 = arith.constant 16 : i32
      %mul3A_627 = arith.muli %scan3A_624, %mul3A_626 : i32
      %get3A = arith.constant 2 : i32
      %get3A_628 = arith.index_cast %get3A : i32 to index
      %get3A_629 = arith.index_cast %mul3A_627 : i32 to index
      %get3A_630 = tpu.vector_load %arg8[%get3A_628, %get3A_629] {strides = array<i32>} : memref<8x2048xf32, #tpu.memory_space<vmem>>, vector<1x16xf32>,
      %get3A_631 = vector.shape_cast %get3A_630 : vector<1x16xf32> to vector<16xf32>
      %get3A_632 = arith.constant 2 : i32
      %get3A_633 = arith.index_cast %get3A_632 : i32 to index
      %get3A_634 = arith.index_cast %mul3A_627 : i32 to index
      %get3A_635 = tpu.vector_load %arg9[%get3A_633, %get3A_634] {strides = array<i32>} : memref<8x2048xf32, #tpu.memory_space<vmem>>, vector<1x16xf32>,
      %get3A_636 = vector.shape_cast %get3A_635 : vector<1x16xf32> to vector<16xf32>
      %add3A_637 = arith.addf %get3A_631, %get3A_636 : vector<16xf32>
      %swap3A = arith.constant 2 : i32
      %swap3A_638 = arith.index_cast %swap3A : i32 to index
      %swap3A_639 = arith.index_cast %mul3A_627 : i32 to index
      %swap3A_640 = tpu.vector_load %arg8[%swap3A_638, %swap3A_639] {strides = array<i32>} : memref<8x2048xf32, #tpu.memory_space<vmem>>, vector<1x16xf32>,
      %swap3A_641 = vector.shape_cast %swap3A_640 : vector<1x16xf32> to vector<16xf32>
      %swap3A_642 = vector.shape_cast %add3A_637 : vector<16xf32> to vector<1x16xf32>
      tpu.vector_store %arg8[%swap3A_638, %swap3A_639], %swap3A_642 {strides = array<i32>} : memref<8x2048xf32, #tpu.memory_space<vmem>>, vector<1x16xf32>,
      %scan3A_643 = arith.constant 0 : i32
      scf.yield %scan3A_643 : i32
    }
    %scan3A_50 = arith.constant 128 : i32
    %scan3A_51 = arith.constant 0 : i32
    %scan3A_52 = arith.constant 0 : i32
    %scan3A_53 = arith.constant 128 : i32
    %scan3A_54 = arith.addi %scan3A_52, %scan3A_53 : i32
    %scan3A_55 = arith.constant 1 : i32
    %scan3A_56 = scf.for %scan3A_624 = %scan3A_52 to %scan3A_54 step %scan3A_55 iter_args(%scan3A_625 = %scan3A_51) -> (i32)  : i32 {
      %mul3A_626 = arith.constant 16 : i32
      %mul3A_627 = arith.muli %scan3A_624, %mul3A_626 : i32
      %get3A = arith.constant 3 : i32
      %get3A_628 = arith.index_cast %get3A : i32 to index
      %get3A_629 = arith.index_cast %mul3A_627 : i32 to index
      %get3A_630 = tpu.vector_load %arg8[%get3A_628, %get3A_629] {strides = array<i32>} : memref<8x2048xf32, #tpu.memory_space<vmem>>, vector<1x16xf32>,
      %get3A_631 = vector.shape_cast %get3A_630 : vector<1x16xf32> to vector<16xf32>
      %get3A_632 = arith.constant 3 : i32
      %get3A_633 = arith.index_cast %get3A_632 : i32 to index
      %get3A_634 = arith.index_cast %mul3A_627 : i32 to index
      %get3A_635 = tpu.vector_load %arg9[%get3A_633, %get3A_634] {strides = array<i32>} : memref<8x2048xf32, #tpu.memory_space<vmem>>, vector<1x16xf32>,
      %get3A_636 = vector.shape_cast %get3A_635 : vector<1x16xf32> to vector<16xf32>
      %add3A_637 = arith.addf %get3A_631, %get3A_636 : vector<16xf32>
      %swap3A = arith.constant 3 : i32
      %swap3A_638 = arith.index_cast %swap3A : i32 to index
      %swap3A_639 = arith.index_cast %mul3A_627 : i32 to index
      %swap3A_640 = tpu.vector_load %arg8[%swap3A_638, %swap3A_639] {strides = array<i32>} : memref<8x2048xf32, #tpu.memory_space<vmem>>, vector<1x16xf32>,
      %swap3A_641 = vector.shape_cast %swap3A_640 : vector<1x16xf32> to vector<16xf32>
      %swap3A_642 = vector.shape_cast %add3A_637 : vector<16xf32> to vector<1x16xf32>
      tpu.vector_store %arg8[%swap3A_638, %swap3A_639], %swap3A_642 {strides = array<i32>} : memref<8x2048xf32, #tpu.memory_space<vmem>>, vector<1x16xf32>,
      %scan3A_643 = arith.constant 0 : i32
      scf.yield %scan3A_643 : i32
    }
    %scan3A_57 = arith.constant 128 : i32
    %scan3A_58 = arith.constant 0 : i32
    %scan3A_59 = arith.constant 0 : i32
    %scan3A_60 = arith.constant 128 : i32
    %scan3A_61 = arith.addi %scan3A_59, %scan3A_60 : i32
    %scan3A_62 = arith.constant 1 : i32
    %scan3A_63 = scf.for %scan3A_624 = %scan3A_59 to %scan3A_61 step %scan3A_62 iter_args(%scan3A_625 = %scan3A_58) -> (i32)  : i32 {
      %mul3A_626 = arith.constant 16 : i32
      %mul3A_627 = arith.muli %scan3A_624, %mul3A_626 : i32
      %get3A = arith.constant 4 : i32
      %get3A_628 = arith.index_cast %get3A : i32 to index
      %get3A_629 = arith.index_cast %mul3A_627 : i32 to index
      %get3A_630 = tpu.vector_load %arg8[%get3A_628, %get3A_629] {strides = array<i32>} : memref<8x2048xf32, #tpu.memory_space<vmem>>, vector<1x16xf32>,
      %get3A_631 = vector.shape_cast %get3A_630 : vector<1x16xf32> to vector<16xf32>
      %get3A_632 = arith.constant 4 : i32
      %get3A_633 = arith.index_cast %get3A_632 : i32 to index
      %get3A_634 = arith.index_cast %mul3A_627 : i32 to index
      %get3A_635 = tpu.vector_load %arg9[%get3A_633, %get3A_634] {strides = array<i32>} : memref<8x2048xf32, #tpu.memory_space<vmem>>, vector<1x16xf32>,
      %get3A_636 = vector.shape_cast %get3A_635 : vector<1x16xf32> to vector<16xf32>
      %add3A_637 = arith.addf %get3A_631, %get3A_636 : vector<16xf32>
      %swap3A = arith.constant 4 : i32
      %swap3A_638 = arith.index_cast %swap3A : i32 to index
      %swap3A_639 = arith.index_cast %mul3A_627 : i32 to index
      %swap3A_640 = tpu.vector_load %arg8[%swap3A_638, %swap3A_639] {strides = array<i32>} : memref<8x2048xf32, #tpu.memory_space<vmem>>, vector<1x16xf32>,
      %swap3A_641 = vector.shape_cast %swap3A_640 : vector<1x16xf32> to vector<16xf32>
      %swap3A_642 = vector.shape_cast %add3A_637 : vector<16xf32> to vector<1x16xf32>
      tpu.vector_store %arg8[%swap3A_638, %swap3A_639], %swap3A_642 {strides = array<i32>} : memref<8x2048xf32, #tpu.memory_space<vmem>>, vector<1x16xf32>,
      %scan3A_643 = arith.constant 0 : i32
      scf.yield %scan3A_643 : i32
    }
    %scan3A_64 = arith.constant 128 : i32
    %scan3A_65 = arith.constant 0 : i32
    %scan3A_66 = arith.constant 0 : i32
    %scan3A_67 = arith.constant 128 : i32
    %scan3A_68 = arith.addi %scan3A_66, %scan3A_67 : i32
    %scan3A_69 = arith.constant 1 : i32
    %scan3A_70 = scf.for %scan3A_624 = %scan3A_66 to %scan3A_68 step %scan3A_69 iter_args(%scan3A_625 = %scan3A_65) -> (i32)  : i32 {
      %mul3A_626 = arith.constant 16 : i32
      %mul3A_627 = arith.muli %scan3A_624, %mul3A_626 : i32
      %get3A = arith.constant 5 : i32
      %get3A_628 = arith.index_cast %get3A : i32 to index
      %get3A_629 = arith.index_cast %mul3A_627 : i32 to index
      %get3A_630 = tpu.vector_load %arg8[%get3A_628, %get3A_629] {strides = array<i32>} : memref<8x2048xf32, #tpu.memory_space<vmem>>, vector<1x16xf32>,
      %get3A_631 = vector.shape_cast %get3A_630 : vector<1x16xf32> to vector<16xf32>
      %get3A_632 = arith.constant 5 : i32
      %get3A_633 = arith.index_cast %get3A_632 : i32 to index
      %get3A_634 = arith.index_cast %mul3A_627 : i32 to index
      %get3A_635 = tpu.vector_load %arg9[%get3A_633, %get3A_634] {strides = array<i32>} : memref<8x2048xf32, #tpu.memory_space<vmem>>, vector<1x16xf32>,
      %get3A_636 = vector.shape_cast %get3A_635 : vector<1x16xf32> to vector<16xf32>
      %add3A_637 = arith.addf %get3A_631, %get3A_636 : vector<16xf32>
      %swap3A = arith.constant 5 : i32
      %swap3A_638 = arith.index_cast %swap3A : i32 to index
      %swap3A_639 = arith.index_cast %mul3A_627 : i32 to index
      %swap3A_640 = tpu.vector_load %arg8[%swap3A_638, %swap3A_639] {strides = array<i32>} : memref<8x2048xf32, #tpu.memory_space<vmem>>, vector<1x16xf32>,
      %swap3A_641 = vector.shape_cast %swap3A_640 : vector<1x16xf32> to vector<16xf32>
      %swap3A_642 = vector.shape_cast %add3A_637 : vector<16xf32> to vector<1x16xf32>
      tpu.vector_store %arg8[%swap3A_638, %swap3A_639], %swap3A_642 {strides = array<i32>} : memref<8x2048xf32, #tpu.memory_space<vmem>>, vector<1x16xf32>,
      %scan3A_643 = arith.constant 0 : i32
      scf.yield %scan3A_643 : i32
    }
    %scan3A_71 = arith.constant 128 : i32
    %scan3A_72 = arith.constant 0 : i32
    %scan3A_73 = arith.constant 0 : i32
    %scan3A_74 = arith.constant 128 : i32
    %scan3A_75 = arith.addi %scan3A_73, %scan3A_74 : i32
    %scan3A_76 = arith.constant 1 : i32
    %scan3A_77 = scf.for %scan3A_624 = %scan3A_73 to %scan3A_75 step %scan3A_76 iter_args(%scan3A_625 = %scan3A_72) -> (i32)  : i32 {
      %mul3A_626 = arith.constant 16 : i32
      %mul3A_627 = arith.muli %scan3A_624, %mul3A_626 : i32
      %get3A = arith.constant 6 : i32
      %get3A_628 = arith.index_cast %get3A : i32 to index
      %get3A_629 = arith.index_cast %mul3A_627 : i32 to index
      %get3A_630 = tpu.vector_load %arg8[%get3A_628, %get3A_629] {strides = array<i32>} : memref<8x2048xf32, #tpu.memory_space<vmem>>, vector<1x16xf32>,
      %get3A_631 = vector.shape_cast %get3A_630 : vector<1x16xf32> to vector<16xf32>
      %get3A_632 = arith.constant 6 : i32
      %get3A_633 = arith.index_cast %get3A_632 : i32 to index
      %get3A_634 = arith.index_cast %mul3A_627 : i32 to index
      %get3A_635 = tpu.vector_load %arg9[%get3A_633, %get3A_634] {strides = array<i32>} : memref<8x2048xf32, #tpu.memory_space<vmem>>, vector<1x16xf32>,
      %get3A_636 = vector.shape_cast %get3A_635 : vector<1x16xf32> to vector<16xf32>
      %add3A_637 = arith.addf %get3A_631, %get3A_636 : vector<16xf32>
      %swap3A = arith.constant 6 : i32
      %swap3A_638 = arith.index_cast %swap3A : i32 to index
      %swap3A_639 = arith.index_cast %mul3A_627 : i32 to index
      %swap3A_640 = tpu.vector_load %arg8[%swap3A_638, %swap3A_639] {strides = array<i32>} : memref<8x2048xf32, #tpu.memory_space<vmem>>, vector<1x16xf32>,
      %swap3A_641 = vector.shape_cast %swap3A_640 : vector<1x16xf32> to vector<16xf32>
      %swap3A_642 = vector.shape_cast %add3A_637 : vector<16xf32> to vector<1x16xf32>
      tpu.vector_store %arg8[%swap3A_638, %swap3A_639], %swap3A_642 {strides = array<i32>} : memref<8x2048xf32, #tpu.memory_space<vmem>>, vector<1x16xf32>,
      %scan3A_643 = arith.constant 0 : i32
      scf.yield %scan3A_643 : i32
    }
    %scan3A_78 = arith.constant 128 : i32
    %scan3A_79 = arith.constant 0 : i32
    %scan3A_80 = arith.constant 0 : i32
    %scan3A_81 = arith.constant 128 : i32
    %scan3A_82 = arith.addi %scan3A_80, %scan3A_81 : i32
    %scan3A_83 = arith.constant 1 : i32
    %scan3A_84 = scf.for %scan3A_624 = %scan3A_80 to %scan3A_82 step %scan3A_83 iter_args(%scan3A_625 = %scan3A_79) -> (i32)  : i32 {
      %mul3A_626 = arith.constant 16 : i32
      %mul3A_627 = arith.muli %scan3A_624, %mul3A_626 : i32
      %get3A = arith.constant 7 : i32
      %get3A_628 = arith.index_cast %get3A : i32 to index
      %get3A_629 = arith.index_cast %mul3A_627 : i32 to index
      %get3A_630 = tpu.vector_load %arg8[%get3A_628, %get3A_629] {strides = array<i32>} : memref<8x2048xf32, #tpu.memory_space<vmem>>, vector<1x16xf32>,
      %get3A_631 = vector.shape_cast %get3A_630 : vector<1x16xf32> to vector<16xf32>
      %get3A_632 = arith.constant 7 : i32
      %get3A_633 = arith.index_cast %get3A_632 : i32 to index
      %get3A_634 = arith.index_cast %mul3A_627 : i32 to index
      %get3A_635 = tpu.vector_load %arg9[%get3A_633, %get3A_634] {strides = array<i32>} : memref<8x2048xf32, #tpu.memory_space<vmem>>, vector<1x16xf32>,
      %get3A_636 = vector.shape_cast %get3A_635 : vector<1x16xf32> to vector<16xf32>
      %add3A_637 = arith.addf %get3A_631, %get3A_636 : vector<16xf32>
      %swap3A = arith.constant 7 : i32
      %swap3A_638 = arith.index_cast %swap3A : i32 to index
      %swap3A_639 = arith.index_cast %mul3A_627 : i32 to index
      %swap3A_640 = tpu.vector_load %arg8[%swap3A_638, %swap3A_639] {strides = array<i32>} : memref<8x2048xf32, #tpu.memory_space<vmem>>, vector<1x16xf32>,
      %swap3A_641 = vector.shape_cast %swap3A_640 : vector<1x16xf32> to vector<16xf32>
      %swap3A_642 = vector.shape_cast %add3A_637 : vector<16xf32> to vector<1x16xf32>
      tpu.vector_store %arg8[%swap3A_638, %swap3A_639], %swap3A_642 {strides = array<i32>} : memref<8x2048xf32, #tpu.memory_space<vmem>>, vector<1x16xf32>,
      %scan3A_643 = arith.constant 0 : i32
      scf.yield %scan3A_643 : i32
    }
    %scan3A_85 = arith.constant 128 : i32
    %add3A_86 = arith.constant 0 : i32
    %add3A_87 = arith.addi %mul3A_2, %add3A_86 : i32
    "tpu.region"() ({
      %run_scoped3A = tpu.sem_alloc : memref<!tpu.dma_semaphore, #tpu.memory_space<semaphore_mem>>
      %dma_start3A_624 = arith.constant 0 : i32
      %dma_start3A_625 = tpu.memref_slice %arg5[%add3A_87, %dma_start3A_624] : memref<2048x2048xf32, #tpu.memory_space<hbm>> -> memref<8x2048xf32, #tpu.memory_space<hbm>>
      %dma_start3A_626 = arith.constant 0 : i32
      %dma_start3A_627 = tpu.memref_slice %arg5[%add3A_87, %dma_start3A_626] : memref<2048x2048xf32, #tpu.memory_space<hbm>> -> memref<8x2048xf32, #tpu.memory_space<hbm>>
      tpu.enqueue_dma source(%arg8 : memref<8x2048xf32, #tpu.memory_space<vmem>>) target(%dma_start3A_627 : memref<8x2048xf32, #tpu.memory_space<hbm>>) target_semaphore(%run_scoped3A : memref<!tpu.dma_semaphore, #tpu.memory_space<semaphore_mem>>)
      %dma_wait3A_628 = arith.constant 0 : i32
      %dma_wait3A_629 = tpu.memref_slice %arg5[%add3A_87, %dma_wait3A_628] : memref<2048x2048xf32, #tpu.memory_space<hbm>> -> memref<8x2048xf32, #tpu.memory_space<hbm>>
      %dma_wait3A_630 = arith.constant 0 : i32
      %dma_wait3A_631 = tpu.memref_slice %arg5[%add3A_87, %dma_wait3A_630] : memref<2048x2048xf32, #tpu.memory_space<hbm>> -> memref<8x2048xf32, #tpu.memory_space<hbm>>
      tpu.wait_dma2 semaphore(%run_scoped3A : memref<!tpu.dma_semaphore, #tpu.memory_space<semaphore_mem>>) src(%arg8 : memref<8x2048xf32, #tpu.memory_space<vmem>>) dst(%dma_wait3A_631 : memref<8x2048xf32, #tpu.memory_space<hbm>>)
      tpu.yield
    }) : () -> ()
    %dma_start3A_88 = arith.constant 16 : i32
    %dma_start3A_89 = tpu.memref_slice %arg6[%dma_start3A_88] : memref<64xi32, #tpu.memory_space<vmem>> -> memref<8xi32, #tpu.memory_space<vmem>>
    %dma_start3A_90 = arith.constant 0 : i32
    %dma_start3A_91 = arith.constant 0 : i32
    %dma_start3A_92 = tpu.memref_slice %arg2[%dma_start3A_90, %dma_start3A_91] : memref<6144x2048xf32, #tpu.memory_space<hbm>> -> memref<6144x2048xf32, #tpu.memory_space<hbm>>
    tpu.enqueue_indirect_dma source(%dma_start3A_92 : memref<6144x2048xf32, #tpu.memory_space<hbm>>) target(%arg8 : memref<8x2048xf32, #tpu.memory_space<vmem>>) offsets(%dma_start3A_89 : memref<8xi32, #tpu.memory_space<vmem>>) semaphore(%arg12 : memref<!tpu.dma_semaphore, #tpu.memory_space<semaphore_mem>>)
    %dma_start3A_93 = arith.constant 16 : i32
    %dma_start3A_94 = tpu.memref_slice %arg7[%dma_start3A_93] : memref<64xi32, #tpu.memory_space<vmem>> -> memref<8xi32, #tpu.memory_space<vmem>>
    %dma_start3A_95 = arith.constant 0 : i32
    %dma_start3A_96 = arith.constant 0 : i32
    %dma_start3A_97 = tpu.memref_slice %arg2[%dma_start3A_95, %dma_start3A_96] : memref<6144x2048xf32, #tpu.memory_space<hbm>> -> memref<6144x2048xf32, #tpu.memory_space<hbm>>
    tpu.enqueue_indirect_dma source(%dma_start3A_97 : memref<6144x2048xf32, #tpu.memory_space<hbm>>) target(%arg9 : memref<8x2048xf32, #tpu.memory_space<vmem>>) offsets(%dma_start3A_94 : memref<8xi32, #tpu.memory_space<vmem>>) semaphore(%arg13 : memref<!tpu.dma_semaphore, #tpu.memory_space<semaphore_mem>>)
    %dma_wait3A_98 = arith.constant 8 : i32
    %dma_wait3A_99 = tpu.memref_slice %arg6[%dma_wait3A_98] : memref<64xi32, #tpu.memory_space<vmem>> -> memref<8xi32, #tpu.memory_space<vmem>>
    %dma_wait3A_100 = arith.constant 0 : i32
    %dma_wait3A_101 = arith.constant 0 : i32
    %dma_wait3A_102 = tpu.memref_slice %arg2[%dma_wait3A_100, %dma_wait3A_101] : memref<6144x2048xf32, #tpu.memory_space<hbm>> -> memref<6144x2048xf32, #tpu.memory_space<hbm>>
    tpu.wait_indirect_dma semaphore(%arg14 : memref<!tpu.dma_semaphore, #tpu.memory_space<semaphore_mem>>) src(%dma_wait3A_102 : memref<6144x2048xf32, #tpu.memory_space<hbm>>) dst(%arg10 : memref<8x2048xf32, #tpu.memory_space<vmem>>)
    %dma_wait3A_103 = arith.constant 8 : i32
    %dma_wait3A_104 = tpu.memref_slice %arg7[%dma_wait3A_103] : memref<64xi32, #tpu.memory_space<vmem>> -> memref<8xi32, #tpu.memory_space<vmem>>
    %dma_wait3A_105 = arith.constant 0 : i32
    %dma_wait3A_106 = arith.constant 0 : i32
    %dma_wait3A_107 = tpu.memref_slice %arg2[%dma_wait3A_105, %dma_wait3A_106] : memref<6144x2048xf32, #tpu.memory_space<hbm>> -> memref<6144x2048xf32, #tpu.memory_space<hbm>>
    tpu.wait_indirect_dma semaphore(%arg15 : memref<!tpu.dma_semaphore, #tpu.memory_space<semaphore_mem>>) src(%dma_wait3A_107 : memref<6144x2048xf32, #tpu.memory_space<hbm>>) dst(%arg11 : memref<8x2048xf32, #tpu.memory_space<vmem>>)
    %scan3A_108 = arith.constant 0 : i32
    %scan3A_109 = arith.constant 0 : i32
    %scan3A_110 = arith.constant 128 : i32
    %scan3A_111 = arith.addi %scan3A_109, %scan3A_110 : i32
    %scan3A_112 = arith.constant 1 : i32
    %scan3A_113 = scf.for %scan3A_624 = %scan3A_109 to %scan3A_111 step %scan3A_112 iter_args(%scan3A_625 = %scan3A_108) -> (i32)  : i32 {
      %mul3A_626 = arith.constant 16 : i32
      %mul3A_627 = arith.muli %scan3A_624, %mul3A_626 : i32
      %get3A = arith.constant 0 : i32
      %get3A_628 = arith.index_cast %get3A : i32 to index
      %get3A_629 = arith.index_cast %mul3A_627 : i32 to index
      %get3A_630 = tpu.vector_load %arg10[%get3A_628, %get3A_629] {strides = array<i32>} : memref<8x2048xf32, #tpu.memory_space<vmem>>, vector<1x16xf32>,
      %get3A_631 = vector.shape_cast %get3A_630 : vector<1x16xf32> to vector<16xf32>
      %get3A_632 = arith.constant 0 : i32
      %get3A_633 = arith.index_cast %get3A_632 : i32 to index
      %get3A_634 = arith.index_cast %mul3A_627 : i32 to index
      %get3A_635 = tpu.vector_load %arg11[%get3A_633, %get3A_634] {strides = array<i32>} : memref<8x2048xf32, #tpu.memory_space<vmem>>, vector<1x16xf32>,
      %get3A_636 = vector.shape_cast %get3A_635 : vector<1x16xf32> to vector<16xf32>
      %add3A_637 = arith.addf %get3A_631, %get3A_636 : vector<16xf32>
      %swap3A = arith.constant 0 : i32
      %swap3A_638 = arith.index_cast %swap3A : i32 to index
      %swap3A_639 = arith.index_cast %mul3A_627 : i32 to index
      %swap3A_640 = tpu.vector_load %arg10[%swap3A_638, %swap3A_639] {strides = array<i32>} : memref<8x2048xf32, #tpu.memory_space<vmem>>, vector<1x16xf32>,
      %swap3A_641 = vector.shape_cast %swap3A_640 : vector<1x16xf32> to vector<16xf32>
      %swap3A_642 = vector.shape_cast %add3A_637 : vector<16xf32> to vector<1x16xf32>
      tpu.vector_store %arg10[%swap3A_638, %swap3A_639], %swap3A_642 {strides = array<i32>} : memref<8x2048xf32, #tpu.memory_space<vmem>>, vector<1x16xf32>,
      %scan3A_643 = arith.constant 0 : i32
      scf.yield %scan3A_643 : i32
    }
    %scan3A_114 = arith.constant 128 : i32
    %scan3A_115 = arith.constant 0 : i32
    %scan3A_116 = arith.constant 0 : i32
    %scan3A_117 = arith.constant 128 : i32
    %scan3A_118 = arith.addi %scan3A_116, %scan3A_117 : i32
    %scan3A_119 = arith.constant 1 : i32
    %scan3A_120 = scf.for %scan3A_624 = %scan3A_116 to %scan3A_118 step %scan3A_119 iter_args(%scan3A_625 = %scan3A_115) -> (i32)  : i32 {
      %mul3A_626 = arith.constant 16 : i32
      %mul3A_627 = arith.muli %scan3A_624, %mul3A_626 : i32
      %get3A = arith.constant 1 : i32
      %get3A_628 = arith.index_cast %get3A : i32 to index
      %get3A_629 = arith.index_cast %mul3A_627 : i32 to index
      %get3A_630 = tpu.vector_load %arg10[%get3A_628, %get3A_629] {strides = array<i32>} : memref<8x2048xf32, #tpu.memory_space<vmem>>, vector<1x16xf32>,
      %get3A_631 = vector.shape_cast %get3A_630 : vector<1x16xf32> to vector<16xf32>
      %get3A_632 = arith.constant 1 : i32
      %get3A_633 = arith.index_cast %get3A_632 : i32 to index
      %get3A_634 = arith.index_cast %mul3A_627 : i32 to index
      %get3A_635 = tpu.vector_load %arg11[%get3A_633, %get3A_634] {strides = array<i32>} : memref<8x2048xf32, #tpu.memory_space<vmem>>, vector<1x16xf32>,
      %get3A_636 = vector.shape_cast %get3A_635 : vector<1x16xf32> to vector<16xf32>
      %add3A_637 = arith.addf %get3A_631, %get3A_636 : vector<16xf32>
      %swap3A = arith.constant 1 : i32
      %swap3A_638 = arith.index_cast %swap3A : i32 to index
      %swap3A_639 = arith.index_cast %mul3A_627 : i32 to index
      %swap3A_640 = tpu.vector_load %arg10[%swap3A_638, %swap3A_639] {strides = array<i32>} : memref<8x2048xf32, #tpu.memory_space<vmem>>, vector<1x16xf32>,
      %swap3A_641 = vector.shape_cast %swap3A_640 : vector<1x16xf32> to vector<16xf32>
      %swap3A_642 = vector.shape_cast %add3A_637 : vector<16xf32> to vector<1x16xf32>
      tpu.vector_store %arg10[%swap3A_638, %swap3A_639], %swap3A_642 {strides = array<i32>} : memref<8x2048xf32, #tpu.memory_space<vmem>>, vector<1x16xf32>,
      %scan3A_643 = arith.constant 0 : i32
      scf.yield %scan3A_643 : i32
    }
    %scan3A_121 = arith.constant 128 : i32
    %scan3A_122 = arith.constant 0 : i32
    %scan3A_123 = arith.constant 0 : i32
    %scan3A_124 = arith.constant 128 : i32
    %scan3A_125 = arith.addi %scan3A_123, %scan3A_124 : i32
    %scan3A_126 = arith.constant 1 : i32
    %scan3A_127 = scf.for %scan3A_624 = %scan3A_123 to %scan3A_125 step %scan3A_126 iter_args(%scan3A_625 = %scan3A_122) -> (i32)  : i32 {
      %mul3A_626 = arith.constant 16 : i32
      %mul3A_627 = arith.muli %scan3A_624, %mul3A_626 : i32
      %get3A = arith.constant 2 : i32
      %get3A_628 = arith.index_cast %get3A : i32 to index
      %get3A_629 = arith.index_cast %mul3A_627 : i32 to index
      %get3A_630 = tpu.vector_load %arg10[%get3A_628, %get3A_629] {strides = array<i32>} : memref<8x2048xf32, #tpu.memory_space<vmem>>, vector<1x16xf32>,
      %get3A_631 = vector.shape_cast %get3A_630 : vector<1x16xf32> to vector<16xf32>
      %get3A_632 = arith.constant 2 : i32
      %get3A_633 = arith.index_cast %get3A_632 : i32 to index
      %get3A_634 = arith.index_cast %mul3A_627 : i32 to index
      %get3A_635 = tpu.vector_load %arg11[%get3A_633, %get3A_634] {strides = array<i32>} : memref<8x2048xf32, #tpu.memory_space<vmem>>, vector<1x16xf32>,
      %get3A_636 = vector.shape_cast %get3A_635 : vector<1x16xf32> to vector<16xf32>
      %add3A_637 = arith.addf %get3A_631, %get3A_636 : vector<16xf32>
      %swap3A = arith.constant 2 : i32
      %swap3A_638 = arith.index_cast %swap3A : i32 to index
      %swap3A_639 = arith.index_cast %mul3A_627 : i32 to index
      %swap3A_640 = tpu.vector_load %arg10[%swap3A_638, %swap3A_639] {strides = array<i32>} : memref<8x2048xf32, #tpu.memory_space<vmem>>, vector<1x16xf32>,
      %swap3A_641 = vector.shape_cast %swap3A_640 : vector<1x16xf32> to vector<16xf32>
      %swap3A_642 = vector.shape_cast %add3A_637 : vector<16xf32> to vector<1x16xf32>
      tpu.vector_store %arg10[%swap3A_638, %swap3A_639], %swap3A_642 {strides = array<i32>} : memref<8x2048xf32, #tpu.memory_space<vmem>>, vector<1x16xf32>,
      %scan3A_643 = arith.constant 0 : i32
      scf.yield %scan3A_643 : i32
    }
    %scan3A_128 = arith.constant 128 : i32
    %scan3A_129 = arith.constant 0 : i32
    %scan3A_130 = arith.constant 0 : i32
    %scan3A_131 = arith.constant 128 : i32
    %scan3A_132 = arith.addi %scan3A_130, %scan3A_131 : i32
    %scan3A_133 = arith.constant 1 : i32
    %scan3A_134 = scf.for %scan3A_624 = %scan3A_130 to %scan3A_132 step %scan3A_133 iter_args(%scan3A_625 = %scan3A_129) -> (i32)  : i32 {
      %mul3A_626 = arith.constant 16 : i32
      %mul3A_627 = arith.muli %scan3A_624, %mul3A_626 : i32
      %get3A = arith.constant 3 : i32
      %get3A_628 = arith.index_cast %get3A : i32 to index
      %get3A_629 = arith.index_cast %mul3A_627 : i32 to index
      %get3A_630 = tpu.vector_load %arg10[%get3A_628, %get3A_629] {strides = array<i32>} : memref<8x2048xf32, #tpu.memory_space<vmem>>, vector<1x16xf32>,
      %get3A_631 = vector.shape_cast %get3A_630 : vector<1x16xf32> to vector<16xf32>
      %get3A_632 = arith.constant 3 : i32
      %get3A_633 = arith.index_cast %get3A_632 : i32 to index
      %get3A_634 = arith.index_cast %mul3A_627 : i32 to index
      %get3A_635 = tpu.vector_load %arg11[%get3A_633, %get3A_634] {strides = array<i32>} : memref<8x2048xf32, #tpu.memory_space<vmem>>, vector<1x16xf32>,
      %get3A_636 = vector.shape_cast %get3A_635 : vector<1x16xf32> to vector<16xf32>
      %add3A_637 = arith.addf %get3A_631, %get3A_636 : vector<16xf32>
      %swap3A = arith.constant 3 : i32
      %swap3A_638 = arith.index_cast %swap3A : i32 to index
      %swap3A_639 = arith.index_cast %mul3A_627 : i32 to index
      %swap3A_640 = tpu.vector_load %arg10[%swap3A_638, %swap3A_639] {strides = array<i32>} : memref<8x2048xf32, #tpu.memory_space<vmem>>, vector<1x16xf32>,
      %swap3A_641 = vector.shape_cast %swap3A_640 : vector<1x16xf32> to vector<16xf32>
      %swap3A_642 = vector.shape_cast %add3A_637 : vector<16xf32> to vector<1x16xf32>
      tpu.vector_store %arg10[%swap3A_638, %swap3A_639], %swap3A_642 {strides = array<i32>} : memref<8x2048xf32, #tpu.memory_space<vmem>>, vector<1x16xf32>,
      %scan3A_643 = arith.constant 0 : i32
      scf.yield %scan3A_643 : i32
    }
    %scan3A_135 = arith.constant 128 : i32
    %scan3A_136 = arith.constant 0 : i32
    %scan3A_137 = arith.constant 0 : i32
    %scan3A_138 = arith.constant 128 : i32
    %scan3A_139 = arith.addi %scan3A_137, %scan3A_138 : i32
    %scan3A_140 = arith.constant 1 : i32
    %scan3A_141 = scf.for %scan3A_624 = %scan3A_137 to %scan3A_139 step %scan3A_140 iter_args(%scan3A_625 = %scan3A_136) -> (i32)  : i32 {
      %mul3A_626 = arith.constant 16 : i32
      %mul3A_627 = arith.muli %scan3A_624, %mul3A_626 : i32
      %get3A = arith.constant 4 : i32
      %get3A_628 = arith.index_cast %get3A : i32 to index
      %get3A_629 = arith.index_cast %mul3A_627 : i32 to index
      %get3A_630 = tpu.vector_load %arg10[%get3A_628, %get3A_629] {strides = array<i32>} : memref<8x2048xf32, #tpu.memory_space<vmem>>, vector<1x16xf32>,
      %get3A_631 = vector.shape_cast %get3A_630 : vector<1x16xf32> to vector<16xf32>
      %get3A_632 = arith.constant 4 : i32
      %get3A_633 = arith.index_cast %get3A_632 : i32 to index
      %get3A_634 = arith.index_cast %mul3A_627 : i32 to index
      %get3A_635 = tpu.vector_load %arg11[%get3A_633, %get3A_634] {strides = array<i32>} : memref<8x2048xf32, #tpu.memory_space<vmem>>, vector<1x16xf32>,
      %get3A_636 = vector.shape_cast %get3A_635 : vector<1x16xf32> to vector<16xf32>
      %add3A_637 = arith.addf %get3A_631, %get3A_636 : vector<16xf32>
      %swap3A = arith.constant 4 : i32
      %swap3A_638 = arith.index_cast %swap3A : i32 to index
      %swap3A_639 = arith.index_cast %mul3A_627 : i32 to index
      %swap3A_640 = tpu.vector_load %arg10[%swap3A_638, %swap3A_639] {strides = array<i32>} : memref<8x2048xf32, #tpu.memory_space<vmem>>, vector<1x16xf32>,
      %swap3A_641 = vector.shape_cast %swap3A_640 : vector<1x16xf32> to vector<16xf32>
      %swap3A_642 = vector.shape_cast %add3A_637 : vector<16xf32> to vector<1x16xf32>
      tpu.vector_store %arg10[%swap3A_638, %swap3A_639], %swap3A_642 {strides = array<i32>} : memref<8x2048xf32, #tpu.memory_space<vmem>>, vector<1x16xf32>,
      %scan3A_643 = arith.constant 0 : i32
      scf.yield %scan3A_643 : i32
    }
    %scan3A_142 = arith.constant 128 : i32
    %scan3A_143 = arith.constant 0 : i32
    %scan3A_144 = arith.constant 0 : i32
    %scan3A_145 = arith.constant 128 : i32
    %scan3A_146 = arith.addi %scan3A_144, %scan3A_145 : i32
    %scan3A_147 = arith.constant 1 : i32
    %scan3A_148 = scf.for %scan3A_624 = %scan3A_144 to %scan3A_146 step %scan3A_147 iter_args(%scan3A_625 = %scan3A_143) -> (i32)  : i32 {
      %mul3A_626 = arith.constant 16 : i32
      %mul3A_627 = arith.muli %scan3A_624, %mul3A_626 : i32
      %get3A = arith.constant 5 : i32
      %get3A_628 = arith.index_cast %get3A : i32 to index
      %get3A_629 = arith.index_cast %mul3A_627 : i32 to index
      %get3A_630 = tpu.vector_load %arg10[%get3A_628, %get3A_629] {strides = array<i32>} : memref<8x2048xf32, #tpu.memory_space<vmem>>, vector<1x16xf32>,
      %get3A_631 = vector.shape_cast %get3A_630 : vector<1x16xf32> to vector<16xf32>
      %get3A_632 = arith.constant 5 : i32
      %get3A_633 = arith.index_cast %get3A_632 : i32 to index
      %get3A_634 = arith.index_cast %mul3A_627 : i32 to index
      %get3A_635 = tpu.vector_load %arg11[%get3A_633, %get3A_634] {strides = array<i32>} : memref<8x2048xf32, #tpu.memory_space<vmem>>, vector<1x16xf32>,
      %get3A_636 = vector.shape_cast %get3A_635 : vector<1x16xf32> to vector<16xf32>
      %add3A_637 = arith.addf %get3A_631, %get3A_636 : vector<16xf32>
      %swap3A = arith.constant 5 : i32
      %swap3A_638 = arith.index_cast %swap3A : i32 to index
      %swap3A_639 = arith.index_cast %mul3A_627 : i32 to index
      %swap3A_640 = tpu.vector_load %arg10[%swap3A_638, %swap3A_639] {strides = array<i32>} : memref<8x2048xf32, #tpu.memory_space<vmem>>, vector<1x16xf32>,
      %swap3A_641 = vector.shape_cast %swap3A_640 : vector<1x16xf32> to vector<16xf32>
      %swap3A_642 = vector.shape_cast %add3A_637 : vector<16xf32> to vector<1x16xf32>
      tpu.vector_store %arg10[%swap3A_638, %swap3A_639], %swap3A_642 {strides = array<i32>} : memref<8x2048xf32, #tpu.memory_space<vmem>>, vector<1x16xf32>,
      %scan3A_643 = arith.constant 0 : i32
      scf.yield %scan3A_643 : i32
    }
    %scan3A_149 = arith.constant 128 : i32
    %scan3A_150 = arith.constant 0 : i32
    %scan3A_151 = arith.constant 0 : i32
    %scan3A_152 = arith.constant 128 : i32
    %scan3A_153 = arith.addi %scan3A_151, %scan3A_152 : i32
    %scan3A_154 = arith.constant 1 : i32
    %scan3A_155 = scf.for %scan3A_624 = %scan3A_151 to %scan3A_153 step %scan3A_154 iter_args(%scan3A_625 = %scan3A_150) -> (i32)  : i32 {
      %mul3A_626 = arith.constant 16 : i32
      %mul3A_627 = arith.muli %scan3A_624, %mul3A_626 : i32
      %get3A = arith.constant 6 : i32
      %get3A_628 = arith.index_cast %get3A : i32 to index
      %get3A_629 = arith.index_cast %mul3A_627 : i32 to index
      %get3A_630 = tpu.vector_load %arg10[%get3A_628, %get3A_629] {strides = array<i32>} : memref<8x2048xf32, #tpu.memory_space<vmem>>, vector<1x16xf32>,
      %get3A_631 = vector.shape_cast %get3A_630 : vector<1x16xf32> to vector<16xf32>
      %get3A_632 = arith.constant 6 : i32
      %get3A_633 = arith.index_cast %get3A_632 : i32 to index
      %get3A_634 = arith.index_cast %mul3A_627 : i32 to index
      %get3A_635 = tpu.vector_load %arg11[%get3A_633, %get3A_634] {strides = array<i32>} : memref<8x2048xf32, #tpu.memory_space<vmem>>, vector<1x16xf32>,
      %get3A_636 = vector.shape_cast %get3A_635 : vector<1x16xf32> to vector<16xf32>
      %add3A_637 = arith.addf %get3A_631, %get3A_636 : vector<16xf32>
      %swap3A = arith.constant 6 : i32
      %swap3A_638 = arith.index_cast %swap3A : i32 to index
      %swap3A_639 = arith.index_cast %mul3A_627 : i32 to index
      %swap3A_640 = tpu.vector_load %arg10[%swap3A_638, %swap3A_639] {strides = array<i32>} : memref<8x2048xf32, #tpu.memory_space<vmem>>, vector<1x16xf32>,
      %swap3A_641 = vector.shape_cast %swap3A_640 : vector<1x16xf32> to vector<16xf32>
      %swap3A_642 = vector.shape_cast %add3A_637 : vector<16xf32> to vector<1x16xf32>
      tpu.vector_store %arg10[%swap3A_638, %swap3A_639], %swap3A_642 {strides = array<i32>} : memref<8x2048xf32, #tpu.memory_space<vmem>>, vector<1x16xf32>,
      %scan3A_643 = arith.constant 0 : i32
      scf.yield %scan3A_643 : i32
    }
    %scan3A_156 = arith.constant 128 : i32
    %scan3A_157 = arith.constant 0 : i32
    %scan3A_158 = arith.constant 0 : i32
    %scan3A_159 = arith.constant 128 : i32
    %scan3A_160 = arith.addi %scan3A_158, %scan3A_159 : i32
    %scan3A_161 = arith.constant 1 : i32
    %scan3A_162 = scf.for %scan3A_624 = %scan3A_158 to %scan3A_160 step %scan3A_161 iter_args(%scan3A_625 = %scan3A_157) -> (i32)  : i32 {
      %mul3A_626 = arith.constant 16 : i32
      %mul3A_627 = arith.muli %scan3A_624, %mul3A_626 : i32
      %get3A = arith.constant 7 : i32
      %get3A_628 = arith.index_cast %get3A : i32 to index
      %get3A_629 = arith.index_cast %mul3A_627 : i32 to index
      %get3A_630 = tpu.vector_load %arg10[%get3A_628, %get3A_629] {strides = array<i32>} : memref<8x2048xf32, #tpu.memory_space<vmem>>, vector<1x16xf32>,
      %get3A_631 = vector.shape_cast %get3A_630 : vector<1x16xf32> to vector<16xf32>
      %get3A_632 = arith.constant 7 : i32
      %get3A_633 = arith.index_cast %get3A_632 : i32 to index
      %get3A_634 = arith.index_cast %mul3A_627 : i32 to index
      %get3A_635 = tpu.vector_load %arg11[%get3A_633, %get3A_634] {strides = array<i32>} : memref<8x2048xf32, #tpu.memory_space<vmem>>, vector<1x16xf32>,
      %get3A_636 = vector.shape_cast %get3A_635 : vector<1x16xf32> to vector<16xf32>
      %add3A_637 = arith.addf %get3A_631, %get3A_636 : vector<16xf32>
      %swap3A = arith.constant 7 : i32
      %swap3A_638 = arith.index_cast %swap3A : i32 to index
      %swap3A_639 = arith.index_cast %mul3A_627 : i32 to index
      %swap3A_640 = tpu.vector_load %arg10[%swap3A_638, %swap3A_639] {strides = array<i32>} : memref<8x2048xf32, #tpu.memory_space<vmem>>, vector<1x16xf32>,
      %swap3A_641 = vector.shape_cast %swap3A_640 : vector<1x16xf32> to vector<16xf32>
      %swap3A_642 = vector.shape_cast %add3A_637 : vector<16xf32> to vector<1x16xf32>
      tpu.vector_store %arg10[%swap3A_638, %swap3A_639], %swap3A_642 {strides = array<i32>} : memref<8x2048xf32, #tpu.memory_space<vmem>>, vector<1x16xf32>,
      %scan3A_643 = arith.constant 0 : i32
      scf.yield %scan3A_643 : i32
    }
    %scan3A_163 = arith.constant 128 : i32
    %add3A_164 = arith.constant 8 : i32
    %add3A_165 = arith.addi %mul3A_2, %add3A_164 : i32
    "tpu.region"() ({
      %run_scoped3A = tpu.sem_alloc : memref<!tpu.dma_semaphore, #tpu.memory_space<semaphore_mem>>
      %dma_start3A_624 = arith.constant 0 : i32
      %dma_start3A_625 = tpu.memref_slice %arg5[%add3A_165, %dma_start3A_624] : memref<2048x2048xf32, #tpu.memory_space<hbm>> -> memref<8x2048xf32, #tpu.memory_space<hbm>>
      %dma_start3A_626 = arith.constant 0 : i32
      %dma_start3A_627 = tpu.memref_slice %arg5[%add3A_165, %dma_start3A_626] : memref<2048x2048xf32, #tpu.memory_space<hbm>> -> memref<8x2048xf32, #tpu.memory_space<hbm>>
      tpu.enqueue_dma source(%arg10 : memref<8x2048xf32, #tpu.memory_space<vmem>>) target(%dma_start3A_627 : memref<8x2048xf32, #tpu.memory_space<hbm>>) target_semaphore(%run_scoped3A : memref<!tpu.dma_semaphore, #tpu.memory_space<semaphore_mem>>)
      %dma_wait3A_628 = arith.constant 0 : i32
      %dma_wait3A_629 = tpu.memref_slice %arg5[%add3A_165, %dma_wait3A_628] : memref<2048x2048xf32, #tpu.memory_space<hbm>> -> memref<8x2048xf32, #tpu.memory_space<hbm>>
      %dma_wait3A_630 = arith.constant 0 : i32
      %dma_wait3A_631 = tpu.memref_slice %arg5[%add3A_165, %dma_wait3A_630] : memref<2048x2048xf32, #tpu.memory_space<hbm>> -> memref<8x2048xf32, #tpu.memory_space<hbm>>
      tpu.wait_dma2 semaphore(%run_scoped3A : memref<!tpu.dma_semaphore, #tpu.memory_space<semaphore_mem>>) src(%arg10 : memref<8x2048xf32, #tpu.memory_space<vmem>>) dst(%dma_wait3A_631 : memref<8x2048xf32, #tpu.memory_space<hbm>>)
      tpu.yield
    }) : () -> ()
    %dma_start3A_166 = arith.constant 24 : i32
    %dma_start3A_167 = tpu.memref_slice %arg6[%dma_start3A_166] : memref<64xi32, #tpu.memory_space<vmem>> -> memref<8xi32, #tpu.memory_space<vmem>>
    %dma_start3A_168 = arith.constant 0 : i32
    %dma_start3A_169 = arith.constant 0 : i32
    %dma_start3A_170 = tpu.memref_slice %arg2[%dma_start3A_168, %dma_start3A_169] : memref<6144x2048xf32, #tpu.memory_space<hbm>> -> memref<6144x2048xf32, #tpu.memory_space<hbm>>
    tpu.enqueue_indirect_dma source(%dma_start3A_170 : memref<6144x2048xf32, #tpu.memory_space<hbm>>) target(%arg10 : memref<8x2048xf32, #tpu.memory_space<vmem>>) offsets(%dma_start3A_167 : memref<8xi32, #tpu.memory_space<vmem>>) semaphore(%arg14 : memref<!tpu.dma_semaphore, #tpu.memory_space<semaphore_mem>>)
    %dma_start3A_171 = arith.constant 24 : i32
    %dma_start3A_172 = tpu.memref_slice %arg7[%dma_start3A_171] : memref<64xi32, #tpu.memory_space<vmem>> -> memref<8xi32, #tpu.memory_space<vmem>>
    %dma_start3A_173 = arith.constant 0 : i32
    %dma_start3A_174 = arith.constant 0 : i32
    %dma_start3A_175 = tpu.memref_slice %arg2[%dma_start3A_173, %dma_start3A_174] : memref<6144x2048xf32, #tpu.memory_space<hbm>> -> memref<6144x2048xf32, #tpu.memory_space<hbm>>
    tpu.enqueue_indirect_dma source(%dma_start3A_175 : memref<6144x2048xf32, #tpu.memory_space<hbm>>) target(%arg11 : memref<8x2048xf32, #tpu.memory_space<vmem>>) offsets(%dma_start3A_172 : memref<8xi32, #tpu.memory_space<vmem>>) semaphore(%arg15 : memref<!tpu.dma_semaphore, #tpu.memory_space<semaphore_mem>>)
    %dma_wait3A_176 = arith.constant 16 : i32
    %dma_wait3A_177 = tpu.memref_slice %arg6[%dma_wait3A_176] : memref<64xi32, #tpu.memory_space<vmem>> -> memref<8xi32, #tpu.memory_space<vmem>>
    %dma_wait3A_178 = arith.constant 0 : i32
    %dma_wait3A_179 = arith.constant 0 : i32
    %dma_wait3A_180 = tpu.memref_slice %arg2[%dma_wait3A_178, %dma_wait3A_179] : memref<6144x2048xf32, #tpu.memory_space<hbm>> -> memref<6144x2048xf32, #tpu.memory_space<hbm>>
    tpu.wait_indirect_dma semaphore(%arg12 : memref<!tpu.dma_semaphore, #tpu.memory_space<semaphore_mem>>) src(%dma_wait3A_180 : memref<6144x2048xf32, #tpu.memory_space<hbm>>) dst(%arg8 : memref<8x2048xf32, #tpu.memory_space<vmem>>)
    %dma_wait3A_181 = arith.constant 16 : i32
    %dma_wait3A_182 = tpu.memref_slice %arg7[%dma_wait3A_181] : memref<64xi32, #tpu.memory_space<vmem>> -> memref<8xi32, #tpu.memory_space<vmem>>
    %dma_wait3A_183 = arith.constant 0 : i32
    %dma_wait3A_184 = arith.constant 0 : i32
    %dma_wait3A_185 = tpu.memref_slice %arg2[%dma_wait3A_183, %dma_wait3A_184] : memref<6144x2048xf32, #tpu.memory_space<hbm>> -> memref<6144x2048xf32, #tpu.memory_space<hbm>>
    tpu.wait_indirect_dma semaphore(%arg13 : memref<!tpu.dma_semaphore, #tpu.memory_space<semaphore_mem>>) src(%dma_wait3A_185 : memref<6144x2048xf32, #tpu.memory_space<hbm>>) dst(%arg9 : memref<8x2048xf32, #tpu.memory_space<vmem>>)
    %scan3A_186 = arith.constant 0 : i32
    %scan3A_187 = arith.constant 0 : i32
    %scan3A_188 = arith.constant 128 : i32
    %scan3A_189 = arith.addi %scan3A_187, %scan3A_188 : i32
    %scan3A_190 = arith.constant 1 : i32
    %scan3A_191 = scf.for %scan3A_624 = %scan3A_187 to %scan3A_189 step %scan3A_190 iter_args(%scan3A_625 = %scan3A_186) -> (i32)  : i32 {
      %mul3A_626 = arith.constant 16 : i32
      %mul3A_627 = arith.muli %scan3A_624, %mul3A_626 : i32
      %get3A = arith.constant 0 : i32
      %get3A_628 = arith.index_cast %get3A : i32 to index
      %get3A_629 = arith.index_cast %mul3A_627 : i32 to index
      %get3A_630 = tpu.vector_load %arg8[%get3A_628, %get3A_629] {strides = array<i32>} : memref<8x2048xf32, #tpu.memory_space<vmem>>, vector<1x16xf32>,
      %get3A_631 = vector.shape_cast %get3A_630 : vector<1x16xf32> to vector<16xf32>
      %get3A_632 = arith.constant 0 : i32
      %get3A_633 = arith.index_cast %get3A_632 : i32 to index
      %get3A_634 = arith.index_cast %mul3A_627 : i32 to index
      %get3A_635 = tpu.vector_load %arg9[%get3A_633, %get3A_634] {strides = array<i32>} : memref<8x2048xf32, #tpu.memory_space<vmem>>, vector<1x16xf32>,
      %get3A_636 = vector.shape_cast %get3A_635 : vector<1x16xf32> to vector<16xf32>
      %add3A_637 = arith.addf %get3A_631, %get3A_636 : vector<16xf32>
      %swap3A = arith.constant 0 : i32
      %swap3A_638 = arith.index_cast %swap3A : i32 to index
      %swap3A_639 = arith.index_cast %mul3A_627 : i32 to index
      %swap3A_640 = tpu.vector_load %arg8[%swap3A_638, %swap3A_639] {strides = array<i32>} : memref<8x2048xf32, #tpu.memory_space<vmem>>, vector<1x16xf32>,
      %swap3A_641 = vector.shape_cast %swap3A_640 : vector<1x16xf32> to vector<16xf32>
      %swap3A_642 = vector.shape_cast %add3A_637 : vector<16xf32> to vector<1x16xf32>
      tpu.vector_store %arg8[%swap3A_638, %swap3A_639], %swap3A_642 {strides = array<i32>} : memref<8x2048xf32, #tpu.memory_space<vmem>>, vector<1x16xf32>,
      %scan3A_643 = arith.constant 0 : i32
      scf.yield %scan3A_643 : i32
    }
    %scan3A_192 = arith.constant 128 : i32
    %scan3A_193 = arith.constant 0 : i32
    %scan3A_194 = arith.constant 0 : i32
    %scan3A_195 = arith.constant 128 : i32
    %scan3A_196 = arith.addi %scan3A_194, %scan3A_195 : i32
    %scan3A_197 = arith.constant 1 : i32
    %scan3A_198 = scf.for %scan3A_624 = %scan3A_194 to %scan3A_196 step %scan3A_197 iter_args(%scan3A_625 = %scan3A_193) -> (i32)  : i32 {
      %mul3A_626 = arith.constant 16 : i32
      %mul3A_627 = arith.muli %scan3A_624, %mul3A_626 : i32
      %get3A = arith.constant 1 : i32
      %get3A_628 = arith.index_cast %get3A : i32 to index
      %get3A_629 = arith.index_cast %mul3A_627 : i32 to index
      %get3A_630 = tpu.vector_load %arg8[%get3A_628, %get3A_629] {strides = array<i32>} : memref<8x2048xf32, #tpu.memory_space<vmem>>, vector<1x16xf32>,
      %get3A_631 = vector.shape_cast %get3A_630 : vector<1x16xf32> to vector<16xf32>
      %get3A_632 = arith.constant 1 : i32
      %get3A_633 = arith.index_cast %get3A_632 : i32 to index
      %get3A_634 = arith.index_cast %mul3A_627 : i32 to index
      %get3A_635 = tpu.vector_load %arg9[%get3A_633, %get3A_634] {strides = array<i32>} : memref<8x2048xf32, #tpu.memory_space<vmem>>, vector<1x16xf32>,
      %get3A_636 = vector.shape_cast %get3A_635 : vector<1x16xf32> to vector<16xf32>
      %add3A_637 = arith.addf %get3A_631, %get3A_636 : vector<16xf32>
      %swap3A = arith.constant 1 : i32
      %swap3A_638 = arith.index_cast %swap3A : i32 to index
      %swap3A_639 = arith.index_cast %mul3A_627 : i32 to index
      %swap3A_640 = tpu.vector_load %arg8[%swap3A_638, %swap3A_639] {strides = array<i32>} : memref<8x2048xf32, #tpu.memory_space<vmem>>, vector<1x16xf32>,
      %swap3A_641 = vector.shape_cast %swap3A_640 : vector<1x16xf32> to vector<16xf32>
      %swap3A_642 = vector.shape_cast %add3A_637 : vector<16xf32> to vector<1x16xf32>
      tpu.vector_store %arg8[%swap3A_638, %swap3A_639], %swap3A_642 {strides = array<i32>} : memref<8x2048xf32, #tpu.memory_space<vmem>>, vector<1x16xf32>,
      %scan3A_643 = arith.constant 0 : i32
      scf.yield %scan3A_643 : i32
    }
    %scan3A_199 = arith.constant 128 : i32
    %scan3A_200 = arith.constant 0 : i32
    %scan3A_201 = arith.constant 0 : i32
    %scan3A_202 = arith.constant 128 : i32
    %scan3A_203 = arith.addi %scan3A_201, %scan3A_202 : i32
    %scan3A_204 = arith.constant 1 : i32
    %scan3A_205 = scf.for %scan3A_624 = %scan3A_201 to %scan3A_203 step %scan3A_204 iter_args(%scan3A_625 = %scan3A_200) -> (i32)  : i32 {
      %mul3A_626 = arith.constant 16 : i32
      %mul3A_627 = arith.muli %scan3A_624, %mul3A_626 : i32
      %get3A = arith.constant 2 : i32
      %get3A_628 = arith.index_cast %get3A : i32 to index
      %get3A_629 = arith.index_cast %mul3A_627 : i32 to index
      %get3A_630 = tpu.vector_load %arg8[%get3A_628, %get3A_629] {strides = array<i32>} : memref<8x2048xf32, #tpu.memory_space<vmem>>, vector<1x16xf32>,
      %get3A_631 = vector.shape_cast %get3A_630 : vector<1x16xf32> to vector<16xf32>
      %get3A_632 = arith.constant 2 : i32
      %get3A_633 = arith.index_cast %get3A_632 : i32 to index
      %get3A_634 = arith.index_cast %mul3A_627 : i32 to index
      %get3A_635 = tpu.vector_load %arg9[%get3A_633, %get3A_634] {strides = array<i32>} : memref<8x2048xf32, #tpu.memory_space<vmem>>, vector<1x16xf32>,
      %get3A_636 = vector.shape_cast %get3A_635 : vector<1x16xf32> to vector<16xf32>
      %add3A_637 = arith.addf %get3A_631, %get3A_636 : vector<16xf32>
      %swap3A = arith.constant 2 : i32
      %swap3A_638 = arith.index_cast %swap3A : i32 to index
      %swap3A_639 = arith.index_cast %mul3A_627 : i32 to index
      %swap3A_640 = tpu.vector_load %arg8[%swap3A_638, %swap3A_639] {strides = array<i32>} : memref<8x2048xf32, #tpu.memory_space<vmem>>, vector<1x16xf32>,
      %swap3A_641 = vector.shape_cast %swap3A_640 : vector<1x16xf32> to vector<16xf32>
      %swap3A_642 = vector.shape_cast %add3A_637 : vector<16xf32> to vector<1x16xf32>
      tpu.vector_store %arg8[%swap3A_638, %swap3A_639], %swap3A_642 {strides = array<i32>} : memref<8x2048xf32, #tpu.memory_space<vmem>>, vector<1x16xf32>,
      %scan3A_643 = arith.constant 0 : i32
      scf.yield %scan3A_643 : i32
    }
    %scan3A_206 = arith.constant 128 : i32
    %scan3A_207 = arith.constant 0 : i32
    %scan3A_208 = arith.constant 0 : i32
    %scan3A_209 = arith.constant 128 : i32
    %scan3A_210 = arith.addi %scan3A_208, %scan3A_209 : i32
    %scan3A_211 = arith.constant 1 : i32
    %scan3A_212 = scf.for %scan3A_624 = %scan3A_208 to %scan3A_210 step %scan3A_211 iter_args(%scan3A_625 = %scan3A_207) -> (i32)  : i32 {
      %mul3A_626 = arith.constant 16 : i32
      %mul3A_627 = arith.muli %scan3A_624, %mul3A_626 : i32
      %get3A = arith.constant 3 : i32
      %get3A_628 = arith.index_cast %get3A : i32 to index
      %get3A_629 = arith.index_cast %mul3A_627 : i32 to index
      %get3A_630 = tpu.vector_load %arg8[%get3A_628, %get3A_629] {strides = array<i32>} : memref<8x2048xf32, #tpu.memory_space<vmem>>, vector<1x16xf32>,
      %get3A_631 = vector.shape_cast %get3A_630 : vector<1x16xf32> to vector<16xf32>
      %get3A_632 = arith.constant 3 : i32
      %get3A_633 = arith.index_cast %get3A_632 : i32 to index
      %get3A_634 = arith.index_cast %mul3A_627 : i32 to index
      %get3A_635 = tpu.vector_load %arg9[%get3A_633, %get3A_634] {strides = array<i32>} : memref<8x2048xf32, #tpu.memory_space<vmem>>, vector<1x16xf32>,
      %get3A_636 = vector.shape_cast %get3A_635 : vector<1x16xf32> to vector<16xf32>
      %add3A_637 = arith.addf %get3A_631, %get3A_636 : vector<16xf32>
      %swap3A = arith.constant 3 : i32
      %swap3A_638 = arith.index_cast %swap3A : i32 to index
      %swap3A_639 = arith.index_cast %mul3A_627 : i32 to index
      %swap3A_640 = tpu.vector_load %arg8[%swap3A_638, %swap3A_639] {strides = array<i32>} : memref<8x2048xf32, #tpu.memory_space<vmem>>, vector<1x16xf32>,
      %swap3A_641 = vector.shape_cast %swap3A_640 : vector<1x16xf32> to vector<16xf32>
      %swap3A_642 = vector.shape_cast %add3A_637 : vector<16xf32> to vector<1x16xf32>
      tpu.vector_store %arg8[%swap3A_638, %swap3A_639], %swap3A_642 {strides = array<i32>} : memref<8x2048xf32, #tpu.memory_space<vmem>>, vector<1x16xf32>,
      %scan3A_643 = arith.constant 0 : i32
      scf.yield %scan3A_643 : i32
    }
    %scan3A_213 = arith.constant 128 : i32
    %scan3A_214 = arith.constant 0 : i32
    %scan3A_215 = arith.constant 0 : i32
    %scan3A_216 = arith.constant 128 : i32
    %scan3A_217 = arith.addi %scan3A_215, %scan3A_216 : i32
    %scan3A_218 = arith.constant 1 : i32
    %scan3A_219 = scf.for %scan3A_624 = %scan3A_215 to %scan3A_217 step %scan3A_218 iter_args(%scan3A_625 = %scan3A_214) -> (i32)  : i32 {
      %mul3A_626 = arith.constant 16 : i32
      %mul3A_627 = arith.muli %scan3A_624, %mul3A_626 : i32
      %get3A = arith.constant 4 : i32
      %get3A_628 = arith.index_cast %get3A : i32 to index
      %get3A_629 = arith.index_cast %mul3A_627 : i32 to index
      %get3A_630 = tpu.vector_load %arg8[%get3A_628, %get3A_629] {strides = array<i32>} : memref<8x2048xf32, #tpu.memory_space<vmem>>, vector<1x16xf32>,
      %get3A_631 = vector.shape_cast %get3A_630 : vector<1x16xf32> to vector<16xf32>
      %get3A_632 = arith.constant 4 : i32
      %get3A_633 = arith.index_cast %get3A_632 : i32 to index
      %get3A_634 = arith.index_cast %mul3A_627 : i32 to index
      %get3A_635 = tpu.vector_load %arg9[%get3A_633, %get3A_634] {strides = array<i32>} : memref<8x2048xf32, #tpu.memory_space<vmem>>, vector<1x16xf32>,
      %get3A_636 = vector.shape_cast %get3A_635 : vector<1x16xf32> to vector<16xf32>
      %add3A_637 = arith.addf %get3A_631, %get3A_636 : vector<16xf32>
      %swap3A = arith.constant 4 : i32
      %swap3A_638 = arith.index_cast %swap3A : i32 to index
      %swap3A_639 = arith.index_cast %mul3A_627 : i32 to index
      %swap3A_640 = tpu.vector_load %arg8[%swap3A_638, %swap3A_639] {strides = array<i32>} : memref<8x2048xf32, #tpu.memory_space<vmem>>, vector<1x16xf32>,
      %swap3A_641 = vector.shape_cast %swap3A_640 : vector<1x16xf32> to vector<16xf32>
      %swap3A_642 = vector.shape_cast %add3A_637 : vector<16xf32> to vector<1x16xf32>
      tpu.vector_store %arg8[%swap3A_638, %swap3A_639], %swap3A_642 {strides = array<i32>} : memref<8x2048xf32, #tpu.memory_space<vmem>>, vector<1x16xf32>,
      %scan3A_643 = arith.constant 0 : i32
      scf.yield %scan3A_643 : i32
    }
    %scan3A_220 = arith.constant 128 : i32
    %scan3A_221 = arith.constant 0 : i32
    %scan3A_222 = arith.constant 0 : i32
    %scan3A_223 = arith.constant 128 : i32
    %scan3A_224 = arith.addi %scan3A_222, %scan3A_223 : i32
    %scan3A_225 = arith.constant 1 : i32
    %scan3A_226 = scf.for %scan3A_624 = %scan3A_222 to %scan3A_224 step %scan3A_225 iter_args(%scan3A_625 = %scan3A_221) -> (i32)  : i32 {
      %mul3A_626 = arith.constant 16 : i32
      %mul3A_627 = arith.muli %scan3A_624, %mul3A_626 : i32
      %get3A = arith.constant 5 : i32
      %get3A_628 = arith.index_cast %get3A : i32 to index
      %get3A_629 = arith.index_cast %mul3A_627 : i32 to index
      %get3A_630 = tpu.vector_load %arg8[%get3A_628, %get3A_629] {strides = array<i32>} : memref<8x2048xf32, #tpu.memory_space<vmem>>, vector<1x16xf32>,
      %get3A_631 = vector.shape_cast %get3A_630 : vector<1x16xf32> to vector<16xf32>
      %get3A_632 = arith.constant 5 : i32
      %get3A_633 = arith.index_cast %get3A_632 : i32 to index
      %get3A_634 = arith.index_cast %mul3A_627 : i32 to index
      %get3A_635 = tpu.vector_load %arg9[%get3A_633, %get3A_634] {strides = array<i32>} : memref<8x2048xf32, #tpu.memory_space<vmem>>, vector<1x16xf32>,
      %get3A_636 = vector.shape_cast %get3A_635 : vector<1x16xf32> to vector<16xf32>
      %add3A_637 = arith.addf %get3A_631, %get3A_636 : vector<16xf32>
      %swap3A = arith.constant 5 : i32
      %swap3A_638 = arith.index_cast %swap3A : i32 to index
      %swap3A_639 = arith.index_cast %mul3A_627 : i32 to index
      %swap3A_640 = tpu.vector_load %arg8[%swap3A_638, %swap3A_639] {strides = array<i32>} : memref<8x2048xf32, #tpu.memory_space<vmem>>, vector<1x16xf32>,
      %swap3A_641 = vector.shape_cast %swap3A_640 : vector<1x16xf32> to vector<16xf32>
      %swap3A_642 = vector.shape_cast %add3A_637 : vector<16xf32> to vector<1x16xf32>
      tpu.vector_store %arg8[%swap3A_638, %swap3A_639], %swap3A_642 {strides = array<i32>} : memref<8x2048xf32, #tpu.memory_space<vmem>>, vector<1x16xf32>,
      %scan3A_643 = arith.constant 0 : i32
      scf.yield %scan3A_643 : i32
    }
    %scan3A_227 = arith.constant 128 : i32
    %scan3A_228 = arith.constant 0 : i32
    %scan3A_229 = arith.constant 0 : i32
    %scan3A_230 = arith.constant 128 : i32
    %scan3A_231 = arith.addi %scan3A_229, %scan3A_230 : i32
    %scan3A_232 = arith.constant 1 : i32
    %scan3A_233 = scf.for %scan3A_624 = %scan3A_229 to %scan3A_231 step %scan3A_232 iter_args(%scan3A_625 = %scan3A_228) -> (i32)  : i32 {
      %mul3A_626 = arith.constant 16 : i32
      %mul3A_627 = arith.muli %scan3A_624, %mul3A_626 : i32
      %get3A = arith.constant 6 : i32
      %get3A_628 = arith.index_cast %get3A : i32 to index
      %get3A_629 = arith.index_cast %mul3A_627 : i32 to index
      %get3A_630 = tpu.vector_load %arg8[%get3A_628, %get3A_629] {strides = array<i32>} : memref<8x2048xf32, #tpu.memory_space<vmem>>, vector<1x16xf32>,
      %get3A_631 = vector.shape_cast %get3A_630 : vector<1x16xf32> to vector<16xf32>
      %get3A_632 = arith.constant 6 : i32
      %get3A_633 = arith.index_cast %get3A_632 : i32 to index
      %get3A_634 = arith.index_cast %mul3A_627 : i32 to index
      %get3A_635 = tpu.vector_load %arg9[%get3A_633, %get3A_634] {strides = array<i32>} : memref<8x2048xf32, #tpu.memory_space<vmem>>, vector<1x16xf32>,
      %get3A_636 = vector.shape_cast %get3A_635 : vector<1x16xf32> to vector<16xf32>
      %add3A_637 = arith.addf %get3A_631, %get3A_636 : vector<16xf32>
      %swap3A = arith.constant 6 : i32
      %swap3A_638 = arith.index_cast %swap3A : i32 to index
      %swap3A_639 = arith.index_cast %mul3A_627 : i32 to index
      %swap3A_640 = tpu.vector_load %arg8[%swap3A_638, %swap3A_639] {strides = array<i32>} : memref<8x2048xf32, #tpu.memory_space<vmem>>, vector<1x16xf32>,
      %swap3A_641 = vector.shape_cast %swap3A_640 : vector<1x16xf32> to vector<16xf32>
      %swap3A_642 = vector.shape_cast %add3A_637 : vector<16xf32> to vector<1x16xf32>
      tpu.vector_store %arg8[%swap3A_638, %swap3A_639], %swap3A_642 {strides = array<i32>} : memref<8x2048xf32, #tpu.memory_space<vmem>>, vector<1x16xf32>,
      %scan3A_643 = arith.constant 0 : i32
      scf.yield %scan3A_643 : i32
    }
    %scan3A_234 = arith.constant 128 : i32
    %scan3A_235 = arith.constant 0 : i32
    %scan3A_236 = arith.constant 0 : i32
    %scan3A_237 = arith.constant 128 : i32
    %scan3A_238 = arith.addi %scan3A_236, %scan3A_237 : i32
    %scan3A_239 = arith.constant 1 : i32
    %scan3A_240 = scf.for %scan3A_624 = %scan3A_236 to %scan3A_238 step %scan3A_239 iter_args(%scan3A_625 = %scan3A_235) -> (i32)  : i32 {
      %mul3A_626 = arith.constant 16 : i32
      %mul3A_627 = arith.muli %scan3A_624, %mul3A_626 : i32
      %get3A = arith.constant 7 : i32
      %get3A_628 = arith.index_cast %get3A : i32 to index
      %get3A_629 = arith.index_cast %mul3A_627 : i32 to index
      %get3A_630 = tpu.vector_load %arg8[%get3A_628, %get3A_629] {strides = array<i32>} : memref<8x2048xf32, #tpu.memory_space<vmem>>, vector<1x16xf32>,
      %get3A_631 = vector.shape_cast %get3A_630 : vector<1x16xf32> to vector<16xf32>
      %get3A_632 = arith.constant 7 : i32
      %get3A_633 = arith.index_cast %get3A_632 : i32 to index
      %get3A_634 = arith.index_cast %mul3A_627 : i32 to index
      %get3A_635 = tpu.vector_load %arg9[%get3A_633, %get3A_634] {strides = array<i32>} : memref<8x2048xf32, #tpu.memory_space<vmem>>, vector<1x16xf32>,
      %get3A_636 = vector.shape_cast %get3A_635 : vector<1x16xf32> to vector<16xf32>
      %add3A_637 = arith.addf %get3A_631, %get3A_636 : vector<16xf32>
      %swap3A = arith.constant 7 : i32
      %swap3A_638 = arith.index_cast %swap3A : i32 to index
      %swap3A_639 = arith.index_cast %mul3A_627 : i32 to index
      %swap3A_640 = tpu.vector_load %arg8[%swap3A_638, %swap3A_639] {strides = array<i32>} : memref<8x2048xf32, #tpu.memory_space<vmem>>, vector<1x16xf32>,
      %swap3A_641 = vector.shape_cast %swap3A_640 : vector<1x16xf32> to vector<16xf32>
      %swap3A_642 = vector.shape_cast %add3A_637 : vector<16xf32> to vector<1x16xf32>
      tpu.vector_store %arg8[%swap3A_638, %swap3A_639], %swap3A_642 {strides = array<i32>} : memref<8x2048xf32, #tpu.memory_space<vmem>>, vector<1x16xf32>,
      %scan3A_643 = arith.constant 0 : i32
      scf.yield %scan3A_643 : i32
    }
    %scan3A_241 = arith.constant 128 : i32
    %add3A_242 = arith.constant 16 : i32
    %add3A_243 = arith.addi %mul3A_2, %add3A_242 : i32
    "tpu.region"() ({
      %run_scoped3A = tpu.sem_alloc : memref<!tpu.dma_semaphore, #tpu.memory_space<semaphore_mem>>
      %dma_start3A_624 = arith.constant 0 : i32
      %dma_start3A_625 = tpu.memref_slice %arg5[%add3A_243, %dma_start3A_624] : memref<2048x2048xf32, #tpu.memory_space<hbm>> -> memref<8x2048xf32, #tpu.memory_space<hbm>>
      %dma_start3A_626 = arith.constant 0 : i32
      %dma_start3A_627 = tpu.memref_slice %arg5[%add3A_243, %dma_start3A_626] : memref<2048x2048xf32, #tpu.memory_space<hbm>> -> memref<8x2048xf32, #tpu.memory_space<hbm>>
      tpu.enqueue_dma source(%arg8 : memref<8x2048xf32, #tpu.memory_space<vmem>>) target(%dma_start3A_627 : memref<8x2048xf32, #tpu.memory_space<hbm>>) target_semaphore(%run_scoped3A : memref<!tpu.dma_semaphore, #tpu.memory_space<semaphore_mem>>)
      %dma_wait3A_628 = arith.constant 0 : i32
      %dma_wait3A_629 = tpu.memref_slice %arg5[%add3A_243, %dma_wait3A_628] : memref<2048x2048xf32, #tpu.memory_space<hbm>> -> memref<8x2048xf32, #tpu.memory_space<hbm>>
      %dma_wait3A_630 = arith.constant 0 : i32
      %dma_wait3A_631 = tpu.memref_slice %arg5[%add3A_243, %dma_wait3A_630] : memref<2048x2048xf32, #tpu.memory_space<hbm>> -> memref<8x2048xf32, #tpu.memory_space<hbm>>
      tpu.wait_dma2 semaphore(%run_scoped3A : memref<!tpu.dma_semaphore, #tpu.memory_space<semaphore_mem>>) src(%arg8 : memref<8x2048xf32, #tpu.memory_space<vmem>>) dst(%dma_wait3A_631 : memref<8x2048xf32, #tpu.memory_space<hbm>>)
      tpu.yield
    }) : () -> ()
    %dma_start3A_244 = arith.constant 32 : i32
    %dma_start3A_245 = tpu.memref_slice %arg6[%dma_start3A_244] : memref<64xi32, #tpu.memory_space<vmem>> -> memref<8xi32, #tpu.memory_space<vmem>>
    %dma_start3A_246 = arith.constant 0 : i32
    %dma_start3A_247 = arith.constant 0 : i32
    %dma_start3A_248 = tpu.memref_slice %arg2[%dma_start3A_246, %dma_start3A_247] : memref<6144x2048xf32, #tpu.memory_space<hbm>> -> memref<6144x2048xf32, #tpu.memory_space<hbm>>
    tpu.enqueue_indirect_dma source(%dma_start3A_248 : memref<6144x2048xf32, #tpu.memory_space<hbm>>) target(%arg8 : memref<8x2048xf32, #tpu.memory_space<vmem>>) offsets(%dma_start3A_245 : memref<8xi32, #tpu.memory_space<vmem>>) semaphore(%arg12 : memref<!tpu.dma_semaphore, #tpu.memory_space<semaphore_mem>>)
    %dma_start3A_249 = arith.constant 32 : i32
    %dma_start3A_250 = tpu.memref_slice %arg7[%dma_start3A_249] : memref<64xi32, #tpu.memory_space<vmem>> -> memref<8xi32, #tpu.memory_space<vmem>>
    %dma_start3A_251 = arith.constant 0 : i32
    %dma_start3A_252 = arith.constant 0 : i32
    %dma_start3A_253 = tpu.memref_slice %arg2[%dma_start3A_251, %dma_start3A_252] : memref<6144x2048xf32, #tpu.memory_space<hbm>> -> memref<6144x2048xf32, #tpu.memory_space<hbm>>
    tpu.enqueue_indirect_dma source(%dma_start3A_253 : memref<6144x2048xf32, #tpu.memory_space<hbm>>) target(%arg9 : memref<8x2048xf32, #tpu.memory_space<vmem>>) offsets(%dma_start3A_250 : memref<8xi32, #tpu.memory_space<vmem>>) semaphore(%arg13 : memref<!tpu.dma_semaphore, #tpu.memory_space<semaphore_mem>>)
    %dma_wait3A_254 = arith.constant 24 : i32
    %dma_wait3A_255 = tpu.memref_slice %arg6[%dma_wait3A_254] : memref<64xi32, #tpu.memory_space<vmem>> -> memref<8xi32, #tpu.memory_space<vmem>>
    %dma_wait3A_256 = arith.constant 0 : i32
    %dma_wait3A_257 = arith.constant 0 : i32
    %dma_wait3A_258 = tpu.memref_slice %arg2[%dma_wait3A_256, %dma_wait3A_257] : memref<6144x2048xf32, #tpu.memory_space<hbm>> -> memref<6144x2048xf32, #tpu.memory_space<hbm>>
    tpu.wait_indirect_dma semaphore(%arg14 : memref<!tpu.dma_semaphore, #tpu.memory_space<semaphore_mem>>) src(%dma_wait3A_258 : memref<6144x2048xf32, #tpu.memory_space<hbm>>) dst(%arg10 : memref<8x2048xf32, #tpu.memory_space<vmem>>)
    %dma_wait3A_259 = arith.constant 24 : i32
    %dma_wait3A_260 = tpu.memref_slice %arg7[%dma_wait3A_259] : memref<64xi32, #tpu.memory_space<vmem>> -> memref<8xi32, #tpu.memory_space<vmem>>
    %dma_wait3A_261 = arith.constant 0 : i32
    %dma_wait3A_262 = arith.constant 0 : i32
    %dma_wait3A_263 = tpu.memref_slice %arg2[%dma_wait3A_261, %dma_wait3A_262] : memref<6144x2048xf32, #tpu.memory_space<hbm>> -> memref<6144x2048xf32, #tpu.memory_space<hbm>>
    tpu.wait_indirect_dma semaphore(%arg15 : memref<!tpu.dma_semaphore, #tpu.memory_space<semaphore_mem>>) src(%dma_wait3A_263 : memref<6144x2048xf32, #tpu.memory_space<hbm>>) dst(%arg11 : memref<8x2048xf32, #tpu.memory_space<vmem>>)
    %scan3A_264 = arith.constant 0 : i32
    %scan3A_265 = arith.constant 0 : i32
    %scan3A_266 = arith.constant 128 : i32
    %scan3A_267 = arith.addi %scan3A_265, %scan3A_266 : i32
    %scan3A_268 = arith.constant 1 : i32
    %scan3A_269 = scf.for %scan3A_624 = %scan3A_265 to %scan3A_267 step %scan3A_268 iter_args(%scan3A_625 = %scan3A_264) -> (i32)  : i32 {
      %mul3A_626 = arith.constant 16 : i32
      %mul3A_627 = arith.muli %scan3A_624, %mul3A_626 : i32
      %get3A = arith.constant 0 : i32
      %get3A_628 = arith.index_cast %get3A : i32 to index
      %get3A_629 = arith.index_cast %mul3A_627 : i32 to index
      %get3A_630 = tpu.vector_load %arg10[%get3A_628, %get3A_629] {strides = array<i32>} : memref<8x2048xf32, #tpu.memory_space<vmem>>, vector<1x16xf32>,
      %get3A_631 = vector.shape_cast %get3A_630 : vector<1x16xf32> to vector<16xf32>
      %get3A_632 = arith.constant 0 : i32
      %get3A_633 = arith.index_cast %get3A_632 : i32 to index
      %get3A_634 = arith.index_cast %mul3A_627 : i32 to index
      %get3A_635 = tpu.vector_load %arg11[%get3A_633, %get3A_634] {strides = array<i32>} : memref<8x2048xf32, #tpu.memory_space<vmem>>, vector<1x16xf32>,
      %get3A_636 = vector.shape_cast %get3A_635 : vector<1x16xf32> to vector<16xf32>
      %add3A_637 = arith.addf %get3A_631, %get3A_636 : vector<16xf32>
      %swap3A = arith.constant 0 : i32
      %swap3A_638 = arith.index_cast %swap3A : i32 to index
      %swap3A_639 = arith.index_cast %mul3A_627 : i32 to index
      %swap3A_640 = tpu.vector_load %arg10[%swap3A_638, %swap3A_639] {strides = array<i32>} : memref<8x2048xf32, #tpu.memory_space<vmem>>, vector<1x16xf32>,
      %swap3A_641 = vector.shape_cast %swap3A_640 : vector<1x16xf32> to vector<16xf32>
      %swap3A_642 = vector.shape_cast %add3A_637 : vector<16xf32> to vector<1x16xf32>
      tpu.vector_store %arg10[%swap3A_638, %swap3A_639], %swap3A_642 {strides = array<i32>} : memref<8x2048xf32, #tpu.memory_space<vmem>>, vector<1x16xf32>,
      %scan3A_643 = arith.constant 0 : i32
      scf.yield %scan3A_643 : i32
    }
    %scan3A_270 = arith.constant 128 : i32
    %scan3A_271 = arith.constant 0 : i32
    %scan3A_272 = arith.constant 0 : i32
    %scan3A_273 = arith.constant 128 : i32
    %scan3A_274 = arith.addi %scan3A_272, %scan3A_273 : i32
    %scan3A_275 = arith.constant 1 : i32
    %scan3A_276 = scf.for %scan3A_624 = %scan3A_272 to %scan3A_274 step %scan3A_275 iter_args(%scan3A_625 = %scan3A_271) -> (i32)  : i32 {
      %mul3A_626 = arith.constant 16 : i32
      %mul3A_627 = arith.muli %scan3A_624, %mul3A_626 : i32
      %get3A = arith.constant 1 : i32
      %get3A_628 = arith.index_cast %get3A : i32 to index
      %get3A_629 = arith.index_cast %mul3A_627 : i32 to index
      %get3A_630 = tpu.vector_load %arg10[%get3A_628, %get3A_629] {strides = array<i32>} : memref<8x2048xf32, #tpu.memory_space<vmem>>, vector<1x16xf32>,
      %get3A_631 = vector.shape_cast %get3A_630 : vector<1x16xf32> to vector<16xf32>
      %get3A_632 = arith.constant 1 : i32
      %get3A_633 = arith.index_cast %get3A_632 : i32 to index
      %get3A_634 = arith.index_cast %mul3A_627 : i32 to index
      %get3A_635 = tpu.vector_load %arg11[%get3A_633, %get3A_634] {strides = array<i32>} : memref<8x2048xf32, #tpu.memory_space<vmem>>, vector<1x16xf32>,
      %get3A_636 = vector.shape_cast %get3A_635 : vector<1x16xf32> to vector<16xf32>
      %add3A_637 = arith.addf %get3A_631, %get3A_636 : vector<16xf32>
      %swap3A = arith.constant 1 : i32
      %swap3A_638 = arith.index_cast %swap3A : i32 to index
      %swap3A_639 = arith.index_cast %mul3A_627 : i32 to index
      %swap3A_640 = tpu.vector_load %arg10[%swap3A_638, %swap3A_639] {strides = array<i32>} : memref<8x2048xf32, #tpu.memory_space<vmem>>, vector<1x16xf32>,
      %swap3A_641 = vector.shape_cast %swap3A_640 : vector<1x16xf32> to vector<16xf32>
      %swap3A_642 = vector.shape_cast %add3A_637 : vector<16xf32> to vector<1x16xf32>
      tpu.vector_store %arg10[%swap3A_638, %swap3A_639], %swap3A_642 {strides = array<i32>} : memref<8x2048xf32, #tpu.memory_space<vmem>>, vector<1x16xf32>,
      %scan3A_643 = arith.constant 0 : i32
      scf.yield %scan3A_643 : i32
    }
    %scan3A_277 = arith.constant 128 : i32
    %scan3A_278 = arith.constant 0 : i32
    %scan3A_279 = arith.constant 0 : i32
    %scan3A_280 = arith.constant 128 : i32
    %scan3A_281 = arith.addi %scan3A_279, %scan3A_280 : i32
    %scan3A_282 = arith.constant 1 : i32
    %scan3A_283 = scf.for %scan3A_624 = %scan3A_279 to %scan3A_281 step %scan3A_282 iter_args(%scan3A_625 = %scan3A_278) -> (i32)  : i32 {
      %mul3A_626 = arith.constant 16 : i32
      %mul3A_627 = arith.muli %scan3A_624, %mul3A_626 : i32
      %get3A = arith.constant 2 : i32
      %get3A_628 = arith.index_cast %get3A : i32 to index
      %get3A_629 = arith.index_cast %mul3A_627 : i32 to index
      %get3A_630 = tpu.vector_load %arg10[%get3A_628, %get3A_629] {strides = array<i32>} : memref<8x2048xf32, #tpu.memory_space<vmem>>, vector<1x16xf32>,
      %get3A_631 = vector.shape_cast %get3A_630 : vector<1x16xf32> to vector<16xf32>
      %get3A_632 = arith.constant 2 : i32
      %get3A_633 = arith.index_cast %get3A_632 : i32 to index
      %get3A_634 = arith.index_cast %mul3A_627 : i32 to index
      %get3A_635 = tpu.vector_load %arg11[%get3A_633, %get3A_634] {strides = array<i32>} : memref<8x2048xf32, #tpu.memory_space<vmem>>, vector<1x16xf32>,
      %get3A_636 = vector.shape_cast %get3A_635 : vector<1x16xf32> to vector<16xf32>
      %add3A_637 = arith.addf %get3A_631, %get3A_636 : vector<16xf32>
      %swap3A = arith.constant 2 : i32
      %swap3A_638 = arith.index_cast %swap3A : i32 to index
      %swap3A_639 = arith.index_cast %mul3A_627 : i32 to index
      %swap3A_640 = tpu.vector_load %arg10[%swap3A_638, %swap3A_639] {strides = array<i32>} : memref<8x2048xf32, #tpu.memory_space<vmem>>, vector<1x16xf32>,
      %swap3A_641 = vector.shape_cast %swap3A_640 : vector<1x16xf32> to vector<16xf32>
      %swap3A_642 = vector.shape_cast %add3A_637 : vector<16xf32> to vector<1x16xf32>
      tpu.vector_store %arg10[%swap3A_638, %swap3A_639], %swap3A_642 {strides = array<i32>} : memref<8x2048xf32, #tpu.memory_space<vmem>>, vector<1x16xf32>,
      %scan3A_643 = arith.constant 0 : i32
      scf.yield %scan3A_643 : i32
    }
    %scan3A_284 = arith.constant 128 : i32
    %scan3A_285 = arith.constant 0 : i32
    %scan3A_286 = arith.constant 0 : i32
    %scan3A_287 = arith.constant 128 : i32
    %scan3A_288 = arith.addi %scan3A_286, %scan3A_287 : i32
    %scan3A_289 = arith.constant 1 : i32
    %scan3A_290 = scf.for %scan3A_624 = %scan3A_286 to %scan3A_288 step %scan3A_289 iter_args(%scan3A_625 = %scan3A_285) -> (i32)  : i32 {
      %mul3A_626 = arith.constant 16 : i32
      %mul3A_627 = arith.muli %scan3A_624, %mul3A_626 : i32
      %get3A = arith.constant 3 : i32
      %get3A_628 = arith.index_cast %get3A : i32 to index
      %get3A_629 = arith.index_cast %mul3A_627 : i32 to index
      %get3A_630 = tpu.vector_load %arg10[%get3A_628, %get3A_629] {strides = array<i32>} : memref<8x2048xf32, #tpu.memory_space<vmem>>, vector<1x16xf32>,
      %get3A_631 = vector.shape_cast %get3A_630 : vector<1x16xf32> to vector<16xf32>
      %get3A_632 = arith.constant 3 : i32
      %get3A_633 = arith.index_cast %get3A_632 : i32 to index
      %get3A_634 = arith.index_cast %mul3A_627 : i32 to index
      %get3A_635 = tpu.vector_load %arg11[%get3A_633, %get3A_634] {strides = array<i32>} : memref<8x2048xf32, #tpu.memory_space<vmem>>, vector<1x16xf32>,
      %get3A_636 = vector.shape_cast %get3A_635 : vector<1x16xf32> to vector<16xf32>
      %add3A_637 = arith.addf %get3A_631, %get3A_636 : vector<16xf32>
      %swap3A = arith.constant 3 : i32
      %swap3A_638 = arith.index_cast %swap3A : i32 to index
      %swap3A_639 = arith.index_cast %mul3A_627 : i32 to index
      %swap3A_640 = tpu.vector_load %arg10[%swap3A_638, %swap3A_639] {strides = array<i32>} : memref<8x2048xf32, #tpu.memory_space<vmem>>, vector<1x16xf32>,
      %swap3A_641 = vector.shape_cast %swap3A_640 : vector<1x16xf32> to vector<16xf32>
      %swap3A_642 = vector.shape_cast %add3A_637 : vector<16xf32> to vector<1x16xf32>
      tpu.vector_store %arg10[%swap3A_638, %swap3A_639], %swap3A_642 {strides = array<i32>} : memref<8x2048xf32, #tpu.memory_space<vmem>>, vector<1x16xf32>,
      %scan3A_643 = arith.constant 0 : i32
      scf.yield %scan3A_643 : i32
    }
    %scan3A_291 = arith.constant 128 : i32
    %scan3A_292 = arith.constant 0 : i32
    %scan3A_293 = arith.constant 0 : i32
    %scan3A_294 = arith.constant 128 : i32
    %scan3A_295 = arith.addi %scan3A_293, %scan3A_294 : i32
    %scan3A_296 = arith.constant 1 : i32
    %scan3A_297 = scf.for %scan3A_624 = %scan3A_293 to %scan3A_295 step %scan3A_296 iter_args(%scan3A_625 = %scan3A_292) -> (i32)  : i32 {
      %mul3A_626 = arith.constant 16 : i32
      %mul3A_627 = arith.muli %scan3A_624, %mul3A_626 : i32
      %get3A = arith.constant 4 : i32
      %get3A_628 = arith.index_cast %get3A : i32 to index
      %get3A_629 = arith.index_cast %mul3A_627 : i32 to index
      %get3A_630 = tpu.vector_load %arg10[%get3A_628, %get3A_629] {strides = array<i32>} : memref<8x2048xf32, #tpu.memory_space<vmem>>, vector<1x16xf32>,
      %get3A_631 = vector.shape_cast %get3A_630 : vector<1x16xf32> to vector<16xf32>
      %get3A_632 = arith.constant 4 : i32
      %get3A_633 = arith.index_cast %get3A_632 : i32 to index
      %get3A_634 = arith.index_cast %mul3A_627 : i32 to index
      %get3A_635 = tpu.vector_load %arg11[%get3A_633, %get3A_634] {strides = array<i32>} : memref<8x2048xf32, #tpu.memory_space<vmem>>, vector<1x16xf32>,
      %get3A_636 = vector.shape_cast %get3A_635 : vector<1x16xf32> to vector<16xf32>
      %add3A_637 = arith.addf %get3A_631, %get3A_636 : vector<16xf32>
      %swap3A = arith.constant 4 : i32
      %swap3A_638 = arith.index_cast %swap3A : i32 to index
      %swap3A_639 = arith.index_cast %mul3A_627 : i32 to index
      %swap3A_640 = tpu.vector_load %arg10[%swap3A_638, %swap3A_639] {strides = array<i32>} : memref<8x2048xf32, #tpu.memory_space<vmem>>, vector<1x16xf32>,
      %swap3A_641 = vector.shape_cast %swap3A_640 : vector<1x16xf32> to vector<16xf32>
      %swap3A_642 = vector.shape_cast %add3A_637 : vector<16xf32> to vector<1x16xf32>
      tpu.vector_store %arg10[%swap3A_638, %swap3A_639], %swap3A_642 {strides = array<i32>} : memref<8x2048xf32, #tpu.memory_space<vmem>>, vector<1x16xf32>,
      %scan3A_643 = arith.constant 0 : i32
      scf.yield %scan3A_643 : i32
    }
    %scan3A_298 = arith.constant 128 : i32
    %scan3A_299 = arith.constant 0 : i32
    %scan3A_300 = arith.constant 0 : i32
    %scan3A_301 = arith.constant 128 : i32
    %scan3A_302 = arith.addi %scan3A_300, %scan3A_301 : i32
    %scan3A_303 = arith.constant 1 : i32
    %scan3A_304 = scf.for %scan3A_624 = %scan3A_300 to %scan3A_302 step %scan3A_303 iter_args(%scan3A_625 = %scan3A_299) -> (i32)  : i32 {
      %mul3A_626 = arith.constant 16 : i32
      %mul3A_627 = arith.muli %scan3A_624, %mul3A_626 : i32
      %get3A = arith.constant 5 : i32
      %get3A_628 = arith.index_cast %get3A : i32 to index
      %get3A_629 = arith.index_cast %mul3A_627 : i32 to index
      %get3A_630 = tpu.vector_load %arg10[%get3A_628, %get3A_629] {strides = array<i32>} : memref<8x2048xf32, #tpu.memory_space<vmem>>, vector<1x16xf32>,
      %get3A_631 = vector.shape_cast %get3A_630 : vector<1x16xf32> to vector<16xf32>
      %get3A_632 = arith.constant 5 : i32
      %get3A_633 = arith.index_cast %get3A_632 : i32 to index
      %get3A_634 = arith.index_cast %mul3A_627 : i32 to index
      %get3A_635 = tpu.vector_load %arg11[%get3A_633, %get3A_634] {strides = array<i32>} : memref<8x2048xf32, #tpu.memory_space<vmem>>, vector<1x16xf32>,
      %get3A_636 = vector.shape_cast %get3A_635 : vector<1x16xf32> to vector<16xf32>
      %add3A_637 = arith.addf %get3A_631, %get3A_636 : vector<16xf32>
      %swap3A = arith.constant 5 : i32
      %swap3A_638 = arith.index_cast %swap3A : i32 to index
      %swap3A_639 = arith.index_cast %mul3A_627 : i32 to index
      %swap3A_640 = tpu.vector_load %arg10[%swap3A_638, %swap3A_639] {strides = array<i32>} : memref<8x2048xf32, #tpu.memory_space<vmem>>, vector<1x16xf32>,
      %swap3A_641 = vector.shape_cast %swap3A_640 : vector<1x16xf32> to vector<16xf32>
      %swap3A_642 = vector.shape_cast %add3A_637 : vector<16xf32> to vector<1x16xf32>
      tpu.vector_store %arg10[%swap3A_638, %swap3A_639], %swap3A_642 {strides = array<i32>} : memref<8x2048xf32, #tpu.memory_space<vmem>>, vector<1x16xf32>,
      %scan3A_643 = arith.constant 0 : i32
      scf.yield %scan3A_643 : i32
    }
    %scan3A_305 = arith.constant 128 : i32
    %scan3A_306 = arith.constant 0 : i32
    %scan3A_307 = arith.constant 0 : i32
    %scan3A_308 = arith.constant 128 : i32
    %scan3A_309 = arith.addi %scan3A_307, %scan3A_308 : i32
    %scan3A_310 = arith.constant 1 : i32
    %scan3A_311 = scf.for %scan3A_624 = %scan3A_307 to %scan3A_309 step %scan3A_310 iter_args(%scan3A_625 = %scan3A_306) -> (i32)  : i32 {
      %mul3A_626 = arith.constant 16 : i32
      %mul3A_627 = arith.muli %scan3A_624, %mul3A_626 : i32
      %get3A = arith.constant 6 : i32
      %get3A_628 = arith.index_cast %get3A : i32 to index
      %get3A_629 = arith.index_cast %mul3A_627 : i32 to index
      %get3A_630 = tpu.vector_load %arg10[%get3A_628, %get3A_629] {strides = array<i32>} : memref<8x2048xf32, #tpu.memory_space<vmem>>, vector<1x16xf32>,
      %get3A_631 = vector.shape_cast %get3A_630 : vector<1x16xf32> to vector<16xf32>
      %get3A_632 = arith.constant 6 : i32
      %get3A_633 = arith.index_cast %get3A_632 : i32 to index
      %get3A_634 = arith.index_cast %mul3A_627 : i32 to index
      %get3A_635 = tpu.vector_load %arg11[%get3A_633, %get3A_634] {strides = array<i32>} : memref<8x2048xf32, #tpu.memory_space<vmem>>, vector<1x16xf32>,
      %get3A_636 = vector.shape_cast %get3A_635 : vector<1x16xf32> to vector<16xf32>
      %add3A_637 = arith.addf %get3A_631, %get3A_636 : vector<16xf32>
      %swap3A = arith.constant 6 : i32
      %swap3A_638 = arith.index_cast %swap3A : i32 to index
      %swap3A_639 = arith.index_cast %mul3A_627 : i32 to index
      %swap3A_640 = tpu.vector_load %arg10[%swap3A_638, %swap3A_639] {strides = array<i32>} : memref<8x2048xf32, #tpu.memory_space<vmem>>, vector<1x16xf32>,
      %swap3A_641 = vector.shape_cast %swap3A_640 : vector<1x16xf32> to vector<16xf32>
      %swap3A_642 = vector.shape_cast %add3A_637 : vector<16xf32> to vector<1x16xf32>
      tpu.vector_store %arg10[%swap3A_638, %swap3A_639], %swap3A_642 {strides = array<i32>} : memref<8x2048xf32, #tpu.memory_space<vmem>>, vector<1x16xf32>,
      %scan3A_643 = arith.constant 0 : i32
      scf.yield %scan3A_643 : i32
    }
    %scan3A_312 = arith.constant 128 : i32
    %scan3A_313 = arith.constant 0 : i32
    %scan3A_314 = arith.constant 0 : i32
    %scan3A_315 = arith.constant 128 : i32
    %scan3A_316 = arith.addi %scan3A_314, %scan3A_315 : i32
    %scan3A_317 = arith.constant 1 : i32
    %scan3A_318 = scf.for %scan3A_624 = %scan3A_314 to %scan3A_316 step %scan3A_317 iter_args(%scan3A_625 = %scan3A_313) -> (i32)  : i32 {
      %mul3A_626 = arith.constant 16 : i32
      %mul3A_627 = arith.muli %scan3A_624, %mul3A_626 : i32
      %get3A = arith.constant 7 : i32
      %get3A_628 = arith.index_cast %get3A : i32 to index
      %get3A_629 = arith.index_cast %mul3A_627 : i32 to index
      %get3A_630 = tpu.vector_load %arg10[%get3A_628, %get3A_629] {strides = array<i32>} : memref<8x2048xf32, #tpu.memory_space<vmem>>, vector<1x16xf32>,
      %get3A_631 = vector.shape_cast %get3A_630 : vector<1x16xf32> to vector<16xf32>
      %get3A_632 = arith.constant 7 : i32
      %get3A_633 = arith.index_cast %get3A_632 : i32 to index
      %get3A_634 = arith.index_cast %mul3A_627 : i32 to index
      %get3A_635 = tpu.vector_load %arg11[%get3A_633, %get3A_634] {strides = array<i32>} : memref<8x2048xf32, #tpu.memory_space<vmem>>, vector<1x16xf32>,
      %get3A_636 = vector.shape_cast %get3A_635 : vector<1x16xf32> to vector<16xf32>
      %add3A_637 = arith.addf %get3A_631, %get3A_636 : vector<16xf32>
      %swap3A = arith.constant 7 : i32
      %swap3A_638 = arith.index_cast %swap3A : i32 to index
      %swap3A_639 = arith.index_cast %mul3A_627 : i32 to index
      %swap3A_640 = tpu.vector_load %arg10[%swap3A_638, %swap3A_639] {strides = array<i32>} : memref<8x2048xf32, #tpu.memory_space<vmem>>, vector<1x16xf32>,
      %swap3A_641 = vector.shape_cast %swap3A_640 : vector<1x16xf32> to vector<16xf32>
      %swap3A_642 = vector.shape_cast %add3A_637 : vector<16xf32> to vector<1x16xf32>
      tpu.vector_store %arg10[%swap3A_638, %swap3A_639], %swap3A_642 {strides = array<i32>} : memref<8x2048xf32, #tpu.memory_space<vmem>>, vector<1x16xf32>,
      %scan3A_643 = arith.constant 0 : i32
      scf.yield %scan3A_643 : i32
    }
    %scan3A_319 = arith.constant 128 : i32
    %add3A_320 = arith.constant 24 : i32
    %add3A_321 = arith.addi %mul3A_2, %add3A_320 : i32
    "tpu.region"() ({
      %run_scoped3A = tpu.sem_alloc : memref<!tpu.dma_semaphore, #tpu.memory_space<semaphore_mem>>
      %dma_start3A_624 = arith.constant 0 : i32
      %dma_start3A_625 = tpu.memref_slice %arg5[%add3A_321, %dma_start3A_624] : memref<2048x2048xf32, #tpu.memory_space<hbm>> -> memref<8x2048xf32, #tpu.memory_space<hbm>>
      %dma_start3A_626 = arith.constant 0 : i32
      %dma_start3A_627 = tpu.memref_slice %arg5[%add3A_321, %dma_start3A_626] : memref<2048x2048xf32, #tpu.memory_space<hbm>> -> memref<8x2048xf32, #tpu.memory_space<hbm>>
      tpu.enqueue_dma source(%arg10 : memref<8x2048xf32, #tpu.memory_space<vmem>>) target(%dma_start3A_627 : memref<8x2048xf32, #tpu.memory_space<hbm>>) target_semaphore(%run_scoped3A : memref<!tpu.dma_semaphore, #tpu.memory_space<semaphore_mem>>)
      %dma_wait3A_628 = arith.constant 0 : i32
      %dma_wait3A_629 = tpu.memref_slice %arg5[%add3A_321, %dma_wait3A_628] : memref<2048x2048xf32, #tpu.memory_space<hbm>> -> memref<8x2048xf32, #tpu.memory_space<hbm>>
      %dma_wait3A_630 = arith.constant 0 : i32
      %dma_wait3A_631 = tpu.memref_slice %arg5[%add3A_321, %dma_wait3A_630] : memref<2048x2048xf32, #tpu.memory_space<hbm>> -> memref<8x2048xf32, #tpu.memory_space<hbm>>
      tpu.wait_dma2 semaphore(%run_scoped3A : memref<!tpu.dma_semaphore, #tpu.memory_space<semaphore_mem>>) src(%arg10 : memref<8x2048xf32, #tpu.memory_space<vmem>>) dst(%dma_wait3A_631 : memref<8x2048xf32, #tpu.memory_space<hbm>>)
      tpu.yield
    }) : () -> ()
    %dma_start3A_322 = arith.constant 40 : i32
    %dma_start3A_323 = tpu.memref_slice %arg6[%dma_start3A_322] : memref<64xi32, #tpu.memory_space<vmem>> -> memref<8xi32, #tpu.memory_space<vmem>>
    %dma_start3A_324 = arith.constant 0 : i32
    %dma_start3A_325 = arith.constant 0 : i32
    %dma_start3A_326 = tpu.memref_slice %arg2[%dma_start3A_324, %dma_start3A_325] : memref<6144x2048xf32, #tpu.memory_space<hbm>> -> memref<6144x2048xf32, #tpu.memory_space<hbm>>
    tpu.enqueue_indirect_dma source(%dma_start3A_326 : memref<6144x2048xf32, #tpu.memory_space<hbm>>) target(%arg10 : memref<8x2048xf32, #tpu.memory_space<vmem>>) offsets(%dma_start3A_323 : memref<8xi32, #tpu.memory_space<vmem>>) semaphore(%arg14 : memref<!tpu.dma_semaphore, #tpu.memory_space<semaphore_mem>>)
    %dma_start3A_327 = arith.constant 40 : i32
    %dma_start3A_328 = tpu.memref_slice %arg7[%dma_start3A_327] : memref<64xi32, #tpu.memory_space<vmem>> -> memref<8xi32, #tpu.memory_space<vmem>>
    %dma_start3A_329 = arith.constant 0 : i32
    %dma_start3A_330 = arith.constant 0 : i32
    %dma_start3A_331 = tpu.memref_slice %arg2[%dma_start3A_329, %dma_start3A_330] : memref<6144x2048xf32, #tpu.memory_space<hbm>> -> memref<6144x2048xf32, #tpu.memory_space<hbm>>
    tpu.enqueue_indirect_dma source(%dma_start3A_331 : memref<6144x2048xf32, #tpu.memory_space<hbm>>) target(%arg11 : memref<8x2048xf32, #tpu.memory_space<vmem>>) offsets(%dma_start3A_328 : memref<8xi32, #tpu.memory_space<vmem>>) semaphore(%arg15 : memref<!tpu.dma_semaphore, #tpu.memory_space<semaphore_mem>>)
    %dma_wait3A_332 = arith.constant 32 : i32
    %dma_wait3A_333 = tpu.memref_slice %arg6[%dma_wait3A_332] : memref<64xi32, #tpu.memory_space<vmem>> -> memref<8xi32, #tpu.memory_space<vmem>>
    %dma_wait3A_334 = arith.constant 0 : i32
    %dma_wait3A_335 = arith.constant 0 : i32
    %dma_wait3A_336 = tpu.memref_slice %arg2[%dma_wait3A_334, %dma_wait3A_335] : memref<6144x2048xf32, #tpu.memory_space<hbm>> -> memref<6144x2048xf32, #tpu.memory_space<hbm>>
    tpu.wait_indirect_dma semaphore(%arg12 : memref<!tpu.dma_semaphore, #tpu.memory_space<semaphore_mem>>) src(%dma_wait3A_336 : memref<6144x2048xf32, #tpu.memory_space<hbm>>) dst(%arg8 : memref<8x2048xf32, #tpu.memory_space<vmem>>)
    %dma_wait3A_337 = arith.constant 32 : i32
    %dma_wait3A_338 = tpu.memref_slice %arg7[%dma_wait3A_337] : memref<64xi32, #tpu.memory_space<vmem>> -> memref<8xi32, #tpu.memory_space<vmem>>
    %dma_wait3A_339 = arith.constant 0 : i32
    %dma_wait3A_340 = arith.constant 0 : i32
    %dma_wait3A_341 = tpu.memref_slice %arg2[%dma_wait3A_339, %dma_wait3A_340] : memref<6144x2048xf32, #tpu.memory_space<hbm>> -> memref<6144x2048xf32, #tpu.memory_space<hbm>>
    tpu.wait_indirect_dma semaphore(%arg13 : memref<!tpu.dma_semaphore, #tpu.memory_space<semaphore_mem>>) src(%dma_wait3A_341 : memref<6144x2048xf32, #tpu.memory_space<hbm>>) dst(%arg9 : memref<8x2048xf32, #tpu.memory_space<vmem>>)
    %scan3A_342 = arith.constant 0 : i32
    %scan3A_343 = arith.constant 0 : i32
    %scan3A_344 = arith.constant 128 : i32
    %scan3A_345 = arith.addi %scan3A_343, %scan3A_344 : i32
    %scan3A_346 = arith.constant 1 : i32
    %scan3A_347 = scf.for %scan3A_624 = %scan3A_343 to %scan3A_345 step %scan3A_346 iter_args(%scan3A_625 = %scan3A_342) -> (i32)  : i32 {
      %mul3A_626 = arith.constant 16 : i32
      %mul3A_627 = arith.muli %scan3A_624, %mul3A_626 : i32
      %get3A = arith.constant 0 : i32
      %get3A_628 = arith.index_cast %get3A : i32 to index
      %get3A_629 = arith.index_cast %mul3A_627 : i32 to index
      %get3A_630 = tpu.vector_load %arg8[%get3A_628, %get3A_629] {strides = array<i32>} : memref<8x2048xf32, #tpu.memory_space<vmem>>, vector<1x16xf32>,
      %get3A_631 = vector.shape_cast %get3A_630 : vector<1x16xf32> to vector<16xf32>
      %get3A_632 = arith.constant 0 : i32
      %get3A_633 = arith.index_cast %get3A_632 : i32 to index
      %get3A_634 = arith.index_cast %mul3A_627 : i32 to index
      %get3A_635 = tpu.vector_load %arg9[%get3A_633, %get3A_634] {strides = array<i32>} : memref<8x2048xf32, #tpu.memory_space<vmem>>, vector<1x16xf32>,
      %get3A_636 = vector.shape_cast %get3A_635 : vector<1x16xf32> to vector<16xf32>
      %add3A_637 = arith.addf %get3A_631, %get3A_636 : vector<16xf32>
      %swap3A = arith.constant 0 : i32
      %swap3A_638 = arith.index_cast %swap3A : i32 to index
      %swap3A_639 = arith.index_cast %mul3A_627 : i32 to index
      %swap3A_640 = tpu.vector_load %arg8[%swap3A_638, %swap3A_639] {strides = array<i32>} : memref<8x2048xf32, #tpu.memory_space<vmem>>, vector<1x16xf32>,
      %swap3A_641 = vector.shape_cast %swap3A_640 : vector<1x16xf32> to vector<16xf32>
      %swap3A_642 = vector.shape_cast %add3A_637 : vector<16xf32> to vector<1x16xf32>
      tpu.vector_store %arg8[%swap3A_638, %swap3A_639], %swap3A_642 {strides = array<i32>} : memref<8x2048xf32, #tpu.memory_space<vmem>>, vector<1x16xf32>,
      %scan3A_643 = arith.constant 0 : i32
      scf.yield %scan3A_643 : i32
    }
    %scan3A_348 = arith.constant 128 : i32
    %scan3A_349 = arith.constant 0 : i32
    %scan3A_350 = arith.constant 0 : i32
    %scan3A_351 = arith.constant 128 : i32
    %scan3A_352 = arith.addi %scan3A_350, %scan3A_351 : i32
    %scan3A_353 = arith.constant 1 : i32
    %scan3A_354 = scf.for %scan3A_624 = %scan3A_350 to %scan3A_352 step %scan3A_353 iter_args(%scan3A_625 = %scan3A_349) -> (i32)  : i32 {
      %mul3A_626 = arith.constant 16 : i32
      %mul3A_627 = arith.muli %scan3A_624, %mul3A_626 : i32
      %get3A = arith.constant 1 : i32
      %get3A_628 = arith.index_cast %get3A : i32 to index
      %get3A_629 = arith.index_cast %mul3A_627 : i32 to index
      %get3A_630 = tpu.vector_load %arg8[%get3A_628, %get3A_629] {strides = array<i32>} : memref<8x2048xf32, #tpu.memory_space<vmem>>, vector<1x16xf32>,
      %get3A_631 = vector.shape_cast %get3A_630 : vector<1x16xf32> to vector<16xf32>
      %get3A_632 = arith.constant 1 : i32
      %get3A_633 = arith.index_cast %get3A_632 : i32 to index
      %get3A_634 = arith.index_cast %mul3A_627 : i32 to index
      %get3A_635 = tpu.vector_load %arg9[%get3A_633, %get3A_634] {strides = array<i32>} : memref<8x2048xf32, #tpu.memory_space<vmem>>, vector<1x16xf32>,
      %get3A_636 = vector.shape_cast %get3A_635 : vector<1x16xf32> to vector<16xf32>
      %add3A_637 = arith.addf %get3A_631, %get3A_636 : vector<16xf32>
      %swap3A = arith.constant 1 : i32
      %swap3A_638 = arith.index_cast %swap3A : i32 to index
      %swap3A_639 = arith.index_cast %mul3A_627 : i32 to index
      %swap3A_640 = tpu.vector_load %arg8[%swap3A_638, %swap3A_639] {strides = array<i32>} : memref<8x2048xf32, #tpu.memory_space<vmem>>, vector<1x16xf32>,
      %swap3A_641 = vector.shape_cast %swap3A_640 : vector<1x16xf32> to vector<16xf32>
      %swap3A_642 = vector.shape_cast %add3A_637 : vector<16xf32> to vector<1x16xf32>
      tpu.vector_store %arg8[%swap3A_638, %swap3A_639], %swap3A_642 {strides = array<i32>} : memref<8x2048xf32, #tpu.memory_space<vmem>>, vector<1x16xf32>,
      %scan3A_643 = arith.constant 0 : i32
      scf.yield %scan3A_643 : i32
    }
    %scan3A_355 = arith.constant 128 : i32
    %scan3A_356 = arith.constant 0 : i32
    %scan3A_357 = arith.constant 0 : i32
    %scan3A_358 = arith.constant 128 : i32
    %scan3A_359 = arith.addi %scan3A_357, %scan3A_358 : i32
    %scan3A_360 = arith.constant 1 : i32
    %scan3A_361 = scf.for %scan3A_624 = %scan3A_357 to %scan3A_359 step %scan3A_360 iter_args(%scan3A_625 = %scan3A_356) -> (i32)  : i32 {
      %mul3A_626 = arith.constant 16 : i32
      %mul3A_627 = arith.muli %scan3A_624, %mul3A_626 : i32
      %get3A = arith.constant 2 : i32
      %get3A_628 = arith.index_cast %get3A : i32 to index
      %get3A_629 = arith.index_cast %mul3A_627 : i32 to index
      %get3A_630 = tpu.vector_load %arg8[%get3A_628, %get3A_629] {strides = array<i32>} : memref<8x2048xf32, #tpu.memory_space<vmem>>, vector<1x16xf32>,
      %get3A_631 = vector.shape_cast %get3A_630 : vector<1x16xf32> to vector<16xf32>
      %get3A_632 = arith.constant 2 : i32
      %get3A_633 = arith.index_cast %get3A_632 : i32 to index
      %get3A_634 = arith.index_cast %mul3A_627 : i32 to index
      %get3A_635 = tpu.vector_load %arg9[%get3A_633, %get3A_634] {strides = array<i32>} : memref<8x2048xf32, #tpu.memory_space<vmem>>, vector<1x16xf32>,
      %get3A_636 = vector.shape_cast %get3A_635 : vector<1x16xf32> to vector<16xf32>
      %add3A_637 = arith.addf %get3A_631, %get3A_636 : vector<16xf32>
      %swap3A = arith.constant 2 : i32
      %swap3A_638 = arith.index_cast %swap3A : i32 to index
      %swap3A_639 = arith.index_cast %mul3A_627 : i32 to index
      %swap3A_640 = tpu.vector_load %arg8[%swap3A_638, %swap3A_639] {strides = array<i32>} : memref<8x2048xf32, #tpu.memory_space<vmem>>, vector<1x16xf32>,
      %swap3A_641 = vector.shape_cast %swap3A_640 : vector<1x16xf32> to vector<16xf32>
      %swap3A_642 = vector.shape_cast %add3A_637 : vector<16xf32> to vector<1x16xf32>
      tpu.vector_store %arg8[%swap3A_638, %swap3A_639], %swap3A_642 {strides = array<i32>} : memref<8x2048xf32, #tpu.memory_space<vmem>>, vector<1x16xf32>,
      %scan3A_643 = arith.constant 0 : i32
      scf.yield %scan3A_643 : i32
    }
    %scan3A_362 = arith.constant 128 : i32
    %scan3A_363 = arith.constant 0 : i32
    %scan3A_364 = arith.constant 0 : i32
    %scan3A_365 = arith.constant 128 : i32
    %scan3A_366 = arith.addi %scan3A_364, %scan3A_365 : i32
    %scan3A_367 = arith.constant 1 : i32
    %scan3A_368 = scf.for %scan3A_624 = %scan3A_364 to %scan3A_366 step %scan3A_367 iter_args(%scan3A_625 = %scan3A_363) -> (i32)  : i32 {
      %mul3A_626 = arith.constant 16 : i32
      %mul3A_627 = arith.muli %scan3A_624, %mul3A_626 : i32
      %get3A = arith.constant 3 : i32
      %get3A_628 = arith.index_cast %get3A : i32 to index
      %get3A_629 = arith.index_cast %mul3A_627 : i32 to index
      %get3A_630 = tpu.vector_load %arg8[%get3A_628, %get3A_629] {strides = array<i32>} : memref<8x2048xf32, #tpu.memory_space<vmem>>, vector<1x16xf32>,
      %get3A_631 = vector.shape_cast %get3A_630 : vector<1x16xf32> to vector<16xf32>
      %get3A_632 = arith.constant 3 : i32
      %get3A_633 = arith.index_cast %get3A_632 : i32 to index
      %get3A_634 = arith.index_cast %mul3A_627 : i32 to index
      %get3A_635 = tpu.vector_load %arg9[%get3A_633, %get3A_634] {strides = array<i32>} : memref<8x2048xf32, #tpu.memory_space<vmem>>, vector<1x16xf32>,
      %get3A_636 = vector.shape_cast %get3A_635 : vector<1x16xf32> to vector<16xf32>
      %add3A_637 = arith.addf %get3A_631, %get3A_636 : vector<16xf32>
      %swap3A = arith.constant 3 : i32
      %swap3A_638 = arith.index_cast %swap3A : i32 to index
      %swap3A_639 = arith.index_cast %mul3A_627 : i32 to index
      %swap3A_640 = tpu.vector_load %arg8[%swap3A_638, %swap3A_639] {strides = array<i32>} : memref<8x2048xf32, #tpu.memory_space<vmem>>, vector<1x16xf32>,
      %swap3A_641 = vector.shape_cast %swap3A_640 : vector<1x16xf32> to vector<16xf32>
      %swap3A_642 = vector.shape_cast %add3A_637 : vector<16xf32> to vector<1x16xf32>
      tpu.vector_store %arg8[%swap3A_638, %swap3A_639], %swap3A_642 {strides = array<i32>} : memref<8x2048xf32, #tpu.memory_space<vmem>>, vector<1x16xf32>,
      %scan3A_643 = arith.constant 0 : i32
      scf.yield %scan3A_643 : i32
    }
    %scan3A_369 = arith.constant 128 : i32
    %scan3A_370 = arith.constant 0 : i32
    %scan3A_371 = arith.constant 0 : i32
    %scan3A_372 = arith.constant 128 : i32
    %scan3A_373 = arith.addi %scan3A_371, %scan3A_372 : i32
    %scan3A_374 = arith.constant 1 : i32
    %scan3A_375 = scf.for %scan3A_624 = %scan3A_371 to %scan3A_373 step %scan3A_374 iter_args(%scan3A_625 = %scan3A_370) -> (i32)  : i32 {
      %mul3A_626 = arith.constant 16 : i32
      %mul3A_627 = arith.muli %scan3A_624, %mul3A_626 : i32
      %get3A = arith.constant 4 : i32
      %get3A_628 = arith.index_cast %get3A : i32 to index
      %get3A_629 = arith.index_cast %mul3A_627 : i32 to index
      %get3A_630 = tpu.vector_load %arg8[%get3A_628, %get3A_629] {strides = array<i32>} : memref<8x2048xf32, #tpu.memory_space<vmem>>, vector<1x16xf32>,
      %get3A_631 = vector.shape_cast %get3A_630 : vector<1x16xf32> to vector<16xf32>
      %get3A_632 = arith.constant 4 : i32
      %get3A_633 = arith.index_cast %get3A_632 : i32 to index
      %get3A_634 = arith.index_cast %mul3A_627 : i32 to index
      %get3A_635 = tpu.vector_load %arg9[%get3A_633, %get3A_634] {strides = array<i32>} : memref<8x2048xf32, #tpu.memory_space<vmem>>, vector<1x16xf32>,
      %get3A_636 = vector.shape_cast %get3A_635 : vector<1x16xf32> to vector<16xf32>
      %add3A_637 = arith.addf %get3A_631, %get3A_636 : vector<16xf32>
      %swap3A = arith.constant 4 : i32
      %swap3A_638 = arith.index_cast %swap3A : i32 to index
      %swap3A_639 = arith.index_cast %mul3A_627 : i32 to index
      %swap3A_640 = tpu.vector_load %arg8[%swap3A_638, %swap3A_639] {strides = array<i32>} : memref<8x2048xf32, #tpu.memory_space<vmem>>, vector<1x16xf32>,
      %swap3A_641 = vector.shape_cast %swap3A_640 : vector<1x16xf32> to vector<16xf32>
      %swap3A_642 = vector.shape_cast %add3A_637 : vector<16xf32> to vector<1x16xf32>
      tpu.vector_store %arg8[%swap3A_638, %swap3A_639], %swap3A_642 {strides = array<i32>} : memref<8x2048xf32, #tpu.memory_space<vmem>>, vector<1x16xf32>,
      %scan3A_643 = arith.constant 0 : i32
      scf.yield %scan3A_643 : i32
    }
    %scan3A_376 = arith.constant 128 : i32
    %scan3A_377 = arith.constant 0 : i32
    %scan3A_378 = arith.constant 0 : i32
    %scan3A_379 = arith.constant 128 : i32
    %scan3A_380 = arith.addi %scan3A_378, %scan3A_379 : i32
    %scan3A_381 = arith.constant 1 : i32
    %scan3A_382 = scf.for %scan3A_624 = %scan3A_378 to %scan3A_380 step %scan3A_381 iter_args(%scan3A_625 = %scan3A_377) -> (i32)  : i32 {
      %mul3A_626 = arith.constant 16 : i32
      %mul3A_627 = arith.muli %scan3A_624, %mul3A_626 : i32
      %get3A = arith.constant 5 : i32
      %get3A_628 = arith.index_cast %get3A : i32 to index
      %get3A_629 = arith.index_cast %mul3A_627 : i32 to index
      %get3A_630 = tpu.vector_load %arg8[%get3A_628, %get3A_629] {strides = array<i32>} : memref<8x2048xf32, #tpu.memory_space<vmem>>, vector<1x16xf32>,
      %get3A_631 = vector.shape_cast %get3A_630 : vector<1x16xf32> to vector<16xf32>
      %get3A_632 = arith.constant 5 : i32
      %get3A_633 = arith.index_cast %get3A_632 : i32 to index
      %get3A_634 = arith.index_cast %mul3A_627 : i32 to index
      %get3A_635 = tpu.vector_load %arg9[%get3A_633, %get3A_634] {strides = array<i32>} : memref<8x2048xf32, #tpu.memory_space<vmem>>, vector<1x16xf32>,
      %get3A_636 = vector.shape_cast %get3A_635 : vector<1x16xf32> to vector<16xf32>
      %add3A_637 = arith.addf %get3A_631, %get3A_636 : vector<16xf32>
      %swap3A = arith.constant 5 : i32
      %swap3A_638 = arith.index_cast %swap3A : i32 to index
      %swap3A_639 = arith.index_cast %mul3A_627 : i32 to index
      %swap3A_640 = tpu.vector_load %arg8[%swap3A_638, %swap3A_639] {strides = array<i32>} : memref<8x2048xf32, #tpu.memory_space<vmem>>, vector<1x16xf32>,
      %swap3A_641 = vector.shape_cast %swap3A_640 : vector<1x16xf32> to vector<16xf32>
      %swap3A_642 = vector.shape_cast %add3A_637 : vector<16xf32> to vector<1x16xf32>
      tpu.vector_store %arg8[%swap3A_638, %swap3A_639], %swap3A_642 {strides = array<i32>} : memref<8x2048xf32, #tpu.memory_space<vmem>>, vector<1x16xf32>,
      %scan3A_643 = arith.constant 0 : i32
      scf.yield %scan3A_643 : i32
    }
    %scan3A_383 = arith.constant 128 : i32
    %scan3A_384 = arith.constant 0 : i32
    %scan3A_385 = arith.constant 0 : i32
    %scan3A_386 = arith.constant 128 : i32
    %scan3A_387 = arith.addi %scan3A_385, %scan3A_386 : i32
    %scan3A_388 = arith.constant 1 : i32
    %scan3A_389 = scf.for %scan3A_624 = %scan3A_385 to %scan3A_387 step %scan3A_388 iter_args(%scan3A_625 = %scan3A_384) -> (i32)  : i32 {
      %mul3A_626 = arith.constant 16 : i32
      %mul3A_627 = arith.muli %scan3A_624, %mul3A_626 : i32
      %get3A = arith.constant 6 : i32
      %get3A_628 = arith.index_cast %get3A : i32 to index
      %get3A_629 = arith.index_cast %mul3A_627 : i32 to index
      %get3A_630 = tpu.vector_load %arg8[%get3A_628, %get3A_629] {strides = array<i32>} : memref<8x2048xf32, #tpu.memory_space<vmem>>, vector<1x16xf32>,
      %get3A_631 = vector.shape_cast %get3A_630 : vector<1x16xf32> to vector<16xf32>
      %get3A_632 = arith.constant 6 : i32
      %get3A_633 = arith.index_cast %get3A_632 : i32 to index
      %get3A_634 = arith.index_cast %mul3A_627 : i32 to index
      %get3A_635 = tpu.vector_load %arg9[%get3A_633, %get3A_634] {strides = array<i32>} : memref<8x2048xf32, #tpu.memory_space<vmem>>, vector<1x16xf32>,
      %get3A_636 = vector.shape_cast %get3A_635 : vector<1x16xf32> to vector<16xf32>
      %add3A_637 = arith.addf %get3A_631, %get3A_636 : vector<16xf32>
      %swap3A = arith.constant 6 : i32
      %swap3A_638 = arith.index_cast %swap3A : i32 to index
      %swap3A_639 = arith.index_cast %mul3A_627 : i32 to index
      %swap3A_640 = tpu.vector_load %arg8[%swap3A_638, %swap3A_639] {strides = array<i32>} : memref<8x2048xf32, #tpu.memory_space<vmem>>, vector<1x16xf32>,
      %swap3A_641 = vector.shape_cast %swap3A_640 : vector<1x16xf32> to vector<16xf32>
      %swap3A_642 = vector.shape_cast %add3A_637 : vector<16xf32> to vector<1x16xf32>
      tpu.vector_store %arg8[%swap3A_638, %swap3A_639], %swap3A_642 {strides = array<i32>} : memref<8x2048xf32, #tpu.memory_space<vmem>>, vector<1x16xf32>,
      %scan3A_643 = arith.constant 0 : i32
      scf.yield %scan3A_643 : i32
    }
    %scan3A_390 = arith.constant 128 : i32
    %scan3A_391 = arith.constant 0 : i32
    %scan3A_392 = arith.constant 0 : i32
    %scan3A_393 = arith.constant 128 : i32
    %scan3A_394 = arith.addi %scan3A_392, %scan3A_393 : i32
    %scan3A_395 = arith.constant 1 : i32
    %scan3A_396 = scf.for %scan3A_624 = %scan3A_392 to %scan3A_394 step %scan3A_395 iter_args(%scan3A_625 = %scan3A_391) -> (i32)  : i32 {
      %mul3A_626 = arith.constant 16 : i32
      %mul3A_627 = arith.muli %scan3A_624, %mul3A_626 : i32
      %get3A = arith.constant 7 : i32
      %get3A_628 = arith.index_cast %get3A : i32 to index
      %get3A_629 = arith.index_cast %mul3A_627 : i32 to index
      %get3A_630 = tpu.vector_load %arg8[%get3A_628, %get3A_629] {strides = array<i32>} : memref<8x2048xf32, #tpu.memory_space<vmem>>, vector<1x16xf32>,
      %get3A_631 = vector.shape_cast %get3A_630 : vector<1x16xf32> to vector<16xf32>
      %get3A_632 = arith.constant 7 : i32
      %get3A_633 = arith.index_cast %get3A_632 : i32 to index
      %get3A_634 = arith.index_cast %mul3A_627 : i32 to index
      %get3A_635 = tpu.vector_load %arg9[%get3A_633, %get3A_634] {strides = array<i32>} : memref<8x2048xf32, #tpu.memory_space<vmem>>, vector<1x16xf32>,
      %get3A_636 = vector.shape_cast %get3A_635 : vector<1x16xf32> to vector<16xf32>
      %add3A_637 = arith.addf %get3A_631, %get3A_636 : vector<16xf32>
      %swap3A = arith.constant 7 : i32
      %swap3A_638 = arith.index_cast %swap3A : i32 to index
      %swap3A_639 = arith.index_cast %mul3A_627 : i32 to index
      %swap3A_640 = tpu.vector_load %arg8[%swap3A_638, %swap3A_639] {strides = array<i32>} : memref<8x2048xf32, #tpu.memory_space<vmem>>, vector<1x16xf32>,
      %swap3A_641 = vector.shape_cast %swap3A_640 : vector<1x16xf32> to vector<16xf32>
      %swap3A_642 = vector.shape_cast %add3A_637 : vector<16xf32> to vector<1x16xf32>
      tpu.vector_store %arg8[%swap3A_638, %swap3A_639], %swap3A_642 {strides = array<i32>} : memref<8x2048xf32, #tpu.memory_space<vmem>>, vector<1x16xf32>,
      %scan3A_643 = arith.constant 0 : i32
      scf.yield %scan3A_643 : i32
    }
    %scan3A_397 = arith.constant 128 : i32
    %add3A_398 = arith.constant 32 : i32
    %add3A_399 = arith.addi %mul3A_2, %add3A_398 : i32
    "tpu.region"() ({
      %run_scoped3A = tpu.sem_alloc : memref<!tpu.dma_semaphore, #tpu.memory_space<semaphore_mem>>
      %dma_start3A_624 = arith.constant 0 : i32
      %dma_start3A_625 = tpu.memref_slice %arg5[%add3A_399, %dma_start3A_624] : memref<2048x2048xf32, #tpu.memory_space<hbm>> -> memref<8x2048xf32, #tpu.memory_space<hbm>>
      %dma_start3A_626 = arith.constant 0 : i32
      %dma_start3A_627 = tpu.memref_slice %arg5[%add3A_399, %dma_start3A_626] : memref<2048x2048xf32, #tpu.memory_space<hbm>> -> memref<8x2048xf32, #tpu.memory_space<hbm>>
      tpu.enqueue_dma source(%arg8 : memref<8x2048xf32, #tpu.memory_space<vmem>>) target(%dma_start3A_627 : memref<8x2048xf32, #tpu.memory_space<hbm>>) target_semaphore(%run_scoped3A : memref<!tpu.dma_semaphore, #tpu.memory_space<semaphore_mem>>)
      %dma_wait3A_628 = arith.constant 0 : i32
      %dma_wait3A_629 = tpu.memref_slice %arg5[%add3A_399, %dma_wait3A_628] : memref<2048x2048xf32, #tpu.memory_space<hbm>> -> memref<8x2048xf32, #tpu.memory_space<hbm>>
      %dma_wait3A_630 = arith.constant 0 : i32
      %dma_wait3A_631 = tpu.memref_slice %arg5[%add3A_399, %dma_wait3A_630] : memref<2048x2048xf32, #tpu.memory_space<hbm>> -> memref<8x2048xf32, #tpu.memory_space<hbm>>
      tpu.wait_dma2 semaphore(%run_scoped3A : memref<!tpu.dma_semaphore, #tpu.memory_space<semaphore_mem>>) src(%arg8 : memref<8x2048xf32, #tpu.memory_space<vmem>>) dst(%dma_wait3A_631 : memref<8x2048xf32, #tpu.memory_space<hbm>>)
      tpu.yield
    }) : () -> ()
    %dma_start3A_400 = arith.constant 48 : i32
    %dma_start3A_401 = tpu.memref_slice %arg6[%dma_start3A_400] : memref<64xi32, #tpu.memory_space<vmem>> -> memref<8xi32, #tpu.memory_space<vmem>>
    %dma_start3A_402 = arith.constant 0 : i32
    %dma_start3A_403 = arith.constant 0 : i32
    %dma_start3A_404 = tpu.memref_slice %arg2[%dma_start3A_402, %dma_start3A_403] : memref<6144x2048xf32, #tpu.memory_space<hbm>> -> memref<6144x2048xf32, #tpu.memory_space<hbm>>
    tpu.enqueue_indirect_dma source(%dma_start3A_404 : memref<6144x2048xf32, #tpu.memory_space<hbm>>) target(%arg8 : memref<8x2048xf32, #tpu.memory_space<vmem>>) offsets(%dma_start3A_401 : memref<8xi32, #tpu.memory_space<vmem>>) semaphore(%arg12 : memref<!tpu.dma_semaphore, #tpu.memory_space<semaphore_mem>>)
    %dma_start3A_405 = arith.constant 48 : i32
    %dma_start3A_406 = tpu.memref_slice %arg7[%dma_start3A_405] : memref<64xi32, #tpu.memory_space<vmem>> -> memref<8xi32, #tpu.memory_space<vmem>>
    %dma_start3A_407 = arith.constant 0 : i32
    %dma_start3A_408 = arith.constant 0 : i32
    %dma_start3A_409 = tpu.memref_slice %arg2[%dma_start3A_407, %dma_start3A_408] : memref<6144x2048xf32, #tpu.memory_space<hbm>> -> memref<6144x2048xf32, #tpu.memory_space<hbm>>
    tpu.enqueue_indirect_dma source(%dma_start3A_409 : memref<6144x2048xf32, #tpu.memory_space<hbm>>) target(%arg9 : memref<8x2048xf32, #tpu.memory_space<vmem>>) offsets(%dma_start3A_406 : memref<8xi32, #tpu.memory_space<vmem>>) semaphore(%arg13 : memref<!tpu.dma_semaphore, #tpu.memory_space<semaphore_mem>>)
    %dma_wait3A_410 = arith.constant 40 : i32
    %dma_wait3A_411 = tpu.memref_slice %arg6[%dma_wait3A_410] : memref<64xi32, #tpu.memory_space<vmem>> -> memref<8xi32, #tpu.memory_space<vmem>>
    %dma_wait3A_412 = arith.constant 0 : i32
    %dma_wait3A_413 = arith.constant 0 : i32
    %dma_wait3A_414 = tpu.memref_slice %arg2[%dma_wait3A_412, %dma_wait3A_413] : memref<6144x2048xf32, #tpu.memory_space<hbm>> -> memref<6144x2048xf32, #tpu.memory_space<hbm>>
    tpu.wait_indirect_dma semaphore(%arg14 : memref<!tpu.dma_semaphore, #tpu.memory_space<semaphore_mem>>) src(%dma_wait3A_414 : memref<6144x2048xf32, #tpu.memory_space<hbm>>) dst(%arg10 : memref<8x2048xf32, #tpu.memory_space<vmem>>)
    %dma_wait3A_415 = arith.constant 40 : i32
    %dma_wait3A_416 = tpu.memref_slice %arg7[%dma_wait3A_415] : memref<64xi32, #tpu.memory_space<vmem>> -> memref<8xi32, #tpu.memory_space<vmem>>
    %dma_wait3A_417 = arith.constant 0 : i32
    %dma_wait3A_418 = arith.constant 0 : i32
    %dma_wait3A_419 = tpu.memref_slice %arg2[%dma_wait3A_417, %dma_wait3A_418] : memref<6144x2048xf32, #tpu.memory_space<hbm>> -> memref<6144x2048xf32, #tpu.memory_space<hbm>>
    tpu.wait_indirect_dma semaphore(%arg15 : memref<!tpu.dma_semaphore, #tpu.memory_space<semaphore_mem>>) src(%dma_wait3A_419 : memref<6144x2048xf32, #tpu.memory_space<hbm>>) dst(%arg11 : memref<8x2048xf32, #tpu.memory_space<vmem>>)
    %scan3A_420 = arith.constant 0 : i32
    %scan3A_421 = arith.constant 0 : i32
    %scan3A_422 = arith.constant 128 : i32
    %scan3A_423 = arith.addi %scan3A_421, %scan3A_422 : i32
    %scan3A_424 = arith.constant 1 : i32
    %scan3A_425 = scf.for %scan3A_624 = %scan3A_421 to %scan3A_423 step %scan3A_424 iter_args(%scan3A_625 = %scan3A_420) -> (i32)  : i32 {
      %mul3A_626 = arith.constant 16 : i32
      %mul3A_627 = arith.muli %scan3A_624, %mul3A_626 : i32
      %get3A = arith.constant 0 : i32
      %get3A_628 = arith.index_cast %get3A : i32 to index
      %get3A_629 = arith.index_cast %mul3A_627 : i32 to index
      %get3A_630 = tpu.vector_load %arg10[%get3A_628, %get3A_629] {strides = array<i32>} : memref<8x2048xf32, #tpu.memory_space<vmem>>, vector<1x16xf32>,
      %get3A_631 = vector.shape_cast %get3A_630 : vector<1x16xf32> to vector<16xf32>
      %get3A_632 = arith.constant 0 : i32
      %get3A_633 = arith.index_cast %get3A_632 : i32 to index
      %get3A_634 = arith.index_cast %mul3A_627 : i32 to index
      %get3A_635 = tpu.vector_load %arg11[%get3A_633, %get3A_634] {strides = array<i32>} : memref<8x2048xf32, #tpu.memory_space<vmem>>, vector<1x16xf32>,
      %get3A_636 = vector.shape_cast %get3A_635 : vector<1x16xf32> to vector<16xf32>
      %add3A_637 = arith.addf %get3A_631, %get3A_636 : vector<16xf32>
      %swap3A = arith.constant 0 : i32
      %swap3A_638 = arith.index_cast %swap3A : i32 to index
      %swap3A_639 = arith.index_cast %mul3A_627 : i32 to index
      %swap3A_640 = tpu.vector_load %arg10[%swap3A_638, %swap3A_639] {strides = array<i32>} : memref<8x2048xf32, #tpu.memory_space<vmem>>, vector<1x16xf32>,
      %swap3A_641 = vector.shape_cast %swap3A_640 : vector<1x16xf32> to vector<16xf32>
      %swap3A_642 = vector.shape_cast %add3A_637 : vector<16xf32> to vector<1x16xf32>
      tpu.vector_store %arg10[%swap3A_638, %swap3A_639], %swap3A_642 {strides = array<i32>} : memref<8x2048xf32, #tpu.memory_space<vmem>>, vector<1x16xf32>,
      %scan3A_643 = arith.constant 0 : i32
      scf.yield %scan3A_643 : i32
    }
    %scan3A_426 = arith.constant 128 : i32
    %scan3A_427 = arith.constant 0 : i32
    %scan3A_428 = arith.constant 0 : i32
    %scan3A_429 = arith.constant 128 : i32
    %scan3A_430 = arith.addi %scan3A_428, %scan3A_429 : i32
    %scan3A_431 = arith.constant 1 : i32
    %scan3A_432 = scf.for %scan3A_624 = %scan3A_428 to %scan3A_430 step %scan3A_431 iter_args(%scan3A_625 = %scan3A_427) -> (i32)  : i32 {
      %mul3A_626 = arith.constant 16 : i32
      %mul3A_627 = arith.muli %scan3A_624, %mul3A_626 : i32
      %get3A = arith.constant 1 : i32
      %get3A_628 = arith.index_cast %get3A : i32 to index
      %get3A_629 = arith.index_cast %mul3A_627 : i32 to index
      %get3A_630 = tpu.vector_load %arg10[%get3A_628, %get3A_629] {strides = array<i32>} : memref<8x2048xf32, #tpu.memory_space<vmem>>, vector<1x16xf32>,
      %get3A_631 = vector.shape_cast %get3A_630 : vector<1x16xf32> to vector<16xf32>
      %get3A_632 = arith.constant 1 : i32
      %get3A_633 = arith.index_cast %get3A_632 : i32 to index
      %get3A_634 = arith.index_cast %mul3A_627 : i32 to index
      %get3A_635 = tpu.vector_load %arg11[%get3A_633, %get3A_634] {strides = array<i32>} : memref<8x2048xf32, #tpu.memory_space<vmem>>, vector<1x16xf32>,
      %get3A_636 = vector.shape_cast %get3A_635 : vector<1x16xf32> to vector<16xf32>
      %add3A_637 = arith.addf %get3A_631, %get3A_636 : vector<16xf32>
      %swap3A = arith.constant 1 : i32
      %swap3A_638 = arith.index_cast %swap3A : i32 to index
      %swap3A_639 = arith.index_cast %mul3A_627 : i32 to index
      %swap3A_640 = tpu.vector_load %arg10[%swap3A_638, %swap3A_639] {strides = array<i32>} : memref<8x2048xf32, #tpu.memory_space<vmem>>, vector<1x16xf32>,
      %swap3A_641 = vector.shape_cast %swap3A_640 : vector<1x16xf32> to vector<16xf32>
      %swap3A_642 = vector.shape_cast %add3A_637 : vector<16xf32> to vector<1x16xf32>
      tpu.vector_store %arg10[%swap3A_638, %swap3A_639], %swap3A_642 {strides = array<i32>} : memref<8x2048xf32, #tpu.memory_space<vmem>>, vector<1x16xf32>,
      %scan3A_643 = arith.constant 0 : i32
      scf.yield %scan3A_643 : i32
    }
    %scan3A_433 = arith.constant 128 : i32
    %scan3A_434 = arith.constant 0 : i32
    %scan3A_435 = arith.constant 0 : i32
    %scan3A_436 = arith.constant 128 : i32
    %scan3A_437 = arith.addi %scan3A_435, %scan3A_436 : i32
    %scan3A_438 = arith.constant 1 : i32
    %scan3A_439 = scf.for %scan3A_624 = %scan3A_435 to %scan3A_437 step %scan3A_438 iter_args(%scan3A_625 = %scan3A_434) -> (i32)  : i32 {
      %mul3A_626 = arith.constant 16 : i32
      %mul3A_627 = arith.muli %scan3A_624, %mul3A_626 : i32
      %get3A = arith.constant 2 : i32
      %get3A_628 = arith.index_cast %get3A : i32 to index
      %get3A_629 = arith.index_cast %mul3A_627 : i32 to index
      %get3A_630 = tpu.vector_load %arg10[%get3A_628, %get3A_629] {strides = array<i32>} : memref<8x2048xf32, #tpu.memory_space<vmem>>, vector<1x16xf32>,
      %get3A_631 = vector.shape_cast %get3A_630 : vector<1x16xf32> to vector<16xf32>
      %get3A_632 = arith.constant 2 : i32
      %get3A_633 = arith.index_cast %get3A_632 : i32 to index
      %get3A_634 = arith.index_cast %mul3A_627 : i32 to index
      %get3A_635 = tpu.vector_load %arg11[%get3A_633, %get3A_634] {strides = array<i32>} : memref<8x2048xf32, #tpu.memory_space<vmem>>, vector<1x16xf32>,
      %get3A_636 = vector.shape_cast %get3A_635 : vector<1x16xf32> to vector<16xf32>
      %add3A_637 = arith.addf %get3A_631, %get3A_636 : vector<16xf32>
      %swap3A = arith.constant 2 : i32
      %swap3A_638 = arith.index_cast %swap3A : i32 to index
      %swap3A_639 = arith.index_cast %mul3A_627 : i32 to index
      %swap3A_640 = tpu.vector_load %arg10[%swap3A_638, %swap3A_639] {strides = array<i32>} : memref<8x2048xf32, #tpu.memory_space<vmem>>, vector<1x16xf32>,
      %swap3A_641 = vector.shape_cast %swap3A_640 : vector<1x16xf32> to vector<16xf32>
      %swap3A_642 = vector.shape_cast %add3A_637 : vector<16xf32> to vector<1x16xf32>
      tpu.vector_store %arg10[%swap3A_638, %swap3A_639], %swap3A_642 {strides = array<i32>} : memref<8x2048xf32, #tpu.memory_space<vmem>>, vector<1x16xf32>,
      %scan3A_643 = arith.constant 0 : i32
      scf.yield %scan3A_643 : i32
    }
    %scan3A_440 = arith.constant 128 : i32
    %scan3A_441 = arith.constant 0 : i32
    %scan3A_442 = arith.constant 0 : i32
    %scan3A_443 = arith.constant 128 : i32
    %scan3A_444 = arith.addi %scan3A_442, %scan3A_443 : i32
    %scan3A_445 = arith.constant 1 : i32
    %scan3A_446 = scf.for %scan3A_624 = %scan3A_442 to %scan3A_444 step %scan3A_445 iter_args(%scan3A_625 = %scan3A_441) -> (i32)  : i32 {
      %mul3A_626 = arith.constant 16 : i32
      %mul3A_627 = arith.muli %scan3A_624, %mul3A_626 : i32
      %get3A = arith.constant 3 : i32
      %get3A_628 = arith.index_cast %get3A : i32 to index
      %get3A_629 = arith.index_cast %mul3A_627 : i32 to index
      %get3A_630 = tpu.vector_load %arg10[%get3A_628, %get3A_629] {strides = array<i32>} : memref<8x2048xf32, #tpu.memory_space<vmem>>, vector<1x16xf32>,
      %get3A_631 = vector.shape_cast %get3A_630 : vector<1x16xf32> to vector<16xf32>
      %get3A_632 = arith.constant 3 : i32
      %get3A_633 = arith.index_cast %get3A_632 : i32 to index
      %get3A_634 = arith.index_cast %mul3A_627 : i32 to index
      %get3A_635 = tpu.vector_load %arg11[%get3A_633, %get3A_634] {strides = array<i32>} : memref<8x2048xf32, #tpu.memory_space<vmem>>, vector<1x16xf32>,
      %get3A_636 = vector.shape_cast %get3A_635 : vector<1x16xf32> to vector<16xf32>
      %add3A_637 = arith.addf %get3A_631, %get3A_636 : vector<16xf32>
      %swap3A = arith.constant 3 : i32
      %swap3A_638 = arith.index_cast %swap3A : i32 to index
      %swap3A_639 = arith.index_cast %mul3A_627 : i32 to index
      %swap3A_640 = tpu.vector_load %arg10[%swap3A_638, %swap3A_639] {strides = array<i32>} : memref<8x2048xf32, #tpu.memory_space<vmem>>, vector<1x16xf32>,
      %swap3A_641 = vector.shape_cast %swap3A_640 : vector<1x16xf32> to vector<16xf32>
      %swap3A_642 = vector.shape_cast %add3A_637 : vector<16xf32> to vector<1x16xf32>
      tpu.vector_store %arg10[%swap3A_638, %swap3A_639], %swap3A_642 {strides = array<i32>} : memref<8x2048xf32, #tpu.memory_space<vmem>>, vector<1x16xf32>,
      %scan3A_643 = arith.constant 0 : i32
      scf.yield %scan3A_643 : i32
    }
    %scan3A_447 = arith.constant 128 : i32
    %scan3A_448 = arith.constant 0 : i32
    %scan3A_449 = arith.constant 0 : i32
    %scan3A_450 = arith.constant 128 : i32
    %scan3A_451 = arith.addi %scan3A_449, %scan3A_450 : i32
    %scan3A_452 = arith.constant 1 : i32
    %scan3A_453 = scf.for %scan3A_624 = %scan3A_449 to %scan3A_451 step %scan3A_452 iter_args(%scan3A_625 = %scan3A_448) -> (i32)  : i32 {
      %mul3A_626 = arith.constant 16 : i32
      %mul3A_627 = arith.muli %scan3A_624, %mul3A_626 : i32
      %get3A = arith.constant 4 : i32
      %get3A_628 = arith.index_cast %get3A : i32 to index
      %get3A_629 = arith.index_cast %mul3A_627 : i32 to index
      %get3A_630 = tpu.vector_load %arg10[%get3A_628, %get3A_629] {strides = array<i32>} : memref<8x2048xf32, #tpu.memory_space<vmem>>, vector<1x16xf32>,
      %get3A_631 = vector.shape_cast %get3A_630 : vector<1x16xf32> to vector<16xf32>
      %get3A_632 = arith.constant 4 : i32
      %get3A_633 = arith.index_cast %get3A_632 : i32 to index
      %get3A_634 = arith.index_cast %mul3A_627 : i32 to index
      %get3A_635 = tpu.vector_load %arg11[%get3A_633, %get3A_634] {strides = array<i32>} : memref<8x2048xf32, #tpu.memory_space<vmem>>, vector<1x16xf32>,
      %get3A_636 = vector.shape_cast %get3A_635 : vector<1x16xf32> to vector<16xf32>
      %add3A_637 = arith.addf %get3A_631, %get3A_636 : vector<16xf32>
      %swap3A = arith.constant 4 : i32
      %swap3A_638 = arith.index_cast %swap3A : i32 to index
      %swap3A_639 = arith.index_cast %mul3A_627 : i32 to index
      %swap3A_640 = tpu.vector_load %arg10[%swap3A_638, %swap3A_639] {strides = array<i32>} : memref<8x2048xf32, #tpu.memory_space<vmem>>, vector<1x16xf32>,
      %swap3A_641 = vector.shape_cast %swap3A_640 : vector<1x16xf32> to vector<16xf32>
      %swap3A_642 = vector.shape_cast %add3A_637 : vector<16xf32> to vector<1x16xf32>
      tpu.vector_store %arg10[%swap3A_638, %swap3A_639], %swap3A_642 {strides = array<i32>} : memref<8x2048xf32, #tpu.memory_space<vmem>>, vector<1x16xf32>,
      %scan3A_643 = arith.constant 0 : i32
      scf.yield %scan3A_643 : i32
    }
    %scan3A_454 = arith.constant 128 : i32
    %scan3A_455 = arith.constant 0 : i32
    %scan3A_456 = arith.constant 0 : i32
    %scan3A_457 = arith.constant 128 : i32
    %scan3A_458 = arith.addi %scan3A_456, %scan3A_457 : i32
    %scan3A_459 = arith.constant 1 : i32
    %scan3A_460 = scf.for %scan3A_624 = %scan3A_456 to %scan3A_458 step %scan3A_459 iter_args(%scan3A_625 = %scan3A_455) -> (i32)  : i32 {
      %mul3A_626 = arith.constant 16 : i32
      %mul3A_627 = arith.muli %scan3A_624, %mul3A_626 : i32
      %get3A = arith.constant 5 : i32
      %get3A_628 = arith.index_cast %get3A : i32 to index
      %get3A_629 = arith.index_cast %mul3A_627 : i32 to index
      %get3A_630 = tpu.vector_load %arg10[%get3A_628, %get3A_629] {strides = array<i32>} : memref<8x2048xf32, #tpu.memory_space<vmem>>, vector<1x16xf32>,
      %get3A_631 = vector.shape_cast %get3A_630 : vector<1x16xf32> to vector<16xf32>
      %get3A_632 = arith.constant 5 : i32
      %get3A_633 = arith.index_cast %get3A_632 : i32 to index
      %get3A_634 = arith.index_cast %mul3A_627 : i32 to index
      %get3A_635 = tpu.vector_load %arg11[%get3A_633, %get3A_634] {strides = array<i32>} : memref<8x2048xf32, #tpu.memory_space<vmem>>, vector<1x16xf32>,
      %get3A_636 = vector.shape_cast %get3A_635 : vector<1x16xf32> to vector<16xf32>
      %add3A_637 = arith.addf %get3A_631, %get3A_636 : vector<16xf32>
      %swap3A = arith.constant 5 : i32
      %swap3A_638 = arith.index_cast %swap3A : i32 to index
      %swap3A_639 = arith.index_cast %mul3A_627 : i32 to index
      %swap3A_640 = tpu.vector_load %arg10[%swap3A_638, %swap3A_639] {strides = array<i32>} : memref<8x2048xf32, #tpu.memory_space<vmem>>, vector<1x16xf32>,
      %swap3A_641 = vector.shape_cast %swap3A_640 : vector<1x16xf32> to vector<16xf32>
      %swap3A_642 = vector.shape_cast %add3A_637 : vector<16xf32> to vector<1x16xf32>
      tpu.vector_store %arg10[%swap3A_638, %swap3A_639], %swap3A_642 {strides = array<i32>} : memref<8x2048xf32, #tpu.memory_space<vmem>>, vector<1x16xf32>,
      %scan3A_643 = arith.constant 0 : i32
      scf.yield %scan3A_643 : i32
    }
    %scan3A_461 = arith.constant 128 : i32
    %scan3A_462 = arith.constant 0 : i32
    %scan3A_463 = arith.constant 0 : i32
    %scan3A_464 = arith.constant 128 : i32
    %scan3A_465 = arith.addi %scan3A_463, %scan3A_464 : i32
    %scan3A_466 = arith.constant 1 : i32
    %scan3A_467 = scf.for %scan3A_624 = %scan3A_463 to %scan3A_465 step %scan3A_466 iter_args(%scan3A_625 = %scan3A_462) -> (i32)  : i32 {
      %mul3A_626 = arith.constant 16 : i32
      %mul3A_627 = arith.muli %scan3A_624, %mul3A_626 : i32
      %get3A = arith.constant 6 : i32
      %get3A_628 = arith.index_cast %get3A : i32 to index
      %get3A_629 = arith.index_cast %mul3A_627 : i32 to index
      %get3A_630 = tpu.vector_load %arg10[%get3A_628, %get3A_629] {strides = array<i32>} : memref<8x2048xf32, #tpu.memory_space<vmem>>, vector<1x16xf32>,
      %get3A_631 = vector.shape_cast %get3A_630 : vector<1x16xf32> to vector<16xf32>
      %get3A_632 = arith.constant 6 : i32
      %get3A_633 = arith.index_cast %get3A_632 : i32 to index
      %get3A_634 = arith.index_cast %mul3A_627 : i32 to index
      %get3A_635 = tpu.vector_load %arg11[%get3A_633, %get3A_634] {strides = array<i32>} : memref<8x2048xf32, #tpu.memory_space<vmem>>, vector<1x16xf32>,
      %get3A_636 = vector.shape_cast %get3A_635 : vector<1x16xf32> to vector<16xf32>
      %add3A_637 = arith.addf %get3A_631, %get3A_636 : vector<16xf32>
      %swap3A = arith.constant 6 : i32
      %swap3A_638 = arith.index_cast %swap3A : i32 to index
      %swap3A_639 = arith.index_cast %mul3A_627 : i32 to index
      %swap3A_640 = tpu.vector_load %arg10[%swap3A_638, %swap3A_639] {strides = array<i32>} : memref<8x2048xf32, #tpu.memory_space<vmem>>, vector<1x16xf32>,
      %swap3A_641 = vector.shape_cast %swap3A_640 : vector<1x16xf32> to vector<16xf32>
      %swap3A_642 = vector.shape_cast %add3A_637 : vector<16xf32> to vector<1x16xf32>
      tpu.vector_store %arg10[%swap3A_638, %swap3A_639], %swap3A_642 {strides = array<i32>} : memref<8x2048xf32, #tpu.memory_space<vmem>>, vector<1x16xf32>,
      %scan3A_643 = arith.constant 0 : i32
      scf.yield %scan3A_643 : i32
    }
    %scan3A_468 = arith.constant 128 : i32
    %scan3A_469 = arith.constant 0 : i32
    %scan3A_470 = arith.constant 0 : i32
    %scan3A_471 = arith.constant 128 : i32
    %scan3A_472 = arith.addi %scan3A_470, %scan3A_471 : i32
    %scan3A_473 = arith.constant 1 : i32
    %scan3A_474 = scf.for %scan3A_624 = %scan3A_470 to %scan3A_472 step %scan3A_473 iter_args(%scan3A_625 = %scan3A_469) -> (i32)  : i32 {
      %mul3A_626 = arith.constant 16 : i32
      %mul3A_627 = arith.muli %scan3A_624, %mul3A_626 : i32
      %get3A = arith.constant 7 : i32
      %get3A_628 = arith.index_cast %get3A : i32 to index
      %get3A_629 = arith.index_cast %mul3A_627 : i32 to index
      %get3A_630 = tpu.vector_load %arg10[%get3A_628, %get3A_629] {strides = array<i32>} : memref<8x2048xf32, #tpu.memory_space<vmem>>, vector<1x16xf32>,
      %get3A_631 = vector.shape_cast %get3A_630 : vector<1x16xf32> to vector<16xf32>
      %get3A_632 = arith.constant 7 : i32
      %get3A_633 = arith.index_cast %get3A_632 : i32 to index
      %get3A_634 = arith.index_cast %mul3A_627 : i32 to index
      %get3A_635 = tpu.vector_load %arg11[%get3A_633, %get3A_634] {strides = array<i32>} : memref<8x2048xf32, #tpu.memory_space<vmem>>, vector<1x16xf32>,
      %get3A_636 = vector.shape_cast %get3A_635 : vector<1x16xf32> to vector<16xf32>
      %add3A_637 = arith.addf %get3A_631, %get3A_636 : vector<16xf32>
      %swap3A = arith.constant 7 : i32
      %swap3A_638 = arith.index_cast %swap3A : i32 to index
      %swap3A_639 = arith.index_cast %mul3A_627 : i32 to index
      %swap3A_640 = tpu.vector_load %arg10[%swap3A_638, %swap3A_639] {strides = array<i32>} : memref<8x2048xf32, #tpu.memory_space<vmem>>, vector<1x16xf32>,
      %swap3A_641 = vector.shape_cast %swap3A_640 : vector<1x16xf32> to vector<16xf32>
      %swap3A_642 = vector.shape_cast %add3A_637 : vector<16xf32> to vector<1x16xf32>
      tpu.vector_store %arg10[%swap3A_638, %swap3A_639], %swap3A_642 {strides = array<i32>} : memref<8x2048xf32, #tpu.memory_space<vmem>>, vector<1x16xf32>,
      %scan3A_643 = arith.constant 0 : i32
      scf.yield %scan3A_643 : i32
    }
    %scan3A_475 = arith.constant 128 : i32
    %add3A_476 = arith.constant 40 : i32
    %add3A_477 = arith.addi %mul3A_2, %add3A_476 : i32
    "tpu.region"() ({
      %run_scoped3A = tpu.sem_alloc : memref<!tpu.dma_semaphore, #tpu.memory_space<semaphore_mem>>
      %dma_start3A_624 = arith.constant 0 : i32
      %dma_start3A_625 = tpu.memref_slice %arg5[%add3A_477, %dma_start3A_624] : memref<2048x2048xf32, #tpu.memory_space<hbm>> -> memref<8x2048xf32, #tpu.memory_space<hbm>>
      %dma_start3A_626 = arith.constant 0 : i32
      %dma_start3A_627 = tpu.memref_slice %arg5[%add3A_477, %dma_start3A_626] : memref<2048x2048xf32, #tpu.memory_space<hbm>> -> memref<8x2048xf32, #tpu.memory_space<hbm>>
      tpu.enqueue_dma source(%arg10 : memref<8x2048xf32, #tpu.memory_space<vmem>>) target(%dma_start3A_627 : memref<8x2048xf32, #tpu.memory_space<hbm>>) target_semaphore(%run_scoped3A : memref<!tpu.dma_semaphore, #tpu.memory_space<semaphore_mem>>)
      %dma_wait3A_628 = arith.constant 0 : i32
      %dma_wait3A_629 = tpu.memref_slice %arg5[%add3A_477, %dma_wait3A_628] : memref<2048x2048xf32, #tpu.memory_space<hbm>> -> memref<8x2048xf32, #tpu.memory_space<hbm>>
      %dma_wait3A_630 = arith.constant 0 : i32
      %dma_wait3A_631 = tpu.memref_slice %arg5[%add3A_477, %dma_wait3A_630] : memref<2048x2048xf32, #tpu.memory_space<hbm>> -> memref<8x2048xf32, #tpu.memory_space<hbm>>
      tpu.wait_dma2 semaphore(%run_scoped3A : memref<!tpu.dma_semaphore, #tpu.memory_space<semaphore_mem>>) src(%arg10 : memref<8x2048xf32, #tpu.memory_space<vmem>>) dst(%dma_wait3A_631 : memref<8x2048xf32, #tpu.memory_space<hbm>>)
      tpu.yield
    }) : () -> ()
    %dma_start3A_478 = arith.constant 56 : i32
    %dma_start3A_479 = tpu.memref_slice %arg6[%dma_start3A_478] : memref<64xi32, #tpu.memory_space<vmem>> -> memref<8xi32, #tpu.memory_space<vmem>>
    %dma_start3A_480 = arith.constant 0 : i32
    %dma_start3A_481 = arith.constant 0 : i32
    %dma_start3A_482 = tpu.memref_slice %arg2[%dma_start3A_480, %dma_start3A_481] : memref<6144x2048xf32, #tpu.memory_space<hbm>> -> memref<6144x2048xf32, #tpu.memory_space<hbm>>
    tpu.enqueue_indirect_dma source(%dma_start3A_482 : memref<6144x2048xf32, #tpu.memory_space<hbm>>) target(%arg10 : memref<8x2048xf32, #tpu.memory_space<vmem>>) offsets(%dma_start3A_479 : memref<8xi32, #tpu.memory_space<vmem>>) semaphore(%arg14 : memref<!tpu.dma_semaphore, #tpu.memory_space<semaphore_mem>>)
    %dma_start3A_483 = arith.constant 56 : i32
    %dma_start3A_484 = tpu.memref_slice %arg7[%dma_start3A_483] : memref<64xi32, #tpu.memory_space<vmem>> -> memref<8xi32, #tpu.memory_space<vmem>>
    %dma_start3A_485 = arith.constant 0 : i32
    %dma_start3A_486 = arith.constant 0 : i32
    %dma_start3A_487 = tpu.memref_slice %arg2[%dma_start3A_485, %dma_start3A_486] : memref<6144x2048xf32, #tpu.memory_space<hbm>> -> memref<6144x2048xf32, #tpu.memory_space<hbm>>
    tpu.enqueue_indirect_dma source(%dma_start3A_487 : memref<6144x2048xf32, #tpu.memory_space<hbm>>) target(%arg11 : memref<8x2048xf32, #tpu.memory_space<vmem>>) offsets(%dma_start3A_484 : memref<8xi32, #tpu.memory_space<vmem>>) semaphore(%arg15 : memref<!tpu.dma_semaphore, #tpu.memory_space<semaphore_mem>>)
    %dma_wait3A_488 = arith.constant 48 : i32
    %dma_wait3A_489 = tpu.memref_slice %arg6[%dma_wait3A_488] : memref<64xi32, #tpu.memory_space<vmem>> -> memref<8xi32, #tpu.memory_space<vmem>>
    %dma_wait3A_490 = arith.constant 0 : i32
    %dma_wait3A_491 = arith.constant 0 : i32
    %dma_wait3A_492 = tpu.memref_slice %arg2[%dma_wait3A_490, %dma_wait3A_491] : memref<6144x2048xf32, #tpu.memory_space<hbm>> -> memref<6144x2048xf32, #tpu.memory_space<hbm>>
    tpu.wait_indirect_dma semaphore(%arg12 : memref<!tpu.dma_semaphore, #tpu.memory_space<semaphore_mem>>) src(%dma_wait3A_492 : memref<6144x2048xf32, #tpu.memory_space<hbm>>) dst(%arg8 : memref<8x2048xf32, #tpu.memory_space<vmem>>)
    %dma_wait3A_493 = arith.constant 48 : i32
    %dma_wait3A_494 = tpu.memref_slice %arg7[%dma_wait3A_493] : memref<64xi32, #tpu.memory_space<vmem>> -> memref<8xi32, #tpu.memory_space<vmem>>
    %dma_wait3A_495 = arith.constant 0 : i32
    %dma_wait3A_496 = arith.constant 0 : i32
    %dma_wait3A_497 = tpu.memref_slice %arg2[%dma_wait3A_495, %dma_wait3A_496] : memref<6144x2048xf32, #tpu.memory_space<hbm>> -> memref<6144x2048xf32, #tpu.memory_space<hbm>>
    tpu.wait_indirect_dma semaphore(%arg13 : memref<!tpu.dma_semaphore, #tpu.memory_space<semaphore_mem>>) src(%dma_wait3A_497 : memref<6144x2048xf32, #tpu.memory_space<hbm>>) dst(%arg9 : memref<8x2048xf32, #tpu.memory_space<vmem>>)
    %scan3A_498 = arith.constant 0 : i32
    %scan3A_499 = arith.constant 0 : i32
    %scan3A_500 = arith.constant 128 : i32
    %scan3A_501 = arith.addi %scan3A_499, %scan3A_500 : i32
    %scan3A_502 = arith.constant 1 : i32
    %scan3A_503 = scf.for %scan3A_624 = %scan3A_499 to %scan3A_501 step %scan3A_502 iter_args(%scan3A_625 = %scan3A_498) -> (i32)  : i32 {
      %mul3A_626 = arith.constant 16 : i32
      %mul3A_627 = arith.muli %scan3A_624, %mul3A_626 : i32
      %get3A = arith.constant 0 : i32
      %get3A_628 = arith.index_cast %get3A : i32 to index
      %get3A_629 = arith.index_cast %mul3A_627 : i32 to index
      %get3A_630 = tpu.vector_load %arg8[%get3A_628, %get3A_629] {strides = array<i32>} : memref<8x2048xf32, #tpu.memory_space<vmem>>, vector<1x16xf32>,
      %get3A_631 = vector.shape_cast %get3A_630 : vector<1x16xf32> to vector<16xf32>
      %get3A_632 = arith.constant 0 : i32
      %get3A_633 = arith.index_cast %get3A_632 : i32 to index
      %get3A_634 = arith.index_cast %mul3A_627 : i32 to index
      %get3A_635 = tpu.vector_load %arg9[%get3A_633, %get3A_634] {strides = array<i32>} : memref<8x2048xf32, #tpu.memory_space<vmem>>, vector<1x16xf32>,
      %get3A_636 = vector.shape_cast %get3A_635 : vector<1x16xf32> to vector<16xf32>
      %add3A_637 = arith.addf %get3A_631, %get3A_636 : vector<16xf32>
      %swap3A = arith.constant 0 : i32
      %swap3A_638 = arith.index_cast %swap3A : i32 to index
      %swap3A_639 = arith.index_cast %mul3A_627 : i32 to index
      %swap3A_640 = tpu.vector_load %arg8[%swap3A_638, %swap3A_639] {strides = array<i32>} : memref<8x2048xf32, #tpu.memory_space<vmem>>, vector<1x16xf32>,
      %swap3A_641 = vector.shape_cast %swap3A_640 : vector<1x16xf32> to vector<16xf32>
      %swap3A_642 = vector.shape_cast %add3A_637 : vector<16xf32> to vector<1x16xf32>
      tpu.vector_store %arg8[%swap3A_638, %swap3A_639], %swap3A_642 {strides = array<i32>} : memref<8x2048xf32, #tpu.memory_space<vmem>>, vector<1x16xf32>,
      %scan3A_643 = arith.constant 0 : i32
      scf.yield %scan3A_643 : i32
    }
    %scan3A_504 = arith.constant 128 : i32
    %scan3A_505 = arith.constant 0 : i32
    %scan3A_506 = arith.constant 0 : i32
    %scan3A_507 = arith.constant 128 : i32
    %scan3A_508 = arith.addi %scan3A_506, %scan3A_507 : i32
    %scan3A_509 = arith.constant 1 : i32
    %scan3A_510 = scf.for %scan3A_624 = %scan3A_506 to %scan3A_508 step %scan3A_509 iter_args(%scan3A_625 = %scan3A_505) -> (i32)  : i32 {
      %mul3A_626 = arith.constant 16 : i32
      %mul3A_627 = arith.muli %scan3A_624, %mul3A_626 : i32
      %get3A = arith.constant 1 : i32
      %get3A_628 = arith.index_cast %get3A : i32 to index
      %get3A_629 = arith.index_cast %mul3A_627 : i32 to index
      %get3A_630 = tpu.vector_load %arg8[%get3A_628, %get3A_629] {strides = array<i32>} : memref<8x2048xf32, #tpu.memory_space<vmem>>, vector<1x16xf32>,
      %get3A_631 = vector.shape_cast %get3A_630 : vector<1x16xf32> to vector<16xf32>
      %get3A_632 = arith.constant 1 : i32
      %get3A_633 = arith.index_cast %get3A_632 : i32 to index
      %get3A_634 = arith.index_cast %mul3A_627 : i32 to index
      %get3A_635 = tpu.vector_load %arg9[%get3A_633, %get3A_634] {strides = array<i32>} : memref<8x2048xf32, #tpu.memory_space<vmem>>, vector<1x16xf32>,
      %get3A_636 = vector.shape_cast %get3A_635 : vector<1x16xf32> to vector<16xf32>
      %add3A_637 = arith.addf %get3A_631, %get3A_636 : vector<16xf32>
      %swap3A = arith.constant 1 : i32
      %swap3A_638 = arith.index_cast %swap3A : i32 to index
      %swap3A_639 = arith.index_cast %mul3A_627 : i32 to index
      %swap3A_640 = tpu.vector_load %arg8[%swap3A_638, %swap3A_639] {strides = array<i32>} : memref<8x2048xf32, #tpu.memory_space<vmem>>, vector<1x16xf32>,
      %swap3A_641 = vector.shape_cast %swap3A_640 : vector<1x16xf32> to vector<16xf32>
      %swap3A_642 = vector.shape_cast %add3A_637 : vector<16xf32> to vector<1x16xf32>
      tpu.vector_store %arg8[%swap3A_638, %swap3A_639], %swap3A_642 {strides = array<i32>} : memref<8x2048xf32, #tpu.memory_space<vmem>>, vector<1x16xf32>,
      %scan3A_643 = arith.constant 0 : i32
      scf.yield %scan3A_643 : i32
    }
    %scan3A_511 = arith.constant 128 : i32
    %scan3A_512 = arith.constant 0 : i32
    %scan3A_513 = arith.constant 0 : i32
    %scan3A_514 = arith.constant 128 : i32
    %scan3A_515 = arith.addi %scan3A_513, %scan3A_514 : i32
    %scan3A_516 = arith.constant 1 : i32
    %scan3A_517 = scf.for %scan3A_624 = %scan3A_513 to %scan3A_515 step %scan3A_516 iter_args(%scan3A_625 = %scan3A_512) -> (i32)  : i32 {
      %mul3A_626 = arith.constant 16 : i32
      %mul3A_627 = arith.muli %scan3A_624, %mul3A_626 : i32
      %get3A = arith.constant 2 : i32
      %get3A_628 = arith.index_cast %get3A : i32 to index
      %get3A_629 = arith.index_cast %mul3A_627 : i32 to index
      %get3A_630 = tpu.vector_load %arg8[%get3A_628, %get3A_629] {strides = array<i32>} : memref<8x2048xf32, #tpu.memory_space<vmem>>, vector<1x16xf32>,
      %get3A_631 = vector.shape_cast %get3A_630 : vector<1x16xf32> to vector<16xf32>
      %get3A_632 = arith.constant 2 : i32
      %get3A_633 = arith.index_cast %get3A_632 : i32 to index
      %get3A_634 = arith.index_cast %mul3A_627 : i32 to index
      %get3A_635 = tpu.vector_load %arg9[%get3A_633, %get3A_634] {strides = array<i32>} : memref<8x2048xf32, #tpu.memory_space<vmem>>, vector<1x16xf32>,
      %get3A_636 = vector.shape_cast %get3A_635 : vector<1x16xf32> to vector<16xf32>
      %add3A_637 = arith.addf %get3A_631, %get3A_636 : vector<16xf32>
      %swap3A = arith.constant 2 : i32
      %swap3A_638 = arith.index_cast %swap3A : i32 to index
      %swap3A_639 = arith.index_cast %mul3A_627 : i32 to index
      %swap3A_640 = tpu.vector_load %arg8[%swap3A_638, %swap3A_639] {strides = array<i32>} : memref<8x2048xf32, #tpu.memory_space<vmem>>, vector<1x16xf32>,
      %swap3A_641 = vector.shape_cast %swap3A_640 : vector<1x16xf32> to vector<16xf32>
      %swap3A_642 = vector.shape_cast %add3A_637 : vector<16xf32> to vector<1x16xf32>
      tpu.vector_store %arg8[%swap3A_638, %swap3A_639], %swap3A_642 {strides = array<i32>} : memref<8x2048xf32, #tpu.memory_space<vmem>>, vector<1x16xf32>,
      %scan3A_643 = arith.constant 0 : i32
      scf.yield %scan3A_643 : i32
    }
    %scan3A_518 = arith.constant 128 : i32
    %scan3A_519 = arith.constant 0 : i32
    %scan3A_520 = arith.constant 0 : i32
    %scan3A_521 = arith.constant 128 : i32
    %scan3A_522 = arith.addi %scan3A_520, %scan3A_521 : i32
    %scan3A_523 = arith.constant 1 : i32
    %scan3A_524 = scf.for %scan3A_624 = %scan3A_520 to %scan3A_522 step %scan3A_523 iter_args(%scan3A_625 = %scan3A_519) -> (i32)  : i32 {
      %mul3A_626 = arith.constant 16 : i32
      %mul3A_627 = arith.muli %scan3A_624, %mul3A_626 : i32
      %get3A = arith.constant 3 : i32
      %get3A_628 = arith.index_cast %get3A : i32 to index
      %get3A_629 = arith.index_cast %mul3A_627 : i32 to index
      %get3A_630 = tpu.vector_load %arg8[%get3A_628, %get3A_629] {strides = array<i32>} : memref<8x2048xf32, #tpu.memory_space<vmem>>, vector<1x16xf32>,
      %get3A_631 = vector.shape_cast %get3A_630 : vector<1x16xf32> to vector<16xf32>
      %get3A_632 = arith.constant 3 : i32
      %get3A_633 = arith.index_cast %get3A_632 : i32 to index
      %get3A_634 = arith.index_cast %mul3A_627 : i32 to index
      %get3A_635 = tpu.vector_load %arg9[%get3A_633, %get3A_634] {strides = array<i32>} : memref<8x2048xf32, #tpu.memory_space<vmem>>, vector<1x16xf32>,
      %get3A_636 = vector.shape_cast %get3A_635 : vector<1x16xf32> to vector<16xf32>
      %add3A_637 = arith.addf %get3A_631, %get3A_636 : vector<16xf32>
      %swap3A = arith.constant 3 : i32
      %swap3A_638 = arith.index_cast %swap3A : i32 to index
      %swap3A_639 = arith.index_cast %mul3A_627 : i32 to index
      %swap3A_640 = tpu.vector_load %arg8[%swap3A_638, %swap3A_639] {strides = array<i32>} : memref<8x2048xf32, #tpu.memory_space<vmem>>, vector<1x16xf32>,
      %swap3A_641 = vector.shape_cast %swap3A_640 : vector<1x16xf32> to vector<16xf32>
      %swap3A_642 = vector.shape_cast %add3A_637 : vector<16xf32> to vector<1x16xf32>
      tpu.vector_store %arg8[%swap3A_638, %swap3A_639], %swap3A_642 {strides = array<i32>} : memref<8x2048xf32, #tpu.memory_space<vmem>>, vector<1x16xf32>,
      %scan3A_643 = arith.constant 0 : i32
      scf.yield %scan3A_643 : i32
    }
    %scan3A_525 = arith.constant 128 : i32
    %scan3A_526 = arith.constant 0 : i32
    %scan3A_527 = arith.constant 0 : i32
    %scan3A_528 = arith.constant 128 : i32
    %scan3A_529 = arith.addi %scan3A_527, %scan3A_528 : i32
    %scan3A_530 = arith.constant 1 : i32
    %scan3A_531 = scf.for %scan3A_624 = %scan3A_527 to %scan3A_529 step %scan3A_530 iter_args(%scan3A_625 = %scan3A_526) -> (i32)  : i32 {
      %mul3A_626 = arith.constant 16 : i32
      %mul3A_627 = arith.muli %scan3A_624, %mul3A_626 : i32
      %get3A = arith.constant 4 : i32
      %get3A_628 = arith.index_cast %get3A : i32 to index
      %get3A_629 = arith.index_cast %mul3A_627 : i32 to index
      %get3A_630 = tpu.vector_load %arg8[%get3A_628, %get3A_629] {strides = array<i32>} : memref<8x2048xf32, #tpu.memory_space<vmem>>, vector<1x16xf32>,
      %get3A_631 = vector.shape_cast %get3A_630 : vector<1x16xf32> to vector<16xf32>
      %get3A_632 = arith.constant 4 : i32
      %get3A_633 = arith.index_cast %get3A_632 : i32 to index
      %get3A_634 = arith.index_cast %mul3A_627 : i32 to index
      %get3A_635 = tpu.vector_load %arg9[%get3A_633, %get3A_634] {strides = array<i32>} : memref<8x2048xf32, #tpu.memory_space<vmem>>, vector<1x16xf32>,
      %get3A_636 = vector.shape_cast %get3A_635 : vector<1x16xf32> to vector<16xf32>
      %add3A_637 = arith.addf %get3A_631, %get3A_636 : vector<16xf32>
      %swap3A = arith.constant 4 : i32
      %swap3A_638 = arith.index_cast %swap3A : i32 to index
      %swap3A_639 = arith.index_cast %mul3A_627 : i32 to index
      %swap3A_640 = tpu.vector_load %arg8[%swap3A_638, %swap3A_639] {strides = array<i32>} : memref<8x2048xf32, #tpu.memory_space<vmem>>, vector<1x16xf32>,
      %swap3A_641 = vector.shape_cast %swap3A_640 : vector<1x16xf32> to vector<16xf32>
      %swap3A_642 = vector.shape_cast %add3A_637 : vector<16xf32> to vector<1x16xf32>
      tpu.vector_store %arg8[%swap3A_638, %swap3A_639], %swap3A_642 {strides = array<i32>} : memref<8x2048xf32, #tpu.memory_space<vmem>>, vector<1x16xf32>,
      %scan3A_643 = arith.constant 0 : i32
      scf.yield %scan3A_643 : i32
    }
    %scan3A_532 = arith.constant 128 : i32
    %scan3A_533 = arith.constant 0 : i32
    %scan3A_534 = arith.constant 0 : i32
    %scan3A_535 = arith.constant 128 : i32
    %scan3A_536 = arith.addi %scan3A_534, %scan3A_535 : i32
    %scan3A_537 = arith.constant 1 : i32
    %scan3A_538 = scf.for %scan3A_624 = %scan3A_534 to %scan3A_536 step %scan3A_537 iter_args(%scan3A_625 = %scan3A_533) -> (i32)  : i32 {
      %mul3A_626 = arith.constant 16 : i32
      %mul3A_627 = arith.muli %scan3A_624, %mul3A_626 : i32
      %get3A = arith.constant 5 : i32
      %get3A_628 = arith.index_cast %get3A : i32 to index
      %get3A_629 = arith.index_cast %mul3A_627 : i32 to index
      %get3A_630 = tpu.vector_load %arg8[%get3A_628, %get3A_629] {strides = array<i32>} : memref<8x2048xf32, #tpu.memory_space<vmem>>, vector<1x16xf32>,
      %get3A_631 = vector.shape_cast %get3A_630 : vector<1x16xf32> to vector<16xf32>
      %get3A_632 = arith.constant 5 : i32
      %get3A_633 = arith.index_cast %get3A_632 : i32 to index
      %get3A_634 = arith.index_cast %mul3A_627 : i32 to index
      %get3A_635 = tpu.vector_load %arg9[%get3A_633, %get3A_634] {strides = array<i32>} : memref<8x2048xf32, #tpu.memory_space<vmem>>, vector<1x16xf32>,
      %get3A_636 = vector.shape_cast %get3A_635 : vector<1x16xf32> to vector<16xf32>
      %add3A_637 = arith.addf %get3A_631, %get3A_636 : vector<16xf32>
      %swap3A = arith.constant 5 : i32
      %swap3A_638 = arith.index_cast %swap3A : i32 to index
      %swap3A_639 = arith.index_cast %mul3A_627 : i32 to index
      %swap3A_640 = tpu.vector_load %arg8[%swap3A_638, %swap3A_639] {strides = array<i32>} : memref<8x2048xf32, #tpu.memory_space<vmem>>, vector<1x16xf32>,
      %swap3A_641 = vector.shape_cast %swap3A_640 : vector<1x16xf32> to vector<16xf32>
      %swap3A_642 = vector.shape_cast %add3A_637 : vector<16xf32> to vector<1x16xf32>
      tpu.vector_store %arg8[%swap3A_638, %swap3A_639], %swap3A_642 {strides = array<i32>} : memref<8x2048xf32, #tpu.memory_space<vmem>>, vector<1x16xf32>,
      %scan3A_643 = arith.constant 0 : i32
      scf.yield %scan3A_643 : i32
    }
    %scan3A_539 = arith.constant 128 : i32
    %scan3A_540 = arith.constant 0 : i32
    %scan3A_541 = arith.constant 0 : i32
    %scan3A_542 = arith.constant 128 : i32
    %scan3A_543 = arith.addi %scan3A_541, %scan3A_542 : i32
    %scan3A_544 = arith.constant 1 : i32
    %scan3A_545 = scf.for %scan3A_624 = %scan3A_541 to %scan3A_543 step %scan3A_544 iter_args(%scan3A_625 = %scan3A_540) -> (i32)  : i32 {
      %mul3A_626 = arith.constant 16 : i32
      %mul3A_627 = arith.muli %scan3A_624, %mul3A_626 : i32
      %get3A = arith.constant 6 : i32
      %get3A_628 = arith.index_cast %get3A : i32 to index
      %get3A_629 = arith.index_cast %mul3A_627 : i32 to index
      %get3A_630 = tpu.vector_load %arg8[%get3A_628, %get3A_629] {strides = array<i32>} : memref<8x2048xf32, #tpu.memory_space<vmem>>, vector<1x16xf32>,
      %get3A_631 = vector.shape_cast %get3A_630 : vector<1x16xf32> to vector<16xf32>
      %get3A_632 = arith.constant 6 : i32
      %get3A_633 = arith.index_cast %get3A_632 : i32 to index
      %get3A_634 = arith.index_cast %mul3A_627 : i32 to index
      %get3A_635 = tpu.vector_load %arg9[%get3A_633, %get3A_634] {strides = array<i32>} : memref<8x2048xf32, #tpu.memory_space<vmem>>, vector<1x16xf32>,
      %get3A_636 = vector.shape_cast %get3A_635 : vector<1x16xf32> to vector<16xf32>
      %add3A_637 = arith.addf %get3A_631, %get3A_636 : vector<16xf32>
      %swap3A = arith.constant 6 : i32
      %swap3A_638 = arith.index_cast %swap3A : i32 to index
      %swap3A_639 = arith.index_cast %mul3A_627 : i32 to index
      %swap3A_640 = tpu.vector_load %arg8[%swap3A_638, %swap3A_639] {strides = array<i32>} : memref<8x2048xf32, #tpu.memory_space<vmem>>, vector<1x16xf32>,
      %swap3A_641 = vector.shape_cast %swap3A_640 : vector<1x16xf32> to vector<16xf32>
      %swap3A_642 = vector.shape_cast %add3A_637 : vector<16xf32> to vector<1x16xf32>
      tpu.vector_store %arg8[%swap3A_638, %swap3A_639], %swap3A_642 {strides = array<i32>} : memref<8x2048xf32, #tpu.memory_space<vmem>>, vector<1x16xf32>,
      %scan3A_643 = arith.constant 0 : i32
      scf.yield %scan3A_643 : i32
    }
    %scan3A_546 = arith.constant 128 : i32
    %scan3A_547 = arith.constant 0 : i32
    %scan3A_548 = arith.constant 0 : i32
    %scan3A_549 = arith.constant 128 : i32
    %scan3A_550 = arith.addi %scan3A_548, %scan3A_549 : i32
    %scan3A_551 = arith.constant 1 : i32
    %scan3A_552 = scf.for %scan3A_624 = %scan3A_548 to %scan3A_550 step %scan3A_551 iter_args(%scan3A_625 = %scan3A_547) -> (i32)  : i32 {
      %mul3A_626 = arith.constant 16 : i32
      %mul3A_627 = arith.muli %scan3A_624, %mul3A_626 : i32
      %get3A = arith.constant 7 : i32
      %get3A_628 = arith.index_cast %get3A : i32 to index
      %get3A_629 = arith.index_cast %mul3A_627 : i32 to index
      %get3A_630 = tpu.vector_load %arg8[%get3A_628, %get3A_629] {strides = array<i32>} : memref<8x2048xf32, #tpu.memory_space<vmem>>, vector<1x16xf32>,
      %get3A_631 = vector.shape_cast %get3A_630 : vector<1x16xf32> to vector<16xf32>
      %get3A_632 = arith.constant 7 : i32
      %get3A_633 = arith.index_cast %get3A_632 : i32 to index
      %get3A_634 = arith.index_cast %mul3A_627 : i32 to index
      %get3A_635 = tpu.vector_load %arg9[%get3A_633, %get3A_634] {strides = array<i32>} : memref<8x2048xf32, #tpu.memory_space<vmem>>, vector<1x16xf32>,
      %get3A_636 = vector.shape_cast %get3A_635 : vector<1x16xf32> to vector<16xf32>
      %add3A_637 = arith.addf %get3A_631, %get3A_636 : vector<16xf32>
      %swap3A = arith.constant 7 : i32
      %swap3A_638 = arith.index_cast %swap3A : i32 to index
      %swap3A_639 = arith.index_cast %mul3A_627 : i32 to index
      %swap3A_640 = tpu.vector_load %arg8[%swap3A_638, %swap3A_639] {strides = array<i32>} : memref<8x2048xf32, #tpu.memory_space<vmem>>, vector<1x16xf32>,
      %swap3A_641 = vector.shape_cast %swap3A_640 : vector<1x16xf32> to vector<16xf32>
      %swap3A_642 = vector.shape_cast %add3A_637 : vector<16xf32> to vector<1x16xf32>
      tpu.vector_store %arg8[%swap3A_638, %swap3A_639], %swap3A_642 {strides = array<i32>} : memref<8x2048xf32, #tpu.memory_space<vmem>>, vector<1x16xf32>,
      %scan3A_643 = arith.constant 0 : i32
      scf.yield %scan3A_643 : i32
    }
    %scan3A_553 = arith.constant 128 : i32
    %add3A_554 = arith.constant 48 : i32
    %add3A_555 = arith.addi %mul3A_2, %add3A_554 : i32
    "tpu.region"() ({
      %run_scoped3A = tpu.sem_alloc : memref<!tpu.dma_semaphore, #tpu.memory_space<semaphore_mem>>
      %dma_start3A_624 = arith.constant 0 : i32
      %dma_start3A_625 = tpu.memref_slice %arg5[%add3A_555, %dma_start3A_624] : memref<2048x2048xf32, #tpu.memory_space<hbm>> -> memref<8x2048xf32, #tpu.memory_space<hbm>>
      %dma_start3A_626 = arith.constant 0 : i32
      %dma_start3A_627 = tpu.memref_slice %arg5[%add3A_555, %dma_start3A_626] : memref<2048x2048xf32, #tpu.memory_space<hbm>> -> memref<8x2048xf32, #tpu.memory_space<hbm>>
      tpu.enqueue_dma source(%arg8 : memref<8x2048xf32, #tpu.memory_space<vmem>>) target(%dma_start3A_627 : memref<8x2048xf32, #tpu.memory_space<hbm>>) target_semaphore(%run_scoped3A : memref<!tpu.dma_semaphore, #tpu.memory_space<semaphore_mem>>)
      %dma_wait3A_628 = arith.constant 0 : i32
      %dma_wait3A_629 = tpu.memref_slice %arg5[%add3A_555, %dma_wait3A_628] : memref<2048x2048xf32, #tpu.memory_space<hbm>> -> memref<8x2048xf32, #tpu.memory_space<hbm>>
      %dma_wait3A_630 = arith.constant 0 : i32
      %dma_wait3A_631 = tpu.memref_slice %arg5[%add3A_555, %dma_wait3A_630] : memref<2048x2048xf32, #tpu.memory_space<hbm>> -> memref<8x2048xf32, #tpu.memory_space<hbm>>
      tpu.wait_dma2 semaphore(%run_scoped3A : memref<!tpu.dma_semaphore, #tpu.memory_space<semaphore_mem>>) src(%arg8 : memref<8x2048xf32, #tpu.memory_space<vmem>>) dst(%dma_wait3A_631 : memref<8x2048xf32, #tpu.memory_space<hbm>>)
      tpu.yield
    }) : () -> ()
    %dma_wait3A_556 = arith.constant 56 : i32
    %dma_wait3A_557 = tpu.memref_slice %arg6[%dma_wait3A_556] : memref<64xi32, #tpu.memory_space<vmem>> -> memref<8xi32, #tpu.memory_space<vmem>>
    %dma_wait3A_558 = arith.constant 0 : i32
    %dma_wait3A_559 = arith.constant 0 : i32
    %dma_wait3A_560 = tpu.memref_slice %arg2[%dma_wait3A_558, %dma_wait3A_559] : memref<6144x2048xf32, #tpu.memory_space<hbm>> -> memref<6144x2048xf32, #tpu.memory_space<hbm>>
    tpu.wait_indirect_dma semaphore(%arg14 : memref<!tpu.dma_semaphore, #tpu.memory_space<semaphore_mem>>) src(%dma_wait3A_560 : memref<6144x2048xf32, #tpu.memory_space<hbm>>) dst(%arg10 : memref<8x2048xf32, #tpu.memory_space<vmem>>)
    %dma_wait3A_561 = arith.constant 56 : i32
    %dma_wait3A_562 = tpu.memref_slice %arg7[%dma_wait3A_561] : memref<64xi32, #tpu.memory_space<vmem>> -> memref<8xi32, #tpu.memory_space<vmem>>
    %dma_wait3A_563 = arith.constant 0 : i32
    %dma_wait3A_564 = arith.constant 0 : i32
    %dma_wait3A_565 = tpu.memref_slice %arg2[%dma_wait3A_563, %dma_wait3A_564] : memref<6144x2048xf32, #tpu.memory_space<hbm>> -> memref<6144x2048xf32, #tpu.memory_space<hbm>>
    tpu.wait_indirect_dma semaphore(%arg15 : memref<!tpu.dma_semaphore, #tpu.memory_space<semaphore_mem>>) src(%dma_wait3A_565 : memref<6144x2048xf32, #tpu.memory_space<hbm>>) dst(%arg11 : memref<8x2048xf32, #tpu.memory_space<vmem>>)
    %scan3A_566 = arith.constant 0 : i32
    %scan3A_567 = arith.constant 0 : i32
    %scan3A_568 = arith.constant 128 : i32
    %scan3A_569 = arith.addi %scan3A_567, %scan3A_568 : i32
    %scan3A_570 = arith.constant 1 : i32
    %scan3A_571 = scf.for %scan3A_624 = %scan3A_567 to %scan3A_569 step %scan3A_570 iter_args(%scan3A_625 = %scan3A_566) -> (i32)  : i32 {
      %mul3A_626 = arith.constant 16 : i32
      %mul3A_627 = arith.muli %scan3A_624, %mul3A_626 : i32
      %get3A = arith.constant 0 : i32
      %get3A_628 = arith.index_cast %get3A : i32 to index
      %get3A_629 = arith.index_cast %mul3A_627 : i32 to index
      %get3A_630 = tpu.vector_load %arg10[%get3A_628, %get3A_629] {strides = array<i32>} : memref<8x2048xf32, #tpu.memory_space<vmem>>, vector<1x16xf32>,
      %get3A_631 = vector.shape_cast %get3A_630 : vector<1x16xf32> to vector<16xf32>
      %get3A_632 = arith.constant 0 : i32
      %get3A_633 = arith.index_cast %get3A_632 : i32 to index
      %get3A_634 = arith.index_cast %mul3A_627 : i32 to index
      %get3A_635 = tpu.vector_load %arg11[%get3A_633, %get3A_634] {strides = array<i32>} : memref<8x2048xf32, #tpu.memory_space<vmem>>, vector<1x16xf32>,
      %get3A_636 = vector.shape_cast %get3A_635 : vector<1x16xf32> to vector<16xf32>
      %add3A_637 = arith.addf %get3A_631, %get3A_636 : vector<16xf32>
      %swap3A = arith.constant 0 : i32
      %swap3A_638 = arith.index_cast %swap3A : i32 to index
      %swap3A_639 = arith.index_cast %mul3A_627 : i32 to index
      %swap3A_640 = tpu.vector_load %arg10[%swap3A_638, %swap3A_639] {strides = array<i32>} : memref<8x2048xf32, #tpu.memory_space<vmem>>, vector<1x16xf32>,
      %swap3A_641 = vector.shape_cast %swap3A_640 : vector<1x16xf32> to vector<16xf32>
      %swap3A_642 = vector.shape_cast %add3A_637 : vector<16xf32> to vector<1x16xf32>
      tpu.vector_store %arg10[%swap3A_638, %swap3A_639], %swap3A_642 {strides = array<i32>} : memref<8x2048xf32, #tpu.memory_space<vmem>>, vector<1x16xf32>,
      %scan3A_643 = arith.constant 0 : i32
      scf.yield %scan3A_643 : i32
    }
    %scan3A_572 = arith.constant 128 : i32
    %scan3A_573 = arith.constant 0 : i32
    %scan3A_574 = arith.constant 0 : i32
    %scan3A_575 = arith.constant 128 : i32
    %scan3A_576 = arith.addi %scan3A_574, %scan3A_575 : i32
    %scan3A_577 = arith.constant 1 : i32
    %scan3A_578 = scf.for %scan3A_624 = %scan3A_574 to %scan3A_576 step %scan3A_577 iter_args(%scan3A_625 = %scan3A_573) -> (i32)  : i32 {
      %mul3A_626 = arith.constant 16 : i32
      %mul3A_627 = arith.muli %scan3A_624, %mul3A_626 : i32
      %get3A = arith.constant 1 : i32
      %get3A_628 = arith.index_cast %get3A : i32 to index
      %get3A_629 = arith.index_cast %mul3A_627 : i32 to index
      %get3A_630 = tpu.vector_load %arg10[%get3A_628, %get3A_629] {strides = array<i32>} : memref<8x2048xf32, #tpu.memory_space<vmem>>, vector<1x16xf32>,
      %get3A_631 = vector.shape_cast %get3A_630 : vector<1x16xf32> to vector<16xf32>
      %get3A_632 = arith.constant 1 : i32
      %get3A_633 = arith.index_cast %get3A_632 : i32 to index
      %get3A_634 = arith.index_cast %mul3A_627 : i32 to index
      %get3A_635 = tpu.vector_load %arg11[%get3A_633, %get3A_634] {strides = array<i32>} : memref<8x2048xf32, #tpu.memory_space<vmem>>, vector<1x16xf32>,
      %get3A_636 = vector.shape_cast %get3A_635 : vector<1x16xf32> to vector<16xf32>
      %add3A_637 = arith.addf %get3A_631, %get3A_636 : vector<16xf32>
      %swap3A = arith.constant 1 : i32
      %swap3A_638 = arith.index_cast %swap3A : i32 to index
      %swap3A_639 = arith.index_cast %mul3A_627 : i32 to index
      %swap3A_640 = tpu.vector_load %arg10[%swap3A_638, %swap3A_639] {strides = array<i32>} : memref<8x2048xf32, #tpu.memory_space<vmem>>, vector<1x16xf32>,
      %swap3A_641 = vector.shape_cast %swap3A_640 : vector<1x16xf32> to vector<16xf32>
      %swap3A_642 = vector.shape_cast %add3A_637 : vector<16xf32> to vector<1x16xf32>
      tpu.vector_store %arg10[%swap3A_638, %swap3A_639], %swap3A_642 {strides = array<i32>} : memref<8x2048xf32, #tpu.memory_space<vmem>>, vector<1x16xf32>,
      %scan3A_643 = arith.constant 0 : i32
      scf.yield %scan3A_643 : i32
    }
    %scan3A_579 = arith.constant 128 : i32
    %scan3A_580 = arith.constant 0 : i32
    %scan3A_581 = arith.constant 0 : i32
    %scan3A_582 = arith.constant 128 : i32
    %scan3A_583 = arith.addi %scan3A_581, %scan3A_582 : i32
    %scan3A_584 = arith.constant 1 : i32
    %scan3A_585 = scf.for %scan3A_624 = %scan3A_581 to %scan3A_583 step %scan3A_584 iter_args(%scan3A_625 = %scan3A_580) -> (i32)  : i32 {
      %mul3A_626 = arith.constant 16 : i32
      %mul3A_627 = arith.muli %scan3A_624, %mul3A_626 : i32
      %get3A = arith.constant 2 : i32
      %get3A_628 = arith.index_cast %get3A : i32 to index
      %get3A_629 = arith.index_cast %mul3A_627 : i32 to index
      %get3A_630 = tpu.vector_load %arg10[%get3A_628, %get3A_629] {strides = array<i32>} : memref<8x2048xf32, #tpu.memory_space<vmem>>, vector<1x16xf32>,
      %get3A_631 = vector.shape_cast %get3A_630 : vector<1x16xf32> to vector<16xf32>
      %get3A_632 = arith.constant 2 : i32
      %get3A_633 = arith.index_cast %get3A_632 : i32 to index
      %get3A_634 = arith.index_cast %mul3A_627 : i32 to index
      %get3A_635 = tpu.vector_load %arg11[%get3A_633, %get3A_634] {strides = array<i32>} : memref<8x2048xf32, #tpu.memory_space<vmem>>, vector<1x16xf32>,
      %get3A_636 = vector.shape_cast %get3A_635 : vector<1x16xf32> to vector<16xf32>
      %add3A_637 = arith.addf %get3A_631, %get3A_636 : vector<16xf32>
      %swap3A = arith.constant 2 : i32
      %swap3A_638 = arith.index_cast %swap3A : i32 to index
      %swap3A_639 = arith.index_cast %mul3A_627 : i32 to index
      %swap3A_640 = tpu.vector_load %arg10[%swap3A_638, %swap3A_639] {strides = array<i32>} : memref<8x2048xf32, #tpu.memory_space<vmem>>, vector<1x16xf32>,
      %swap3A_641 = vector.shape_cast %swap3A_640 : vector<1x16xf32> to vector<16xf32>
      %swap3A_642 = vector.shape_cast %add3A_637 : vector<16xf32> to vector<1x16xf32>
      tpu.vector_store %arg10[%swap3A_638, %swap3A_639], %swap3A_642 {strides = array<i32>} : memref<8x2048xf32, #tpu.memory_space<vmem>>, vector<1x16xf32>,
      %scan3A_643 = arith.constant 0 : i32
      scf.yield %scan3A_643 : i32
    }
    %scan3A_586 = arith.constant 128 : i32
    %scan3A_587 = arith.constant 0 : i32
    %scan3A_588 = arith.constant 0 : i32
    %scan3A_589 = arith.constant 128 : i32
    %scan3A_590 = arith.addi %scan3A_588, %scan3A_589 : i32
    %scan3A_591 = arith.constant 1 : i32
    %scan3A_592 = scf.for %scan3A_624 = %scan3A_588 to %scan3A_590 step %scan3A_591 iter_args(%scan3A_625 = %scan3A_587) -> (i32)  : i32 {
      %mul3A_626 = arith.constant 16 : i32
      %mul3A_627 = arith.muli %scan3A_624, %mul3A_626 : i32
      %get3A = arith.constant 3 : i32
      %get3A_628 = arith.index_cast %get3A : i32 to index
      %get3A_629 = arith.index_cast %mul3A_627 : i32 to index
      %get3A_630 = tpu.vector_load %arg10[%get3A_628, %get3A_629] {strides = array<i32>} : memref<8x2048xf32, #tpu.memory_space<vmem>>, vector<1x16xf32>,
      %get3A_631 = vector.shape_cast %get3A_630 : vector<1x16xf32> to vector<16xf32>
      %get3A_632 = arith.constant 3 : i32
      %get3A_633 = arith.index_cast %get3A_632 : i32 to index
      %get3A_634 = arith.index_cast %mul3A_627 : i32 to index
      %get3A_635 = tpu.vector_load %arg11[%get3A_633, %get3A_634] {strides = array<i32>} : memref<8x2048xf32, #tpu.memory_space<vmem>>, vector<1x16xf32>,
      %get3A_636 = vector.shape_cast %get3A_635 : vector<1x16xf32> to vector<16xf32>
      %add3A_637 = arith.addf %get3A_631, %get3A_636 : vector<16xf32>
      %swap3A = arith.constant 3 : i32
      %swap3A_638 = arith.index_cast %swap3A : i32 to index
      %swap3A_639 = arith.index_cast %mul3A_627 : i32 to index
      %swap3A_640 = tpu.vector_load %arg10[%swap3A_638, %swap3A_639] {strides = array<i32>} : memref<8x2048xf32, #tpu.memory_space<vmem>>, vector<1x16xf32>,
      %swap3A_641 = vector.shape_cast %swap3A_640 : vector<1x16xf32> to vector<16xf32>
      %swap3A_642 = vector.shape_cast %add3A_637 : vector<16xf32> to vector<1x16xf32>
      tpu.vector_store %arg10[%swap3A_638, %swap3A_639], %swap3A_642 {strides = array<i32>} : memref<8x2048xf32, #tpu.memory_space<vmem>>, vector<1x16xf32>,
      %scan3A_643 = arith.constant 0 : i32
      scf.yield %scan3A_643 : i32
    }
    %scan3A_593 = arith.constant 128 : i32
    %scan3A_594 = arith.constant 0 : i32
    %scan3A_595 = arith.constant 0 : i32
    %scan3A_596 = arith.constant 128 : i32
    %scan3A_597 = arith.addi %scan3A_595, %scan3A_596 : i32
    %scan3A_598 = arith.constant 1 : i32
    %scan3A_599 = scf.for %scan3A_624 = %scan3A_595 to %scan3A_597 step %scan3A_598 iter_args(%scan3A_625 = %scan3A_594) -> (i32)  : i32 {
      %mul3A_626 = arith.constant 16 : i32
      %mul3A_627 = arith.muli %scan3A_624, %mul3A_626 : i32
      %get3A = arith.constant 4 : i32
      %get3A_628 = arith.index_cast %get3A : i32 to index
      %get3A_629 = arith.index_cast %mul3A_627 : i32 to index
      %get3A_630 = tpu.vector_load %arg10[%get3A_628, %get3A_629] {strides = array<i32>} : memref<8x2048xf32, #tpu.memory_space<vmem>>, vector<1x16xf32>,
      %get3A_631 = vector.shape_cast %get3A_630 : vector<1x16xf32> to vector<16xf32>
      %get3A_632 = arith.constant 4 : i32
      %get3A_633 = arith.index_cast %get3A_632 : i32 to index
      %get3A_634 = arith.index_cast %mul3A_627 : i32 to index
      %get3A_635 = tpu.vector_load %arg11[%get3A_633, %get3A_634] {strides = array<i32>} : memref<8x2048xf32, #tpu.memory_space<vmem>>, vector<1x16xf32>,
      %get3A_636 = vector.shape_cast %get3A_635 : vector<1x16xf32> to vector<16xf32>
      %add3A_637 = arith.addf %get3A_631, %get3A_636 : vector<16xf32>
      %swap3A = arith.constant 4 : i32
      %swap3A_638 = arith.index_cast %swap3A : i32 to index
      %swap3A_639 = arith.index_cast %mul3A_627 : i32 to index
      %swap3A_640 = tpu.vector_load %arg10[%swap3A_638, %swap3A_639] {strides = array<i32>} : memref<8x2048xf32, #tpu.memory_space<vmem>>, vector<1x16xf32>,
      %swap3A_641 = vector.shape_cast %swap3A_640 : vector<1x16xf32> to vector<16xf32>
      %swap3A_642 = vector.shape_cast %add3A_637 : vector<16xf32> to vector<1x16xf32>
      tpu.vector_store %arg10[%swap3A_638, %swap3A_639], %swap3A_642 {strides = array<i32>} : memref<8x2048xf32, #tpu.memory_space<vmem>>, vector<1x16xf32>,
      %scan3A_643 = arith.constant 0 : i32
      scf.yield %scan3A_643 : i32
    }
    %scan3A_600 = arith.constant 128 : i32
    %scan3A_601 = arith.constant 0 : i32
    %scan3A_602 = arith.constant 0 : i32
    %scan3A_603 = arith.constant 128 : i32
    %scan3A_604 = arith.addi %scan3A_602, %scan3A_603 : i32
    %scan3A_605 = arith.constant 1 : i32
    %scan3A_606 = scf.for %scan3A_624 = %scan3A_602 to %scan3A_604 step %scan3A_605 iter_args(%scan3A_625 = %scan3A_601) -> (i32)  : i32 {
      %mul3A_626 = arith.constant 16 : i32
      %mul3A_627 = arith.muli %scan3A_624, %mul3A_626 : i32
      %get3A = arith.constant 5 : i32
      %get3A_628 = arith.index_cast %get3A : i32 to index
      %get3A_629 = arith.index_cast %mul3A_627 : i32 to index
      %get3A_630 = tpu.vector_load %arg10[%get3A_628, %get3A_629] {strides = array<i32>} : memref<8x2048xf32, #tpu.memory_space<vmem>>, vector<1x16xf32>,
      %get3A_631 = vector.shape_cast %get3A_630 : vector<1x16xf32> to vector<16xf32>
      %get3A_632 = arith.constant 5 : i32
      %get3A_633 = arith.index_cast %get3A_632 : i32 to index
      %get3A_634 = arith.index_cast %mul3A_627 : i32 to index
      %get3A_635 = tpu.vector_load %arg11[%get3A_633, %get3A_634] {strides = array<i32>} : memref<8x2048xf32, #tpu.memory_space<vmem>>, vector<1x16xf32>,
      %get3A_636 = vector.shape_cast %get3A_635 : vector<1x16xf32> to vector<16xf32>
      %add3A_637 = arith.addf %get3A_631, %get3A_636 : vector<16xf32>
      %swap3A = arith.constant 5 : i32
      %swap3A_638 = arith.index_cast %swap3A : i32 to index
      %swap3A_639 = arith.index_cast %mul3A_627 : i32 to index
      %swap3A_640 = tpu.vector_load %arg10[%swap3A_638, %swap3A_639] {strides = array<i32>} : memref<8x2048xf32, #tpu.memory_space<vmem>>, vector<1x16xf32>,
      %swap3A_641 = vector.shape_cast %swap3A_640 : vector<1x16xf32> to vector<16xf32>
      %swap3A_642 = vector.shape_cast %add3A_637 : vector<16xf32> to vector<1x16xf32>
      tpu.vector_store %arg10[%swap3A_638, %swap3A_639], %swap3A_642 {strides = array<i32>} : memref<8x2048xf32, #tpu.memory_space<vmem>>, vector<1x16xf32>,
      %scan3A_643 = arith.constant 0 : i32
      scf.yield %scan3A_643 : i32
    }
    %scan3A_607 = arith.constant 128 : i32
    %scan3A_608 = arith.constant 0 : i32
    %scan3A_609 = arith.constant 0 : i32
    %scan3A_610 = arith.constant 128 : i32
    %scan3A_611 = arith.addi %scan3A_609, %scan3A_610 : i32
    %scan3A_612 = arith.constant 1 : i32
    %scan3A_613 = scf.for %scan3A_624 = %scan3A_609 to %scan3A_611 step %scan3A_612 iter_args(%scan3A_625 = %scan3A_608) -> (i32)  : i32 {
      %mul3A_626 = arith.constant 16 : i32
      %mul3A_627 = arith.muli %scan3A_624, %mul3A_626 : i32
      %get3A = arith.constant 6 : i32
      %get3A_628 = arith.index_cast %get3A : i32 to index
      %get3A_629 = arith.index_cast %mul3A_627 : i32 to index
      %get3A_630 = tpu.vector_load %arg10[%get3A_628, %get3A_629] {strides = array<i32>} : memref<8x2048xf32, #tpu.memory_space<vmem>>, vector<1x16xf32>,
      %get3A_631 = vector.shape_cast %get3A_630 : vector<1x16xf32> to vector<16xf32>
      %get3A_632 = arith.constant 6 : i32
      %get3A_633 = arith.index_cast %get3A_632 : i32 to index
      %get3A_634 = arith.index_cast %mul3A_627 : i32 to index
      %get3A_635 = tpu.vector_load %arg11[%get3A_633, %get3A_634] {strides = array<i32>} : memref<8x2048xf32, #tpu.memory_space<vmem>>, vector<1x16xf32>,
      %get3A_636 = vector.shape_cast %get3A_635 : vector<1x16xf32> to vector<16xf32>
      %add3A_637 = arith.addf %get3A_631, %get3A_636 : vector<16xf32>
      %swap3A = arith.constant 6 : i32
      %swap3A_638 = arith.index_cast %swap3A : i32 to index
      %swap3A_639 = arith.index_cast %mul3A_627 : i32 to index
      %swap3A_640 = tpu.vector_load %arg10[%swap3A_638, %swap3A_639] {strides = array<i32>} : memref<8x2048xf32, #tpu.memory_space<vmem>>, vector<1x16xf32>,
      %swap3A_641 = vector.shape_cast %swap3A_640 : vector<1x16xf32> to vector<16xf32>
      %swap3A_642 = vector.shape_cast %add3A_637 : vector<16xf32> to vector<1x16xf32>
      tpu.vector_store %arg10[%swap3A_638, %swap3A_639], %swap3A_642 {strides = array<i32>} : memref<8x2048xf32, #tpu.memory_space<vmem>>, vector<1x16xf32>,
      %scan3A_643 = arith.constant 0 : i32
      scf.yield %scan3A_643 : i32
    }
    %scan3A_614 = arith.constant 128 : i32
    %scan3A_615 = arith.constant 0 : i32
    %scan3A_616 = arith.constant 0 : i32
    %scan3A_617 = arith.constant 128 : i32
    %scan3A_618 = arith.addi %scan3A_616, %scan3A_617 : i32
    %scan3A_619 = arith.constant 1 : i32
    %scan3A_620 = scf.for %scan3A_624 = %scan3A_616 to %scan3A_618 step %scan3A_619 iter_args(%scan3A_625 = %scan3A_615) -> (i32)  : i32 {
      %mul3A_626 = arith.constant 16 : i32
      %mul3A_627 = arith.muli %scan3A_624, %mul3A_626 : i32
      %get3A = arith.constant 7 : i32
      %get3A_628 = arith.index_cast %get3A : i32 to index
      %get3A_629 = arith.index_cast %mul3A_627 : i32 to index
      %get3A_630 = tpu.vector_load %arg10[%get3A_628, %get3A_629] {strides = array<i32>} : memref<8x2048xf32, #tpu.memory_space<vmem>>, vector<1x16xf32>,
      %get3A_631 = vector.shape_cast %get3A_630 : vector<1x16xf32> to vector<16xf32>
      %get3A_632 = arith.constant 7 : i32
      %get3A_633 = arith.index_cast %get3A_632 : i32 to index
      %get3A_634 = arith.index_cast %mul3A_627 : i32 to index
      %get3A_635 = tpu.vector_load %arg11[%get3A_633, %get3A_634] {strides = array<i32>} : memref<8x2048xf32, #tpu.memory_space<vmem>>, vector<1x16xf32>,
      %get3A_636 = vector.shape_cast %get3A_635 : vector<1x16xf32> to vector<16xf32>
      %add3A_637 = arith.addf %get3A_631, %get3A_636 : vector<16xf32>
      %swap3A = arith.constant 7 : i32
      %swap3A_638 = arith.index_cast %swap3A : i32 to index
      %swap3A_639 = arith.index_cast %mul3A_627 : i32 to index
      %swap3A_640 = tpu.vector_load %arg10[%swap3A_638, %swap3A_639] {strides = array<i32>} : memref<8x2048xf32, #tpu.memory_space<vmem>>, vector<1x16xf32>,
      %swap3A_641 = vector.shape_cast %swap3A_640 : vector<1x16xf32> to vector<16xf32>
      %swap3A_642 = vector.shape_cast %add3A_637 : vector<16xf32> to vector<1x16xf32>
      tpu.vector_store %arg10[%swap3A_638, %swap3A_639], %swap3A_642 {strides = array<i32>} : memref<8x2048xf32, #tpu.memory_space<vmem>>, vector<1x16xf32>,
      %scan3A_643 = arith.constant 0 : i32
      scf.yield %scan3A_643 : i32
    }
    %scan3A_621 = arith.constant 128 : i32
    %add3A_622 = arith.constant 56 : i32
    %add3A_623 = arith.addi %mul3A_2, %add3A_622 : i32
    "tpu.region"() ({
      %run_scoped3A = tpu.sem_alloc : memref<!tpu.dma_semaphore, #tpu.memory_space<semaphore_mem>>
      %dma_start3A_624 = arith.constant 0 : i32
      %dma_start3A_625 = tpu.memref_slice %arg5[%add3A_623, %dma_start3A_624] : memref<2048x2048xf32, #tpu.memory_space<hbm>> -> memref<8x2048xf32, #tpu.memory_space<hbm>>
      %dma_start3A_626 = arith.constant 0 : i32
      %dma_start3A_627 = tpu.memref_slice %arg5[%add3A_623, %dma_start3A_626] : memref<2048x2048xf32, #tpu.memory_space<hbm>> -> memref<8x2048xf32, #tpu.memory_space<hbm>>
      tpu.enqueue_dma source(%arg10 : memref<8x2048xf32, #tpu.memory_space<vmem>>) target(%dma_start3A_627 : memref<8x2048xf32, #tpu.memory_space<hbm>>) target_semaphore(%run_scoped3A : memref<!tpu.dma_semaphore, #tpu.memory_space<semaphore_mem>>)
      %dma_wait3A_628 = arith.constant 0 : i32
      %dma_wait3A_629 = tpu.memref_slice %arg5[%add3A_623, %dma_wait3A_628] : memref<2048x2048xf32, #tpu.memory_space<hbm>> -> memref<8x2048xf32, #tpu.memory_space<hbm>>
      %dma_wait3A_630 = arith.constant 0 : i32
      %dma_wait3A_631 = tpu.memref_slice %arg5[%add3A_623, %dma_wait3A_630] : memref<2048x2048xf32, #tpu.memory_space<hbm>> -> memref<8x2048xf32, #tpu.memory_space<hbm>>
      tpu.wait_dma2 semaphore(%run_scoped3A : memref<!tpu.dma_semaphore, #tpu.memory_space<semaphore_mem>>) src(%arg10 : memref<8x2048xf32, #tpu.memory_space<vmem>>) dst(%dma_wait3A_631 : memref<8x2048xf32, #tpu.memory_space<hbm>>)
      tpu.yield
    }) : () -> ()
    return
  }
}

#map = affine_map<(d0, d1) -> (0, 0)>
#map1 = affine_map<(d0, d1) -> (0)>
module attributes {stable_mosaic.version = 14 : i64} {
  func.func @gather_k(%arg0: i32, %arg1: i32, %arg2: memref<2048x1024xi32, #tpu.memory_space<hbm>>, %arg3: memref<6144xi32, #tpu.memory_space<hbm>>, %arg4: memref<6144x1024xi32, #tpu.memory_space<hbm>>, %arg5: memref<192xi32, #tpu.memory_space<vmem>>, %arg6: memref<48x1024xi32, #tpu.memory_space<vmem>>, %arg7: memref<48x1024xi32, #tpu.memory_space<vmem>>, %arg8: memref<!tpu.dma_semaphore, #tpu.memory_space<semaphore_mem>>, %arg9: memref<!tpu.dma_semaphore, #tpu.memory_space<semaphore_mem>>) attributes {dimension_semantics = [#tpu.dimension_semantics<core_parallel>, #tpu.dimension_semantics<subcore_parallel>], iteration_bounds = array<i64: 2, 16>, scalar_prefetch = 0 : i64, scratch_operands = 5 : i64, tpu.core_type = #tpu.core_type<sc_vector_subcore>, window_params = [{transform_indices = #map}, {transform_indices = #map1}, {transform_indices = #map}]} {
    %mul3A = arith.constant 2 : i32
    %mul3A_0 = arith.muli %arg1, %mul3A : i32
    %add3A = arith.addi %mul3A_0, %arg0 : i32
    %mul3A_1 = arith.constant 192 : i32
    %mul3A_2 = arith.muli %add3A, %mul3A_1 : i32
    "tpu.region"() ({
      %run_scoped3A = tpu.sem_alloc : memref<!tpu.dma_semaphore, #tpu.memory_space<semaphore_mem>>
      %dma_start3A_49 = tpu.memref_slice %arg3[%mul3A_2] : memref<6144xi32, #tpu.memory_space<hbm>> -> memref<192xi32, #tpu.memory_space<hbm>>
      %dma_start3A_50 = tpu.memref_slice %arg3[%mul3A_2] : memref<6144xi32, #tpu.memory_space<hbm>> -> memref<192xi32, #tpu.memory_space<hbm>>
      tpu.enqueue_dma source(%dma_start3A_50 : memref<192xi32, #tpu.memory_space<hbm>>) target(%arg5 : memref<192xi32, #tpu.memory_space<vmem>>) target_semaphore(%run_scoped3A : memref<!tpu.dma_semaphore, #tpu.memory_space<semaphore_mem>>)
      %dma_wait3A_51 = tpu.memref_slice %arg3[%mul3A_2] : memref<6144xi32, #tpu.memory_space<hbm>> -> memref<192xi32, #tpu.memory_space<hbm>>
      %dma_wait3A_52 = tpu.memref_slice %arg3[%mul3A_2] : memref<6144xi32, #tpu.memory_space<hbm>> -> memref<192xi32, #tpu.memory_space<hbm>>
      tpu.wait_dma2 semaphore(%run_scoped3A : memref<!tpu.dma_semaphore, #tpu.memory_space<semaphore_mem>>) src(%dma_wait3A_52 : memref<192xi32, #tpu.memory_space<hbm>>) dst(%arg5 : memref<192xi32, #tpu.memory_space<vmem>>)
      tpu.yield
    }) : () -> ()
    %dma_start3A = arith.constant 0 : i32
    %dma_start3A_3 = tpu.memref_slice %arg5[%dma_start3A] : memref<192xi32, #tpu.memory_space<vmem>> -> memref<48xi32, #tpu.memory_space<vmem>>
    %dma_start3A_4 = arith.constant 0 : i32
    %dma_start3A_5 = arith.constant 0 : i32
    %dma_start3A_6 = tpu.memref_slice %arg2[%dma_start3A_4, %dma_start3A_5] : memref<2048x1024xi32, #tpu.memory_space<hbm>> -> memref<2048x1024xi32, #tpu.memory_space<hbm>>
    tpu.enqueue_indirect_dma source(%dma_start3A_6 : memref<2048x1024xi32, #tpu.memory_space<hbm>>) target(%arg6 : memref<48x1024xi32, #tpu.memory_space<vmem>>) offsets(%dma_start3A_3 : memref<48xi32, #tpu.memory_space<vmem>>) semaphore(%arg8 : memref<!tpu.dma_semaphore, #tpu.memory_space<semaphore_mem>>)
    %dma_start3A_7 = arith.constant 48 : i32
    %dma_start3A_8 = tpu.memref_slice %arg5[%dma_start3A_7] : memref<192xi32, #tpu.memory_space<vmem>> -> memref<48xi32, #tpu.memory_space<vmem>>
    %dma_start3A_9 = arith.constant 0 : i32
    %dma_start3A_10 = arith.constant 0 : i32
    %dma_start3A_11 = tpu.memref_slice %arg2[%dma_start3A_9, %dma_start3A_10] : memref<2048x1024xi32, #tpu.memory_space<hbm>> -> memref<2048x1024xi32, #tpu.memory_space<hbm>>
    tpu.enqueue_indirect_dma source(%dma_start3A_11 : memref<2048x1024xi32, #tpu.memory_space<hbm>>) target(%arg7 : memref<48x1024xi32, #tpu.memory_space<vmem>>) offsets(%dma_start3A_8 : memref<48xi32, #tpu.memory_space<vmem>>) semaphore(%arg9 : memref<!tpu.dma_semaphore, #tpu.memory_space<semaphore_mem>>)
    %dma_wait3A = arith.constant 0 : i32
    %dma_wait3A_12 = tpu.memref_slice %arg5[%dma_wait3A] : memref<192xi32, #tpu.memory_space<vmem>> -> memref<48xi32, #tpu.memory_space<vmem>>
    %dma_wait3A_13 = arith.constant 0 : i32
    %dma_wait3A_14 = arith.constant 0 : i32
    %dma_wait3A_15 = tpu.memref_slice %arg2[%dma_wait3A_13, %dma_wait3A_14] : memref<2048x1024xi32, #tpu.memory_space<hbm>> -> memref<2048x1024xi32, #tpu.memory_space<hbm>>
    tpu.wait_indirect_dma semaphore(%arg8 : memref<!tpu.dma_semaphore, #tpu.memory_space<semaphore_mem>>) src(%dma_wait3A_15 : memref<2048x1024xi32, #tpu.memory_space<hbm>>) dst(%arg6 : memref<48x1024xi32, #tpu.memory_space<vmem>>)
    %add3A_16 = arith.constant 0 : i32
    %add3A_17 = arith.addi %mul3A_2, %add3A_16 : i32
    "tpu.region"() ({
      %run_scoped3A = tpu.sem_alloc : memref<!tpu.dma_semaphore, #tpu.memory_space<semaphore_mem>>
      %dma_start3A_49 = arith.constant 0 : i32
      %dma_start3A_50 = tpu.memref_slice %arg4[%add3A_17, %dma_start3A_49] : memref<6144x1024xi32, #tpu.memory_space<hbm>> -> memref<48x1024xi32, #tpu.memory_space<hbm>>
      %dma_start3A_51 = arith.constant 0 : i32
      %dma_start3A_52 = tpu.memref_slice %arg4[%add3A_17, %dma_start3A_51] : memref<6144x1024xi32, #tpu.memory_space<hbm>> -> memref<48x1024xi32, #tpu.memory_space<hbm>>
      tpu.enqueue_dma source(%arg6 : memref<48x1024xi32, #tpu.memory_space<vmem>>) target(%dma_start3A_52 : memref<48x1024xi32, #tpu.memory_space<hbm>>) target_semaphore(%run_scoped3A : memref<!tpu.dma_semaphore, #tpu.memory_space<semaphore_mem>>)
      %dma_wait3A_53 = arith.constant 0 : i32
      %dma_wait3A_54 = tpu.memref_slice %arg4[%add3A_17, %dma_wait3A_53] : memref<6144x1024xi32, #tpu.memory_space<hbm>> -> memref<48x1024xi32, #tpu.memory_space<hbm>>
      %dma_wait3A_55 = arith.constant 0 : i32
      %dma_wait3A_56 = tpu.memref_slice %arg4[%add3A_17, %dma_wait3A_55] : memref<6144x1024xi32, #tpu.memory_space<hbm>> -> memref<48x1024xi32, #tpu.memory_space<hbm>>
      tpu.wait_dma2 semaphore(%run_scoped3A : memref<!tpu.dma_semaphore, #tpu.memory_space<semaphore_mem>>) src(%arg6 : memref<48x1024xi32, #tpu.memory_space<vmem>>) dst(%dma_wait3A_56 : memref<48x1024xi32, #tpu.memory_space<hbm>>)
      tpu.yield
    }) : () -> ()
    %dma_start3A_18 = arith.constant 96 : i32
    %dma_start3A_19 = tpu.memref_slice %arg5[%dma_start3A_18] : memref<192xi32, #tpu.memory_space<vmem>> -> memref<48xi32, #tpu.memory_space<vmem>>
    %dma_start3A_20 = arith.constant 0 : i32
    %dma_start3A_21 = arith.constant 0 : i32
    %dma_start3A_22 = tpu.memref_slice %arg2[%dma_start3A_20, %dma_start3A_21] : memref<2048x1024xi32, #tpu.memory_space<hbm>> -> memref<2048x1024xi32, #tpu.memory_space<hbm>>
    tpu.enqueue_indirect_dma source(%dma_start3A_22 : memref<2048x1024xi32, #tpu.memory_space<hbm>>) target(%arg6 : memref<48x1024xi32, #tpu.memory_space<vmem>>) offsets(%dma_start3A_19 : memref<48xi32, #tpu.memory_space<vmem>>) semaphore(%arg8 : memref<!tpu.dma_semaphore, #tpu.memory_space<semaphore_mem>>)
    %dma_wait3A_23 = arith.constant 48 : i32
    %dma_wait3A_24 = tpu.memref_slice %arg5[%dma_wait3A_23] : memref<192xi32, #tpu.memory_space<vmem>> -> memref<48xi32, #tpu.memory_space<vmem>>
    %dma_wait3A_25 = arith.constant 0 : i32
    %dma_wait3A_26 = arith.constant 0 : i32
    %dma_wait3A_27 = tpu.memref_slice %arg2[%dma_wait3A_25, %dma_wait3A_26] : memref<2048x1024xi32, #tpu.memory_space<hbm>> -> memref<2048x1024xi32, #tpu.memory_space<hbm>>
    tpu.wait_indirect_dma semaphore(%arg9 : memref<!tpu.dma_semaphore, #tpu.memory_space<semaphore_mem>>) src(%dma_wait3A_27 : memref<2048x1024xi32, #tpu.memory_space<hbm>>) dst(%arg7 : memref<48x1024xi32, #tpu.memory_space<vmem>>)
    %add3A_28 = arith.constant 48 : i32
    %add3A_29 = arith.addi %mul3A_2, %add3A_28 : i32
    "tpu.region"() ({
      %run_scoped3A = tpu.sem_alloc : memref<!tpu.dma_semaphore, #tpu.memory_space<semaphore_mem>>
      %dma_start3A_49 = arith.constant 0 : i32
      %dma_start3A_50 = tpu.memref_slice %arg4[%add3A_29, %dma_start3A_49] : memref<6144x1024xi32, #tpu.memory_space<hbm>> -> memref<48x1024xi32, #tpu.memory_space<hbm>>
      %dma_start3A_51 = arith.constant 0 : i32
      %dma_start3A_52 = tpu.memref_slice %arg4[%add3A_29, %dma_start3A_51] : memref<6144x1024xi32, #tpu.memory_space<hbm>> -> memref<48x1024xi32, #tpu.memory_space<hbm>>
      tpu.enqueue_dma source(%arg7 : memref<48x1024xi32, #tpu.memory_space<vmem>>) target(%dma_start3A_52 : memref<48x1024xi32, #tpu.memory_space<hbm>>) target_semaphore(%run_scoped3A : memref<!tpu.dma_semaphore, #tpu.memory_space<semaphore_mem>>)
      %dma_wait3A_53 = arith.constant 0 : i32
      %dma_wait3A_54 = tpu.memref_slice %arg4[%add3A_29, %dma_wait3A_53] : memref<6144x1024xi32, #tpu.memory_space<hbm>> -> memref<48x1024xi32, #tpu.memory_space<hbm>>
      %dma_wait3A_55 = arith.constant 0 : i32
      %dma_wait3A_56 = tpu.memref_slice %arg4[%add3A_29, %dma_wait3A_55] : memref<6144x1024xi32, #tpu.memory_space<hbm>> -> memref<48x1024xi32, #tpu.memory_space<hbm>>
      tpu.wait_dma2 semaphore(%run_scoped3A : memref<!tpu.dma_semaphore, #tpu.memory_space<semaphore_mem>>) src(%arg7 : memref<48x1024xi32, #tpu.memory_space<vmem>>) dst(%dma_wait3A_56 : memref<48x1024xi32, #tpu.memory_space<hbm>>)
      tpu.yield
    }) : () -> ()
    %dma_start3A_30 = arith.constant 144 : i32
    %dma_start3A_31 = tpu.memref_slice %arg5[%dma_start3A_30] : memref<192xi32, #tpu.memory_space<vmem>> -> memref<48xi32, #tpu.memory_space<vmem>>
    %dma_start3A_32 = arith.constant 0 : i32
    %dma_start3A_33 = arith.constant 0 : i32
    %dma_start3A_34 = tpu.memref_slice %arg2[%dma_start3A_32, %dma_start3A_33] : memref<2048x1024xi32, #tpu.memory_space<hbm>> -> memref<2048x1024xi32, #tpu.memory_space<hbm>>
    tpu.enqueue_indirect_dma source(%dma_start3A_34 : memref<2048x1024xi32, #tpu.memory_space<hbm>>) target(%arg7 : memref<48x1024xi32, #tpu.memory_space<vmem>>) offsets(%dma_start3A_31 : memref<48xi32, #tpu.memory_space<vmem>>) semaphore(%arg9 : memref<!tpu.dma_semaphore, #tpu.memory_space<semaphore_mem>>)
    %dma_wait3A_35 = arith.constant 96 : i32
    %dma_wait3A_36 = tpu.memref_slice %arg5[%dma_wait3A_35] : memref<192xi32, #tpu.memory_space<vmem>> -> memref<48xi32, #tpu.memory_space<vmem>>
    %dma_wait3A_37 = arith.constant 0 : i32
    %dma_wait3A_38 = arith.constant 0 : i32
    %dma_wait3A_39 = tpu.memref_slice %arg2[%dma_wait3A_37, %dma_wait3A_38] : memref<2048x1024xi32, #tpu.memory_space<hbm>> -> memref<2048x1024xi32, #tpu.memory_space<hbm>>
    tpu.wait_indirect_dma semaphore(%arg8 : memref<!tpu.dma_semaphore, #tpu.memory_space<semaphore_mem>>) src(%dma_wait3A_39 : memref<2048x1024xi32, #tpu.memory_space<hbm>>) dst(%arg6 : memref<48x1024xi32, #tpu.memory_space<vmem>>)
    %add3A_40 = arith.constant 96 : i32
    %add3A_41 = arith.addi %mul3A_2, %add3A_40 : i32
    "tpu.region"() ({
      %run_scoped3A = tpu.sem_alloc : memref<!tpu.dma_semaphore, #tpu.memory_space<semaphore_mem>>
      %dma_start3A_49 = arith.constant 0 : i32
      %dma_start3A_50 = tpu.memref_slice %arg4[%add3A_41, %dma_start3A_49] : memref<6144x1024xi32, #tpu.memory_space<hbm>> -> memref<48x1024xi32, #tpu.memory_space<hbm>>
      %dma_start3A_51 = arith.constant 0 : i32
      %dma_start3A_52 = tpu.memref_slice %arg4[%add3A_41, %dma_start3A_51] : memref<6144x1024xi32, #tpu.memory_space<hbm>> -> memref<48x1024xi32, #tpu.memory_space<hbm>>
      tpu.enqueue_dma source(%arg6 : memref<48x1024xi32, #tpu.memory_space<vmem>>) target(%dma_start3A_52 : memref<48x1024xi32, #tpu.memory_space<hbm>>) target_semaphore(%run_scoped3A : memref<!tpu.dma_semaphore, #tpu.memory_space<semaphore_mem>>)
      %dma_wait3A_53 = arith.constant 0 : i32
      %dma_wait3A_54 = tpu.memref_slice %arg4[%add3A_41, %dma_wait3A_53] : memref<6144x1024xi32, #tpu.memory_space<hbm>> -> memref<48x1024xi32, #tpu.memory_space<hbm>>
      %dma_wait3A_55 = arith.constant 0 : i32
      %dma_wait3A_56 = tpu.memref_slice %arg4[%add3A_41, %dma_wait3A_55] : memref<6144x1024xi32, #tpu.memory_space<hbm>> -> memref<48x1024xi32, #tpu.memory_space<hbm>>
      tpu.wait_dma2 semaphore(%run_scoped3A : memref<!tpu.dma_semaphore, #tpu.memory_space<semaphore_mem>>) src(%arg6 : memref<48x1024xi32, #tpu.memory_space<vmem>>) dst(%dma_wait3A_56 : memref<48x1024xi32, #tpu.memory_space<hbm>>)
      tpu.yield
    }) : () -> ()
    %dma_wait3A_42 = arith.constant 144 : i32
    %dma_wait3A_43 = tpu.memref_slice %arg5[%dma_wait3A_42] : memref<192xi32, #tpu.memory_space<vmem>> -> memref<48xi32, #tpu.memory_space<vmem>>
    %dma_wait3A_44 = arith.constant 0 : i32
    %dma_wait3A_45 = arith.constant 0 : i32
    %dma_wait3A_46 = tpu.memref_slice %arg2[%dma_wait3A_44, %dma_wait3A_45] : memref<2048x1024xi32, #tpu.memory_space<hbm>> -> memref<2048x1024xi32, #tpu.memory_space<hbm>>
    tpu.wait_indirect_dma semaphore(%arg9 : memref<!tpu.dma_semaphore, #tpu.memory_space<semaphore_mem>>) src(%dma_wait3A_46 : memref<2048x1024xi32, #tpu.memory_space<hbm>>) dst(%arg7 : memref<48x1024xi32, #tpu.memory_space<vmem>>)
    %add3A_47 = arith.constant 144 : i32
    %add3A_48 = arith.addi %mul3A_2, %add3A_47 : i32
    "tpu.region"() ({
      %run_scoped3A = tpu.sem_alloc : memref<!tpu.dma_semaphore, #tpu.memory_space<semaphore_mem>>
      %dma_start3A_49 = arith.constant 0 : i32
      %dma_start3A_50 = tpu.memref_slice %arg4[%add3A_48, %dma_start3A_49] : memref<6144x1024xi32, #tpu.memory_space<hbm>> -> memref<48x1024xi32, #tpu.memory_space<hbm>>
      %dma_start3A_51 = arith.constant 0 : i32
      %dma_start3A_52 = tpu.memref_slice %arg4[%add3A_48, %dma_start3A_51] : memref<6144x1024xi32, #tpu.memory_space<hbm>> -> memref<48x1024xi32, #tpu.memory_space<hbm>>
      tpu.enqueue_dma source(%arg7 : memref<48x1024xi32, #tpu.memory_space<vmem>>) target(%dma_start3A_52 : memref<48x1024xi32, #tpu.memory_space<hbm>>) target_semaphore(%run_scoped3A : memref<!tpu.dma_semaphore, #tpu.memory_space<semaphore_mem>>)
      %dma_wait3A_53 = arith.constant 0 : i32
      %dma_wait3A_54 = tpu.memref_slice %arg4[%add3A_48, %dma_wait3A_53] : memref<6144x1024xi32, #tpu.memory_space<hbm>> -> memref<48x1024xi32, #tpu.memory_space<hbm>>
      %dma_wait3A_55 = arith.constant 0 : i32
      %dma_wait3A_56 = tpu.memref_slice %arg4[%add3A_48, %dma_wait3A_55] : memref<6144x1024xi32, #tpu.memory_space<hbm>> -> memref<48x1024xi32, #tpu.memory_space<hbm>>
      tpu.wait_dma2 semaphore(%run_scoped3A : memref<!tpu.dma_semaphore, #tpu.memory_space<semaphore_mem>>) src(%arg7 : memref<48x1024xi32, #tpu.memory_space<vmem>>) dst(%dma_wait3A_56 : memref<48x1024xi32, #tpu.memory_space<hbm>>)
      tpu.yield
    }) : () -> ()
    return
  }
}

module attributes {stable_mosaic.version = 14 : i64} {
  func.func @_router_body(%arg0: i32, %arg1: memref<256x2048xf32, #tpu.memory_space<vmem>>, %arg2: memref<8x2048xf32, #tpu.memory_space<vmem>>, %arg3: memref<256x1xi32, #tpu.memory_space<vmem>>, %arg4: memref<256x1xi32, #tpu.memory_space<vmem>>, %arg5: memref<256x1xf32, #tpu.memory_space<vmem>>, %arg6: memref<256x1xf32, #tpu.memory_space<vmem>>) attributes {dimension_semantics = [#tpu.dimension_semantics<arbitrary>], iteration_bounds = array<i64: 8>, scalar_prefetch = 0 : i64, scratch_operands = 0 : i64, tpu.core_type = #tpu.core_type<tc>, window_params = [{transform_indices = @transform_0, window_bounds = array<i64: 256, 2048>}, {pipeline_mode = #tpu.pipeline_mode<synchronous>, transform_indices = @transform_1, window_bounds = array<i64: 8, 2048>}, {transform_indices = @transform_2, window_bounds = array<i64: 256, 1>}, {transform_indices = @transform_3, window_bounds = array<i64: 256, 1>}, {transform_indices = @transform_4, window_bounds = array<i64: 256, 1>}, {transform_indices = @transform_5, window_bounds = array<i64: 256, 1>}]} {
    %get3A = arith.constant 0 : index
    %get3A_0 = arith.constant 0 : index
    %get3A_1 = vector.load %arg1[%get3A, %get3A_0] : memref<256x2048xf32, #tpu.memory_space<vmem>>, vector<256x2048xf32>
    %get3A_2 = arith.constant 0 : index
    %get3A_3 = arith.constant 0 : index
    %get3A_4 = vector.load %arg2[%get3A_2, %get3A_3] : memref<8x2048xf32, #tpu.memory_space<vmem>>, vector<8x2048xf32>
    %dot_general3A = arith.constant dense<0.000000e+00> : vector<256x8xf32>
    %dot_general3A_5 = tpu.matmul %get3A_1, %get3A_4, %dot_general3A {dimension_numbers = #tpu.dot_dimension_numbers<[1], [1], [0], [0], [0, 0, 1, 0], [], []>, transpose_lhs_hint = false} : vector<256x2048xf32>, vector<8x2048xf32>, vector<256x8xf32> -> vector<256x8xf32>
    %iota3A = tpu.iota {dimensions = array<i32: 1>} : vector<256x8xi32>
    %reduce_max3A = arith.constant dense<0xFF800000> : vector<256xf32>
    %reduce_max3A_6 = vector.multi_reduction <maximumf>, %dot_general3A_5, %reduce_max3A [1] : vector<256x8xf32> to vector<256xf32>
    %broadcast_in_dim3A = vector.shape_cast %reduce_max3A_6 : vector<256xf32> to vector<256x1xf32>
    %eq3A = vector.broadcast %broadcast_in_dim3A : vector<256x1xf32> to vector<256x8xf32>
    %eq3A_7 = arith.cmpf oeq, %dot_general3A_5, %eq3A : vector<256x8xf32>
    %jit3A = arith.constant 8 : i32
    %broadcast_in_dim3A_8 = vector.broadcast %jit3A : i32 to vector<256x8xi32>
    %select_n3A = arith.select %eq3A_7, %iota3A, %broadcast_in_dim3A_8 : vector<256x8xi1>, vector<256x8xi32>
    %reduce_min3A = arith.constant dense<2147483647> : vector<256xi32>
    %reduce_min3A_9 = vector.multi_reduction <minsi>, %select_n3A, %reduce_min3A [1] : vector<256x8xi32> to vector<256xi32>
    %broadcast_in_dim3A_10 = vector.shape_cast %reduce_min3A_9 : vector<256xi32> to vector<256x1xi32>
    %eq3A_11 = vector.broadcast %broadcast_in_dim3A_10 : vector<256x1xi32> to vector<256x8xi32>
    %eq3A_12 = arith.cmpi eq, %iota3A, %eq3A_11 : vector<256x8xi32>
    %jit3A_13 = arith.constant 0xFF800000 : f32
    %broadcast_in_dim3A_14 = vector.broadcast %jit3A_13 : f32 to vector<256x8xf32>
    %select_n3A_15 = arith.select %eq3A_12, %broadcast_in_dim3A_14, %dot_general3A_5 : vector<256x8xi1>, vector<256x8xf32>
    %reduce_max3A_16 = arith.constant dense<0xFF800000> : vector<256xf32>
    %reduce_max3A_17 = vector.multi_reduction <maximumf>, %select_n3A_15, %reduce_max3A_16 [1] : vector<256x8xf32> to vector<256xf32>
    %broadcast_in_dim3A_18 = vector.shape_cast %reduce_max3A_17 : vector<256xf32> to vector<256x1xf32>
    %eq3A_19 = vector.broadcast %broadcast_in_dim3A_18 : vector<256x1xf32> to vector<256x8xf32>
    %eq3A_20 = arith.cmpf oeq, %select_n3A_15, %eq3A_19 : vector<256x8xf32>
    %jit3A_21 = arith.constant 8 : i32
    %broadcast_in_dim3A_22 = vector.broadcast %jit3A_21 : i32 to vector<256x8xi32>
    %select_n3A_23 = arith.select %eq3A_20, %iota3A, %broadcast_in_dim3A_22 : vector<256x8xi1>, vector<256x8xi32>
    %reduce_min3A_24 = arith.constant dense<2147483647> : vector<256xi32>
    %reduce_min3A_25 = vector.multi_reduction <minsi>, %select_n3A_23, %reduce_min3A_24 [1] : vector<256x8xi32> to vector<256xi32>
    %broadcast_in_dim3A_26 = vector.shape_cast %reduce_min3A_25 : vector<256xi32> to vector<256x1xi32>
    %sub3A = arith.subf %broadcast_in_dim3A, %broadcast_in_dim3A_18 : vector<256x1xf32>
    %logistic3A = arith.negf %sub3A : vector<256x1xf32>
    %logistic3A_27 = math.exp %logistic3A : vector<256x1xf32>
    %logistic3A_28 = arith.constant 1.000000e+00 : f32
    %logistic3A_29 = vector.broadcast %logistic3A_28 : f32 to vector<256x1xf32>
    %logistic3A_30 = arith.addf %logistic3A_29, %logistic3A_27 : vector<256x1xf32>
    %logistic3A_31 = arith.divf %logistic3A_29, %logistic3A_30 : vector<256x1xf32>
    %swap3A = arith.constant 0 : index
    %swap3A_32 = arith.constant 0 : index
    %swap3A_33 = vector.load %arg3[%swap3A, %swap3A_32] : memref<256x1xi32, #tpu.memory_space<vmem>>, vector<256x1xi32>
    tpu.vector_store %arg3[%swap3A, %swap3A_32], %broadcast_in_dim3A_10 {strides = array<i32>} : memref<256x1xi32, #tpu.memory_space<vmem>>, vector<256x1xi32>,
    %swap3A_34 = arith.constant 0 : index
    %swap3A_35 = arith.constant 0 : index
    %swap3A_36 = vector.load %arg4[%swap3A_34, %swap3A_35] : memref<256x1xi32, #tpu.memory_space<vmem>>, vector<256x1xi32>
    tpu.vector_store %arg4[%swap3A_34, %swap3A_35], %broadcast_in_dim3A_26 {strides = array<i32>} : memref<256x1xi32, #tpu.memory_space<vmem>>, vector<256x1xi32>,
    %swap3A_37 = arith.constant 0 : index
    %swap3A_38 = arith.constant 0 : index
    %swap3A_39 = vector.load %arg5[%swap3A_37, %swap3A_38] : memref<256x1xf32, #tpu.memory_space<vmem>>, vector<256x1xf32>
    tpu.vector_store %arg5[%swap3A_37, %swap3A_38], %logistic3A_31 {strides = array<i32>} : memref<256x1xf32, #tpu.memory_space<vmem>>, vector<256x1xf32>,
    %sub3A_40 = arith.constant 1.000000e+00 : f32
    %sub3A_41 = vector.broadcast %sub3A_40 : f32 to vector<256x1xf32>
    %sub3A_42 = arith.subf %sub3A_41, %logistic3A_31 : vector<256x1xf32>
    %swap3A_43 = arith.constant 0 : index
    %swap3A_44 = arith.constant 0 : index
    %swap3A_45 = vector.load %arg6[%swap3A_43, %swap3A_44] : memref<256x1xf32, #tpu.memory_space<vmem>>, vector<256x1xf32>
    tpu.vector_store %arg6[%swap3A_43, %swap3A_44], %sub3A_42 {strides = array<i32>} : memref<256x1xf32, #tpu.memory_space<vmem>>, vector<256x1xf32>,
    return
  }
  func.func @transform_0(%arg0: i32) -> (i32, i32) {
    %c0_i32 = arith.constant 0 : i32
    %c0_i32_0 = arith.constant 0 : i32
    return %arg0, %c0_i32 : i32, i32
  }
  func.func @transform_1(%arg0: i32) -> (i32, i32) {
    %c0_i32 = arith.constant 0 : i32
    %c0_i32_0 = arith.constant 0 : i32
    %c0_i32_1 = arith.constant 0 : i32
    return %c0_i32, %c0_i32_0 : i32, i32
  }
  func.func @transform_2(%arg0: i32) -> (i32, i32) {
    %c0_i32 = arith.constant 0 : i32
    %c0_i32_0 = arith.constant 0 : i32
    return %arg0, %c0_i32 : i32, i32
  }
  func.func @transform_3(%arg0: i32) -> (i32, i32) {
    %c0_i32 = arith.constant 0 : i32
    %c0_i32_0 = arith.constant 0 : i32
    return %arg0, %c0_i32 : i32, i32
  }
  func.func @transform_4(%arg0: i32) -> (i32, i32) {
    %c0_i32 = arith.constant 0 : i32
    %c0_i32_0 = arith.constant 0 : i32
    return %arg0, %c0_i32 : i32, i32
  }
  func.func @transform_5(%arg0: i32) -> (i32, i32) {
    %c0_i32 = arith.constant 0 : i32
    %c0_i32_0 = arith.constant 0 : i32
    return %arg0, %c0_i32 : i32, i32
  }
}

module attributes {stable_mosaic.version = 14 : i64} {
  func.func @_ffn_body(%arg0: i32, %arg1: memref<24xi32, #tpu.memory_space<smem>>, %arg2: memref<1xi32, #tpu.memory_space<smem>>, %arg3: memref<256x2048xbf16, #tpu.memory_space<vmem>>, %arg4: memref<1x768x2048xbf16, #tpu.memory_space<vmem>>, %arg5: memref<1x768x2048xbf16, #tpu.memory_space<vmem>>, %arg6: memref<1x2048x768xbf16, #tpu.memory_space<vmem>>, %arg7: memref<256x1xf32, #tpu.memory_space<vmem>>, %arg8: memref<256x2048xf32, #tpu.memory_space<vmem>>) attributes {dimension_semantics = [#tpu.dimension_semantics<arbitrary>], iteration_bounds = array<i64: 24>, scalar_prefetch = 2 : i64, scratch_operands = 0 : i64, tpu.core_type = #tpu.core_type<tc>, window_params = [{transform_indices = @transform_0, window_bounds = array<i64: 256, 2048>}, {transform_indices = @transform_1, window_bounds = array<i64: 1, 768, 2048>}, {transform_indices = @transform_2, window_bounds = array<i64: 1, 768, 2048>}, {transform_indices = @transform_3, window_bounds = array<i64: 1, 2048, 768>}, {transform_indices = @transform_4, window_bounds = array<i64: 256, 1>}, {transform_indices = @transform_5, window_bounds = array<i64: 256, 2048>}]} {
    %get3A = arith.constant 0 : index
    %get3A_0 = memref.load %arg2[%get3A] : memref<1xi32, #tpu.memory_space<smem>>
    %lt3A = arith.cmpi slt, %arg0, %get3A_0 : i32
    %convert_element_type3A = arith.extui %lt3A : i1 to i32
    %cond3A = arith.constant 0 : i32
    %cond3A_1 = arith.cmpi ne, %convert_element_type3A, %cond3A : i32
    scf.if %cond3A_1 {
      %get3A_2 = arith.constant 0 : index
      %get3A_3 = arith.constant 0 : index
      %get3A_4 = vector.load %arg3[%get3A_2, %get3A_3] : memref<256x2048xbf16, #tpu.memory_space<vmem>>, vector<256x2048xbf16>
      %get3A_5 = arith.constant 0 : index
      %get3A_6 = arith.constant 0 : index
      %get3A_7 = arith.constant 0 : index
      %get3A_8 = vector.load %arg4[%get3A_5, %get3A_6, %get3A_7] : memref<1x768x2048xbf16, #tpu.memory_space<vmem>>, vector<1x768x2048xbf16>
      %get3A_9 = vector.shape_cast %get3A_8 : vector<1x768x2048xbf16> to vector<768x2048xbf16>
      %dot_general3A = arith.constant dense<0.000000e+00> : vector<256x768xf32>
      %dot_general3A_10 = tpu.matmul %get3A_4, %get3A_9, %dot_general3A {dimension_numbers = #tpu.dot_dimension_numbers<[1], [1], [0], [0], [0, 0, 1, 0], [], []>, transpose_lhs_hint = false} : vector<256x2048xbf16>, vector<768x2048xbf16>, vector<256x768xf32> -> vector<256x768xf32>
      %get3A_11 = arith.constant 0 : index
      %get3A_12 = arith.constant 0 : index
      %get3A_13 = arith.constant 0 : index
      %get3A_14 = vector.load %arg5[%get3A_11, %get3A_12, %get3A_13] : memref<1x768x2048xbf16, #tpu.memory_space<vmem>>, vector<1x768x2048xbf16>
      %get3A_15 = vector.shape_cast %get3A_14 : vector<1x768x2048xbf16> to vector<768x2048xbf16>
      %dot_general3A_16 = arith.constant dense<0.000000e+00> : vector<256x768xf32>
      %dot_general3A_17 = tpu.matmul %get3A_4, %get3A_15, %dot_general3A_16 {dimension_numbers = #tpu.dot_dimension_numbers<[1], [1], [0], [0], [0, 0, 1, 0], [], []>, transpose_lhs_hint = false} : vector<256x2048xbf16>, vector<768x2048xbf16>, vector<256x768xf32> -> vector<256x768xf32>
      %logistic3A = arith.negf %dot_general3A_10 : vector<256x768xf32>
      %logistic3A_18 = math.exp %logistic3A : vector<256x768xf32>
      %logistic3A_19 = arith.constant 1.000000e+00 : f32
      %logistic3A_20 = vector.broadcast %logistic3A_19 : f32 to vector<256x768xf32>
      %logistic3A_21 = arith.addf %logistic3A_20, %logistic3A_18 : vector<256x768xf32>
      %logistic3A_22 = arith.divf %logistic3A_20, %logistic3A_21 : vector<256x768xf32>
      %mul3A = arith.mulf %dot_general3A_10, %logistic3A_22 : vector<256x768xf32>
      %mul3A_23 = arith.mulf %mul3A, %dot_general3A_17 : vector<256x768xf32>
      %convert_element_type3A_24 = arith.truncf %mul3A_23 : vector<256x768xf32> to vector<256x768xbf16>
      %get3A_25 = arith.constant 0 : index
      %get3A_26 = arith.constant 0 : index
      %get3A_27 = arith.constant 0 : index
      %get3A_28 = vector.load %arg6[%get3A_25, %get3A_26, %get3A_27] : memref<1x2048x768xbf16, #tpu.memory_space<vmem>>, vector<1x2048x768xbf16>
      %get3A_29 = vector.shape_cast %get3A_28 : vector<1x2048x768xbf16> to vector<2048x768xbf16>
      %dot_general3A_30 = arith.constant dense<0.000000e+00> : vector<256x2048xf32>
      %dot_general3A_31 = tpu.matmul %convert_element_type3A_24, %get3A_29, %dot_general3A_30 {dimension_numbers = #tpu.dot_dimension_numbers<[1], [1], [0], [0], [0, 0, 1, 0], [], []>, transpose_lhs_hint = false} : vector<256x768xbf16>, vector<2048x768xbf16>, vector<256x2048xf32> -> vector<256x2048xf32>
      %get3A_32 = arith.constant 0 : index
      %get3A_33 = arith.constant 0 : index
      %get3A_34 = vector.load %arg7[%get3A_32, %get3A_33] : memref<256x1xf32, #tpu.memory_space<vmem>>, vector<256x1xf32>
      %mul3A_35 = vector.broadcast %get3A_34 : vector<256x1xf32> to vector<256x2048xf32>
      %mul3A_36 = arith.mulf %dot_general3A_31, %mul3A_35 : vector<256x2048xf32>
      %swap3A = arith.constant 0 : index
      %swap3A_37 = arith.constant 0 : index
      %swap3A_38 = vector.load %arg8[%swap3A, %swap3A_37] : memref<256x2048xf32, #tpu.memory_space<vmem>>, vector<256x2048xf32>
      tpu.vector_store %arg8[%swap3A, %swap3A_37], %mul3A_36 {strides = array<i32>} : memref<256x2048xf32, #tpu.memory_space<vmem>>, vector<256x2048xf32>,
    } else {
    }
    return
  }
  func.func @transform_0(%arg0: i32, %arg1: memref<24xi32, #tpu.memory_space<smem>>, %arg2: memref<1xi32, #tpu.memory_space<smem>>) -> (i32, i32) {
    %c0_i32 = arith.constant 0 : i32
    %c0_i32_0 = arith.constant 0 : i32
    return %arg0, %c0_i32 : i32, i32
  }
  func.func @transform_1(%arg0: i32, %arg1: memref<24xi32, #tpu.memory_space<smem>>, %arg2: memref<1xi32, #tpu.memory_space<smem>>) -> (i32, i32, i32) {
    %get3A = arith.index_cast %arg0 : i32 to index
    %get3A_0 = memref.load %arg1[%get3A] : memref<24xi32, #tpu.memory_space<smem>>
    %c0_i32 = arith.constant 0 : i32
    %c0_i32_1 = arith.constant 0 : i32
    %c0_i32_2 = arith.constant 0 : i32
    return %get3A_0, %c0_i32, %c0_i32_1 : i32, i32, i32
  }
  func.func @transform_2(%arg0: i32, %arg1: memref<24xi32, #tpu.memory_space<smem>>, %arg2: memref<1xi32, #tpu.memory_space<smem>>) -> (i32, i32, i32) {
    %get3A = arith.index_cast %arg0 : i32 to index
    %get3A_0 = memref.load %arg1[%get3A] : memref<24xi32, #tpu.memory_space<smem>>
    %c0_i32 = arith.constant 0 : i32
    %c0_i32_1 = arith.constant 0 : i32
    %c0_i32_2 = arith.constant 0 : i32
    return %get3A_0, %c0_i32, %c0_i32_1 : i32, i32, i32
  }
  func.func @transform_3(%arg0: i32, %arg1: memref<24xi32, #tpu.memory_space<smem>>, %arg2: memref<1xi32, #tpu.memory_space<smem>>) -> (i32, i32, i32) {
    %get3A = arith.index_cast %arg0 : i32 to index
    %get3A_0 = memref.load %arg1[%get3A] : memref<24xi32, #tpu.memory_space<smem>>
    %c0_i32 = arith.constant 0 : i32
    %c0_i32_1 = arith.constant 0 : i32
    %c0_i32_2 = arith.constant 0 : i32
    return %get3A_0, %c0_i32, %c0_i32_1 : i32, i32, i32
  }
  func.func @transform_4(%arg0: i32, %arg1: memref<24xi32, #tpu.memory_space<smem>>, %arg2: memref<1xi32, #tpu.memory_space<smem>>) -> (i32, i32) {
    %c0_i32 = arith.constant 0 : i32
    %c0_i32_0 = arith.constant 0 : i32
    return %arg0, %c0_i32 : i32, i32
  }
  func.func @transform_5(%arg0: i32, %arg1: memref<24xi32, #tpu.memory_space<smem>>, %arg2: memref<1xi32, #tpu.memory_space<smem>>) -> (i32, i32) {
    %c0_i32 = arith.constant 0 : i32
    %c0_i32_0 = arith.constant 0 : i32
    return %arg0, %c0_i32 : i32, i32
  }
}

</mosaic_0001>

<sc_bundles>
// kernel: gather_offload_async_start
scs
__scs_entry_jumppad:
0x0: {  	(pc) =	sbr.rel $0x88, $3  }
0x1: {  	(tag) =	ssettag $0x0;
	lr =	simm.s32 $0x1  }
0x2: {  	[smem:$0x3F9C] =	sst lr;
	_ =	strace $0xD0000000  }
0x3: {  	_ = 	snop  }
0x4: {  	_ = 	snop  }
0x5: {  	_ = 	snop  }
0x6: {  	_ = 	snop  }
0x7: {  	_ = 	snop  }
__scs_overlays_trampoline_lowered:
0x8: {  	[smem:$0x3FAB] =	sst s0  }
0x9: {  	[smem:$0x3FAC] =	sst s1  }
0xa: {  	[smem:$0x3FAD] =	sst s2  }
0xb: {  	[smem:$0x3FAE] =	sst s3  }
0xc: {  	[smem:$0x3FAF] =	sst s4  }
0xd: {  	[smem:$0x3FB0] =	sst s5  }
0xe: {  	[smem:$0x3FB1] =	sst s6  }
0xf: {  	[smem:$0x3FB2] =	sst s7  }
0x10: {  	[smem:$0x3FB3] =	sst s8  }
0x11: {  	[smem:$0x3FB4] =	sst s9;
	s0 =	simm.s32 @!p0 $0x0  }
0x12: {  	s1 =	sld [smem:$0x3F9A];
	s0 =	simm.s32 @p0 $0x1  }
0x13: {  	[smem:$0x3FB5] =	sst s0;
	s0 =	simm.s32 @!p1 $0x0  }
0x14: {  	s2 =	sld [smem:$0x3F99];
	s0 =	simm.s32 @p1 $0x1  }
0x15: {  	[smem:$0x3FB6] =	sst s0;
	s0 =	simm.s32 @!p2 $0x0  }
0x16: {  	s3 =	sld [smem:$0x3FDB];
	s0 =	simm.s32 @p2 $0x1  }
0x17: {  	s4 =	simm.s32 $0x1BF5;
	[smem:$0x3FB8] =	sst s0  }
0x18: {  	s0 =	sld [smem:$0x3F9B];
	_ =	swait.ge [sflag:s4], $0x0  }
0x19: {  	s7 =	sld [smem:$0x3F9C]  }
0x1a: {  	s8 =	sadd.s32 $0xFFFFE003, lr  }
0x1b: {  	s9 =	sadd.s32 $0xFFFFFEF7, lr;
	s5 =	simm.s32 $0xFFFFFFFF;
	p2 =	slt.u32 s8, $0xFFFFF086  }
0x1c: {  	p1 =	slt.u32 s9, $0xF7A;
	s5 =	simm.s32 @!p2 $0x0  }
0x1d: {  	s5 =	simm.s32 @p1 $0x1;
	p0 =	seq.s32 s7, s2  }
0x1e: {  	s7 =	smul.u32 @!p0 $0xF7A, s2;
	p2 =	seq.s32 @!p0 s5, $0x0  }
0x1f: {  	s9 =	smul.u32 $0xF7A, s1;
	s8 =	simm.s32 @!p0 $0x1BF5;
	p2 =	por !p2, p0  }
0x20: {  	[sflag:s8] =	ssyncset.s32 @!p0 $0xFFFFF086;
	s6 =	sadd.s32 @!p0 s3, s7;
	s7 =	simm.s32 @!p0 $0x108  }
0x21: {  	s3 =	sadd.s32 s3, s9;
	s6 =	sadd.s32 @!p0 $0x88, s6;
	s7 =	simm.s32 @p2 $0x1082  }
0x22: {  	[simem:s7], [sflag:s8] =	dma.local @!p0 [hbm:s6], $0xF7A  }
0x23: {  	s9 =	sor.u32 $0xD0000000, s2;
	s6 =	simm.s32 $0x108;
	_ =	swait.ge @!p0 [sflag:s8], $0x0  }
0x24: {  	s3 =	sadd.s32 $0x88, s3;
	s6 =	simm.s32 @!p1 $0x1082;
	[sflag:s4] =	ssyncset.s32 $0xFFFFF086  }
0x25: {  	[simem:s6], [sflag:s4] =	dma.local [hbm:s3], $0xF7A  }
0x26: {  	[smem:$0x3F9C] =	sst s1;
	(tag) =	ssettag s2;
	_ =	strace s9  }
0x27: {  	s1 =	sld [smem:$0x3FAC]  }
0x28: {  	s2 =	sld [smem:$0x3FAD]  }
0x29: {  	s4 =	sld [smem:$0x3FAF]  }
0x2a: {  	p0 =	seq.s32 s5, $0x0;
	s5 =	sld [smem:$0x3FB0]  }
0x2b: {  	s6 =	sld [smem:$0x3FB1]  }
0x2c: {  	s7 =	sld [smem:$0x3FB2]  }
0x2d: {  	s3 =	simm.s32 $0x108;
	s8 =	sld [smem:$0x3FB3]  }
0x2e: {  	s3 =	simm.s32 @!p0 $0x1082;
	s9 =	sld [smem:$0x3FB4]  }
0x2f: {  	lr =	sadd.s32 s0, s3;
	s0 =	sld [smem:$0x3FAB]  }
0x30: {  	s3 =	sld [smem:$0x3FAE]  }
0x31: {  	[smem:$0x3FB7] =	sst s10  }
0x32: {  	s10 =	sld [smem:$0x3FB5];
	_ =	sdelay $0x3  }
0x33: {  	p0 =	seq.s32 s10, $0x1;
	s10 =	sld [smem:$0x3FB7];
	_ =	sdelay $0x3  }
0x34: {  	[smem:$0x3FB7] =	sst s10  }
0x35: {  	s10 =	sld [smem:$0x3FB6];
	_ =	sdelay $0x3  }
0x36: {  	p1 =	seq.s32 s10, $0x1;
	s10 =	sld [smem:$0x3FB7];
	_ =	sdelay $0x3  }
0x37: {  	[smem:$0x3FB7] =	sst s10  }
0x38: {  	s10 =	sld [smem:$0x3FB8]  }
0x39: {  	_ = 	snop;
	(pc) =	sbr.ind lr, $3  }
0x3a: {  	_ = 	snop  }
0x3b: {  	_ = 	snop  }
0x3c: {  	p2 =	seq.s32 s10, $0x1;
	s10 =	sld [smem:$0x3FB7]  }
0x3d: {  	_ =	shalt  }
0x3e: {  	_ =	shalt  }
0x3f: {  	_ =	shalt  }
0x40: {  	_ =	shalt  }
0x41: {  	_ =	shalt  }
0x42: {  	_ =	shalt  }
0x43: {  	_ =	shalt  }
0x44: {  	_ =	shalt  }
0x45: {  	_ =	shalt  }
0x46: {  	_ =	shalt  }
0x47: {  	_ =	shalt  }
0x48: {  	_ =	shalt  }
0x49: {  	_ =	shalt  }
0x4a: {  	_ =	shalt  }
0x4b: {  	_ =	shalt  }
0x4c: {  	_ =	shalt  }
0x4d: {  	_ =	shalt  }
0x4e: {  	_ =	shalt  }
0x4f: {  	_ =	shalt  }
0x50: {  	_ =	shalt  }
0x51: {  	_ =	shalt  }
0x52: {  	_ =	shalt  }
0x53: {  	_ =	shalt  }
0x54: {  	_ =	shalt  }
0x55: {  	_ =	shalt  }
0x56: {  	_ =	shalt  }
0x57: {  	_ =	shalt  }
0x58: {  	_ =	shalt  }
0x59: {  	_ =	shalt  }
0x5a: {  	_ =	shalt  }
0x5b: {  	_ =	shalt  }
0x5c: {  	_ =	shalt  }
0x5d: {  	_ =	shalt  }
0x5e: {  	_ =	shalt  }
0x5f: {  	_ =	shalt  }
0x60: {  	_ =	shalt  }
0x61: {  	_ =	shalt  }
0x62: {  	_ =	shalt  }
0x63: {  	_ =	shalt  }
0x64: {  	_ =	shalt  }
0x65: {  	_ =	shalt  }
0x66: {  	_ =	shalt  }
0x67: {  	_ =	shalt  }
0x68: {  	_ =	shalt  }
0x69: {  	_ =	shalt  }
0x6a: {  	_ =	shalt  }
0x6b: {  	_ =	shalt  }
0x6c: {  	_ =	shalt  }
0x6d: {  	_ =	shalt  }
0x6e: {  	_ =	shalt  }
0x6f: {  	_ =	shalt  }
0x70: {  	_ =	shalt  }
0x71: {  	_ =	shalt  }
0x72: {  	_ =	shalt  }
0x73: {  	_ =	shalt  }
0x74: {  	_ =	shalt  }
0x75: {  	_ =	shalt  }
0x76: {  	_ =	shalt  }
0x77: {  	_ =	shalt  }
0x78: {  	_ =	shalt  }
0x79: {  	_ =	shalt  }
0x7a: {  	_ =	shalt  }
0x7b: {  	_ =	shalt  }
0x7c: {  	_ =	shalt  }
0x7d: {  	_ =	shalt  }
0x7e: {  	_ =	shalt  }
0x7f: {  	_ =	shalt  }
0x80: {  	_ =	shalt  }
0x81: {  	_ =	shalt  }
0x82: {  	_ =	shalt  }
0x83: {  	_ =	shalt  }
0x84: {  	_ =	shalt  }
0x85: {  	_ =	shalt  }
0x86: {  	_ =	shalt  }
0x87: {  	_ =	shalt  }
.Lfunc_end0:
.L_simem_size_0:
called_computation.1_lowered:
.L_overlay_start_0:
0x88: {  	s2 =	sld [smem:$0x3FD9]  }
0x89: {  	s3 =	sld [smem:$0x3FFE];
	_ =	sdelay $0x1  }
0x8a: {  	s1 =	srdreg.scid  }
0x8b: {  	s0 =	sand.u32 $0x1, s1  }
0x8c: {  	s16 =	sshll.u32 s0, $0xA;
	s2 =	sadd.s32 s3, s2  }
0x8d: {  	s2 =	sadd.s32 s2, s16  }
0x8e: {  	[smem:$0x3FC3] =	sst s2  }
0x8f: {  	_ = 	snop  }
0x90: {  	(tm) =	ssettm $0x1  }
0x91: {  	s17 =	sld [smem:$0x3FFB];
	_ =	sdelay $0x3  }
0x92: {  	_ =	strace s17  }
0x93: {  	s2 =	sld [smem:$0x3FFC];
	_ =	sdelay $0x3  }
0x94: {  	_ =	strace s2  }
0x95: {  	s2 =	sld [smem:$0x3FFD];
	_ =	sdelay $0x3  }
0x96: {  	_ =	strace s2  }
0x97: {  	_ =	strace $0x8FFFFFFF  }
0x98: {  	s18 =	sld [smem:$0x3FDB];
	_ =	sdelay $0x1  }
0x99: {  	s19 =	simm.s32 $_scs_section_size  }
0x9a: {  	s4 =	simm.s32 $_size__tile_overlayer_lowered;
	s5 =	simm.s32 $_tile_overlayer_lowered  }
0x9b: {  	s22 =	simm.s32 $0x1BFF;
	s21 =	sshll.u32 s5, $0x1;
	s2 =	sadd.s32 s19, s18  }
0x9c: {  	s6 =	simm.s32 $0x0;
	s20 =	sshll.u32 s4, $0x1;
	s4 =	sadd.s32 s21, s2  }
0x9d: {  	[timem:s6], [sflag:s22] =	dma.local [hbm:s4], s20  }
0x9e: {  	_ =	swait.ge [sflag:s22], s20  }
0x9f: {  	s3 =	ssub.s32 $0x0, s20;
	[sflag:s22] =	ssyncset.done $0x0  }
0xa0: {  	[sflag:s22] =	ssyncadd.s32 s3;
	_ =	sdelay $0x1  }
0xa1: {  	s23 =	simm.s32 $0x1B8B  }
0xa2: {  	_ =	swait.ge [sflag:s23], $0x1  }
0xa3: {  	[sflag:s23] =	ssyncset.done $0x0  }
0xa4: {  	s25 =	simm.s32 $0x1B8E;
	s24 =	sld [smem:$0x3FFE];
	[sflag:s23] =	ssyncadd.s32 $0xFFFFFFFF  }
0xa5: {  	s26 =	simm.s32 $execute0_lowered;
	[smem:$0x3FD2] =	sst s25  }
0xa6: {  	s4 =	sshll.u32 s26, $0x1;
	_ =	strace $0x80000046;
	[dreg:$0x1] =	wrdreg $0xFFFFFFFF  }
0xa7: {  	s28 =	simm.s32 $_size_execute0_lowered;
	s2 =	sadd.s32 s2, s4;
	[dreg:$0x0] =	wrdreg $0x0  }
0xa8: {  	s4 =	sshll.u32 s28, $0x1;
	[dreg:$0x2] =	wrdreg s2  }
0xa9: {  	[dreg:$0x3] =	wrdreg s4  }
0xaa: {  	[dreg:$0x4] =	wrdreg $0xC0  }
0xab: {  	_ =	task [dreg:s6], $0x5FFFF  }
0xac: {  	[dreg:$0x1] =	wrdreg $0xFFFFFFFF  }
0xad: {  	[dreg:$0x0] =	wrdreg $0x60  }
0xae: {  	[dreg:$0x2] =	wrdreg s24  }
0xaf: {  	[dreg:$0x3] =	wrdreg $0x9  }
0xb0: {  	_ =	task.clear_ibuf [dreg:s6], $0x4FFFF;
	_ =	strace $0x90000046  }
0xb1: {  	s29 =	simm.s32 $0x9;
	_ =	strace $0x80000048  }
0xb2: {  	_ =	swait.ge [sflag:s29], $0x1  }
0xb3: {  	[sflag:s29] =	ssyncadd.s32 $0xFFFFFFFF  }
0xb4: {  	_ =	strace $0x90000048  }
0xb5: {  	_ =	sfence  }
0xb6: {  	s30 =	sld [smem:$0x0];
	_ =	sdelay $0x2  }
0xb7: {  	s31 =	sshll.u32 s1, $0xD;
	s1 =	sshrl.u32 s1, $0x2  }
0xb8: {  	s3 =	sand.u32 $0x4000, s31;
	s1 =	sadd.s32 s1, s30  }
0xb9: {  	s0 =	sor.u32 s3, s0;
	s1 =	sshll.u32 s1, $0x11  }
0xba: {  	s0 =	sor.u32 s1, s0  }
0xbb: {  	s0 =	sadd.s32 $0x8F2B, s0  }
0xbc: {  	[sflag:s0] =	ssyncadd.remote.s32 $0x1  }
0xbd: {  	_ =	sfence.sel $0xFFFF  }
0xbe: {  	[dreg:$0x0] =	wrdreg $0xFFFFFFFF;
	(pc) =	sbr.abs _section_cstart, $3  }
0xbf: {  	[dreg:$0x1] =	wrdreg $0xFFFFFFFF  }
0xc0: {  	_ =	task.clear_ibuf [dreg:s6], $0x2FFFF;
	_ =	strace $0x9FFFFFFF  }
0xc1: {  	(tm) =	ssettm $0x7FFFFFFF  }
tec
execute0_lowered:
.L_overlay_start_1:
0x0: {  	(tag) =	ssettag $0x1  }
0x1: {  	s0 =	srdreg.scid;
	s5 =	rddreg [dreg:$0x0]  }
0x2: {  	s1 =	stileid.u32;
	s6 =	simm.s32 $0x1;
	s9 =	simm.s32 $0x1  }
0x3: {  	s10 =	simm.s32 $0x3;
	s13 =	simm.s32 $0x0;
	s2 =	sshll.u32 s0, $0x6  }
0x4: {  	s12 =	simm.s32 $0x0;
	s3 =	sshll.u32 s1, $0x7;
	s2 =	sand.u32 $0x40, s2  }
0x5: {  	s0 =	rddreg [dreg:$0x1];
	_ =	strace $0x80000047;
	s2 =	sor.u32 s3, s2  }
0x6: {  	s4 =	sadd.s32 $0x11600, s5;
	[sflag:s6] =	ssyncpa.u1 $0x0;
	s8 =	ssub.s32 $0x1000, s2  }
.Ltmp0:
0x7: {  	s3 =	sadd.s32 $0x400, s5;
	s7 =	sand.u32 $0x7C0, s8;
	(pc) =	sbr.rel .LBB2_1-.Ltmp0, $4  }
0x8: {  	s5 =	sadd.s32 $0x11800, s5;
	s11 =	smov.u32 s2;
	p0 =	sne.s32 s7, $0x0  }
0x9: {  	s8 =	sshrl.u32 s8, $0xB;
	s7 =	simm.s32 $0x2;
	s9 =	simm.s32 @!p0 $0x0  }
0xa: {  	[sflag:s7] =	ssyncpa.u1 $0x0;
	p0 =	por $0x0, $0x0;
	s8 =	sadd.s32 s9, s8  }
0xb: {  	vm0 =	vmmov $0xffff;
	[sflag:s10] =	ssyncpa.u1 $0x0;
	s10 =	simm.s32 $0x0;
	s9 =	sadd.s32 $0x1, s8  }
.LBB2_4:
0xc: {  	v5 =	vshrl.u32 v1, $0xC;
	v6 =	vshll.u32 v1, $0x7  }
0xd: {  	vm1 =	veq.s32 v1, $0x80000000;
	v58 =	vand.u32 $0x7, v5;
	v59 =	vand.u32 $0x7FF80, v6  }
0xe: {  	v1 =	vsel vm1, $0xFFFFFFFF, v58;
	v5 =	vsel vm1, $0xFFFFFF80, v59  }
0xf: {  	v3 =	vor.u32 v4, v3;
	v60 =	vand.u32 $0xFFFFFC00, v5;
	v61 =	vand.u32 $0xFFFFFC00, v1  }
0x10: {  	v2 =	vor.u32 v2, v3;
	v63 =	vand.u32 $0x380, v5;
	v62 =	vadd.s32 v61, v60  }
0x11: {  	v1 =	vand.u32 $0x7F, v1;
	v3 =	vor.u32 v63, v62  }
0x12: {  	v1 =	vor.u32 v1, v3  }
0x13: {  	[tilespmem:s15], [sflag:$0x1] =	stream.indirect_vreg.gather [hbm4b:s3+s10], $0x1, v0, vm0, $0x4038;
	[tilespmem:$0x100] =	vst v63  }
0x14: {  	(ifvalue) =	ssetifvalue $0x7FFFFFFF  }
0x15: {  	[tilespmem:s16], [sflag:$0x1] =	stream.indirect_vreg.gather [hbm4b:s3+s10], $0x1, v2, vm0, $0x4038;
	[tilespmem:$0x100] =	vst v63  }
0x16: {  	s29 =	sadd.s32 $0x10, s16;
	(ifvalue) =	ssetifvalue $0x7FFFFFFF  }
0x17: {  	[tilespmem:s29], [sflag:$0x1] =	stream.indirect_vreg.gather [hbm4b:s3+s10], $0x1, v1, vm0, $0x4038;
	[tilespmem:$0x100] =	vst v63  }
0x18: {  	_ =	swait.ge [sflag:s6], $0x40  }
0x19: {  	s30 =	sshrl.u32 s13, $0x3;
	[sflag:s6] =	ssyncset.done $0x0  }
0x1a: {  	s31 =	sand.u32 $0x7, s13;
	s15 =	sadd.s32 s5, s30;
	[sflag:s6] =	ssyncadd.s32 $0xFFFFFFC0  }
0x1b: {  	[hbm4b:s15+s31] =	stream.linear.scatter [tilespmem:s14], [sflag:$0x3], $0x40, $0x38;
	[tilespmem:$0x100] =	vst v63  }
.LBB2_5:
0x1c: {  	s15 =	sadd.s32 $0x800, s11  }
0x1d: {  	p2 =	sgt.s32 s15, $0xFFF  }
0x1e: {  	s15 =	smov.u32 @p2 s2;
	p2 =	sne.s32 s12, s9  }
.Ltmp1:
0x1f: {  	p1 =	slt.u32 s12, $0x2;
	(pc) =	sbr.rel @!p2 .LBB2_6-.Ltmp1, $4  }
0x20: {  	s14 =	simm.s32 @!p1 $0x3  }
0x21: {  	s16 =	sadd.s32 $0x1, s12;
	_ =	swait.ge @!p1 [sflag:s14], $0x40  }
0x22: {  	s13 =	smov.u32 s11;
	p0 =	por !p0, !p0;
	[sflag:s14] =	ssyncset.done @!p1 $0x0  }
0x23: {  	s12 =	smov.u32 s16;
	s11 =	smov.u32 s15;
	[sflag:s14] =	ssyncadd.s32 @!p1 $0xFFFFFFC0  }
.LBB2_1:
0x24: {  	p1 =	sge.u32 s12, s8  }
0x25: {  	s14 =	sxor.u32 @!p1 $0xFFFFFFFF, s12  }
0x26: {  	s31 =	sadd.s32 $0xFFFFFFFF, s12;
	s15 =	sshrl.u32 @!p1 s11, $0x3;
	s14 =	sshll.u32 @!p1 s14, $0x6  }
0x27: {  	s16 =	sand.u32 @!p1 $0x7, s11;
	s15 =	sadd.s32 @!p1 s4, s15;
	s14 =	sand.u32 @!p1 $0x40, s14  }
0x28: {  	[tilespmem:s14], [sflag:$0x2] =	stream.linear.gather @!p1 [hbm4b:s15+s16], $0x40, $0x38;
	[tilespmem:$0x100] =	vst v63  }
0x29: {  	p1 =	sge.u32 s31, s8  }
.Ltmp2:
0x2a: {  	_ = 	snop;
	(pc) =	sbr.rel @p1 .LBB2_5-.Ltmp2, $1  }
0x2b: {  	_ =	sdelay $0x3  }
0x2c: {  	s14 =	simm.s32 $0x1  }
0x2d: {  	_ =	swait.ge [sflag:s7], $0x40;
	s14 =	simm.s32 @!p0 $0x0  }
0x2e: {  	[sflag:s7] =	ssyncset.done $0x0;
	s14 =	sshll.u32 s14, $0x6  }
0x2f: {  	[sflag:s7] =	ssyncadd.s32 $0xFFFFFFC0;
	(ifvalue) =	ssetifvalue $0x7FFFFFFF;
	v0 =	vld.msk [tilespmem:s14+$0x0 ss:$0x1], $0xffff;
	_ =	sdelay $0x4  }
0x30: {  	s15 =	sadd.s32 $0x10, s14;
	v2 =	vshrl.u32 v0, $0xC;
	v3 =	vshll.u32 v0, $0x7  }
0x31: {  	v1 =	vld.msk [tilespmem:s15+$0x0 ss:$0x1], $0xffff;
	vm1 =	veq.s32 v0, $0x80000000;
	v0 =	vand.u32 $0x7, v2;
	v2 =	vand.u32 $0x7FF80, v3  }
0x32: {  	v0 =	vsel vm1, $0xFFFFFFFF, v0;
	v2 =	vsel vm1, $0xFFFFFF80, v2  }
0x33: {  	v3 =	vand.u32 $0xFFFFFC00, v2;
	v4 =	vand.u32 $0xFFFFFC00, v0  }
0x34: {  	v2 =	vand.u32 $0x380, v2;
	v3 =	vadd.s32 v4, v3  }
0x35: {  	v0 =	vand.u32 $0x7F, v0;
	v2 =	vor.u32 v2, v3  }
0x36: {  	v5 =	vshll.u32 v1, $0x7;
	v4 =	vshrl.u32 v1, $0xC;
	v0 =	vor.u32 v0, v2  }
0x37: {  	s16 =	sshll.u32 s12, $0x6;
	vm1 =	veq.s32 v1, $0x80000000;
	v1 =	vand.u32 $0x7, v4;
	v4 =	vand.u32 $0x7FF80, v5  }
0x38: {  	s16 =	sand.u32 $0x40, s16;
	s18 =	sadd.s32 $0x10, s15;
	v3 =	vsel vm1, $0xFFFFFFFF, v1;
	v4 =	vsel vm1, $0xFFFFFF80, v4  }
0x39: {  	s17 =	simm.s32 $0x20;
	s15 =	sor.u32 $0x80, s14;
	s14 =	sor.u32 $0x80, s16;
	v1 =	vld.msk [tilespmem:s18+$0x0 ss:$0x1], $0xffff;
	v5 =	vand.u32 $0xFFFFFC00, v4;
	v6 =	vand.u32 $0xFFFFFC00, v3  }
0x3a: {  	s16 =	sadd.s32 $0x10, s15;
	s18 =	sadd.s32 $0x10, s18;
	(ifvalue) =	ssetifvalue $0x7FFFFFFF;
	v2 =	vand.u32 $0x7F, v3;
	v4 =	vand.u32 $0x380, v4;
	v3 =	vadd.s32 v6, v5  }
.LBB2_3:
0x3b: {  	[tilespmem:s15], [sflag:$0x1] =	stream.indirect_vreg.gather [hbm4b:s3+s10], $0x1, v0, vm0, $0x4038;
	[tilespmem:$0x100] =	vst v63  }
0x3c: {  	s17 =	sadd.s32 $0x10, s17  }
0x3d: {  	v3 =	vor.u32 v4, v3;
	p1 =	slt.u32 s17, $0x30  }
.Ltmp3:
0x3e: {  	v4 =	vshrl.u32 v1, $0xC;
	v5 =	vshll.u32 v1, $0x7;
	s15 =	smov.u32 s16;
	v0 =	vor.u32 v2, v3;
	v2 =	vmovc v1;
	v1 =	vld.msk [tilespmem:s18+$0x0 ss:$0x1], $0xffff;
	(pc) =	sbr.rel @p1 .LBB2_3-.Ltmp3, $4  }
0x3f: {  	v3 =	vand.u32 $0x7FF80, v5;
	vm1 =	veq.s32 v2, $0x80000000;
	v2 =	vand.u32 $0x7, v4  }
0x40: {  	v4 =	vsel vm1, $0xFFFFFFFF, v2;
	v5 =	vsel vm1, $0xFFFFFF80, v3  }
0x41: {  	v2 =	vand.u32 $0x7F, v4;
	v3 =	vand.u32 $0xFFFFFC00, v5;
	v4 =	vand.u32 $0xFFFFFC00, v4  }
0x42: {  	s16 =	sadd.s32 $0x10, s16;
	s18 =	sadd.s32 $0x10, s18;
	v3 =	vadd.s32 v4, v3;
	v4 =	vand.u32 $0x380, v5;
	(ifvalue) =	ssetifvalue $0x7FFFFFFF  }
.Ltmp4:
0x43: {  	_ = 	snop;
	(pc) =	sbr.rel .LBB2_4-.Ltmp4, $1  }
0x44: {  	_ =	sdelay $0x3  }
.LBB2_6:
0x45: {  	_ =	sfence.sel $0x180000  }
0x46: {  	s2 =	simm.s32 $0x2;
	[bflag:$0x0] =	sbarrier.arrive $0xFFFF  }
0x47: {  	s30 =	simm.s32 $0x3;
	[sflag:s2] =	ssyncpa.u1 $0x1  }
0x48: {  	s31 =	simm.s32 $0x1;
	[sflag:s30] =	ssyncpa.u1 $0x1  }
0x49: {  	[sflag:s31] =	ssyncpa.u1 $0x1  }
0x4a: {  	p0 =	sne.s32 s1, $0x0;
	_ =	strace $0x90000047  }
0x4b: {  	s0 =	sadd.s32 @!p0 $0x100000, s0;
	[bflag:$0x2] =	sbarrier.arrive $0xFFFF  }
0x4c: {  	[sflag:s0] =	ssyncadd.tile.s32 @!p0 $0x1;
	_ =	shalt  }
.Lfunc_end2:
_tile_overlayer_lowered:
.L_overlay_start_2:
0x4d: {  	(tag) =	ssettag $0x2  }
0x4e: {  	s0 =	rddreg [dreg:$0x0];
	s2 =	stileid.u32  }
0x4f: {  	s1 =	rddreg [dreg:$0x1];
	p0 =	sne.s32 s2, $0x0  }
0x50: {  	s3 =	rddreg [dreg:$0x2];
	[bflag:$0x3] =	sbarrier.arrive $0xFFFF;
	s2 =	simm.s32 @!p0 $0x1C01  }
0x51: {  	[timem:s3], [sflag:s2] =	dma.local @!p0 [hbm:s0], s1  }
0x52: {  	s0 =	simm.s32 @!p0 $0x1  }
0x53: {  	_ =	swait.ge @!p0 [sflag:s0], s1  }
0x54: {  	s1 =	ssub.s32 @!p0 $0x0, s1;
	[sflag:s0] =	ssyncset.done @!p0 $0x0  }
0x55: {  	[sflag:s0] =	ssyncadd.s32 @!p0 s1  }
0x56: {  	[bflag:$0x3] =	sbarrier.arrive $0xFFFF  }
0x57: {  	_ =	shalt  }

// kernel: kernel.6.cloned.1.call-start
scs
__scs_entry_jumppad:
0x0: {  	(pc) =	sbr.rel $0x88, $3  }
0x1: {  	(tag) =	ssettag $0x0;
	lr =	simm.s32 $0x1  }
0x2: {  	[smem:$0x3F9C] =	sst lr;
	_ =	strace $0xD0000000  }
0x3: {  	_ = 	snop  }
0x4: {  	_ = 	snop  }
0x5: {  	_ = 	snop  }
0x6: {  	_ = 	snop  }
0x7: {  	_ = 	snop  }
__scs_overlays_trampoline_lowered:
0x8: {  	[smem:$0x3FAB] =	sst s0  }
0x9: {  	[smem:$0x3FAC] =	sst s1  }
0xa: {  	[smem:$0x3FAD] =	sst s2  }
0xb: {  	[smem:$0x3FAE] =	sst s3  }
0xc: {  	[smem:$0x3FAF] =	sst s4  }
0xd: {  	[smem:$0x3FB0] =	sst s5  }
0xe: {  	[smem:$0x3FB1] =	sst s6  }
0xf: {  	[smem:$0x3FB2] =	sst s7  }
0x10: {  	[smem:$0x3FB3] =	sst s8  }
0x11: {  	[smem:$0x3FB4] =	sst s9;
	s0 =	simm.s32 @!p0 $0x0  }
0x12: {  	s1 =	sld [smem:$0x3F9A];
	s0 =	simm.s32 @p0 $0x1  }
0x13: {  	[smem:$0x3FB5] =	sst s0;
	s0 =	simm.s32 @!p1 $0x0  }
0x14: {  	s2 =	sld [smem:$0x3F99];
	s0 =	simm.s32 @p1 $0x1  }
0x15: {  	[smem:$0x3FB6] =	sst s0;
	s0 =	simm.s32 @!p2 $0x0  }
0x16: {  	s3 =	sld [smem:$0x3FDB];
	s0 =	simm.s32 @p2 $0x1  }
0x17: {  	s4 =	simm.s32 $0x1BF5;
	[smem:$0x3FB8] =	sst s0  }
0x18: {  	s0 =	sld [smem:$0x3F9B];
	_ =	swait.ge [sflag:s4], $0x0  }
0x19: {  	s7 =	sld [smem:$0x3F9C]  }
0x1a: {  	s8 =	sadd.s32 $0xFFFFE003, lr  }
0x1b: {  	s9 =	sadd.s32 $0xFFFFFEF7, lr;
	s5 =	simm.s32 $0xFFFFFFFF;
	p2 =	slt.u32 s8, $0xFFFFF086  }
0x1c: {  	p1 =	slt.u32 s9, $0xF7A;
	s5 =	simm.s32 @!p2 $0x0  }
0x1d: {  	s5 =	simm.s32 @p1 $0x1;
	p0 =	seq.s32 s7, s2  }
0x1e: {  	s7 =	smul.u32 @!p0 $0xF7A, s2;
	p2 =	seq.s32 @!p0 s5, $0x0  }
0x1f: {  	s9 =	smul.u32 $0xF7A, s1;
	s8 =	simm.s32 @!p0 $0x1BF5;
	p2 =	por !p2, p0  }
0x20: {  	[sflag:s8] =	ssyncset.s32 @!p0 $0xFFFFF086;
	s6 =	sadd.s32 @!p0 s3, s7;
	s7 =	simm.s32 @!p0 $0x108  }
0x21: {  	s3 =	sadd.s32 s3, s9;
	s6 =	sadd.s32 @!p0 $0x88, s6;
	s7 =	simm.s32 @p2 $0x1082  }
0x22: {  	[simem:s7], [sflag:s8] =	dma.local @!p0 [hbm:s6], $0xF7A  }
0x23: {  	s9 =	sor.u32 $0xD0000000, s2;
	s6 =	simm.s32 $0x108;
	_ =	swait.ge @!p0 [sflag:s8], $0x0  }
0x24: {  	s3 =	sadd.s32 $0x88, s3;
	s6 =	simm.s32 @!p1 $0x1082;
	[sflag:s4] =	ssyncset.s32 $0xFFFFF086  }
0x25: {  	[simem:s6], [sflag:s4] =	dma.local [hbm:s3], $0xF7A  }
0x26: {  	[smem:$0x3F9C] =	sst s1;
	(tag) =	ssettag s2;
	_ =	strace s9  }
0x27: {  	s1 =	sld [smem:$0x3FAC]  }
0x28: {  	s2 =	sld [smem:$0x3FAD]  }
0x29: {  	s4 =	sld [smem:$0x3FAF]  }
0x2a: {  	p0 =	seq.s32 s5, $0x0;
	s5 =	sld [smem:$0x3FB0]  }
0x2b: {  	s6 =	sld [smem:$0x3FB1]  }
0x2c: {  	s7 =	sld [smem:$0x3FB2]  }
0x2d: {  	s3 =	simm.s32 $0x108;
	s8 =	sld [smem:$0x3FB3]  }
0x2e: {  	s3 =	simm.s32 @!p0 $0x1082;
	s9 =	sld [smem:$0x3FB4]  }
0x2f: {  	lr =	sadd.s32 s0, s3;
	s0 =	sld [smem:$0x3FAB]  }
0x30: {  	s3 =	sld [smem:$0x3FAE]  }
0x31: {  	[smem:$0x3FB7] =	sst s10  }
0x32: {  	s10 =	sld [smem:$0x3FB5];
	_ =	sdelay $0x3  }
0x33: {  	p0 =	seq.s32 s10, $0x1;
	s10 =	sld [smem:$0x3FB7];
	_ =	sdelay $0x3  }
0x34: {  	[smem:$0x3FB7] =	sst s10  }
0x35: {  	s10 =	sld [smem:$0x3FB6];
	_ =	sdelay $0x3  }
0x36: {  	p1 =	seq.s32 s10, $0x1;
	s10 =	sld [smem:$0x3FB7];
	_ =	sdelay $0x3  }
0x37: {  	[smem:$0x3FB7] =	sst s10  }
0x38: {  	s10 =	sld [smem:$0x3FB8]  }
0x39: {  	_ = 	snop;
	(pc) =	sbr.ind lr, $3  }
0x3a: {  	_ = 	snop  }
0x3b: {  	_ = 	snop  }
0x3c: {  	p2 =	seq.s32 s10, $0x1;
	s10 =	sld [smem:$0x3FB7]  }
0x3d: {  	_ =	shalt  }
0x3e: {  	_ =	shalt  }
0x3f: {  	_ =	shalt  }
0x40: {  	_ =	shalt  }
0x41: {  	_ =	shalt  }
0x42: {  	_ =	shalt  }
0x43: {  	_ =	shalt  }
0x44: {  	_ =	shalt  }
0x45: {  	_ =	shalt  }
0x46: {  	_ =	shalt  }
0x47: {  	_ =	shalt  }
0x48: {  	_ =	shalt  }
0x49: {  	_ =	shalt  }
0x4a: {  	_ =	shalt  }
0x4b: {  	_ =	shalt  }
0x4c: {  	_ =	shalt  }
0x4d: {  	_ =	shalt  }
0x4e: {  	_ =	shalt  }
0x4f: {  	_ =	shalt  }
0x50: {  	_ =	shalt  }
0x51: {  	_ =	shalt  }
0x52: {  	_ =	shalt  }
0x53: {  	_ =	shalt  }
0x54: {  	_ =	shalt  }
0x55: {  	_ =	shalt  }
0x56: {  	_ =	shalt  }
0x57: {  	_ =	shalt  }
0x58: {  	_ =	shalt  }
0x59: {  	_ =	shalt  }
0x5a: {  	_ =	shalt  }
0x5b: {  	_ =	shalt  }
0x5c: {  	_ =	shalt  }
0x5d: {  	_ =	shalt  }
0x5e: {  	_ =	shalt  }
0x5f: {  	_ =	shalt  }
0x60: {  	_ =	shalt  }
0x61: {  	_ =	shalt  }
0x62: {  	_ =	shalt  }
0x63: {  	_ =	shalt  }
0x64: {  	_ =	shalt  }
0x65: {  	_ =	shalt  }
0x66: {  	_ =	shalt  }
0x67: {  	_ =	shalt  }
0x68: {  	_ =	shalt  }
0x69: {  	_ =	shalt  }
0x6a: {  	_ =	shalt  }
0x6b: {  	_ =	shalt  }
0x6c: {  	_ =	shalt  }
0x6d: {  	_ =	shalt  }
0x6e: {  	_ =	shalt  }
0x6f: {  	_ =	shalt  }
0x70: {  	_ =	shalt  }
0x71: {  	_ =	shalt  }
0x72: {  	_ =	shalt  }
0x73: {  	_ =	shalt  }
0x74: {  	_ =	shalt  }
0x75: {  	_ =	shalt  }
0x76: {  	_ =	shalt  }
0x77: {  	_ =	shalt  }
0x78: {  	_ =	shalt  }
0x79: {  	_ =	shalt  }
0x7a: {  	_ =	shalt  }
0x7b: {  	_ =	shalt  }
0x7c: {  	_ =	shalt  }
0x7d: {  	_ =	shalt  }
0x7e: {  	_ =	shalt  }
0x7f: {  	_ =	shalt  }
0x80: {  	_ =	shalt  }
0x81: {  	_ =	shalt  }
0x82: {  	_ =	shalt  }
0x83: {  	_ =	shalt  }
0x84: {  	_ =	shalt  }
0x85: {  	_ =	shalt  }
0x86: {  	_ =	shalt  }
0x87: {  	_ =	shalt  }
.Lfunc_end0:
.L_simem_size_0:
called_computation.2_lowered:
.L_overlay_start_0:
0x88: {  	s2 =	sld [smem:$0x3FD9]  }
0x89: {  	s3 =	sld [smem:$0x3FFE];
	_ =	sdelay $0x1  }
0x8a: {  	s1 =	srdreg.scid  }
0x8b: {  	s0 =	sand.u32 $0x1, s1  }
0x8c: {  	s17 =	sshll.u32 s0, $0xA;
	s2 =	sadd.s32 s3, s2  }
0x8d: {  	s2 =	sadd.s32 s2, s17  }
0x8e: {  	[smem:$0x3FC3] =	sst s2  }
0x8f: {  	_ = 	snop  }
0x90: {  	s2 =	sld [smem:$0x3FD0];
	(tm) =	ssettm $0x1  }
0x91: {  	s18 =	sld [smem:$0x3FFB];
	_ =	sdelay $0x3  }
0x92: {  	_ =	strace s18  }
0x93: {  	s3 =	sld [smem:$0x3FFC];
	_ =	sdelay $0x3  }
0x94: {  	_ =	strace s3  }
0x95: {  	s3 =	sld [smem:$0x3FFD];
	_ =	sdelay $0x3  }
0x96: {  	_ =	strace s3  }
0x97: {  	_ =	strace $0x8FFFFFFF  }
0x98: {  	s19 =	sld [smem:$0x3FDB];
	_ =	sdelay $0x1  }
0x99: {  	s4 =	simm.s32 $_scs_section_size  }
0x9a: {  	s5 =	simm.s32 $_size__tile_overlayer_lowered;
	s6 =	simm.s32 $_tile_overlayer_lowered  }
0x9b: {  	s22 =	simm.s32 $0x1BFF;
	s21 =	sshll.u32 s6, $0x1;
	s3 =	sadd.s32 s4, s19  }
0x9c: {  	s7 =	simm.s32 $0x0;
	s20 =	sshll.u32 s5, $0x1;
	s5 =	sadd.s32 s21, s3  }
0x9d: {  	[timem:s7], [sflag:s22] =	dma.local [hbm:s5], s20  }
0x9e: {  	_ =	swait.ge [sflag:s22], s20  }
0x9f: {  	s4 =	ssub.s32 $0x0, s20;
	[sflag:s22] =	ssyncset.done $0x0  }
0xa0: {  	[sflag:s22] =	ssyncadd.s32 s4;
	_ =	sdelay $0x1  }
0xa1: {  	s23 =	simm.s32 $0x1B8B  }
0xa2: {  	_ =	swait.ge [sflag:s23], $0x1  }
0xa3: {  	[sflag:s23] =	ssyncset.done $0x0  }
0xa4: {  	s25 =	simm.s32 $0x1B8E;
	s24 =	sld [smem:$0x3FFE];
	[sflag:s23] =	ssyncadd.s32 $0xFFFFFFFF  }
0xa5: {  	s26 =	simm.s32 $execute0_lowered;
	[smem:$0x3FD2] =	sst s25  }
0xa6: {  	s5 =	sshll.u32 s26, $0x1;
	_ =	strace $0x80000049;
	[dreg:$0x1] =	wrdreg $0xFFFFFFFF  }
0xa7: {  	s28 =	simm.s32 $_size_execute0_lowered;
	s3 =	sadd.s32 s3, s5;
	[dreg:$0x0] =	wrdreg $0x0  }
0xa8: {  	s5 =	sshll.u32 s28, $0x1;
	[dreg:$0x2] =	wrdreg s3  }
0xa9: {  	[dreg:$0x3] =	wrdreg s5  }
0xaa: {  	[dreg:$0x4] =	wrdreg $0xC0  }
0xab: {  	_ =	task [dreg:s7], $0x5FFFF  }
0xac: {  	[dreg:$0x1] =	wrdreg $0xFFFFFFFF  }
0xad: {  	[dreg:$0x0] =	wrdreg $0x60  }
0xae: {  	[dreg:$0x2] =	wrdreg s2  }
0xaf: {  	[dreg:$0x3] =	wrdreg s24  }
0xb0: {  	[dreg:$0x4] =	wrdreg $0x9  }
0xb1: {  	_ =	task.clear_ibuf [dreg:s7], $0x5FFFF;
	_ =	strace $0x90000049  }
0xb2: {  	s29 =	simm.s32 $0x9;
	_ =	strace $0x8000004B  }
0xb3: {  	_ =	swait.ge [sflag:s29], $0x1  }
0xb4: {  	[sflag:s29] =	ssyncadd.s32 $0xFFFFFFFF  }
0xb5: {  	_ =	strace $0x9000004B  }
0xb6: {  	_ =	sfence  }
0xb7: {  	s30 =	sld [smem:$0x0];
	_ =	sdelay $0x2  }
0xb8: {  	s31 =	sshll.u32 s1, $0xD;
	s1 =	sshrl.u32 s1, $0x2  }
0xb9: {  	s3 =	sand.u32 $0x4000, s31;
	s1 =	sadd.s32 s1, s30  }
0xba: {  	s0 =	sor.u32 s3, s0;
	s1 =	sshll.u32 s1, $0x11  }
0xbb: {  	s0 =	sor.u32 s1, s0  }
0xbc: {  	s0 =	sadd.s32 $0x8F2B, s0  }
0xbd: {  	[sflag:s0] =	ssyncadd.remote.s32 $0x1  }
0xbe: {  	_ =	sfence.sel $0xFFFF  }
0xbf: {  	[dreg:$0x0] =	wrdreg $0xFFFFFFFF;
	(pc) =	sbr.abs _section_cstart, $3  }
0xc0: {  	[dreg:$0x1] =	wrdreg $0xFFFFFFFF  }
0xc1: {  	_ =	task.clear_ibuf [dreg:s7], $0x2FFFF;
	_ =	strace $0x9FFFFFFF  }
0xc2: {  	(tm) =	ssettm $0x7FFFFFFF  }
0xc3: {  	_ =	shalt  }
tec
execute0_lowered:
.L_overlay_start_1:
0x0: {  	(tag) =	ssettag $0x1  }
0x1: {  	s0 =	srdreg.scid;
	s2 =	rddreg [dreg:$0x0]  }
0x2: {  	s1 =	stileid.u32;
	s4 =	rddreg [dreg:$0x1]  }
0x3: {  	s3 =	simm.s32 $0x0;
	s9 =	simm.s32 $0x3;
	s16 =	simm.s32 $0x900  }
0x4: {  	s17 =	simm.s32 $0x1100;
	s18 =	simm.s32 $0x1900;
	s19 =	simm.s32 $0x2100  }
0x5: {  	s20 =	simm.s32 $0x2900;
	s21 =	simm.s32 $0x3100;
	s22 =	simm.s32 $0x3900  }
0x6: {  	s23 =	simm.s32 $0x4100;
	s24 =	simm.s32 $0x4900;
	s25 =	simm.s32 $0x5100  }
0x7: {  	s26 =	simm.s32 $0x5900;
	s28 =	simm.s32 $0x6100;
	s29 =	simm.s32 $0x6900  }
0x8: {  	s30 =	simm.s32 $0x7100;
	s31 =	simm.s32 $0x7900;
	s12 =	simm.s32 $0x9900  }
0x9: {  	s11 =	simm.s32 $0xA900;
	s0 =	sand.u32 $0x1, s0;
	s1 =	sshll.u32 s1, $0x1  }
0xa: {  	s13 =	simm.s32 $0xB100;
	s14 =	simm.s32 $0xB900;
	s1 =	sor.u32 s0, s1  }
0xb: {  	[smem:$0x7FF] =	sst s3;
	s0 =	ssub.s32 $0x2, s0;
	s5 =	smul.u32 $0x18, s1  }
0xc: {  	_ =	strace $0x8000004A;
	s6 =	smul.u32 $0x6000, s1;
	s7 =	sshrl.u32 s0, $0x1  }
0xd: {  	s1 =	smul.u32 $0x30000, s1;
	s0 =	ssub.s32 s0, s7;
	s5 =	sadd.s32 s5, s4  }
0xe: {  	s7 =	sadd.s32 $0x300, s2;
	s4 =	sadd.s32 $0x11800, s4;
	s5 =	sadd.s32 $0x10800, s5  }
0xf: {  	s1 =	sshrl.u32 s1, $0x3;
	s6 =	sadd.s32 s4, s6;
	[dreg:$0x3] =	wrdreg s5  }
0x10: {  	s1 =	sadd.s32 s4, s1;
	[dreg:$0x7] =	wrdreg s6;
	s6 =	sadd.s32 $0x1800, s6  }
0x11: {  	v2 =	vlaneseq.u32;
	s10 =	smax.u32 s0, $0x1;
	s4 =	sadd.s32 $0x3000, s1;
	[dreg:$0x4] =	wrdreg s6  }
0x12: {  	vm0 =	vmmov $0xffff;
	v1 =	vshrl.u32 v2, $0x3;
	s5 =	sadd.s32 $0x100, s2;
	s1 =	sadd.s32 $0x4800, s1;
	[dreg:$0x5] =	wrdreg s4  }
0x13: {  	v0 =	vand.u32 $0x7, v2;
	v2 =	vor.u32 $0x8, v2;
	v1 =	vmul.u32 $0x8, v1;
	s6 =	sadd.s32 $0x200, s2;
	[dreg:$0x6] =	wrdreg s1;
	s1 =	simm.s32 $0xC100  }
.LBB2_1:
0x14: {  	s15 =	rddreg [dreg:$0x3]  }
0x15: {  	[tilespmem:s3], [sflag:$0x3] =	stream.linear.gather [hbm4b:s15+s3], $0xC0, $0x38;
	[tilespmem:$0x18100] =	vst v63  }
0x16: {  	_ =	swait.ge [sflag:s9], $0xC0  }
0x17: {  	[sflag:s9] =	ssyncset.done $0x0  }
0x18: {  	[sflag:s9] =	ssyncadd.s32 $0xFFFFFF40  }
0x19: {  	v3 =	vld [tilespmem:$0x0];
	_ =	sdelay $0x4  }
0x1a: {  	v4 =	vshll.u32 v3, $0x3  }
0x1b: {  	v3 =	vand.u32 $0x7, v3;
	v4 =	vand.u32 $0xFFFFFFC0, v4  }
0x1c: {  	v3 =	vor.u32 v3, v4  }
0x1d: {  	v4 =	vperm.xlane v3, v0;
	_ =	sdelay $0x1  }
0x1e: {  	v4 =	vadd.s32 v1, v4;
	_ =	sdelay $0x3  }
0x1f: {  	s0 =	simm.s32 $0x100  }
0x20: {  	[tilespmem:s0], [sflag:$0x1] =	stream.indirect_vreg.gather [hbm4b:s2+s3], $0x80, v4, vm0, $0xb8;
	[tilespmem:$0x18100] =	vst v63  }
0x21: {  	v3 =	vperm.xlane v3, v2  }
0x22: {  	[tilespmem:s16], [sflag:$0x1] =	stream.indirect_vreg.gather [hbm4b:s5+s3], $0x80, v4, vm0, $0xb8;
	[tilespmem:$0x18100] =	vst v63  }
0x23: {  	v3 =	vadd.s32 v1, v3  }
0x24: {  	[tilespmem:s17], [sflag:$0x1] =	stream.indirect_vreg.gather [hbm4b:s6+s3], $0x80, v4, vm0, $0xb8;
	[tilespmem:$0x18100] =	vst v63  }
0x25: {  	_ = 	snop  }
0x26: {  	[tilespmem:s18], [sflag:$0x1] =	stream.indirect_vreg.gather [hbm4b:s7+s3], $0x80, v4, vm0, $0xb8;
	[tilespmem:$0x18100] =	vst v63  }
0x27: {  	_ = 	snop  }
0x28: {  	[tilespmem:s19], [sflag:$0x1] =	stream.indirect_vreg.gather [hbm4b:s2+s3], $0x80, v3, vm0, $0xb8;
	[tilespmem:$0x18100] =	vst v63  }
0x29: {  	_ = 	snop  }
0x2a: {  	[tilespmem:s20], [sflag:$0x1] =	stream.indirect_vreg.gather [hbm4b:s5+s3], $0x80, v3, vm0, $0xb8;
	[tilespmem:$0x18100] =	vst v63  }
0x2b: {  	_ = 	snop  }
0x2c: {  	[tilespmem:s21], [sflag:$0x1] =	stream.indirect_vreg.gather [hbm4b:s6+s3], $0x80, v3, vm0, $0xb8;
	[tilespmem:$0x18100] =	vst v63  }
0x2d: {  	_ = 	snop  }
0x2e: {  	[tilespmem:s22], [sflag:$0x1] =	stream.indirect_vreg.gather [hbm4b:s7+s3], $0x80, v3, vm0, $0xb8;
	[tilespmem:$0x18100] =	vst v63  }
0x2f: {  	v3 =	vld [tilespmem:$0x10];
	_ =	sdelay $0x4  }
0x30: {  	v53 =	vshll.u32 v3, $0x3  }
0x31: {  	v3 =	vand.u32 $0x7, v3;
	v4 =	vand.u32 $0xFFFFFFC0, v53  }
0x32: {  	v3 =	vor.u32 v3, v4  }
0x33: {  	v4 =	vperm.xlane v3, v0;
	_ =	sdelay $0x1  }
0x34: {  	v4 =	vadd.s32 v1, v4;
	_ =	sdelay $0x4  }
0x35: {  	[tilespmem:s23], [sflag:$0x1] =	stream.indirect_vreg.gather [hbm4b:s2+s3], $0x80, v4, vm0, $0xb8;
	[tilespmem:$0x18100] =	vst v63  }
0x36: {  	v3 =	vperm.xlane v3, v2  }
0x37: {  	[tilespmem:s24], [sflag:$0x1] =	stream.indirect_vreg.gather [hbm4b:s5+s3], $0x80, v4, vm0, $0xb8;
	[tilespmem:$0x18100] =	vst v63  }
0x38: {  	v3 =	vadd.s32 v1, v3  }
0x39: {  	[tilespmem:s25], [sflag:$0x1] =	stream.indirect_vreg.gather [hbm4b:s6+s3], $0x80, v4, vm0, $0xb8;
	[tilespmem:$0x18100] =	vst v63  }
0x3a: {  	_ = 	snop  }
0x3b: {  	[tilespmem:s26], [sflag:$0x1] =	stream.indirect_vreg.gather [hbm4b:s7+s3], $0x80, v4, vm0, $0xb8;
	[tilespmem:$0x18100] =	vst v63  }
0x3c: {  	_ = 	snop  }
0x3d: {  	[tilespmem:s28], [sflag:$0x1] =	stream.indirect_vreg.gather [hbm4b:s2+s3], $0x80, v3, vm0, $0xb8;
	[tilespmem:$0x18100] =	vst v63  }
0x3e: {  	_ = 	snop  }
0x3f: {  	[tilespmem:s29], [sflag:$0x1] =	stream.indirect_vreg.gather [hbm4b:s5+s3], $0x80, v3, vm0, $0xb8;
	[tilespmem:$0x18100] =	vst v63  }
0x40: {  	_ = 	snop  }
0x41: {  	[tilespmem:s30], [sflag:$0x1] =	stream.indirect_vreg.gather [hbm4b:s6+s3], $0x80, v3, vm0, $0xb8;
	[tilespmem:$0x18100] =	vst v63  }
0x42: {  	_ = 	snop  }
0x43: {  	[tilespmem:s31], [sflag:$0x1] =	stream.indirect_vreg.gather [hbm4b:s7+s3], $0x80, v3, vm0, $0xb8;
	[tilespmem:$0x18100] =	vst v63  }
0x44: {  	v3 =	vld [tilespmem:$0x20];
	_ =	sdelay $0x4  }
0x45: {  	v54 =	vshll.u32 v3, $0x3  }
0x46: {  	v3 =	vand.u32 $0x7, v3;
	v4 =	vand.u32 $0xFFFFFFC0, v54  }
0x47: {  	v3 =	vor.u32 v3, v4  }
0x48: {  	v4 =	vperm.xlane v3, v0;
	_ =	sdelay $0x1  }
0x49: {  	v4 =	vadd.s32 v1, v4;
	_ =	sdelay $0x3  }
0x4a: {  	s4 =	simm.s32 $0x8100  }
0x4b: {  	[tilespmem:s4], [sflag:$0x1] =	stream.indirect_vreg.gather [hbm4b:s2+s3], $0x80, v4, vm0, $0xb8;
	[tilespmem:$0x18100] =	vst v63  }
0x4c: {  	s8 =	simm.s32 $0x8900;
	v3 =	vperm.xlane v3, v2  }
0x4d: {  	[tilespmem:s8], [sflag:$0x1] =	stream.indirect_vreg.gather [hbm4b:s5+s3], $0x80, v4, vm0, $0xb8;
	[tilespmem:$0x18100] =	vst v63  }
0x4e: {  	v3 =	vadd.s32 v1, v3;
	s4 =	simm.s32 $0x9100  }
0x4f: {  	[tilespmem:s4], [sflag:$0x1] =	stream.indirect_vreg.gather [hbm4b:s6+s3], $0x80, v4, vm0, $0xb8;
	[tilespmem:$0x18100] =	vst v63  }
0x50: {  	_ = 	snop  }
0x51: {  	[tilespmem:s12], [sflag:$0x1] =	stream.indirect_vreg.gather [hbm4b:s7+s3], $0x80, v4, vm0, $0xb8;
	[tilespmem:$0x18100] =	vst v63  }
0x52: {  	s15 =	simm.s32 $0xA100  }
0x53: {  	[tilespmem:s15], [sflag:$0x1] =	stream.indirect_vreg.gather [hbm4b:s2+s3], $0x80, v3, vm0, $0xb8;
	[tilespmem:$0x18100] =	vst v63  }
0x54: {  	_ = 	snop  }
0x55: {  	[tilespmem:s11], [sflag:$0x1] =	stream.indirect_vreg.gather [hbm4b:s5+s3], $0x80, v3, vm0, $0xb8;
	[tilespmem:$0x18100] =	vst v63  }
0x56: {  	_ = 	snop  }
0x57: {  	[tilespmem:s13], [sflag:$0x1] =	stream.indirect_vreg.gather [hbm4b:s6+s3], $0x80, v3, vm0, $0xb8;
	[tilespmem:$0x18100] =	vst v63  }
0x58: {  	_ = 	snop  }
0x59: {  	[tilespmem:s14], [sflag:$0x1] =	stream.indirect_vreg.gather [hbm4b:s7+s3], $0x80, v3, vm0, $0xb8;
	[tilespmem:$0x18100] =	vst v63  }
0x5a: {  	v3 =	vld [tilespmem:$0x30];
	_ =	sdelay $0x4  }
0x5b: {  	v55 =	vshll.u32 v3, $0x3  }
0x5c: {  	v3 =	vand.u32 $0x7, v3;
	v4 =	vand.u32 $0xFFFFFFC0, v55  }
0x5d: {  	v3 =	vor.u32 v3, v4  }
0x5e: {  	v4 =	vperm.xlane v3, v0;
	_ =	sdelay $0x1  }
0x5f: {  	v4 =	vadd.s32 v1, v4;
	_ =	sdelay $0x4  }
0x60: {  	[tilespmem:s1], [sflag:$0x2] =	stream.indirect_vreg.gather [hbm4b:s2+s3], $0x80, v4, vm0, $0xb8;
	[tilespmem:$0x18100] =	vst v63  }
0x61: {  	s8 =	simm.s32 $0xC900;
	v3 =	vperm.xlane v3, v2  }
0x62: {  	[tilespmem:s8], [sflag:$0x2] =	stream.indirect_vreg.gather [hbm4b:s5+s3], $0x80, v4, vm0, $0xb8;
	[tilespmem:$0x18100] =	vst v63  }
0x63: {  	s15 =	simm.s32 $0xD100;
	v3 =	vadd.s32 v1, v3  }
0x64: {  	[tilespmem:s15], [sflag:$0x2] =	stream.indirect_vreg.gather [hbm4b:s6+s3], $0x80, v4, vm0, $0xb8;
	[tilespmem:$0x18100] =	vst v63  }
0x65: {  	s8 =	simm.s32 $0xD900  }
0x66: {  	[tilespmem:s8], [sflag:$0x2] =	stream.indirect_vreg.gather [hbm4b:s7+s3], $0x80, v4, vm0, $0xb8;
	[tilespmem:$0x18100] =	vst v63  }
0x67: {  	s15 =	simm.s32 $0xE100  }
0x68: {  	[tilespmem:s15], [sflag:$0x2] =	stream.indirect_vreg.gather [hbm4b:s2+s3], $0x80, v3, vm0, $0xb8;
	[tilespmem:$0x18100] =	vst v63  }
0x69: {  	s8 =	simm.s32 $0xE900  }
0x6a: {  	[tilespmem:s8], [sflag:$0x2] =	stream.indirect_vreg.gather [hbm4b:s5+s3], $0x80, v3, vm0, $0xb8;
	[tilespmem:$0x18100] =	vst v63  }
0x6b: {  	s15 =	simm.s32 $0xF100  }
0x6c: {  	[tilespmem:s15], [sflag:$0x2] =	stream.indirect_vreg.gather [hbm4b:s6+s3], $0x80, v3, vm0, $0xb8;
	[tilespmem:$0x18100] =	vst v63  }
0x6d: {  	s8 =	simm.s32 $0xF900  }
0x6e: {  	[tilespmem:s8], [sflag:$0x2] =	stream.indirect_vreg.gather [hbm4b:s7+s3], $0x80, v3, vm0, $0xb8;
	[tilespmem:$0x18100] =	vst v63  }
0x6f: {  	v3 =	vld [tilespmem:$0x40];
	_ =	sdelay $0x4  }
0x70: {  	v56 =	vshll.u32 v3, $0x3  }
0x71: {  	v3 =	vand.u32 $0x7, v3;
	v4 =	vand.u32 $0xFFFFFFC0, v56  }
0x72: {  	v3 =	vor.u32 v3, v4  }
0x73: {  	v4 =	vperm.xlane v3, v0;
	_ =	sdelay $0x1  }
0x74: {  	v4 =	vadd.s32 v1, v4;
	_ =	sdelay $0x3  }
0x75: {  	s15 =	simm.s32 $0x10100  }
0x76: {  	[tilespmem:s15], [sflag:$0x2] =	stream.indirect_vreg.gather [hbm4b:s2+s3], $0x80, v4, vm0, $0xb8;
	[tilespmem:$0x18100] =	vst v63  }
0x77: {  	s8 =	simm.s32 $0x10900;
	v3 =	vperm.xlane v3, v2  }
0x78: {  	[tilespmem:s8], [sflag:$0x2] =	stream.indirect_vreg.gather [hbm4b:s5+s3], $0x80, v4, vm0, $0xb8;
	[tilespmem:$0x18100] =	vst v63  }
0x79: {  	v3 =	vadd.s32 v1, v3;
	s15 =	simm.s32 $0x11100  }
0x7a: {  	[tilespmem:s15], [sflag:$0x2] =	stream.indirect_vreg.gather [hbm4b:s6+s3], $0x80, v4, vm0, $0xb8;
	[tilespmem:$0x18100] =	vst v63  }
0x7b: {  	s8 =	simm.s32 $0x11900  }
0x7c: {  	[tilespmem:s8], [sflag:$0x2] =	stream.indirect_vreg.gather [hbm4b:s7+s3], $0x80, v4, vm0, $0xb8;
	[tilespmem:$0x18100] =	vst v63  }
0x7d: {  	s15 =	simm.s32 $0x12100  }
0x7e: {  	[tilespmem:s15], [sflag:$0x2] =	stream.indirect_vreg.gather [hbm4b:s2+s3], $0x80, v3, vm0, $0xb8;
	[tilespmem:$0x18100] =	vst v63  }
0x7f: {  	s8 =	simm.s32 $0x12900  }
0x80: {  	[tilespmem:s8], [sflag:$0x2] =	stream.indirect_vreg.gather [hbm4b:s5+s3], $0x80, v3, vm0, $0xb8;
	[tilespmem:$0x18100] =	vst v63  }
0x81: {  	s15 =	simm.s32 $0x13100  }
0x82: {  	[tilespmem:s15], [sflag:$0x2] =	stream.indirect_vreg.gather [hbm4b:s6+s3], $0x80, v3, vm0, $0xb8;
	[tilespmem:$0x18100] =	vst v63  }
0x83: {  	s8 =	simm.s32 $0x13900  }
0x84: {  	[tilespmem:s8], [sflag:$0x2] =	stream.indirect_vreg.gather [hbm4b:s7+s3], $0x80, v3, vm0, $0xb8;
	[tilespmem:$0x18100] =	vst v63  }
0x85: {  	v3 =	vld [tilespmem:$0x50];
	_ =	sdelay $0x4  }
0x86: {  	v57 =	vshll.u32 v3, $0x3  }
0x87: {  	v3 =	vand.u32 $0x7, v3;
	v4 =	vand.u32 $0xFFFFFFC0, v57  }
0x88: {  	v3 =	vor.u32 v3, v4  }
0x89: {  	v4 =	vperm.xlane v3, v0;
	_ =	sdelay $0x1  }
0x8a: {  	v4 =	vadd.s32 v1, v4;
	_ =	sdelay $0x3  }
0x8b: {  	s15 =	simm.s32 $0x14100  }
0x8c: {  	[tilespmem:s15], [sflag:$0x2] =	stream.indirect_vreg.gather [hbm4b:s2+s3], $0x80, v4, vm0, $0xb8;
	[tilespmem:$0x18100] =	vst v63  }
0x8d: {  	s8 =	simm.s32 $0x14900;
	v3 =	vperm.xlane v3, v2  }
0x8e: {  	[tilespmem:s8], [sflag:$0x2] =	stream.indirect_vreg.gather [hbm4b:s5+s3], $0x80, v4, vm0, $0xb8;
	[tilespmem:$0x18100] =	vst v63  }
0x8f: {  	v3 =	vadd.s32 v1, v3;
	s15 =	simm.s32 $0x15100  }
0x90: {  	[tilespmem:s15], [sflag:$0x2] =	stream.indirect_vreg.gather [hbm4b:s6+s3], $0x80, v4, vm0, $0xb8;
	[tilespmem:$0x18100] =	vst v63  }
0x91: {  	s8 =	simm.s32 $0x15900  }
0x92: {  	[tilespmem:s8], [sflag:$0x2] =	stream.indirect_vreg.gather [hbm4b:s7+s3], $0x80, v4, vm0, $0xb8;
	[tilespmem:$0x18100] =	vst v63  }
0x93: {  	s15 =	simm.s32 $0x16100  }
0x94: {  	[tilespmem:s15], [sflag:$0x2] =	stream.indirect_vreg.gather [hbm4b:s2+s3], $0x80, v3, vm0, $0xb8;
	[tilespmem:$0x18100] =	vst v63  }
0x95: {  	s8 =	simm.s32 $0x16900  }
0x96: {  	[tilespmem:s8], [sflag:$0x2] =	stream.indirect_vreg.gather [hbm4b:s5+s3], $0x80, v3, vm0, $0xb8;
	[tilespmem:$0x18100] =	vst v63  }
0x97: {  	s15 =	simm.s32 $0x17100  }
0x98: {  	[tilespmem:s15], [sflag:$0x2] =	stream.indirect_vreg.gather [hbm4b:s6+s3], $0x80, v3, vm0, $0xb8;
	[tilespmem:$0x18100] =	vst v63  }
0x99: {  	s0 =	simm.s32 $0x1;
	s8 =	simm.s32 $0x17900  }
0x9a: {  	[tilespmem:s8], [sflag:$0x2] =	stream.indirect_vreg.gather [hbm4b:s7+s3], $0x80, v3, vm0, $0xb8;
	[tilespmem:$0x18100] =	vst v63  }
0x9b: {  	_ =	swait.ge [sflag:s0], $0xC000  }
0x9c: {  	[sflag:s0] =	ssyncset.done $0x0  }
0x9d: {  	s8 =	simm.s32 $0x100;
	s15 =	rddreg [dreg:$0x7];
	[sflag:s0] =	ssyncadd.s32 $0xFFFF4000  }
0x9e: {  	[hbm4b:s15+s3] =	stream.linear.scatter [tilespmem:s8], [sflag:$0x3], $0xC000, $0x38;
	[tilespmem:$0x18100] =	vst v63  }
0x9f: {  	_ =	swait.ge [sflag:s9], $0xC000  }
0xa0: {  	[sflag:s9] =	ssyncset.done $0x0  }
0xa1: {  	[sflag:s9] =	ssyncadd.s32 $0xFFFF4000  }
0xa2: {  	v3 =	vld [tilespmem:$0x60];
	_ =	sdelay $0x4  }
0xa3: {  	v58 =	vshll.u32 v3, $0x3  }
0xa4: {  	v3 =	vand.u32 $0x7, v3;
	v4 =	vand.u32 $0xFFFFFFC0, v58  }
0xa5: {  	v3 =	vor.u32 v3, v4  }
0xa6: {  	v4 =	vperm.xlane v3, v0;
	_ =	sdelay $0x1  }
0xa7: {  	v4 =	vadd.s32 v1, v4;
	_ =	sdelay $0x4  }
0xa8: {  	[tilespmem:s8], [sflag:$0x1] =	stream.indirect_vreg.gather [hbm4b:s2+s3], $0x80, v4, vm0, $0xb8;
	[tilespmem:$0x18100] =	vst v63  }
0xa9: {  	v3 =	vperm.xlane v3, v2  }
0xaa: {  	[tilespmem:s16], [sflag:$0x1] =	stream.indirect_vreg.gather [hbm4b:s5+s3], $0x80, v4, vm0, $0xb8;
	[tilespmem:$0x18100] =	vst v63  }
0xab: {  	v3 =	vadd.s32 v1, v3  }
0xac: {  	[tilespmem:s17], [sflag:$0x1] =	stream.indirect_vreg.gather [hbm4b:s6+s3], $0x80, v4, vm0, $0xb8;
	[tilespmem:$0x18100] =	vst v63  }
0xad: {  	_ = 	snop  }
0xae: {  	[tilespmem:s18], [sflag:$0x1] =	stream.indirect_vreg.gather [hbm4b:s7+s3], $0x80, v4, vm0, $0xb8;
	[tilespmem:$0x18100] =	vst v63  }
0xaf: {  	_ = 	snop  }
0xb0: {  	[tilespmem:s19], [sflag:$0x1] =	stream.indirect_vreg.gather [hbm4b:s2+s3], $0x80, v3, vm0, $0xb8;
	[tilespmem:$0x18100] =	vst v63  }
0xb1: {  	_ = 	snop  }
0xb2: {  	[tilespmem:s20], [sflag:$0x1] =	stream.indirect_vreg.gather [hbm4b:s5+s3], $0x80, v3, vm0, $0xb8;
	[tilespmem:$0x18100] =	vst v63  }
0xb3: {  	_ = 	snop  }
0xb4: {  	[tilespmem:s21], [sflag:$0x1] =	stream.indirect_vreg.gather [hbm4b:s6+s3], $0x80, v3, vm0, $0xb8;
	[tilespmem:$0x18100] =	vst v63  }
0xb5: {  	_ = 	snop  }
0xb6: {  	[tilespmem:s22], [sflag:$0x1] =	stream.indirect_vreg.gather [hbm4b:s7+s3], $0x80, v3, vm0, $0xb8;
	[tilespmem:$0x18100] =	vst v63  }
0xb7: {  	v3 =	vld [tilespmem:$0x70];
	_ =	sdelay $0x4  }
0xb8: {  	v59 =	vshll.u32 v3, $0x3  }
0xb9: {  	v3 =	vand.u32 $0x7, v3;
	v4 =	vand.u32 $0xFFFFFFC0, v59  }
0xba: {  	v3 =	vor.u32 v3, v4  }
0xbb: {  	v4 =	vperm.xlane v3, v0;
	_ =	sdelay $0x1  }
0xbc: {  	v4 =	vadd.s32 v1, v4;
	_ =	sdelay $0x4  }
0xbd: {  	[tilespmem:s23], [sflag:$0x1] =	stream.indirect_vreg.gather [hbm4b:s2+s3], $0x80, v4, vm0, $0xb8;
	[tilespmem:$0x18100] =	vst v63  }
0xbe: {  	v3 =	vperm.xlane v3, v2  }
0xbf: {  	[tilespmem:s24], [sflag:$0x1] =	stream.indirect_vreg.gather [hbm4b:s5+s3], $0x80, v4, vm0, $0xb8;
	[tilespmem:$0x18100] =	vst v63  }
0xc0: {  	v3 =	vadd.s32 v1, v3  }
0xc1: {  	[tilespmem:s25], [sflag:$0x1] =	stream.indirect_vreg.gather [hbm4b:s6+s3], $0x80, v4, vm0, $0xb8;
	[tilespmem:$0x18100] =	vst v63  }
0xc2: {  	_ = 	snop  }
0xc3: {  	[tilespmem:s26], [sflag:$0x1] =	stream.indirect_vreg.gather [hbm4b:s7+s3], $0x80, v4, vm0, $0xb8;
	[tilespmem:$0x18100] =	vst v63  }
0xc4: {  	_ = 	snop  }
0xc5: {  	[tilespmem:s28], [sflag:$0x1] =	stream.indirect_vreg.gather [hbm4b:s2+s3], $0x80, v3, vm0, $0xb8;
	[tilespmem:$0x18100] =	vst v63  }
0xc6: {  	_ = 	snop  }
0xc7: {  	[tilespmem:s29], [sflag:$0x1] =	stream.indirect_vreg.gather [hbm4b:s5+s3], $0x80, v3, vm0, $0xb8;
	[tilespmem:$0x18100] =	vst v63  }
0xc8: {  	_ = 	snop  }
0xc9: {  	[tilespmem:s30], [sflag:$0x1] =	stream.indirect_vreg.gather [hbm4b:s6+s3], $0x80, v3, vm0, $0xb8;
	[tilespmem:$0x18100] =	vst v63  }
0xca: {  	_ = 	snop  }
0xcb: {  	[tilespmem:s31], [sflag:$0x1] =	stream.indirect_vreg.gather [hbm4b:s7+s3], $0x80, v3, vm0, $0xb8;
	[tilespmem:$0x18100] =	vst v63  }
0xcc: {  	v3 =	vld [tilespmem:$0x80];
	_ =	sdelay $0x4  }
0xcd: {  	v60 =	vshll.u32 v3, $0x3  }
0xce: {  	v3 =	vand.u32 $0x7, v3;
	v4 =	vand.u32 $0xFFFFFFC0, v60  }
0xcf: {  	v3 =	vor.u32 v3, v4  }
0xd0: {  	v4 =	vperm.xlane v3, v0;
	_ =	sdelay $0x1  }
0xd1: {  	v4 =	vadd.s32 v1, v4;
	_ =	sdelay $0x3  }
0xd2: {  	s15 =	simm.s32 $0x8100  }
0xd3: {  	[tilespmem:s15], [sflag:$0x1] =	stream.indirect_vreg.gather [hbm4b:s2+s3], $0x80, v4, vm0, $0xb8;
	[tilespmem:$0x18100] =	vst v63  }
0xd4: {  	v3 =	vperm.xlane v3, v2;
	s15 =	simm.s32 $0x8900  }
0xd5: {  	[tilespmem:s15], [sflag:$0x1] =	stream.indirect_vreg.gather [hbm4b:s5+s3], $0x80, v4, vm0, $0xb8;
	[tilespmem:$0x18100] =	vst v63  }
0xd6: {  	v3 =	vadd.s32 v1, v3  }
0xd7: {  	[tilespmem:s4], [sflag:$0x1] =	stream.indirect_vreg.gather [hbm4b:s6+s3], $0x80, v4, vm0, $0xb8;
	[tilespmem:$0x18100] =	vst v63  }
0xd8: {  	_ = 	snop  }
0xd9: {  	[tilespmem:s12], [sflag:$0x1] =	stream.indirect_vreg.gather [hbm4b:s7+s3], $0x80, v4, vm0, $0xb8;
	[tilespmem:$0x18100] =	vst v63  }
0xda: {  	s15 =	simm.s32 $0xA100  }
0xdb: {  	[tilespmem:s15], [sflag:$0x1] =	stream.indirect_vreg.gather [hbm4b:s2+s3], $0x80, v3, vm0, $0xb8;
	[tilespmem:$0x18100] =	vst v63  }
0xdc: {  	_ = 	snop  }
0xdd: {  	[tilespmem:s11], [sflag:$0x1] =	stream.indirect_vreg.gather [hbm4b:s5+s3], $0x80, v3, vm0, $0xb8;
	[tilespmem:$0x18100] =	vst v63  }
0xde: {  	_ = 	snop  }
0xdf: {  	[tilespmem:s13], [sflag:$0x1] =	stream.indirect_vreg.gather [hbm4b:s6+s3], $0x80, v3, vm0, $0xb8;
	[tilespmem:$0x18100] =	vst v63  }
0xe0: {  	s4 =	simm.s32 $0x2  }
0xe1: {  	[tilespmem:s14], [sflag:$0x1] =	stream.indirect_vreg.gather [hbm4b:s7+s3], $0x80, v3, vm0, $0xb8;
	[tilespmem:$0x18100] =	vst v63  }
0xe2: {  	_ =	swait.ge [sflag:s4], $0xC000  }
0xe3: {  	[sflag:s4] =	ssyncset.done $0x0  }
0xe4: {  	s8 =	rddreg [dreg:$0x4];
	[sflag:s4] =	ssyncadd.s32 $0xFFFF4000  }
0xe5: {  	[hbm4b:s8+s3] =	stream.linear.scatter [tilespmem:s1], [sflag:$0x3], $0xC000, $0x38;
	[tilespmem:$0x18100] =	vst v63  }
0xe6: {  	_ =	swait.ge [sflag:s9], $0xC000  }
0xe7: {  	[sflag:s9] =	ssyncset.done $0x0  }
0xe8: {  	[sflag:s9] =	ssyncadd.s32 $0xFFFF4000  }
0xe9: {  	v3 =	vld [tilespmem:$0x90];
	_ =	sdelay $0x4  }
0xea: {  	v61 =	vshll.u32 v3, $0x3  }
0xeb: {  	v3 =	vand.u32 $0x7, v3;
	v4 =	vand.u32 $0xFFFFFFC0, v61  }
0xec: {  	v3 =	vor.u32 v3, v4  }
0xed: {  	v4 =	vperm.xlane v3, v0;
	_ =	sdelay $0x1  }
0xee: {  	v4 =	vadd.s32 v1, v4;
	_ =	sdelay $0x4  }
0xef: {  	[tilespmem:s1], [sflag:$0x2] =	stream.indirect_vreg.gather [hbm4b:s2+s3], $0x80, v4, vm0, $0xb8;
	[tilespmem:$0x18100] =	vst v63  }
0xf0: {  	s15 =	simm.s32 $0xC900;
	v3 =	vperm.xlane v3, v2  }
0xf1: {  	[tilespmem:s15], [sflag:$0x2] =	stream.indirect_vreg.gather [hbm4b:s5+s3], $0x80, v4, vm0, $0xb8;
	[tilespmem:$0x18100] =	vst v63  }
0xf2: {  	v3 =	vadd.s32 v1, v3;
	s15 =	simm.s32 $0xD100  }
0xf3: {  	[tilespmem:s15], [sflag:$0x2] =	stream.indirect_vreg.gather [hbm4b:s6+s3], $0x80, v4, vm0, $0xb8;
	[tilespmem:$0x18100] =	vst v63  }
0xf4: {  	s15 =	simm.s32 $0xD900  }
0xf5: {  	[tilespmem:s15], [sflag:$0x2] =	stream.indirect_vreg.gather [hbm4b:s7+s3], $0x80, v4, vm0, $0xb8;
	[tilespmem:$0x18100] =	vst v63  }
0xf6: {  	s15 =	simm.s32 $0xE100  }
0xf7: {  	[tilespmem:s15], [sflag:$0x2] =	stream.indirect_vreg.gather [hbm4b:s2+s3], $0x80, v3, vm0, $0xb8;
	[tilespmem:$0x18100] =	vst v63  }
0xf8: {  	s15 =	simm.s32 $0xE900  }
0xf9: {  	[tilespmem:s15], [sflag:$0x2] =	stream.indirect_vreg.gather [hbm4b:s5+s3], $0x80, v3, vm0, $0xb8;
	[tilespmem:$0x18100] =	vst v63  }
0xfa: {  	s15 =	simm.s32 $0xF100  }
0xfb: {  	[tilespmem:s15], [sflag:$0x2] =	stream.indirect_vreg.gather [hbm4b:s6+s3], $0x80, v3, vm0, $0xb8;
	[tilespmem:$0x18100] =	vst v63  }
0xfc: {  	s15 =	simm.s32 $0xF900  }
0xfd: {  	[tilespmem:s15], [sflag:$0x2] =	stream.indirect_vreg.gather [hbm4b:s7+s3], $0x80, v3, vm0, $0xb8;
	[tilespmem:$0x18100] =	vst v63  }
0xfe: {  	v3 =	vld [tilespmem:$0xA0];
	_ =	sdelay $0x4  }
0xff: {  	v62 =	vshll.u32 v3, $0x3  }
0x100: {  	v3 =	vand.u32 $0x7, v3;
	v4 =	vand.u32 $0xFFFFFFC0, v62  }
0x101: {  	v3 =	vor.u32 v3, v4  }
0x102: {  	v4 =	vperm.xlane v3, v0;
	_ =	sdelay $0x1  }
0x103: {  	v4 =	vadd.s32 v1, v4;
	_ =	sdelay $0x3  }
0x104: {  	s15 =	simm.s32 $0x10100  }
0x105: {  	[tilespmem:s15], [sflag:$0x2] =	stream.indirect_vreg.gather [hbm4b:s2+s3], $0x80, v4, vm0, $0xb8;
	[tilespmem:$0x18100] =	vst v63  }
0x106: {  	v3 =	vperm.xlane v3, v2;
	s15 =	simm.s32 $0x10900  }
0x107: {  	[tilespmem:s15], [sflag:$0x2] =	stream.indirect_vreg.gather [hbm4b:s5+s3], $0x80, v4, vm0, $0xb8;
	[tilespmem:$0x18100] =	vst v63  }
0x108: {  	v3 =	vadd.s32 v1, v3;
	s15 =	simm.s32 $0x11100  }
0x109: {  	[tilespmem:s15], [sflag:$0x2] =	stream.indirect_vreg.gather [hbm4b:s6+s3], $0x80, v4, vm0, $0xb8;
	[tilespmem:$0x18100] =	vst v63  }
0x10a: {  	s15 =	simm.s32 $0x11900  }
0x10b: {  	[tilespmem:s15], [sflag:$0x2] =	stream.indirect_vreg.gather [hbm4b:s7+s3], $0x80, v4, vm0, $0xb8;
	[tilespmem:$0x18100] =	vst v63  }
0x10c: {  	s15 =	simm.s32 $0x12100  }
0x10d: {  	[tilespmem:s15], [sflag:$0x2] =	stream.indirect_vreg.gather [hbm4b:s2+s3], $0x80, v3, vm0, $0xb8;
	[tilespmem:$0x18100] =	vst v63  }
0x10e: {  	s15 =	simm.s32 $0x12900  }
0x10f: {  	[tilespmem:s15], [sflag:$0x2] =	stream.indirect_vreg.gather [hbm4b:s5+s3], $0x80, v3, vm0, $0xb8;
	[tilespmem:$0x18100] =	vst v63  }
0x110: {  	s15 =	simm.s32 $0x13100  }
0x111: {  	[tilespmem:s15], [sflag:$0x2] =	stream.indirect_vreg.gather [hbm4b:s6+s3], $0x80, v3, vm0, $0xb8;
	[tilespmem:$0x18100] =	vst v63  }
0x112: {  	s15 =	simm.s32 $0x13900  }
0x113: {  	[tilespmem:s15], [sflag:$0x2] =	stream.indirect_vreg.gather [hbm4b:s7+s3], $0x80, v3, vm0, $0xb8;
	[tilespmem:$0x18100] =	vst v63  }
0x114: {  	v3 =	vld [tilespmem:$0xB0];
	_ =	sdelay $0x4  }
0x115: {  	v63 =	vshll.u32 v3, $0x3  }
0x116: {  	v3 =	vand.u32 $0x7, v3;
	v4 =	vand.u32 $0xFFFFFFC0, v63  }
0x117: {  	v3 =	vor.u32 v3, v4  }
0x118: {  	v4 =	vperm.xlane v3, v0;
	_ =	sdelay $0x1  }
0x119: {  	v4 =	vadd.s32 v1, v4;
	_ =	sdelay $0x3  }
0x11a: {  	s15 =	simm.s32 $0x14100  }
0x11b: {  	[tilespmem:s15], [sflag:$0x2] =	stream.indirect_vreg.gather [hbm4b:s2+s3], $0x80, v4, vm0, $0xb8;
	[tilespmem:$0x18100] =	vst v63  }
0x11c: {  	v3 =	vperm.xlane v3, v2;
	s15 =	simm.s32 $0x14900  }
0x11d: {  	[tilespmem:s15], [sflag:$0x2] =	stream.indirect_vreg.gather [hbm4b:s5+s3], $0x80, v4, vm0, $0xb8;
	[tilespmem:$0x18100] =	vst v63  }
0x11e: {  	v3 =	vadd.s32 v1, v3;
	s15 =	simm.s32 $0x15100  }
0x11f: {  	[tilespmem:s15], [sflag:$0x2] =	stream.indirect_vreg.gather [hbm4b:s6+s3], $0x80, v4, vm0, $0xb8;
	[tilespmem:$0x18100] =	vst v63  }
0x120: {  	s15 =	simm.s32 $0x15900  }
0x121: {  	[tilespmem:s15], [sflag:$0x2] =	stream.indirect_vreg.gather [hbm4b:s7+s3], $0x80, v4, vm0, $0xb8;
	[tilespmem:$0x18100] =	vst v63  }
0x122: {  	s15 =	simm.s32 $0x16100  }
0x123: {  	[tilespmem:s15], [sflag:$0x2] =	stream.indirect_vreg.gather [hbm4b:s2+s3], $0x80, v3, vm0, $0xb8;
	[tilespmem:$0x18100] =	vst v63  }
0x124: {  	s15 =	simm.s32 $0x16900  }
0x125: {  	[tilespmem:s15], [sflag:$0x2] =	stream.indirect_vreg.gather [hbm4b:s5+s3], $0x80, v3, vm0, $0xb8;
	[tilespmem:$0x18100] =	vst v63  }
0x126: {  	s15 =	simm.s32 $0x17100  }
0x127: {  	[tilespmem:s15], [sflag:$0x2] =	stream.indirect_vreg.gather [hbm4b:s6+s3], $0x80, v3, vm0, $0xb8;
	[tilespmem:$0x18100] =	vst v63  }
0x128: {  	s15 =	simm.s32 $0x17900  }
0x129: {  	[tilespmem:s15], [sflag:$0x2] =	stream.indirect_vreg.gather [hbm4b:s7+s3], $0x80, v3, vm0, $0xb8;
	[tilespmem:$0x18100] =	vst v63  }
0x12a: {  	_ =	swait.ge [sflag:s0], $0xC000  }
0x12b: {  	[sflag:s0] =	ssyncset.done $0x0  }
0x12c: {  	s8 =	simm.s32 $0x100;
	s15 =	rddreg [dreg:$0x5];
	[sflag:s0] =	ssyncadd.s32 $0xFFFF4000  }
0x12d: {  	[hbm4b:s15+s3] =	stream.linear.scatter [tilespmem:s8], [sflag:$0x3], $0xC000, $0x38;
	[tilespmem:$0x18100] =	vst v63  }
0x12e: {  	_ =	swait.ge [sflag:s9], $0xC000  }
0x12f: {  	[sflag:s9] =	ssyncset.done $0x0  }
0x130: {  	[sflag:s9] =	ssyncadd.s32 $0xFFFF4000  }
0x131: {  	_ =	swait.ge [sflag:s4], $0xC000  }
0x132: {  	p0 =	sne.s32 s10, $0x1;
	[sflag:s4] =	ssyncset.done $0x0  }
.Ltmp0:
0x133: {  	s8 =	rddreg [dreg:$0x6];
	[sflag:s4] =	ssyncadd.s32 $0xFFFF4000;
	(pc) =	sbr.rel @p0 .LBB2_1-.Ltmp0, $4  }
0x134: {  	[hbm4b:s8+s3] =	stream.linear.scatter [tilespmem:s1], [sflag:$0x3], $0xC000, $0x38;
	[tilespmem:$0x18100] =	vst v63  }
0x135: {  	_ =	swait.ge [sflag:s9], $0xC000  }
0x136: {  	[sflag:s9] =	ssyncset.done $0x0  }
0x137: {  	s10 =	sadd.s32 $0xFFFFFFFF, s10;
	[sflag:s9] =	ssyncadd.s32 $0xFFFF4000  }
0x138: {  	_ =	sfence.sel $0x180000  }
0x139: {  	[bflag:$0x0] =	sbarrier.arrive $0xFFFF  }
0x13a: {  	_ =	strace $0x9000004A  }
0x13b: {  	s0 =	stileid.u32;
	[bflag:$0x2] =	sbarrier.arrive $0xFFFF  }
0x13c: {  	p0 =	sne.s32 s0, $0x0;
	s0 =	rddreg [dreg:$0x2]  }
0x13d: {  	s0 =	sadd.s32 @!p0 $0x100000, s0  }
0x13e: {  	[sflag:s0] =	ssyncadd.tile.s32 @!p0 $0x1;
	_ =	shalt  }
.Lfunc_end2:
_tile_overlayer_lowered:
.L_overlay_start_2:
0x13f: {  	(tag) =	ssettag $0x2  }
0x140: {  	s0 =	rddreg [dreg:$0x0];
	s2 =	stileid.u32  }
0x141: {  	s1 =	rddreg [dreg:$0x1];
	p0 =	sne.s32 s2, $0x0  }
0x142: {  	s3 =	rddreg [dreg:$0x2];
	[bflag:$0x3] =	sbarrier.arrive $0xFFFF;
	s2 =	simm.s32 @!p0 $0x1C03  }
0x143: {  	[timem:s3], [sflag:s2] =	dma.local @!p0 [hbm:s0], s1  }
0x144: {  	s0 =	simm.s32 @!p0 $0x3  }
0x145: {  	_ =	swait.ge @!p0 [sflag:s0], s1  }
0x146: {  	s1 =	ssub.s32 @!p0 $0x0, s1;
	[sflag:s0] =	ssyncset.done @!p0 $0x0  }
0x147: {  	[sflag:s0] =	ssyncadd.s32 @!p0 s1  }
0x148: {  	[bflag:$0x3] =	sbarrier.arrive $0xFFFF  }
0x149: {  	_ =	shalt  }

// kernel: kernel.9.cloned.1.call-start
scs
__scs_entry_jumppad:
0x0: {  	(pc) =	sbr.rel $0x88, $3  }
0x1: {  	(tag) =	ssettag $0x0;
	lr =	simm.s32 $0x1  }
0x2: {  	[smem:$0x3F9C] =	sst lr;
	_ =	strace $0xD0000000  }
0x3: {  	_ = 	snop  }
0x4: {  	_ = 	snop  }
0x5: {  	_ = 	snop  }
0x6: {  	_ = 	snop  }
0x7: {  	_ = 	snop  }
__scs_overlays_trampoline_lowered:
0x8: {  	[smem:$0x3FAB] =	sst s0  }
0x9: {  	[smem:$0x3FAC] =	sst s1  }
0xa: {  	[smem:$0x3FAD] =	sst s2  }
0xb: {  	[smem:$0x3FAE] =	sst s3  }
0xc: {  	[smem:$0x3FAF] =	sst s4  }
0xd: {  	[smem:$0x3FB0] =	sst s5  }
0xe: {  	[smem:$0x3FB1] =	sst s6  }
0xf: {  	[smem:$0x3FB2] =	sst s7  }
0x10: {  	[smem:$0x3FB3] =	sst s8  }
0x11: {  	[smem:$0x3FB4] =	sst s9;
	s0 =	simm.s32 @!p0 $0x0  }
0x12: {  	s1 =	sld [smem:$0x3F9A];
	s0 =	simm.s32 @p0 $0x1  }
0x13: {  	[smem:$0x3FB5] =	sst s0;
	s0 =	simm.s32 @!p1 $0x0  }
0x14: {  	s2 =	sld [smem:$0x3F99];
	s0 =	simm.s32 @p1 $0x1  }
0x15: {  	[smem:$0x3FB6] =	sst s0;
	s0 =	simm.s32 @!p2 $0x0  }
0x16: {  	s3 =	sld [smem:$0x3FDB];
	s0 =	simm.s32 @p2 $0x1  }
0x17: {  	s4 =	simm.s32 $0x1BF5;
	[smem:$0x3FB8] =	sst s0  }
0x18: {  	s0 =	sld [smem:$0x3F9B];
	_ =	swait.ge [sflag:s4], $0x0  }
0x19: {  	s7 =	sld [smem:$0x3F9C]  }
0x1a: {  	s8 =	sadd.s32 $0xFFFFE003, lr  }
0x1b: {  	s9 =	sadd.s32 $0xFFFFFEF7, lr;
	s5 =	simm.s32 $0xFFFFFFFF;
	p2 =	slt.u32 s8, $0xFFFFF086  }
0x1c: {  	p1 =	slt.u32 s9, $0xF7A;
	s5 =	simm.s32 @!p2 $0x0  }
0x1d: {  	s5 =	simm.s32 @p1 $0x1;
	p0 =	seq.s32 s7, s2  }
0x1e: {  	s7 =	smul.u32 @!p0 $0xF7A, s2;
	p2 =	seq.s32 @!p0 s5, $0x0  }
0x1f: {  	s9 =	smul.u32 $0xF7A, s1;
	s8 =	simm.s32 @!p0 $0x1BF5;
	p2 =	por !p2, p0  }
0x20: {  	[sflag:s8] =	ssyncset.s32 @!p0 $0xFFFFF086;
	s6 =	sadd.s32 @!p0 s3, s7;
	s7 =	simm.s32 @!p0 $0x108  }
0x21: {  	s3 =	sadd.s32 s3, s9;
	s6 =	sadd.s32 @!p0 $0x88, s6;
	s7 =	simm.s32 @p2 $0x1082  }
0x22: {  	[simem:s7], [sflag:s8] =	dma.local @!p0 [hbm:s6], $0xF7A  }
0x23: {  	s9 =	sor.u32 $0xD0000000, s2;
	s6 =	simm.s32 $0x108;
	_ =	swait.ge @!p0 [sflag:s8], $0x0  }
0x24: {  	s3 =	sadd.s32 $0x88, s3;
	s6 =	simm.s32 @!p1 $0x1082;
	[sflag:s4] =	ssyncset.s32 $0xFFFFF086  }
0x25: {  	[simem:s6], [sflag:s4] =	dma.local [hbm:s3], $0xF7A  }
0x26: {  	[smem:$0x3F9C] =	sst s1;
	(tag) =	ssettag s2;
	_ =	strace s9  }
0x27: {  	s1 =	sld [smem:$0x3FAC]  }
0x28: {  	s2 =	sld [smem:$0x3FAD]  }
0x29: {  	s4 =	sld [smem:$0x3FAF]  }
0x2a: {  	p0 =	seq.s32 s5, $0x0;
	s5 =	sld [smem:$0x3FB0]  }
0x2b: {  	s6 =	sld [smem:$0x3FB1]  }
0x2c: {  	s7 =	sld [smem:$0x3FB2]  }
0x2d: {  	s3 =	simm.s32 $0x108;
	s8 =	sld [smem:$0x3FB3]  }
0x2e: {  	s3 =	simm.s32 @!p0 $0x1082;
	s9 =	sld [smem:$0x3FB4]  }
0x2f: {  	lr =	sadd.s32 s0, s3;
	s0 =	sld [smem:$0x3FAB]  }
0x30: {  	s3 =	sld [smem:$0x3FAE]  }
0x31: {  	[smem:$0x3FB7] =	sst s10  }
0x32: {  	s10 =	sld [smem:$0x3FB5];
	_ =	sdelay $0x3  }
0x33: {  	p0 =	seq.s32 s10, $0x1;
	s10 =	sld [smem:$0x3FB7];
	_ =	sdelay $0x3  }
0x34: {  	[smem:$0x3FB7] =	sst s10  }
0x35: {  	s10 =	sld [smem:$0x3FB6];
	_ =	sdelay $0x3  }
0x36: {  	p1 =	seq.s32 s10, $0x1;
	s10 =	sld [smem:$0x3FB7];
	_ =	sdelay $0x3  }
0x37: {  	[smem:$0x3FB7] =	sst s10  }
0x38: {  	s10 =	sld [smem:$0x3FB8]  }
0x39: {  	_ = 	snop;
	(pc) =	sbr.ind lr, $3  }
0x3a: {  	_ = 	snop  }
0x3b: {  	_ = 	snop  }
0x3c: {  	p2 =	seq.s32 s10, $0x1;
	s10 =	sld [smem:$0x3FB7]  }
0x3d: {  	_ =	shalt  }
0x3e: {  	_ =	shalt  }
0x3f: {  	_ =	shalt  }
0x40: {  	_ =	shalt  }
0x41: {  	_ =	shalt  }
0x42: {  	_ =	shalt  }
0x43: {  	_ =	shalt  }
0x44: {  	_ =	shalt  }
0x45: {  	_ =	shalt  }
0x46: {  	_ =	shalt  }
0x47: {  	_ =	shalt  }
0x48: {  	_ =	shalt  }
0x49: {  	_ =	shalt  }
0x4a: {  	_ =	shalt  }
0x4b: {  	_ =	shalt  }
0x4c: {  	_ =	shalt  }
0x4d: {  	_ =	shalt  }
0x4e: {  	_ =	shalt  }
0x4f: {  	_ =	shalt  }
0x50: {  	_ =	shalt  }
0x51: {  	_ =	shalt  }
0x52: {  	_ =	shalt  }
0x53: {  	_ =	shalt  }
0x54: {  	_ =	shalt  }
0x55: {  	_ =	shalt  }
0x56: {  	_ =	shalt  }
0x57: {  	_ =	shalt  }
0x58: {  	_ =	shalt  }
0x59: {  	_ =	shalt  }
0x5a: {  	_ =	shalt  }
0x5b: {  	_ =	shalt  }
0x5c: {  	_ =	shalt  }
0x5d: {  	_ =	shalt  }
0x5e: {  	_ =	shalt  }
0x5f: {  	_ =	shalt  }
0x60: {  	_ =	shalt  }
0x61: {  	_ =	shalt  }
0x62: {  	_ =	shalt  }
0x63: {  	_ =	shalt  }
0x64: {  	_ =	shalt  }
0x65: {  	_ =	shalt  }
0x66: {  	_ =	shalt  }
0x67: {  	_ =	shalt  }
0x68: {  	_ =	shalt  }
0x69: {  	_ =	shalt  }
0x6a: {  	_ =	shalt  }
0x6b: {  	_ =	shalt  }
0x6c: {  	_ =	shalt  }
0x6d: {  	_ =	shalt  }
0x6e: {  	_ =	shalt  }
0x6f: {  	_ =	shalt  }
0x70: {  	_ =	shalt  }
0x71: {  	_ =	shalt  }
0x72: {  	_ =	shalt  }
0x73: {  	_ =	shalt  }
0x74: {  	_ =	shalt  }
0x75: {  	_ =	shalt  }
0x76: {  	_ =	shalt  }
0x77: {  	_ =	shalt  }
0x78: {  	_ =	shalt  }
0x79: {  	_ =	shalt  }
0x7a: {  	_ =	shalt  }
0x7b: {  	_ =	shalt  }
0x7c: {  	_ =	shalt  }
0x7d: {  	_ =	shalt  }
0x7e: {  	_ =	shalt  }
0x7f: {  	_ =	shalt  }
0x80: {  	_ =	shalt  }
0x81: {  	_ =	shalt  }
0x82: {  	_ =	shalt  }
0x83: {  	_ =	shalt  }
0x84: {  	_ =	shalt  }
0x85: {  	_ =	shalt  }
0x86: {  	_ =	shalt  }
0x87: {  	_ =	shalt  }
.Lfunc_end0:
.L_simem_size_0:
called_computation.3_lowered:
.L_overlay_start_0:
0x88: {  	s2 =	sld [smem:$0x3FD9]  }
0x89: {  	s3 =	sld [smem:$0x3FFE];
	_ =	sdelay $0x1  }
0x8a: {  	s1 =	srdreg.scid  }
0x8b: {  	s0 =	sand.u32 $0x1, s1  }
0x8c: {  	s17 =	sshll.u32 s0, $0xA;
	s2 =	sadd.s32 s3, s2  }
0x8d: {  	s2 =	sadd.s32 s2, s17  }
0x8e: {  	[smem:$0x3FC3] =	sst s2  }
0x8f: {  	_ = 	snop  }
0x90: {  	s2 =	sld [smem:$0x3FD0];
	(tm) =	ssettm $0x1  }
0x91: {  	s18 =	sld [smem:$0x3FFB];
	_ =	sdelay $0x3  }
0x92: {  	_ =	strace s18  }
0x93: {  	s3 =	sld [smem:$0x3FFC];
	_ =	sdelay $0x3  }
0x94: {  	_ =	strace s3  }
0x95: {  	s3 =	sld [smem:$0x3FFD];
	_ =	sdelay $0x3  }
0x96: {  	_ =	strace s3  }
0x97: {  	_ =	strace $0x8FFFFFFF  }
0x98: {  	s19 =	sld [smem:$0x3FDB];
	_ =	sdelay $0x1  }
0x99: {  	s4 =	simm.s32 $_scs_section_size  }
0x9a: {  	s5 =	simm.s32 $_size__tile_overlayer_lowered;
	s6 =	simm.s32 $_tile_overlayer_lowered  }
0x9b: {  	s22 =	simm.s32 $0x1BFF;
	s21 =	sshll.u32 s6, $0x1;
	s3 =	sadd.s32 s4, s19  }
0x9c: {  	s7 =	simm.s32 $0x0;
	s20 =	sshll.u32 s5, $0x1;
	s5 =	sadd.s32 s21, s3  }
0x9d: {  	[timem:s7], [sflag:s22] =	dma.local [hbm:s5], s20  }
0x9e: {  	_ =	swait.ge [sflag:s22], s20  }
0x9f: {  	s4 =	ssub.s32 $0x0, s20;
	[sflag:s22] =	ssyncset.done $0x0  }
0xa0: {  	[sflag:s22] =	ssyncadd.s32 s4;
	_ =	sdelay $0x1  }
0xa1: {  	s23 =	simm.s32 $0x1B8B  }
0xa2: {  	_ =	swait.ge [sflag:s23], $0x1  }
0xa3: {  	[sflag:s23] =	ssyncset.done $0x0  }
0xa4: {  	s25 =	simm.s32 $0x1B8E;
	s24 =	sld [smem:$0x3FFE];
	[sflag:s23] =	ssyncadd.s32 $0xFFFFFFFF  }
0xa5: {  	s26 =	simm.s32 $execute0_lowered;
	[smem:$0x3FD2] =	sst s25  }
0xa6: {  	s5 =	sshll.u32 s26, $0x1;
	_ =	strace $0x8000004F;
	[dreg:$0x1] =	wrdreg $0xFFFFFFFF  }
0xa7: {  	s28 =	simm.s32 $_size_execute0_lowered;
	s3 =	sadd.s32 s3, s5;
	[dreg:$0x0] =	wrdreg $0x0  }
0xa8: {  	s5 =	sshll.u32 s28, $0x1;
	[dreg:$0x2] =	wrdreg s3  }
0xa9: {  	[dreg:$0x3] =	wrdreg s5  }
0xaa: {  	[dreg:$0x4] =	wrdreg $0xC0  }
0xab: {  	_ =	task [dreg:s7], $0x5FFFF  }
0xac: {  	[dreg:$0x1] =	wrdreg $0xFFFFFFFF  }
0xad: {  	[dreg:$0x0] =	wrdreg $0x60  }
0xae: {  	[dreg:$0x2] =	wrdreg s24  }
0xaf: {  	[dreg:$0x3] =	wrdreg s2  }
0xb0: {  	[dreg:$0x4] =	wrdreg $0x9  }
0xb1: {  	_ =	task.clear_ibuf [dreg:s7], $0x5FFFF;
	_ =	strace $0x9000004F  }
0xb2: {  	s29 =	simm.s32 $0x9;
	_ =	strace $0x80000051  }
0xb3: {  	_ =	swait.ge [sflag:s29], $0x1  }
0xb4: {  	[sflag:s29] =	ssyncadd.s32 $0xFFFFFFFF  }
0xb5: {  	_ =	strace $0x90000051  }
0xb6: {  	_ =	sfence  }
0xb7: {  	s30 =	sld [smem:$0x0];
	_ =	sdelay $0x2  }
0xb8: {  	s31 =	sshll.u32 s1, $0xD;
	s1 =	sshrl.u32 s1, $0x2  }
0xb9: {  	s3 =	sand.u32 $0x4000, s31;
	s1 =	sadd.s32 s1, s30  }
0xba: {  	s0 =	sor.u32 s3, s0;
	s1 =	sshll.u32 s1, $0x11  }
0xbb: {  	s0 =	sor.u32 s1, s0  }
0xbc: {  	s0 =	sadd.s32 $0x8F2B, s0  }
0xbd: {  	[sflag:s0] =	ssyncadd.remote.s32 $0x1  }
0xbe: {  	_ =	sfence.sel $0xFFFF  }
0xbf: {  	[dreg:$0x0] =	wrdreg $0xFFFFFFFF;
	(pc) =	sbr.abs _section_cstart, $3  }
0xc0: {  	[dreg:$0x1] =	wrdreg $0xFFFFFFFF  }
0xc1: {  	_ =	task.clear_ibuf [dreg:s7], $0x2FFFF;
	_ =	strace $0x9FFFFFFF  }
0xc2: {  	(tm) =	ssettm $0x7FFFFFFF  }
0xc3: {  	_ =	shalt  }
tec
execute0_lowered:
.L_overlay_start_1:
0x0: {  	(tag) =	ssettag $0x1  }
0x1: {  	s0 =	rddreg [dreg:$0x0]  }
0x2: {  	s1 =	rddreg [dreg:$0x1]  }
0x3: {  	s2 =	srdreg.scid;
	s3 =	stileid.u32  }
0x4: {  	s18 =	simm.s32 $0x8100;
	s31 =	simm.s32 $0xD100;
	s14 =	simm.s32 $0x1  }
0x5: {  	s15 =	simm.s32 $0x2;
	s16 =	simm.s32 $0x3;
	s17 =	simm.s32 $0x4  }
0x6: {  	s19 =	simm.s32 $0x0;
	s4 =	sand.u32 $0x1, s2;
	s2 =	simm.s32 $0x0  }
0x7: {  	s3 =	sshll.u32 s3, $0x7;
	s9 =	sadd.s32 $0x311C00, s0;
	s5 =	sshll.u32 s4, $0x6  }
0x8: {  	[smem:$0x7FF] =	sst s2;
	s4 =	ssub.s32 $0x2, s4;
	s5 =	sor.u32 s5, s3  }
0x9: {  	s7 =	sshrl.u32 s4, $0x1;
	s6 =	sshrl.u32 s5, $0x3;
	s5 =	sshll.u32 s5, $0x8  }
0xa: {  	_ =	strace $0x80000050;
	s4 =	ssub.s32 s4, s7;
	s1 =	sadd.s32 s1, s5  }
0xb: {  	s6 =	sadd.s32 s6, s0;
	s30 =	smax.u32 s4, $0x1;
	[dreg:$0x5] =	wrdreg s1  }
0xc: {  	s10 =	sadd.s32 $0x311D00, s0;
	s8 =	sadd.s32 $0x10800, s6;
	[dreg:$0xd] =	wrdreg s30  }
0xd: {  	s11 =	sadd.s32 $0x311E00, s0;
	s6 =	sadd.s32 $0x10A00, s6;
	[dreg:$0x3] =	wrdreg s8  }
0xe: {  	s13 =	sadd.s32 $0x311F00, s0;
	s22 =	sadd.s32 $0x800, s1;
	[dreg:$0x4] =	wrdreg s6  }
0xf: {  	s3 =	sadd.s32 $0x311800, s0;
	s23 =	sadd.s32 $0x1000, s1;
	[dreg:$0x6] =	wrdreg s22  }
0x10: {  	s7 =	sadd.s32 $0x311A00, s0;
	s24 =	sadd.s32 $0x1800, s1;
	[dreg:$0x7] =	wrdreg s23  }
0x11: {  	s4 =	simm.s32 $0xF100;
	s25 =	sadd.s32 $0x2000, s1;
	[dreg:$0x8] =	wrdreg s24  }
0x12: {  	s5 =	simm.s32 $0xF900;
	s26 =	sadd.s32 $0x2800, s1;
	[dreg:$0x9] =	wrdreg s25  }
0x13: {  	s28 =	sadd.s32 $0x3000, s1;
	s29 =	sadd.s32 $0x3800, s1;
	[dreg:$0xa] =	wrdreg s26  }
0x14: {  	v0 =	vlaneseq.u32;
	s1 =	simm.s32 $0xE100;
	s6 =	sadd.s32 $0x311900, s0;
	[dreg:$0xb] =	wrdreg s28  }
0x15: {  	v1 =	vshrl.u32 v0, $0x3;
	s8 =	sadd.s32 $0x311B00, s0;
	[dreg:$0xc] =	wrdreg s29;
	s22 =	simm.s32 $0x5  }
0x16: {  	vm0 =	vmmov $0xffff;
	v0 =	vand.u32 $0x7, v0;
	v1 =	vmul.u32 $0x8, v1;
	s24 =	simm.s32 $0x100;
	s0 =	simm.s32 $0xD900;
	s23 =	simm.s32 $0xE900  }
.LBB2_1:
0x17: {  	s12 =	rddreg [dreg:$0x3]  }
0x18: {  	[tilespmem:s2], [sflag:$0x5] =	stream.linear.gather [hbm4b:s12+s2], $0x40, $0x38;
	[tilespmem:$0x10100] =	vst v63  }
0x19: {  	_ =	swait.ge [sflag:s22], $0x40  }
0x1a: {  	[sflag:s22] =	ssyncset.done $0x0  }
0x1b: {  	s20 =	simm.s32 $0x80;
	s21 =	rddreg [dreg:$0x4];
	[sflag:s22] =	ssyncadd.s32 $0xFFFFFFC0  }
0x1c: {  	[tilespmem:s20], [sflag:$0x5] =	stream.linear.gather [hbm4b:s21+s2], $0x40, $0x38;
	[tilespmem:$0x10100] =	vst v63  }
0x1d: {  	_ =	swait.ge [sflag:s22], $0x40  }
0x1e: {  	[sflag:s22] =	ssyncset.done $0x0  }
0x1f: {  	[sflag:s22] =	ssyncadd.s32 $0xFFFFFFC0  }
0x20: {  	v2 =	vld.msk [tilespmem:$0x0], $0xff;
	_ =	sdelay $0x4  }
0x21: {  	v3 =	vshll.u32 v2, $0x4  }
0x22: {  	v2 =	vand.u32 $0x7, v2;
	v3 =	vand.u32 $0xFFFFFF80, v3  }
0x23: {  	v2 =	vor.u32 v2, v3  }
0x24: {  	v2 =	vperm.xlane v2, v0;
	_ =	sdelay $0x1  }
0x25: {  	v2 =	vadd.s32 v1, v2;
	_ =	sdelay $0x4  }
0x26: {  	[tilespmem:s24], [sflag:$0x1] =	stream.indirect_vreg.gather [hbm4b:s3+s2], $0x80, v2, vm0, $0xb8;
	[tilespmem:$0x10100] =	vst v63  }
0x27: {  	s25 =	simm.s32 $0x900  }
0x28: {  	[tilespmem:s25], [sflag:$0x1] =	stream.indirect_vreg.gather [hbm4b:s6+s2], $0x80, v2, vm0, $0xb8;
	[tilespmem:$0x10100] =	vst v63  }
0x29: {  	s26 =	simm.s32 $0x1100  }
0x2a: {  	[tilespmem:s26], [sflag:$0x1] =	stream.indirect_vreg.gather [hbm4b:s7+s2], $0x80, v2, vm0, $0xb8;
	[tilespmem:$0x10100] =	vst v63  }
0x2b: {  	s28 =	simm.s32 $0x1900  }
0x2c: {  	[tilespmem:s28], [sflag:$0x1] =	stream.indirect_vreg.gather [hbm4b:s8+s2], $0x80, v2, vm0, $0xb8;
	[tilespmem:$0x10100] =	vst v63  }
0x2d: {  	s29 =	simm.s32 $0x2100  }
0x2e: {  	[tilespmem:s29], [sflag:$0x1] =	stream.indirect_vreg.gather [hbm4b:s9+s2], $0x80, v2, vm0, $0xb8;
	[tilespmem:$0x10100] =	vst v63  }
0x2f: {  	s30 =	simm.s32 $0x2900  }
0x30: {  	[tilespmem:s30], [sflag:$0x1] =	stream.indirect_vreg.gather [hbm4b:s10+s2], $0x80, v2, vm0, $0xb8;
	[tilespmem:$0x10100] =	vst v63  }
0x31: {  	s20 =	simm.s32 $0x3100  }
0x32: {  	[tilespmem:s20], [sflag:$0x1] =	stream.indirect_vreg.gather [hbm4b:s11+s2], $0x80, v2, vm0, $0xb8;
	[tilespmem:$0x10100] =	vst v63  }
0x33: {  	s21 =	simm.s32 $0x3900  }
0x34: {  	[tilespmem:s21], [sflag:$0x1] =	stream.indirect_vreg.gather [hbm4b:s13+s2], $0x80, v2, vm0, $0xb8;
	[tilespmem:$0x10100] =	vst v63  }
0x35: {  	v2 =	vld.msk [tilespmem:$0x80], $0xff;
	_ =	sdelay $0x4  }
0x36: {  	v3 =	vshll.u32 v2, $0x4  }
0x37: {  	v2 =	vand.u32 $0x7, v2;
	v3 =	vand.u32 $0xFFFFFF80, v3  }
0x38: {  	v2 =	vor.u32 v2, v3  }
0x39: {  	v2 =	vperm.xlane v2, v0;
	_ =	sdelay $0x1  }
0x3a: {  	v2 =	vadd.s32 v1, v2;
	_ =	sdelay $0x3  }
0x3b: {  	s25 =	simm.s32 $0x4100  }
0x3c: {  	[tilespmem:s25], [sflag:$0x2] =	stream.indirect_vreg.gather [hbm4b:s3+s2], $0x80, v2, vm0, $0xb8;
	[tilespmem:$0x10100] =	vst v63  }
0x3d: {  	s26 =	simm.s32 $0x4900  }
0x3e: {  	[tilespmem:s26], [sflag:$0x2] =	stream.indirect_vreg.gather [hbm4b:s6+s2], $0x80, v2, vm0, $0xb8;
	[tilespmem:$0x10100] =	vst v63  }
0x3f: {  	s28 =	simm.s32 $0x5100  }
0x40: {  	[tilespmem:s28], [sflag:$0x2] =	stream.indirect_vreg.gather [hbm4b:s7+s2], $0x80, v2, vm0, $0xb8;
	[tilespmem:$0x10100] =	vst v63  }
0x41: {  	s29 =	simm.s32 $0x5900  }
0x42: {  	[tilespmem:s29], [sflag:$0x2] =	stream.indirect_vreg.gather [hbm4b:s8+s2], $0x80, v2, vm0, $0xb8;
	[tilespmem:$0x10100] =	vst v63  }
0x43: {  	s30 =	simm.s32 $0x6100  }
0x44: {  	[tilespmem:s30], [sflag:$0x2] =	stream.indirect_vreg.gather [hbm4b:s9+s2], $0x80, v2, vm0, $0xb8;
	[tilespmem:$0x10100] =	vst v63  }
0x45: {  	s20 =	simm.s32 $0x6900  }
0x46: {  	[tilespmem:s20], [sflag:$0x2] =	stream.indirect_vreg.gather [hbm4b:s10+s2], $0x80, v2, vm0, $0xb8;
	[tilespmem:$0x10100] =	vst v63  }
0x47: {  	s21 =	simm.s32 $0x7100  }
0x48: {  	[tilespmem:s21], [sflag:$0x2] =	stream.indirect_vreg.gather [hbm4b:s11+s2], $0x80, v2, vm0, $0xb8;
	[tilespmem:$0x10100] =	vst v63  }
0x49: {  	s25 =	simm.s32 $0x7900  }
0x4a: {  	[tilespmem:s25], [sflag:$0x2] =	stream.indirect_vreg.gather [hbm4b:s13+s2], $0x80, v2, vm0, $0xb8;
	[tilespmem:$0x10100] =	vst v63  }
0x4b: {  	v2 =	vld.msk [tilespmem:$0x8], $0xff;
	_ =	sdelay $0x4  }
0x4c: {  	v3 =	vshll.u32 v2, $0x4  }
0x4d: {  	v2 =	vand.u32 $0x7, v2;
	v3 =	vand.u32 $0xFFFFFF80, v3  }
0x4e: {  	v2 =	vor.u32 v2, v3  }
0x4f: {  	v2 =	vperm.xlane v2, v0;
	_ =	sdelay $0x1  }
0x50: {  	v2 =	vadd.s32 v1, v2;
	_ =	sdelay $0x4  }
0x51: {  	[tilespmem:s18], [sflag:$0x3] =	stream.indirect_vreg.gather [hbm4b:s3+s2], $0x80, v2, vm0, $0xb8;
	[tilespmem:$0x10100] =	vst v63  }
0x52: {  	s26 =	simm.s32 $0x8900  }
0x53: {  	[tilespmem:s26], [sflag:$0x3] =	stream.indirect_vreg.gather [hbm4b:s6+s2], $0x80, v2, vm0, $0xb8;
	[tilespmem:$0x10100] =	vst v63  }
0x54: {  	s28 =	simm.s32 $0x9100  }
0x55: {  	[tilespmem:s28], [sflag:$0x3] =	stream.indirect_vreg.gather [hbm4b:s7+s2], $0x80, v2, vm0, $0xb8;
	[tilespmem:$0x10100] =	vst v63  }
0x56: {  	s29 =	simm.s32 $0x9900  }
0x57: {  	[tilespmem:s29], [sflag:$0x3] =	stream.indirect_vreg.gather [hbm4b:s8+s2], $0x80, v2, vm0, $0xb8;
	[tilespmem:$0x10100] =	vst v63  }
0x58: {  	s30 =	simm.s32 $0xA100  }
0x59: {  	[tilespmem:s30], [sflag:$0x3] =	stream.indirect_vreg.gather [hbm4b:s9+s2], $0x80, v2, vm0, $0xb8;
	[tilespmem:$0x10100] =	vst v63  }
0x5a: {  	s20 =	simm.s32 $0xA900  }
0x5b: {  	[tilespmem:s20], [sflag:$0x3] =	stream.indirect_vreg.gather [hbm4b:s10+s2], $0x80, v2, vm0, $0xb8;
	[tilespmem:$0x10100] =	vst v63  }
0x5c: {  	s21 =	simm.s32 $0xB100  }
0x5d: {  	[tilespmem:s21], [sflag:$0x3] =	stream.indirect_vreg.gather [hbm4b:s11+s2], $0x80, v2, vm0, $0xb8;
	[tilespmem:$0x10100] =	vst v63  }
0x5e: {  	s25 =	simm.s32 $0xB900  }
0x5f: {  	[tilespmem:s25], [sflag:$0x3] =	stream.indirect_vreg.gather [hbm4b:s13+s2], $0x80, v2, vm0, $0xb8;
	[tilespmem:$0x10100] =	vst v63  }
0x60: {  	v2 =	vld.msk [tilespmem:$0x88], $0xff;
	_ =	sdelay $0x4  }
0x61: {  	v3 =	vshll.u32 v2, $0x4  }
0x62: {  	v2 =	vand.u32 $0x7, v2;
	v3 =	vand.u32 $0xFFFFFF80, v3  }
0x63: {  	v2 =	vor.u32 v2, v3  }
0x64: {  	v2 =	vperm.xlane v2, v0;
	_ =	sdelay $0x1  }
0x65: {  	v2 =	vadd.s32 v1, v2;
	_ =	sdelay $0x3  }
0x66: {  	s26 =	simm.s32 $0xC100  }
0x67: {  	[tilespmem:s26], [sflag:$0x4] =	stream.indirect_vreg.gather [hbm4b:s3+s2], $0x80, v2, vm0, $0xb8;
	[tilespmem:$0x10100] =	vst v63  }
0x68: {  	s28 =	simm.s32 $0xC900  }
0x69: {  	[tilespmem:s28], [sflag:$0x4] =	stream.indirect_vreg.gather [hbm4b:s6+s2], $0x80, v2, vm0, $0xb8;
	[tilespmem:$0x10100] =	vst v63  }
0x6a: {  	_ = 	snop  }
0x6b: {  	[tilespmem:s31], [sflag:$0x4] =	stream.indirect_vreg.gather [hbm4b:s7+s2], $0x80, v2, vm0, $0xb8;
	[tilespmem:$0x10100] =	vst v63  }
0x6c: {  	_ = 	snop  }
0x6d: {  	[tilespmem:s0], [sflag:$0x4] =	stream.indirect_vreg.gather [hbm4b:s8+s2], $0x80, v2, vm0, $0xb8;
	[tilespmem:$0x10100] =	vst v63  }
0x6e: {  	_ = 	snop  }
0x6f: {  	[tilespmem:s1], [sflag:$0x4] =	stream.indirect_vreg.gather [hbm4b:s9+s2], $0x80, v2, vm0, $0xb8;
	[tilespmem:$0x10100] =	vst v63  }
0x70: {  	_ = 	snop  }
0x71: {  	[tilespmem:s23], [sflag:$0x4] =	stream.indirect_vreg.gather [hbm4b:s10+s2], $0x80, v2, vm0, $0xb8;
	[tilespmem:$0x10100] =	vst v63  }
0x72: {  	_ = 	snop  }
0x73: {  	[tilespmem:s4], [sflag:$0x4] =	stream.indirect_vreg.gather [hbm4b:s11+s2], $0x80, v2, vm0, $0xb8;
	[tilespmem:$0x10100] =	vst v63  }
0x74: {  	_ = 	snop  }
0x75: {  	[tilespmem:s5], [sflag:$0x4] =	stream.indirect_vreg.gather [hbm4b:s13+s2], $0x80, v2, vm0, $0xb8;
	[tilespmem:$0x10100] =	vst v63  }
0x76: {  	_ =	swait.ge [sflag:s14], $0x4000  }
0x77: {  	[sflag:s14] =	ssyncset.done $0x0  }
0x78: {  	[sflag:s14] =	ssyncadd.s32 $0xFFFFC000  }
0x79: {  	_ =	swait.ge [sflag:s15], $0x4000  }
0x7a: {  	s29 =	sand.u32 $0x70, s2;
	s30 =	sand.u32 $0x3C00, s2;
	[sflag:s15] =	ssyncset.done $0x0  }
0x7b: {  	s12 =	sor.u32 s29, s30;
	[sflag:s15] =	ssyncadd.s32 $0xFFFFC000  }
0x7c: {  	v2 =	vld [tilespmem:s12+$0x4100]  }
0x7d: {  	v3 =	vld [tilespmem:s12+$0x100];
	_ =	sdelay $0x3  }
0x7e: {  	s20 =	simm.s32 $0x80;
	s21 =	simm.s32 $0x10  }
0x7f: {  	s21 =	sand.u32 $0x70, s21;
	s25 =	sand.u32 $0x3C00, s20;
	v2 =	vadd.f32 v2, v3  }
0x80: {  	s25 =	sor.u32 s21, s25;
	s21 =	simm.s32 $0x20  }
.LBB2_2:
0x81: {  	p0 =	sne.s32 s21, $0x7F0;
	v3 =	vld [tilespmem:s25+$0x4100];
	[tilespmem:s12+$0x100] =	vst v2;
	s12 =	smov.u32 s25  }
0x82: {  	v2 =	vld [tilespmem:s12+$0x100];
	_ =	sdelay $0x1  }
.Ltmp0:
0x83: {  	(pc) =	sbr.rel @p0 .LBB2_2-.Ltmp0, $4  }
0x84: {  	_ = 	snop  }
0x85: {  	s20 =	sadd.s32 $0x80, s20  }
0x86: {  	s25 =	sand.u32 $0x70, s21;
	s26 =	sand.u32 $0x3C00, s20;
	v2 =	vadd.f32 v3, v2  }
0x87: {  	s21 =	sadd.s32 $0x10, s21;
	s25 =	sor.u32 s25, s26  }
0x88: {  	v3 =	vld [tilespmem:s25+$0x4100];
	[tilespmem:s12+$0x100] =	vst v2  }
0x89: {  	v2 =	vld [tilespmem:s25+$0x100];
	_ =	sdelay $0x4  }
0x8a: {  	s29 =	simm.s32 $0x0;
	v2 =	vadd.f32 v3, v2  }
0x8b: {  	s20 =	sand.u32 $0x70, s29;
	s12 =	sand.u32 $0x3C00, s29  }
0x8c: {  	s20 =	sor.u32 s12, s20;
	[tilespmem:s25+$0x100] =	vst v2  }
0x8d: {  	v2 =	vld [tilespmem:s20+$0x4180]  }
0x8e: {  	v3 =	vld [tilespmem:s20+$0x180];
	_ =	sdelay $0x3  }
0x8f: {  	s21 =	simm.s32 $0x10;
	s12 =	simm.s32 $0x80  }
0x90: {  	s21 =	sand.u32 $0x70, s21;
	s30 =	sand.u32 $0x3C00, s12;
	v2 =	vadd.f32 v2, v3  }
0x91: {  	s26 =	simm.s32 $0x20;
	s28 =	sor.u32 s30, s21;
	s25 =	smov.u32 s20  }
.LBB2_4:
0x92: {  	p0 =	sne.s32 s26, $0x7F0;
	v3 =	vld [tilespmem:s28+$0x4180];
	[tilespmem:s25+$0x180] =	vst v2;
	s25 =	smov.u32 s28  }
0x93: {  	v2 =	vld [tilespmem:s25+$0x180];
	_ =	sdelay $0x1  }
.Ltmp1:
0x94: {  	(pc) =	sbr.rel @p0 .LBB2_4-.Ltmp1, $4  }
0x95: {  	_ = 	snop  }
0x96: {  	s12 =	sadd.s32 $0x80, s12  }
0x97: {  	s28 =	sand.u32 $0x70, s26;
	s29 =	sand.u32 $0x3C00, s12;
	v2 =	vadd.f32 v3, v2  }
0x98: {  	s26 =	sadd.s32 $0x10, s26;
	s28 =	sor.u32 s29, s28  }
0x99: {  	v3 =	vld [tilespmem:s28+$0x4180];
	[tilespmem:s25+$0x180] =	vst v2  }
0x9a: {  	v2 =	vld [tilespmem:s28+$0x180];
	_ =	sdelay $0x4  }
0x9b: {  	v2 =	vadd.f32 v3, v2;
	_ =	sdelay $0x1  }
0x9c: {  	[tilespmem:s28+$0x180] =	vst v2  }
0x9d: {  	v2 =	vld [tilespmem:s20+$0x4200]  }
0x9e: {  	v3 =	vld [tilespmem:s20+$0x200];
	_ =	sdelay $0x3  }
0x9f: {  	s12 =	simm.s32 $0x80  }
0xa0: {  	s30 =	sand.u32 $0x3C00, s12;
	v2 =	vadd.f32 v2, v3  }
0xa1: {  	s25 =	sor.u32 s30, s21;
	s21 =	simm.s32 $0x20  }
.LBB2_6:
0xa2: {  	p0 =	sne.s32 s21, $0x7F0;
	v3 =	vld [tilespmem:s25+$0x4200];
	[tilespmem:s20+$0x200] =	vst v2;
	s20 =	smov.u32 s25  }
0xa3: {  	v2 =	vld [tilespmem:s20+$0x200];
	_ =	sdelay $0x1  }
.Ltmp2:
0xa4: {  	(pc) =	sbr.rel @p0 .LBB2_6-.Ltmp2, $4  }
0xa5: {  	_ = 	snop  }
0xa6: {  	s12 =	sadd.s32 $0x80, s12  }
0xa7: {  	s25 =	sand.u32 $0x70, s21;
	s26 =	sand.u32 $0x3C00, s12;
	v2 =	vadd.f32 v3, v2  }
0xa8: {  	s21 =	sadd.s32 $0x10, s21;
	s25 =	sor.u32 s26, s25  }
0xa9: {  	v3 =	vld [tilespmem:s25+$0x4200];
	[tilespmem:s20+$0x200] =	vst v2  }
0xaa: {  	v2 =	vld [tilespmem:s25+$0x200];
	_ =	sdelay $0x4  }
0xab: {  	s12 =	simm.s32 $0x0;
	v2 =	vadd.f32 v3, v2  }
0xac: {  	s29 =	sand.u32 $0x70, s12;
	s12 =	sand.u32 $0x3C00, s12  }
0xad: {  	s20 =	sor.u32 s12, s29;
	[tilespmem:s25+$0x200] =	vst v2  }
0xae: {  	v2 =	vld [tilespmem:s20+$0x4280]  }
0xaf: {  	v3 =	vld [tilespmem:s20+$0x280];
	_ =	sdelay $0x3  }
0xb0: {  	s21 =	simm.s32 $0x10;
	s12 =	simm.s32 $0x80  }
0xb1: {  	s21 =	sand.u32 $0x70, s21;
	s30 =	sand.u32 $0x3C00, s12;
	v2 =	vadd.f32 v2, v3  }
0xb2: {  	s26 =	simm.s32 $0x20;
	s28 =	sor.u32 s30, s21;
	s25 =	smov.u32 s20  }
.LBB2_8:
0xb3: {  	p0 =	sne.s32 s26, $0x7F0;
	v3 =	vld [tilespmem:s28+$0x4280];
	[tilespmem:s25+$0x280] =	vst v2;
	s25 =	smov.u32 s28  }
0xb4: {  	v2 =	vld [tilespmem:s25+$0x280];
	_ =	sdelay $0x1  }
.Ltmp3:
0xb5: {  	(pc) =	sbr.rel @p0 .LBB2_8-.Ltmp3, $4  }
0xb6: {  	_ = 	snop  }
0xb7: {  	s12 =	sadd.s32 $0x80, s12  }
0xb8: {  	s28 =	sand.u32 $0x70, s26;
	s29 =	sand.u32 $0x3C00, s12;
	v2 =	vadd.f32 v3, v2  }
0xb9: {  	s26 =	sadd.s32 $0x10, s26;
	s28 =	sor.u32 s29, s28  }
0xba: {  	v3 =	vld [tilespmem:s28+$0x4280];
	[tilespmem:s25+$0x280] =	vst v2  }
0xbb: {  	v2 =	vld [tilespmem:s28+$0x280];
	_ =	sdelay $0x4  }
0xbc: {  	v2 =	vadd.f32 v3, v2;
	_ =	sdelay $0x1  }
0xbd: {  	[tilespmem:s28+$0x280] =	vst v2  }
0xbe: {  	v2 =	vld [tilespmem:s20+$0x4300]  }
0xbf: {  	v3 =	vld [tilespmem:s20+$0x300];
	_ =	sdelay $0x3  }
0xc0: {  	s12 =	simm.s32 $0x80  }
0xc1: {  	s30 =	sand.u32 $0x3C00, s12;
	v2 =	vadd.f32 v2, v3  }
0xc2: {  	s25 =	sor.u32 s30, s21;
	s21 =	simm.s32 $0x20  }
.LBB2_10:
0xc3: {  	p0 =	sne.s32 s21, $0x7F0;
	v3 =	vld [tilespmem:s25+$0x4300];
	[tilespmem:s20+$0x300] =	vst v2;
	s20 =	smov.u32 s25  }
0xc4: {  	v2 =	vld [tilespmem:s20+$0x300];
	_ =	sdelay $0x1  }
.Ltmp4:
0xc5: {  	(pc) =	sbr.rel @p0 .LBB2_10-.Ltmp4, $4  }
0xc6: {  	_ = 	snop  }
0xc7: {  	s12 =	sadd.s32 $0x80, s12  }
0xc8: {  	s25 =	sand.u32 $0x70, s21;
	s26 =	sand.u32 $0x3C00, s12;
	v2 =	vadd.f32 v3, v2  }
0xc9: {  	s21 =	sadd.s32 $0x10, s21;
	s25 =	sor.u32 s26, s25  }
0xca: {  	v3 =	vld [tilespmem:s25+$0x4300];
	[tilespmem:s20+$0x300] =	vst v2  }
0xcb: {  	v2 =	vld [tilespmem:s25+$0x300];
	_ =	sdelay $0x4  }
0xcc: {  	s12 =	simm.s32 $0x0;
	v2 =	vadd.f32 v3, v2  }
0xcd: {  	s29 =	sand.u32 $0x70, s12;
	s12 =	sand.u32 $0x3C00, s12  }
0xce: {  	s20 =	sor.u32 s12, s29;
	[tilespmem:s25+$0x300] =	vst v2  }
0xcf: {  	v2 =	vld [tilespmem:s20+$0x4380]  }
0xd0: {  	v3 =	vld [tilespmem:s20+$0x380];
	_ =	sdelay $0x3  }
0xd1: {  	s21 =	simm.s32 $0x10;
	s12 =	simm.s32 $0x80  }
0xd2: {  	s21 =	sand.u32 $0x70, s21;
	s30 =	sand.u32 $0x3C00, s12;
	v2 =	vadd.f32 v2, v3  }
0xd3: {  	s26 =	simm.s32 $0x20;
	s28 =	sor.u32 s30, s21;
	s25 =	smov.u32 s20  }
.LBB2_12:
0xd4: {  	p0 =	sne.s32 s26, $0x7F0;
	v3 =	vld [tilespmem:s28+$0x4380];
	[tilespmem:s25+$0x380] =	vst v2;
	s25 =	smov.u32 s28  }
0xd5: {  	v2 =	vld [tilespmem:s25+$0x380];
	_ =	sdelay $0x1  }
.Ltmp5:
0xd6: {  	(pc) =	sbr.rel @p0 .LBB2_12-.Ltmp5, $4  }
0xd7: {  	_ = 	snop  }
0xd8: {  	s12 =	sadd.s32 $0x80, s12  }
0xd9: {  	s28 =	sand.u32 $0x70, s26;
	s29 =	sand.u32 $0x3C00, s12;
	v2 =	vadd.f32 v3, v2  }
0xda: {  	s26 =	sadd.s32 $0x10, s26;
	s28 =	sor.u32 s29, s28  }
0xdb: {  	v3 =	vld [tilespmem:s28+$0x4380];
	[tilespmem:s25+$0x380] =	vst v2  }
0xdc: {  	v2 =	vld [tilespmem:s28+$0x380];
	_ =	sdelay $0x4  }
0xdd: {  	v2 =	vadd.f32 v3, v2;
	_ =	sdelay $0x1  }
0xde: {  	[tilespmem:s28+$0x380] =	vst v2  }
0xdf: {  	v2 =	vld [tilespmem:s20+$0x4400]  }
0xe0: {  	v3 =	vld [tilespmem:s20+$0x400];
	_ =	sdelay $0x3  }
0xe1: {  	s12 =	simm.s32 $0x80  }
0xe2: {  	s30 =	sand.u32 $0x3C00, s12;
	v2 =	vadd.f32 v2, v3  }
0xe3: {  	s25 =	sor.u32 s30, s21;
	s21 =	simm.s32 $0x20  }
.LBB2_14:
0xe4: {  	p0 =	sne.s32 s21, $0x7F0;
	v3 =	vld [tilespmem:s25+$0x4400];
	[tilespmem:s20+$0x400] =	vst v2;
	s20 =	smov.u32 s25  }
0xe5: {  	v2 =	vld [tilespmem:s20+$0x400];
	_ =	sdelay $0x1  }
.Ltmp6:
0xe6: {  	(pc) =	sbr.rel @p0 .LBB2_14-.Ltmp6, $4  }
0xe7: {  	_ = 	snop  }
0xe8: {  	s12 =	sadd.s32 $0x80, s12  }
0xe9: {  	s25 =	sand.u32 $0x70, s21;
	s26 =	sand.u32 $0x3C00, s12;
	v2 =	vadd.f32 v3, v2  }
0xea: {  	s21 =	sadd.s32 $0x10, s21;
	s25 =	sor.u32 s26, s25  }
0xeb: {  	v3 =	vld [tilespmem:s25+$0x4400];
	[tilespmem:s20+$0x400] =	vst v2  }
0xec: {  	v2 =	vld [tilespmem:s25+$0x400];
	_ =	sdelay $0x2  }
0xed: {  	s12 =	simm.s32 $0x0  }
0xee: {  	s12 =	sand.u32 $0x7, s12  }
0xef: {  	s12 =	sshll.u32 s12, $0x4;
	v2 =	vadd.f32 v3, v2  }
0xf0: {  	s12 =	sadd.s32 $0x0, s12  }
0xf1: {  	s12 =	sor.u32 $0x380, s12;
	[tilespmem:s25+$0x400] =	vst v2  }
0xf2: {  	v2 =	vld [tilespmem:s12+$0x4100]  }
0xf3: {  	v3 =	vld [tilespmem:s12+$0x100];
	_ =	sdelay $0x1  }
0xf4: {  	s20 =	simm.s32 $0x1  }
0xf5: {  	s21 =	sand.u32 $0x7, s20  }
0xf6: {  	s26 =	sshll.u32 s21, $0x4;
	s21 =	simm.s32 $0x80;
	s25 =	simm.s32 $0x20  }
.LBB2_16:
0xf7: {  	p0 =	sne.s32 s25, $0x7F0;
	s26 =	sadd.s32 s26, s21;
	v3 =	vadd.f32 v2, v3  }
0xf8: {  	s26 =	sor.u32 $0x380, s26  }
0xf9: {  	v2 =	vld [tilespmem:s26+$0x4100];
	[tilespmem:s12+$0x100] =	vst v3;
	s12 =	smov.u32 s26  }
.Ltmp7:
0xfa: {  	v3 =	vld [tilespmem:s12+$0x100];
	(pc) =	sbr.rel @p0 .LBB2_16-.Ltmp7, $4  }
0xfb: {  	_ = 	snop  }
0xfc: {  	s20 =	sadd.s32 $0x1, s20  }
0xfd: {  	s26 =	sand.u32 $0x7, s20  }
0xfe: {  	s25 =	sadd.s32 $0x10, s25;
	s21 =	sadd.s32 $0x80, s21;
	s26 =	sshll.u32 s26, $0x4  }
0xff: {  	s20 =	sadd.s32 s26, s21;
	v2 =	vadd.f32 v2, v3  }
0x100: {  	s20 =	sor.u32 $0x380, s20  }
0x101: {  	v3 =	vld [tilespmem:s20+$0x4100];
	[tilespmem:s12+$0x100] =	vst v2  }
0x102: {  	v2 =	vld [tilespmem:s20+$0x100];
	_ =	sdelay $0x4  }
0x103: {  	v2 =	vadd.f32 v3, v2;
	_ =	sdelay $0x1  }
0x104: {  	s30 =	rddreg [dreg:$0x5];
	s12 =	simm.s32 $0x0;
	[tilespmem:s20+$0x100] =	vst v2  }
0x105: {  	[hbm4b:s30+s12] =	stream.linear.scatter [tilespmem:s24], [sflag:$0x5], $0x4000, $0x38;
	[tilespmem:$0x10100] =	vst v63  }
0x106: {  	_ =	swait.ge [sflag:s22], $0x4000  }
0x107: {  	[sflag:s22] =	ssyncset.done $0x0  }
0x108: {  	[sflag:s22] =	ssyncadd.s32 $0xFFFFC000  }
0x109: {  	v2 =	vld.msk [tilespmem:$0x10], $0xff;
	_ =	sdelay $0x4  }
0x10a: {  	v3 =	vshll.u32 v2, $0x4  }
0x10b: {  	v2 =	vand.u32 $0x7, v2;
	v3 =	vand.u32 $0xFFFFFF80, v3  }
0x10c: {  	v2 =	vor.u32 v2, v3  }
0x10d: {  	v2 =	vperm.xlane v2, v0;
	_ =	sdelay $0x1  }
0x10e: {  	v2 =	vadd.s32 v1, v2;
	_ =	sdelay $0x4  }
0x10f: {  	[tilespmem:s24], [sflag:$0x1] =	stream.indirect_vreg.gather [hbm4b:s3+s12], $0x80, v2, vm0, $0xb8;
	[tilespmem:$0x10100] =	vst v63  }
0x110: {  	s21 =	simm.s32 $0x900  }
0x111: {  	[tilespmem:s21], [sflag:$0x1] =	stream.indirect_vreg.gather [hbm4b:s6+s12], $0x80, v2, vm0, $0xb8;
	[tilespmem:$0x10100] =	vst v63  }
0x112: {  	s25 =	simm.s32 $0x1100  }
0x113: {  	[tilespmem:s25], [sflag:$0x1] =	stream.indirect_vreg.gather [hbm4b:s7+s12], $0x80, v2, vm0, $0xb8;
	[tilespmem:$0x10100] =	vst v63  }
0x114: {  	s26 =	simm.s32 $0x1900  }
0x115: {  	[tilespmem:s26], [sflag:$0x1] =	stream.indirect_vreg.gather [hbm4b:s8+s12], $0x80, v2, vm0, $0xb8;
	[tilespmem:$0x10100] =	vst v63  }
0x116: {  	s30 =	simm.s32 $0x2100  }
0x117: {  	[tilespmem:s30], [sflag:$0x1] =	stream.indirect_vreg.gather [hbm4b:s9+s12], $0x80, v2, vm0, $0xb8;
	[tilespmem:$0x10100] =	vst v63  }
0x118: {  	s21 =	simm.s32 $0x2900  }
0x119: {  	[tilespmem:s21], [sflag:$0x1] =	stream.indirect_vreg.gather [hbm4b:s10+s12], $0x80, v2, vm0, $0xb8;
	[tilespmem:$0x10100] =	vst v63  }
0x11a: {  	s25 =	simm.s32 $0x3100  }
0x11b: {  	[tilespmem:s25], [sflag:$0x1] =	stream.indirect_vreg.gather [hbm4b:s11+s12], $0x80, v2, vm0, $0xb8;
	[tilespmem:$0x10100] =	vst v63  }
0x11c: {  	s26 =	simm.s32 $0x3900  }
0x11d: {  	[tilespmem:s26], [sflag:$0x1] =	stream.indirect_vreg.gather [hbm4b:s13+s12], $0x80, v2, vm0, $0xb8;
	[tilespmem:$0x10100] =	vst v63  }
0x11e: {  	v2 =	vld.msk [tilespmem:$0x90], $0xff;
	_ =	sdelay $0x4  }
0x11f: {  	v3 =	vshll.u32 v2, $0x4  }
0x120: {  	v2 =	vand.u32 $0x7, v2;
	v3 =	vand.u32 $0xFFFFFF80, v3  }
0x121: {  	v2 =	vor.u32 v2, v3  }
0x122: {  	v2 =	vperm.xlane v2, v0;
	_ =	sdelay $0x1  }
0x123: {  	v2 =	vadd.s32 v1, v2;
	_ =	sdelay $0x3  }
0x124: {  	s30 =	simm.s32 $0x4100  }
0x125: {  	[tilespmem:s30], [sflag:$0x2] =	stream.indirect_vreg.gather [hbm4b:s3+s12], $0x80, v2, vm0, $0xb8;
	[tilespmem:$0x10100] =	vst v63  }
0x126: {  	s21 =	simm.s32 $0x4900  }
0x127: {  	[tilespmem:s21], [sflag:$0x2] =	stream.indirect_vreg.gather [hbm4b:s6+s12], $0x80, v2, vm0, $0xb8;
	[tilespmem:$0x10100] =	vst v63  }
0x128: {  	s25 =	simm.s32 $0x5100  }
0x129: {  	[tilespmem:s25], [sflag:$0x2] =	stream.indirect_vreg.gather [hbm4b:s7+s12], $0x80, v2, vm0, $0xb8;
	[tilespmem:$0x10100] =	vst v63  }
0x12a: {  	s26 =	simm.s32 $0x5900  }
0x12b: {  	[tilespmem:s26], [sflag:$0x2] =	stream.indirect_vreg.gather [hbm4b:s8+s12], $0x80, v2, vm0, $0xb8;
	[tilespmem:$0x10100] =	vst v63  }
0x12c: {  	s30 =	simm.s32 $0x6100  }
0x12d: {  	[tilespmem:s30], [sflag:$0x2] =	stream.indirect_vreg.gather [hbm4b:s9+s12], $0x80, v2, vm0, $0xb8;
	[tilespmem:$0x10100] =	vst v63  }
0x12e: {  	s21 =	simm.s32 $0x6900  }
0x12f: {  	[tilespmem:s21], [sflag:$0x2] =	stream.indirect_vreg.gather [hbm4b:s10+s12], $0x80, v2, vm0, $0xb8;
	[tilespmem:$0x10100] =	vst v63  }
0x130: {  	s25 =	simm.s32 $0x7100  }
0x131: {  	[tilespmem:s25], [sflag:$0x2] =	stream.indirect_vreg.gather [hbm4b:s11+s12], $0x80, v2, vm0, $0xb8;
	[tilespmem:$0x10100] =	vst v63  }
0x132: {  	s26 =	simm.s32 $0x7900  }
0x133: {  	[tilespmem:s26], [sflag:$0x2] =	stream.indirect_vreg.gather [hbm4b:s13+s12], $0x80, v2, vm0, $0xb8;
	[tilespmem:$0x10100] =	vst v63  }
0x134: {  	_ =	swait.ge [sflag:s16], $0x4000  }
0x135: {  	[sflag:s16] =	ssyncset.done $0x0  }
0x136: {  	[sflag:s16] =	ssyncadd.s32 $0xFFFFC000  }
0x137: {  	_ =	swait.ge [sflag:s17], $0x4000  }
0x138: {  	s20 =	sand.u32 $0x70, s12;
	s21 =	sand.u32 $0x3C00, s12;
	[sflag:s17] =	ssyncset.done $0x0  }
0x139: {  	s25 =	sor.u32 s20, s21;
	[sflag:s17] =	ssyncadd.s32 $0xFFFFC000  }
0x13a: {  	v2 =	vld [tilespmem:s25+$0xC100]  }
0x13b: {  	v3 =	vld [tilespmem:s25+$0x8100];
	_ =	sdelay $0x3  }
0x13c: {  	s30 =	simm.s32 $0x10;
	s26 =	simm.s32 $0x80  }
0x13d: {  	s12 =	sand.u32 $0x70, s30;
	s28 =	sand.u32 $0x3C00, s26;
	v2 =	vadd.f32 v2, v3  }
0x13e: {  	s29 =	sor.u32 s12, s28;
	s28 =	simm.s32 $0x20  }
.LBB2_18:
0x13f: {  	p0 =	sne.s32 s28, $0x7F0;
	v3 =	vld [tilespmem:s29+$0xC100];
	[tilespmem:s25+$0x8100] =	vst v2;
	s25 =	smov.u32 s29  }
0x140: {  	v2 =	vld [tilespmem:s25+$0x8100];
	_ =	sdelay $0x1  }
.Ltmp8:
0x141: {  	(pc) =	sbr.rel @p0 .LBB2_18-.Ltmp8, $4  }
0x142: {  	_ = 	snop  }
0x143: {  	s26 =	sadd.s32 $0x80, s26  }
0x144: {  	s29 =	sand.u32 $0x70, s28;
	s30 =	sand.u32 $0x3C00, s26;
	v2 =	vadd.f32 v3, v2  }
0x145: {  	s28 =	sadd.s32 $0x10, s28;
	s29 =	sor.u32 s29, s30  }
0x146: {  	v3 =	vld [tilespmem:s29+$0xC100];
	[tilespmem:s25+$0x8100] =	vst v2  }
0x147: {  	v2 =	vld [tilespmem:s29+$0x8100];
	_ =	sdelay $0x4  }
0x148: {  	v2 =	vadd.f32 v3, v2;
	_ =	sdelay $0x1  }
0x149: {  	s20 =	sor.u32 s21, s20;
	[tilespmem:s29+$0x8100] =	vst v2  }
0x14a: {  	v2 =	vld [tilespmem:s20+$0xC180]  }
0x14b: {  	v3 =	vld [tilespmem:s20+$0x8180];
	_ =	sdelay $0x3  }
0x14c: {  	s21 =	simm.s32 $0x80  }
0x14d: {  	s30 =	sand.u32 $0x3C00, s21;
	v2 =	vadd.f32 v2, v3  }
0x14e: {  	s25 =	sor.u32 s30, s12;
	s12 =	simm.s32 $0x20  }
.LBB2_20:
0x14f: {  	p0 =	sne.s32 s12, $0x7F0;
	v3 =	vld [tilespmem:s25+$0xC180];
	[tilespmem:s20+$0x8180] =	vst v2;
	s20 =	smov.u32 s25  }
0x150: {  	v2 =	vld [tilespmem:s20+$0x8180];
	_ =	sdelay $0x1  }
.Ltmp9:
0x151: {  	(pc) =	sbr.rel @p0 .LBB2_20-.Ltmp9, $4  }
0x152: {  	_ = 	snop  }
0x153: {  	s21 =	sadd.s32 $0x80, s21  }
0x154: {  	s25 =	sand.u32 $0x70, s12;
	s26 =	sand.u32 $0x3C00, s21;
	v2 =	vadd.f32 v3, v2  }
0x155: {  	s12 =	sadd.s32 $0x10, s12;
	s25 =	sor.u32 s26, s25  }
0x156: {  	v3 =	vld [tilespmem:s25+$0xC180];
	[tilespmem:s20+$0x8180] =	vst v2  }
0x157: {  	v2 =	vld [tilespmem:s25+$0x8180];
	_ =	sdelay $0x4  }
0x158: {  	s12 =	simm.s32 $0x0;
	v2 =	vadd.f32 v3, v2  }
0x159: {  	s26 =	sand.u32 $0x70, s12;
	s12 =	sand.u32 $0x3C00, s12  }
0x15a: {  	s20 =	sor.u32 s12, s26;
	[tilespmem:s25+$0x8180] =	vst v2  }
0x15b: {  	v2 =	vld [tilespmem:s20+$0xC200]  }
0x15c: {  	v3 =	vld [tilespmem:s20+$0x8200];
	_ =	sdelay $0x3  }
0x15d: {  	s29 =	simm.s32 $0x10;
	s21 =	simm.s32 $0x80  }
0x15e: {  	s30 =	sand.u32 $0x3C00, s21;
	s12 =	sand.u32 $0x70, s29;
	v2 =	vadd.f32 v2, v3  }
0x15f: {  	s26 =	simm.s32 $0x20;
	s28 =	sor.u32 s30, s12;
	s25 =	smov.u32 s20  }
.LBB2_22:
0x160: {  	p0 =	sne.s32 s26, $0x7F0;
	v3 =	vld [tilespmem:s28+$0xC200];
	[tilespmem:s25+$0x8200] =	vst v2;
	s25 =	smov.u32 s28  }
0x161: {  	v2 =	vld [tilespmem:s25+$0x8200];
	_ =	sdelay $0x1  }
.Ltmp10:
0x162: {  	(pc) =	sbr.rel @p0 .LBB2_22-.Ltmp10, $4  }
0x163: {  	_ = 	snop  }
0x164: {  	s21 =	sadd.s32 $0x80, s21  }
0x165: {  	s28 =	sand.u32 $0x70, s26;
	s29 =	sand.u32 $0x3C00, s21;
	v2 =	vadd.f32 v3, v2  }
0x166: {  	s26 =	sadd.s32 $0x10, s26;
	s28 =	sor.u32 s29, s28  }
0x167: {  	v3 =	vld [tilespmem:s28+$0xC200];
	[tilespmem:s25+$0x8200] =	vst v2  }
0x168: {  	v2 =	vld [tilespmem:s28+$0x8200];
	_ =	sdelay $0x4  }
0x169: {  	v2 =	vadd.f32 v3, v2;
	_ =	sdelay $0x1  }
0x16a: {  	[tilespmem:s28+$0x8200] =	vst v2  }
0x16b: {  	v2 =	vld [tilespmem:s20+$0xC280]  }
0x16c: {  	v3 =	vld [tilespmem:s20+$0x8280];
	_ =	sdelay $0x3  }
0x16d: {  	s21 =	simm.s32 $0x80  }
0x16e: {  	s30 =	sand.u32 $0x3C00, s21;
	v2 =	vadd.f32 v2, v3  }
0x16f: {  	s25 =	sor.u32 s30, s12;
	s12 =	simm.s32 $0x20  }
.LBB2_24:
0x170: {  	p0 =	sne.s32 s12, $0x7F0;
	v3 =	vld [tilespmem:s25+$0xC280];
	[tilespmem:s20+$0x8280] =	vst v2;
	s20 =	smov.u32 s25  }
0x171: {  	v2 =	vld [tilespmem:s20+$0x8280];
	_ =	sdelay $0x1  }
.Ltmp11:
0x172: {  	(pc) =	sbr.rel @p0 .LBB2_24-.Ltmp11, $4  }
0x173: {  	_ = 	snop  }
0x174: {  	s21 =	sadd.s32 $0x80, s21  }
0x175: {  	s25 =	sand.u32 $0x70, s12;
	s26 =	sand.u32 $0x3C00, s21;
	v2 =	vadd.f32 v3, v2  }
0x176: {  	s12 =	sadd.s32 $0x10, s12;
	s25 =	sor.u32 s26, s25  }
0x177: {  	v3 =	vld [tilespmem:s25+$0xC280];
	[tilespmem:s20+$0x8280] =	vst v2  }
0x178: {  	v2 =	vld [tilespmem:s25+$0x8280];
	_ =	sdelay $0x4  }
0x179: {  	s12 =	simm.s32 $0x0;
	v2 =	vadd.f32 v3, v2  }
0x17a: {  	s26 =	sand.u32 $0x70, s12;
	s12 =	sand.u32 $0x3C00, s12  }
0x17b: {  	s20 =	sor.u32 s12, s26;
	[tilespmem:s25+$0x8280] =	vst v2  }
0x17c: {  	v2 =	vld [tilespmem:s20+$0xC300]  }
0x17d: {  	v3 =	vld [tilespmem:s20+$0x8300];
	_ =	sdelay $0x3  }
0x17e: {  	s29 =	simm.s32 $0x10;
	s21 =	simm.s32 $0x80  }
0x17f: {  	s30 =	sand.u32 $0x3C00, s21;
	s12 =	sand.u32 $0x70, s29;
	v2 =	vadd.f32 v2, v3  }
0x180: {  	s26 =	simm.s32 $0x20;
	s28 =	sor.u32 s30, s12;
	s25 =	smov.u32 s20  }
.LBB2_26:
0x181: {  	p0 =	sne.s32 s26, $0x7F0;
	v3 =	vld [tilespmem:s28+$0xC300];
	[tilespmem:s25+$0x8300] =	vst v2;
	s25 =	smov.u32 s28  }
0x182: {  	v2 =	vld [tilespmem:s25+$0x8300];
	_ =	sdelay $0x1  }
.Ltmp12:
0x183: {  	(pc) =	sbr.rel @p0 .LBB2_26-.Ltmp12, $4  }
0x184: {  	_ = 	snop  }
0x185: {  	s21 =	sadd.s32 $0x80, s21  }
0x186: {  	s28 =	sand.u32 $0x70, s26;
	s29 =	sand.u32 $0x3C00, s21;
	v2 =	vadd.f32 v3, v2  }
0x187: {  	s26 =	sadd.s32 $0x10, s26;
	s28 =	sor.u32 s29, s28  }
0x188: {  	v3 =	vld [tilespmem:s28+$0xC300];
	[tilespmem:s25+$0x8300] =	vst v2  }
0x189: {  	v2 =	vld [tilespmem:s28+$0x8300];
	_ =	sdelay $0x4  }
0x18a: {  	v2 =	vadd.f32 v3, v2;
	_ =	sdelay $0x1  }
0x18b: {  	[tilespmem:s28+$0x8300] =	vst v2  }
0x18c: {  	v2 =	vld [tilespmem:s20+$0xC380]  }
0x18d: {  	v3 =	vld [tilespmem:s20+$0x8380];
	_ =	sdelay $0x3  }
0x18e: {  	s21 =	simm.s32 $0x80  }
0x18f: {  	s30 =	sand.u32 $0x3C00, s21;
	v2 =	vadd.f32 v2, v3  }
0x190: {  	s25 =	sor.u32 s30, s12;
	s12 =	simm.s32 $0x20  }
.LBB2_28:
0x191: {  	p0 =	sne.s32 s12, $0x7F0;
	v3 =	vld [tilespmem:s25+$0xC380];
	[tilespmem:s20+$0x8380] =	vst v2;
	s20 =	smov.u32 s25  }
0x192: {  	v2 =	vld [tilespmem:s20+$0x8380];
	_ =	sdelay $0x1  }
.Ltmp13:
0x193: {  	(pc) =	sbr.rel @p0 .LBB2_28-.Ltmp13, $4  }
0x194: {  	_ = 	snop  }
0x195: {  	s21 =	sadd.s32 $0x80, s21  }
0x196: {  	s25 =	sand.u32 $0x70, s12;
	s26 =	sand.u32 $0x3C00, s21;
	v2 =	vadd.f32 v3, v2  }
0x197: {  	s12 =	sadd.s32 $0x10, s12;
	s25 =	sor.u32 s26, s25  }
0x198: {  	v3 =	vld [tilespmem:s25+$0xC380];
	[tilespmem:s20+$0x8380] =	vst v2  }
0x199: {  	v2 =	vld [tilespmem:s25+$0x8380];
	_ =	sdelay $0x4  }
0x19a: {  	s20 =	simm.s32 $0x0;
	v2 =	vadd.f32 v3, v2  }
0x19b: {  	s12 =	sand.u32 $0x70, s20;
	s21 =	sand.u32 $0x3C00, s20  }
0x19c: {  	s12 =	sor.u32 s21, s12;
	[tilespmem:s25+$0x8380] =	vst v2  }
0x19d: {  	v2 =	vld [tilespmem:s12+$0xC400]  }
0x19e: {  	v3 =	vld [tilespmem:s12+$0x8400];
	_ =	sdelay $0x3  }
0x19f: {  	s30 =	simm.s32 $0x10;
	s21 =	simm.s32 $0x80  }
0x1a0: {  	s26 =	sand.u32 $0x3C00, s21;
	s25 =	sand.u32 $0x70, s30;
	v2 =	vadd.f32 v2, v3  }
0x1a1: {  	s26 =	sor.u32 s26, s25;
	s25 =	simm.s32 $0x20  }
.LBB2_30:
0x1a2: {  	p0 =	sne.s32 s25, $0x7F0;
	v3 =	vld [tilespmem:s26+$0xC400];
	[tilespmem:s12+$0x8400] =	vst v2;
	s12 =	smov.u32 s26  }
0x1a3: {  	v2 =	vld [tilespmem:s12+$0x8400];
	_ =	sdelay $0x1  }
.Ltmp14:
0x1a4: {  	(pc) =	sbr.rel @p0 .LBB2_30-.Ltmp14, $4  }
0x1a5: {  	_ = 	snop  }
0x1a6: {  	s21 =	sadd.s32 $0x80, s21  }
0x1a7: {  	s26 =	sand.u32 $0x70, s25;
	s28 =	sand.u32 $0x3C00, s21;
	v2 =	vadd.f32 v3, v2  }
0x1a8: {  	s25 =	sadd.s32 $0x10, s25;
	s26 =	sor.u32 s28, s26  }
0x1a9: {  	v3 =	vld [tilespmem:s26+$0xC400];
	[tilespmem:s12+$0x8400] =	vst v2  }
0x1aa: {  	v2 =	vld [tilespmem:s26+$0x8400];
	_ =	sdelay $0x3  }
0x1ab: {  	s30 =	sand.u32 $0x7, s20  }
0x1ac: {  	s12 =	sshll.u32 s30, $0x4;
	v2 =	vadd.f32 v3, v2  }
0x1ad: {  	s12 =	sadd.s32 $0x0, s12  }
0x1ae: {  	s12 =	sor.u32 $0x380, s12;
	[tilespmem:s26+$0x8400] =	vst v2  }
0x1af: {  	v2 =	vld [tilespmem:s12+$0xC100]  }
0x1b0: {  	v3 =	vld [tilespmem:s12+$0x8100];
	_ =	sdelay $0x1  }
0x1b1: {  	s20 =	simm.s32 $0x1  }
0x1b2: {  	s21 =	sand.u32 $0x7, s20  }
0x1b3: {  	s25 =	simm.s32 $0x20;
	s26 =	sshll.u32 s21, $0x4;
	s21 =	simm.s32 $0x80  }
.LBB2_32:
0x1b4: {  	p0 =	sne.s32 s25, $0x7F0;
	s26 =	sadd.s32 s26, s21;
	v3 =	vadd.f32 v2, v3  }
0x1b5: {  	s26 =	sor.u32 $0x380, s26  }
0x1b6: {  	v2 =	vld [tilespmem:s26+$0xC100];
	[tilespmem:s12+$0x8100] =	vst v3;
	s12 =	smov.u32 s26  }
.Ltmp15:
0x1b7: {  	v3 =	vld [tilespmem:s12+$0x8100];
	(pc) =	sbr.rel @p0 .LBB2_32-.Ltmp15, $4  }
0x1b8: {  	_ = 	snop  }
0x1b9: {  	s20 =	sadd.s32 $0x1, s20  }
0x1ba: {  	s26 =	sand.u32 $0x7, s20  }
0x1bb: {  	s25 =	sadd.s32 $0x10, s25;
	s21 =	sadd.s32 $0x80, s21;
	s26 =	sshll.u32 s26, $0x4  }
0x1bc: {  	s20 =	sadd.s32 s26, s21;
	v2 =	vadd.f32 v2, v3  }
0x1bd: {  	s20 =	sor.u32 $0x380, s20  }
0x1be: {  	v3 =	vld [tilespmem:s20+$0xC100];
	[tilespmem:s12+$0x8100] =	vst v2  }
0x1bf: {  	v2 =	vld [tilespmem:s20+$0x8100];
	_ =	sdelay $0x4  }
0x1c0: {  	v2 =	vadd.f32 v3, v2;
	_ =	sdelay $0x1  }
0x1c1: {  	s25 =	rddreg [dreg:$0x6];
	s12 =	simm.s32 $0x0;
	[tilespmem:s20+$0x8100] =	vst v2  }
0x1c2: {  	[hbm4b:s25+s12] =	stream.linear.scatter [tilespmem:s18], [sflag:$0x5], $0x4000, $0x38;
	[tilespmem:$0x10100] =	vst v63  }
0x1c3: {  	_ =	swait.ge [sflag:s22], $0x4000  }
0x1c4: {  	[sflag:s22] =	ssyncset.done $0x0  }
0x1c5: {  	[sflag:s22] =	ssyncadd.s32 $0xFFFFC000  }
0x1c6: {  	v2 =	vld.msk [tilespmem:$0x18], $0xff;
	_ =	sdelay $0x4  }
0x1c7: {  	v3 =	vshll.u32 v2, $0x4  }
0x1c8: {  	v2 =	vand.u32 $0x7, v2;
	v3 =	vand.u32 $0xFFFFFF80, v3  }
0x1c9: {  	v2 =	vor.u32 v2, v3  }
0x1ca: {  	v2 =	vperm.xlane v2, v0;
	_ =	sdelay $0x1  }
0x1cb: {  	v2 =	vadd.s32 v1, v2;
	_ =	sdelay $0x4  }
0x1cc: {  	[tilespmem:s18], [sflag:$0x3] =	stream.indirect_vreg.gather [hbm4b:s3+s12], $0x80, v2, vm0, $0xb8;
	[tilespmem:$0x10100] =	vst v63  }
0x1cd: {  	s26 =	simm.s32 $0x8900  }
0x1ce: {  	[tilespmem:s26], [sflag:$0x3] =	stream.indirect_vreg.gather [hbm4b:s6+s12], $0x80, v2, vm0, $0xb8;
	[tilespmem:$0x10100] =	vst v63  }
0x1cf: {  	s30 =	simm.s32 $0x9100  }
0x1d0: {  	[tilespmem:s30], [sflag:$0x3] =	stream.indirect_vreg.gather [hbm4b:s7+s12], $0x80, v2, vm0, $0xb8;
	[tilespmem:$0x10100] =	vst v63  }
0x1d1: {  	s21 =	simm.s32 $0x9900  }
0x1d2: {  	[tilespmem:s21], [sflag:$0x3] =	stream.indirect_vreg.gather [hbm4b:s8+s12], $0x80, v2, vm0, $0xb8;
	[tilespmem:$0x10100] =	vst v63  }
0x1d3: {  	s25 =	simm.s32 $0xA100  }
0x1d4: {  	[tilespmem:s25], [sflag:$0x3] =	stream.indirect_vreg.gather [hbm4b:s9+s12], $0x80, v2, vm0, $0xb8;
	[tilespmem:$0x10100] =	vst v63  }
0x1d5: {  	s26 =	simm.s32 $0xA900  }
0x1d6: {  	[tilespmem:s26], [sflag:$0x3] =	stream.indirect_vreg.gather [hbm4b:s10+s12], $0x80, v2, vm0, $0xb8;
	[tilespmem:$0x10100] =	vst v63  }
0x1d7: {  	s30 =	simm.s32 $0xB100  }
0x1d8: {  	[tilespmem:s30], [sflag:$0x3] =	stream.indirect_vreg.gather [hbm4b:s11+s12], $0x80, v2, vm0, $0xb8;
	[tilespmem:$0x10100] =	vst v63  }
0x1d9: {  	s21 =	simm.s32 $0xB900  }
0x1da: {  	[tilespmem:s21], [sflag:$0x3] =	stream.indirect_vreg.gather [hbm4b:s13+s12], $0x80, v2, vm0, $0xb8;
	[tilespmem:$0x10100] =	vst v63  }
0x1db: {  	v2 =	vld.msk [tilespmem:$0x98], $0xff;
	_ =	sdelay $0x4  }
0x1dc: {  	v3 =	vshll.u32 v2, $0x4  }
0x1dd: {  	v2 =	vand.u32 $0x7, v2;
	v3 =	vand.u32 $0xFFFFFF80, v3  }
0x1de: {  	v2 =	vor.u32 v2, v3  }
0x1df: {  	v2 =	vperm.xlane v2, v0;
	_ =	sdelay $0x1  }
0x1e0: {  	v2 =	vadd.s32 v1, v2;
	_ =	sdelay $0x3  }
0x1e1: {  	s25 =	simm.s32 $0xC100  }
0x1e2: {  	[tilespmem:s25], [sflag:$0x4] =	stream.indirect_vreg.gather [hbm4b:s3+s12], $0x80, v2, vm0, $0xb8;
	[tilespmem:$0x10100] =	vst v63  }
0x1e3: {  	s26 =	simm.s32 $0xC900  }
0x1e4: {  	[tilespmem:s26], [sflag:$0x4] =	stream.indirect_vreg.gather [hbm4b:s6+s12], $0x80, v2, vm0, $0xb8;
	[tilespmem:$0x10100] =	vst v63  }
0x1e5: {  	_ = 	snop  }
0x1e6: {  	[tilespmem:s31], [sflag:$0x4] =	stream.indirect_vreg.gather [hbm4b:s7+s12], $0x80, v2, vm0, $0xb8;
	[tilespmem:$0x10100] =	vst v63  }
0x1e7: {  	_ = 	snop  }
0x1e8: {  	[tilespmem:s0], [sflag:$0x4] =	stream.indirect_vreg.gather [hbm4b:s8+s12], $0x80, v2, vm0, $0xb8;
	[tilespmem:$0x10100] =	vst v63  }
0x1e9: {  	_ = 	snop  }
0x1ea: {  	[tilespmem:s1], [sflag:$0x4] =	stream.indirect_vreg.gather [hbm4b:s9+s12], $0x80, v2, vm0, $0xb8;
	[tilespmem:$0x10100] =	vst v63  }
0x1eb: {  	_ = 	snop  }
0x1ec: {  	[tilespmem:s23], [sflag:$0x4] =	stream.indirect_vreg.gather [hbm4b:s10+s12], $0x80, v2, vm0, $0xb8;
	[tilespmem:$0x10100] =	vst v63  }
0x1ed: {  	_ = 	snop  }
0x1ee: {  	[tilespmem:s4], [sflag:$0x4] =	stream.indirect_vreg.gather [hbm4b:s11+s12], $0x80, v2, vm0, $0xb8;
	[tilespmem:$0x10100] =	vst v63  }
0x1ef: {  	_ = 	snop  }
0x1f0: {  	[tilespmem:s5], [sflag:$0x4] =	stream.indirect_vreg.gather [hbm4b:s13+s12], $0x80, v2, vm0, $0xb8;
	[tilespmem:$0x10100] =	vst v63  }
0x1f1: {  	_ =	swait.ge [sflag:s14], $0x4000  }
0x1f2: {  	[sflag:s14] =	ssyncset.done $0x0  }
0x1f3: {  	[sflag:s14] =	ssyncadd.s32 $0xFFFFC000  }
0x1f4: {  	_ =	swait.ge [sflag:s15], $0x4000  }
0x1f5: {  	s20 =	sand.u32 $0x70, s12;
	s21 =	sand.u32 $0x3C00, s12;
	[sflag:s15] =	ssyncset.done $0x0  }
0x1f6: {  	s25 =	sor.u32 s20, s21;
	[sflag:s15] =	ssyncadd.s32 $0xFFFFC000  }
0x1f7: {  	v2 =	vld [tilespmem:s25+$0x4100]  }
0x1f8: {  	v3 =	vld [tilespmem:s25+$0x100];
	_ =	sdelay $0x3  }
0x1f9: {  	s30 =	simm.s32 $0x10;
	s26 =	simm.s32 $0x80  }
0x1fa: {  	s28 =	sand.u32 $0x3C00, s26;
	s12 =	sand.u32 $0x70, s30;
	v2 =	vadd.f32 v2, v3  }
0x1fb: {  	s29 =	sor.u32 s12, s28;
	s28 =	simm.s32 $0x20  }
.LBB2_34:
0x1fc: {  	p0 =	sne.s32 s28, $0x7F0;
	v3 =	vld [tilespmem:s29+$0x4100];
	[tilespmem:s25+$0x100] =	vst v2;
	s25 =	smov.u32 s29  }
0x1fd: {  	v2 =	vld [tilespmem:s25+$0x100];
	_ =	sdelay $0x1  }
.Ltmp16:
0x1fe: {  	(pc) =	sbr.rel @p0 .LBB2_34-.Ltmp16, $4  }
0x1ff: {  	_ = 	snop  }
0x200: {  	s26 =	sadd.s32 $0x80, s26  }
0x201: {  	s29 =	sand.u32 $0x70, s28;
	s30 =	sand.u32 $0x3C00, s26;
	v2 =	vadd.f32 v3, v2  }
0x202: {  	s28 =	sadd.s32 $0x10, s28;
	s29 =	sor.u32 s29, s30  }
0x203: {  	v3 =	vld [tilespmem:s29+$0x4100];
	[tilespmem:s25+$0x100] =	vst v2  }
0x204: {  	v2 =	vld [tilespmem:s29+$0x100];
	_ =	sdelay $0x4  }
0x205: {  	v2 =	vadd.f32 v3, v2;
	_ =	sdelay $0x1  }
0x206: {  	s20 =	sor.u32 s21, s20;
	[tilespmem:s29+$0x100] =	vst v2  }
0x207: {  	v2 =	vld [tilespmem:s20+$0x4180]  }
0x208: {  	v3 =	vld [tilespmem:s20+$0x180];
	_ =	sdelay $0x3  }
0x209: {  	s21 =	simm.s32 $0x80  }
0x20a: {  	s30 =	sand.u32 $0x3C00, s21;
	v2 =	vadd.f32 v2, v3  }
0x20b: {  	s25 =	sor.u32 s30, s12;
	s12 =	simm.s32 $0x20  }
.LBB2_36:
0x20c: {  	p0 =	sne.s32 s12, $0x7F0;
	v3 =	vld [tilespmem:s25+$0x4180];
	[tilespmem:s20+$0x180] =	vst v2;
	s20 =	smov.u32 s25  }
0x20d: {  	v2 =	vld [tilespmem:s20+$0x180];
	_ =	sdelay $0x1  }
.Ltmp17:
0x20e: {  	(pc) =	sbr.rel @p0 .LBB2_36-.Ltmp17, $4  }
0x20f: {  	_ = 	snop  }
0x210: {  	s21 =	sadd.s32 $0x80, s21  }
0x211: {  	s25 =	sand.u32 $0x70, s12;
	s26 =	sand.u32 $0x3C00, s21;
	v2 =	vadd.f32 v3, v2  }
0x212: {  	s12 =	sadd.s32 $0x10, s12;
	s25 =	sor.u32 s26, s25  }
0x213: {  	v3 =	vld [tilespmem:s25+$0x4180];
	[tilespmem:s20+$0x180] =	vst v2  }
0x214: {  	v2 =	vld [tilespmem:s25+$0x180];
	_ =	sdelay $0x4  }
0x215: {  	s12 =	simm.s32 $0x0;
	v2 =	vadd.f32 v3, v2  }
0x216: {  	s26 =	sand.u32 $0x70, s12;
	s12 =	sand.u32 $0x3C00, s12  }
0x217: {  	s20 =	sor.u32 s12, s26;
	[tilespmem:s25+$0x180] =	vst v2  }
0x218: {  	v2 =	vld [tilespmem:s20+$0x4200]  }
0x219: {  	v3 =	vld [tilespmem:s20+$0x200];
	_ =	sdelay $0x3  }
0x21a: {  	s29 =	simm.s32 $0x10;
	s21 =	simm.s32 $0x80  }
0x21b: {  	s30 =	sand.u32 $0x3C00, s21;
	s12 =	sand.u32 $0x70, s29;
	v2 =	vadd.f32 v2, v3  }
0x21c: {  	s26 =	simm.s32 $0x20;
	s28 =	sor.u32 s30, s12;
	s25 =	smov.u32 s20  }
.LBB2_38:
0x21d: {  	p0 =	sne.s32 s26, $0x7F0;
	v3 =	vld [tilespmem:s28+$0x4200];
	[tilespmem:s25+$0x200] =	vst v2;
	s25 =	smov.u32 s28  }
0x21e: {  	v2 =	vld [tilespmem:s25+$0x200];
	_ =	sdelay $0x1  }
.Ltmp18:
0x21f: {  	(pc) =	sbr.rel @p0 .LBB2_38-.Ltmp18, $4  }
0x220: {  	_ = 	snop  }
0x221: {  	s21 =	sadd.s32 $0x80, s21  }
0x222: {  	s28 =	sand.u32 $0x70, s26;
	s29 =	sand.u32 $0x3C00, s21;
	v2 =	vadd.f32 v3, v2  }
0x223: {  	s26 =	sadd.s32 $0x10, s26;
	s28 =	sor.u32 s29, s28  }
0x224: {  	v3 =	vld [tilespmem:s28+$0x4200];
	[tilespmem:s25+$0x200] =	vst v2  }
0x225: {  	v2 =	vld [tilespmem:s28+$0x200];
	_ =	sdelay $0x4  }
0x226: {  	v2 =	vadd.f32 v3, v2;
	_ =	sdelay $0x1  }
0x227: {  	[tilespmem:s28+$0x200] =	vst v2  }
0x228: {  	v2 =	vld [tilespmem:s20+$0x4280]  }
0x229: {  	v3 =	vld [tilespmem:s20+$0x280];
	_ =	sdelay $0x3  }
0x22a: {  	s21 =	simm.s32 $0x80  }
0x22b: {  	s30 =	sand.u32 $0x3C00, s21;
	v2 =	vadd.f32 v2, v3  }
0x22c: {  	s25 =	sor.u32 s30, s12;
	s12 =	simm.s32 $0x20  }
.LBB2_40:
0x22d: {  	p0 =	sne.s32 s12, $0x7F0;
	v3 =	vld [tilespmem:s25+$0x4280];
	[tilespmem:s20+$0x280] =	vst v2;
	s20 =	smov.u32 s25  }
0x22e: {  	v2 =	vld [tilespmem:s20+$0x280];
	_ =	sdelay $0x1  }
.Ltmp19:
0x22f: {  	(pc) =	sbr.rel @p0 .LBB2_40-.Ltmp19, $4  }
0x230: {  	_ = 	snop  }
0x231: {  	s21 =	sadd.s32 $0x80, s21  }
0x232: {  	s25 =	sand.u32 $0x70, s12;
	s26 =	sand.u32 $0x3C00, s21;
	v2 =	vadd.f32 v3, v2  }
0x233: {  	s12 =	sadd.s32 $0x10, s12;
	s25 =	sor.u32 s26, s25  }
0x234: {  	v3 =	vld [tilespmem:s25+$0x4280];
	[tilespmem:s20+$0x280] =	vst v2  }
0x235: {  	v2 =	vld [tilespmem:s25+$0x280];
	_ =	sdelay $0x4  }
0x236: {  	s12 =	simm.s32 $0x0;
	v2 =	vadd.f32 v3, v2  }
0x237: {  	s26 =	sand.u32 $0x70, s12;
	s12 =	sand.u32 $0x3C00, s12  }
0x238: {  	s20 =	sor.u32 s12, s26;
	[tilespmem:s25+$0x280] =	vst v2  }
0x239: {  	v2 =	vld [tilespmem:s20+$0x4300]  }
0x23a: {  	v3 =	vld [tilespmem:s20+$0x300];
	_ =	sdelay $0x3  }
0x23b: {  	s29 =	simm.s32 $0x10;
	s21 =	simm.s32 $0x80  }
0x23c: {  	s30 =	sand.u32 $0x3C00, s21;
	s12 =	sand.u32 $0x70, s29;
	v2 =	vadd.f32 v2, v3  }
0x23d: {  	s26 =	simm.s32 $0x20;
	s28 =	sor.u32 s30, s12;
	s25 =	smov.u32 s20  }
.LBB2_42:
0x23e: {  	p0 =	sne.s32 s26, $0x7F0;
	v3 =	vld [tilespmem:s28+$0x4300];
	[tilespmem:s25+$0x300] =	vst v2;
	s25 =	smov.u32 s28  }
0x23f: {  	v2 =	vld [tilespmem:s25+$0x300];
	_ =	sdelay $0x1  }
.Ltmp20:
0x240: {  	(pc) =	sbr.rel @p0 .LBB2_42-.Ltmp20, $4  }
0x241: {  	_ = 	snop  }
0x242: {  	s21 =	sadd.s32 $0x80, s21  }
0x243: {  	s28 =	sand.u32 $0x70, s26;
	s29 =	sand.u32 $0x3C00, s21;
	v2 =	vadd.f32 v3, v2  }
0x244: {  	s26 =	sadd.s32 $0x10, s26;
	s28 =	sor.u32 s29, s28  }
0x245: {  	v3 =	vld [tilespmem:s28+$0x4300];
	[tilespmem:s25+$0x300] =	vst v2  }
0x246: {  	v2 =	vld [tilespmem:s28+$0x300];
	_ =	sdelay $0x4  }
0x247: {  	v2 =	vadd.f32 v3, v2;
	_ =	sdelay $0x1  }
0x248: {  	[tilespmem:s28+$0x300] =	vst v2  }
0x249: {  	v2 =	vld [tilespmem:s20+$0x4380]  }
0x24a: {  	v3 =	vld [tilespmem:s20+$0x380];
	_ =	sdelay $0x3  }
0x24b: {  	s21 =	simm.s32 $0x80  }
0x24c: {  	s30 =	sand.u32 $0x3C00, s21;
	v2 =	vadd.f32 v2, v3  }
0x24d: {  	s25 =	sor.u32 s30, s12;
	s12 =	simm.s32 $0x20  }
.LBB2_44:
0x24e: {  	p0 =	sne.s32 s12, $0x7F0;
	v3 =	vld [tilespmem:s25+$0x4380];
	[tilespmem:s20+$0x380] =	vst v2;
	s20 =	smov.u32 s25  }
0x24f: {  	v2 =	vld [tilespmem:s20+$0x380];
	_ =	sdelay $0x1  }
.Ltmp21:
0x250: {  	(pc) =	sbr.rel @p0 .LBB2_44-.Ltmp21, $4  }
0x251: {  	_ = 	snop  }
0x252: {  	s21 =	sadd.s32 $0x80, s21  }
0x253: {  	s25 =	sand.u32 $0x70, s12;
	s26 =	sand.u32 $0x3C00, s21;
	v2 =	vadd.f32 v3, v2  }
0x254: {  	s12 =	sadd.s32 $0x10, s12;
	s25 =	sor.u32 s26, s25  }
0x255: {  	v3 =	vld [tilespmem:s25+$0x4380];
	[tilespmem:s20+$0x380] =	vst v2  }
0x256: {  	v2 =	vld [tilespmem:s25+$0x380];
	_ =	sdelay $0x4  }
0x257: {  	s20 =	simm.s32 $0x0;
	v2 =	vadd.f32 v3, v2  }
0x258: {  	s12 =	sand.u32 $0x70, s20;
	s21 =	sand.u32 $0x3C00, s20  }
0x259: {  	s12 =	sor.u32 s21, s12;
	[tilespmem:s25+$0x380] =	vst v2  }
0x25a: {  	v2 =	vld [tilespmem:s12+$0x4400]  }
0x25b: {  	v3 =	vld [tilespmem:s12+$0x400];
	_ =	sdelay $0x3  }
0x25c: {  	s30 =	simm.s32 $0x10;
	s21 =	simm.s32 $0x80  }
0x25d: {  	s26 =	sand.u32 $0x3C00, s21;
	s25 =	sand.u32 $0x70, s30;
	v2 =	vadd.f32 v2, v3  }
0x25e: {  	s26 =	sor.u32 s26, s25;
	s25 =	simm.s32 $0x20  }
.LBB2_46:
0x25f: {  	p0 =	sne.s32 s25, $0x7F0;
	v3 =	vld [tilespmem:s26+$0x4400];
	[tilespmem:s12+$0x400] =	vst v2;
	s12 =	smov.u32 s26  }
0x260: {  	v2 =	vld [tilespmem:s12+$0x400];
	_ =	sdelay $0x1  }
.Ltmp22:
0x261: {  	(pc) =	sbr.rel @p0 .LBB2_46-.Ltmp22, $4  }
0x262: {  	_ = 	snop  }
0x263: {  	s21 =	sadd.s32 $0x80, s21  }
0x264: {  	s26 =	sand.u32 $0x70, s25;
	s28 =	sand.u32 $0x3C00, s21;
	v2 =	vadd.f32 v3, v2  }
0x265: {  	s25 =	sadd.s32 $0x10, s25;
	s26 =	sor.u32 s28, s26  }
0x266: {  	v3 =	vld [tilespmem:s26+$0x4400];
	[tilespmem:s12+$0x400] =	vst v2  }
0x267: {  	v2 =	vld [tilespmem:s26+$0x400];
	_ =	sdelay $0x3  }
0x268: {  	s30 =	sand.u32 $0x7, s20  }
0x269: {  	s12 =	sshll.u32 s30, $0x4;
	v2 =	vadd.f32 v3, v2  }
0x26a: {  	s12 =	sadd.s32 $0x0, s12  }
0x26b: {  	s12 =	sor.u32 $0x380, s12;
	[tilespmem:s26+$0x400] =	vst v2  }
0x26c: {  	v2 =	vld [tilespmem:s12+$0x4100]  }
0x26d: {  	v3 =	vld [tilespmem:s12+$0x100];
	_ =	sdelay $0x1  }
0x26e: {  	s20 =	simm.s32 $0x1  }
0x26f: {  	s21 =	sand.u32 $0x7, s20  }
0x270: {  	s25 =	simm.s32 $0x20;
	s26 =	sshll.u32 s21, $0x4;
	s21 =	simm.s32 $0x80  }
.LBB2_48:
0x271: {  	p0 =	sne.s32 s25, $0x7F0;
	s26 =	sadd.s32 s26, s21;
	v3 =	vadd.f32 v2, v3  }
0x272: {  	s26 =	sor.u32 $0x380, s26  }
0x273: {  	v2 =	vld [tilespmem:s26+$0x4100];
	[tilespmem:s12+$0x100] =	vst v3;
	s12 =	smov.u32 s26  }
.Ltmp23:
0x274: {  	v3 =	vld [tilespmem:s12+$0x100];
	(pc) =	sbr.rel @p0 .LBB2_48-.Ltmp23, $4  }
0x275: {  	_ = 	snop  }
0x276: {  	s20 =	sadd.s32 $0x1, s20  }
0x277: {  	s26 =	sand.u32 $0x7, s20  }
0x278: {  	s25 =	sadd.s32 $0x10, s25;
	s21 =	sadd.s32 $0x80, s21;
	s26 =	sshll.u32 s26, $0x4  }
0x279: {  	s20 =	sadd.s32 s26, s21;
	v2 =	vadd.f32 v2, v3  }
0x27a: {  	s20 =	sor.u32 $0x380, s20  }
0x27b: {  	v3 =	vld [tilespmem:s20+$0x4100];
	[tilespmem:s12+$0x100] =	vst v2  }
0x27c: {  	v2 =	vld [tilespmem:s20+$0x100];
	_ =	sdelay $0x4  }
0x27d: {  	v2 =	vadd.f32 v3, v2;
	_ =	sdelay $0x1  }
0x27e: {  	s30 =	rddreg [dreg:$0x7];
	s12 =	simm.s32 $0x0;
	[tilespmem:s20+$0x100] =	vst v2  }
0x27f: {  	[hbm4b:s30+s12] =	stream.linear.scatter [tilespmem:s24], [sflag:$0x5], $0x4000, $0x38;
	[tilespmem:$0x10100] =	vst v63  }
0x280: {  	_ =	swait.ge [sflag:s22], $0x4000  }
0x281: {  	[sflag:s22] =	ssyncset.done $0x0  }
0x282: {  	[sflag:s22] =	ssyncadd.s32 $0xFFFFC000  }
0x283: {  	v2 =	vld.msk [tilespmem:$0x20], $0xff;
	_ =	sdelay $0x4  }
0x284: {  	v3 =	vshll.u32 v2, $0x4  }
0x285: {  	v2 =	vand.u32 $0x7, v2;
	v3 =	vand.u32 $0xFFFFFF80, v3  }
0x286: {  	v2 =	vor.u32 v2, v3  }
0x287: {  	v2 =	vperm.xlane v2, v0;
	_ =	sdelay $0x1  }
0x288: {  	v2 =	vadd.s32 v1, v2;
	_ =	sdelay $0x4  }
0x289: {  	[tilespmem:s24], [sflag:$0x1] =	stream.indirect_vreg.gather [hbm4b:s3+s12], $0x80, v2, vm0, $0xb8;
	[tilespmem:$0x10100] =	vst v63  }
0x28a: {  	s21 =	simm.s32 $0x900  }
0x28b: {  	[tilespmem:s21], [sflag:$0x1] =	stream.indirect_vreg.gather [hbm4b:s6+s12], $0x80, v2, vm0, $0xb8;
	[tilespmem:$0x10100] =	vst v63  }
0x28c: {  	s25 =	simm.s32 $0x1100  }
0x28d: {  	[tilespmem:s25], [sflag:$0x1] =	stream.indirect_vreg.gather [hbm4b:s7+s12], $0x80, v2, vm0, $0xb8;
	[tilespmem:$0x10100] =	vst v63  }
0x28e: {  	s26 =	simm.s32 $0x1900  }
0x28f: {  	[tilespmem:s26], [sflag:$0x1] =	stream.indirect_vreg.gather [hbm4b:s8+s12], $0x80, v2, vm0, $0xb8;
	[tilespmem:$0x10100] =	vst v63  }
0x290: {  	s30 =	simm.s32 $0x2100  }
0x291: {  	[tilespmem:s30], [sflag:$0x1] =	stream.indirect_vreg.gather [hbm4b:s9+s12], $0x80, v2, vm0, $0xb8;
	[tilespmem:$0x10100] =	vst v63  }
0x292: {  	s21 =	simm.s32 $0x2900  }
0x293: {  	[tilespmem:s21], [sflag:$0x1] =	stream.indirect_vreg.gather [hbm4b:s10+s12], $0x80, v2, vm0, $0xb8;
	[tilespmem:$0x10100] =	vst v63  }
0x294: {  	s25 =	simm.s32 $0x3100  }
0x295: {  	[tilespmem:s25], [sflag:$0x1] =	stream.indirect_vreg.gather [hbm4b:s11+s12], $0x80, v2, vm0, $0xb8;
	[tilespmem:$0x10100] =	vst v63  }
0x296: {  	s26 =	simm.s32 $0x3900  }
0x297: {  	[tilespmem:s26], [sflag:$0x1] =	stream.indirect_vreg.gather [hbm4b:s13+s12], $0x80, v2, vm0, $0xb8;
	[tilespmem:$0x10100] =	vst v63  }
0x298: {  	v2 =	vld.msk [tilespmem:$0xA0], $0xff;
	_ =	sdelay $0x4  }
0x299: {  	v3 =	vshll.u32 v2, $0x4  }
0x29a: {  	v2 =	vand.u32 $0x7, v2;
	v3 =	vand.u32 $0xFFFFFF80, v3  }
0x29b: {  	v2 =	vor.u32 v2, v3  }
0x29c: {  	v2 =	vperm.xlane v2, v0;
	_ =	sdelay $0x1  }
0x29d: {  	v2 =	vadd.s32 v1, v2;
	_ =	sdelay $0x3  }
0x29e: {  	s30 =	simm.s32 $0x4100  }
0x29f: {  	[tilespmem:s30], [sflag:$0x2] =	stream.indirect_vreg.gather [hbm4b:s3+s12], $0x80, v2, vm0, $0xb8;
	[tilespmem:$0x10100] =	vst v63  }
0x2a0: {  	s21 =	simm.s32 $0x4900  }
0x2a1: {  	[tilespmem:s21], [sflag:$0x2] =	stream.indirect_vreg.gather [hbm4b:s6+s12], $0x80, v2, vm0, $0xb8;
	[tilespmem:$0x10100] =	vst v63  }
0x2a2: {  	s25 =	simm.s32 $0x5100  }
0x2a3: {  	[tilespmem:s25], [sflag:$0x2] =	stream.indirect_vreg.gather [hbm4b:s7+s12], $0x80, v2, vm0, $0xb8;
	[tilespmem:$0x10100] =	vst v63  }
0x2a4: {  	s26 =	simm.s32 $0x5900  }
0x2a5: {  	[tilespmem:s26], [sflag:$0x2] =	stream.indirect_vreg.gather [hbm4b:s8+s12], $0x80, v2, vm0, $0xb8;
	[tilespmem:$0x10100] =	vst v63  }
0x2a6: {  	s30 =	simm.s32 $0x6100  }
0x2a7: {  	[tilespmem:s30], [sflag:$0x2] =	stream.indirect_vreg.gather [hbm4b:s9+s12], $0x80, v2, vm0, $0xb8;
	[tilespmem:$0x10100] =	vst v63  }
0x2a8: {  	s21 =	simm.s32 $0x6900  }
0x2a9: {  	[tilespmem:s21], [sflag:$0x2] =	stream.indirect_vreg.gather [hbm4b:s10+s12], $0x80, v2, vm0, $0xb8;
	[tilespmem:$0x10100] =	vst v63  }
0x2aa: {  	s25 =	simm.s32 $0x7100  }
0x2ab: {  	[tilespmem:s25], [sflag:$0x2] =	stream.indirect_vreg.gather [hbm4b:s11+s12], $0x80, v2, vm0, $0xb8;
	[tilespmem:$0x10100] =	vst v63  }
0x2ac: {  	s26 =	simm.s32 $0x7900  }
0x2ad: {  	[tilespmem:s26], [sflag:$0x2] =	stream.indirect_vreg.gather [hbm4b:s13+s12], $0x80, v2, vm0, $0xb8;
	[tilespmem:$0x10100] =	vst v63  }
0x2ae: {  	_ =	swait.ge [sflag:s16], $0x4000  }
0x2af: {  	[sflag:s16] =	ssyncset.done $0x0  }
0x2b0: {  	[sflag:s16] =	ssyncadd.s32 $0xFFFFC000  }
0x2b1: {  	_ =	swait.ge [sflag:s17], $0x4000  }
0x2b2: {  	s20 =	sand.u32 $0x70, s12;
	s21 =	sand.u32 $0x3C00, s12;
	[sflag:s17] =	ssyncset.done $0x0  }
0x2b3: {  	s25 =	sor.u32 s20, s21;
	[sflag:s17] =	ssyncadd.s32 $0xFFFFC000  }
0x2b4: {  	v2 =	vld [tilespmem:s25+$0xC100]  }
0x2b5: {  	v3 =	vld [tilespmem:s25+$0x8100];
	_ =	sdelay $0x3  }
0x2b6: {  	s30 =	simm.s32 $0x10;
	s26 =	simm.s32 $0x80  }
0x2b7: {  	s12 =	sand.u32 $0x70, s30;
	s28 =	sand.u32 $0x3C00, s26;
	v2 =	vadd.f32 v2, v3  }
0x2b8: {  	s29 =	sor.u32 s12, s28;
	s28 =	simm.s32 $0x20  }
.LBB2_50:
0x2b9: {  	p0 =	sne.s32 s28, $0x7F0;
	v3 =	vld [tilespmem:s29+$0xC100];
	[tilespmem:s25+$0x8100] =	vst v2;
	s25 =	smov.u32 s29  }
0x2ba: {  	v2 =	vld [tilespmem:s25+$0x8100];
	_ =	sdelay $0x1  }
.Ltmp24:
0x2bb: {  	(pc) =	sbr.rel @p0 .LBB2_50-.Ltmp24, $4  }
0x2bc: {  	_ = 	snop  }
0x2bd: {  	s26 =	sadd.s32 $0x80, s26  }
0x2be: {  	s29 =	sand.u32 $0x70, s28;
	s30 =	sand.u32 $0x3C00, s26;
	v2 =	vadd.f32 v3, v2  }
0x2bf: {  	s28 =	sadd.s32 $0x10, s28;
	s29 =	sor.u32 s29, s30  }
0x2c0: {  	v3 =	vld [tilespmem:s29+$0xC100];
	[tilespmem:s25+$0x8100] =	vst v2  }
0x2c1: {  	v2 =	vld [tilespmem:s29+$0x8100];
	_ =	sdelay $0x4  }
0x2c2: {  	v2 =	vadd.f32 v3, v2;
	_ =	sdelay $0x1  }
0x2c3: {  	s20 =	sor.u32 s21, s20;
	[tilespmem:s29+$0x8100] =	vst v2  }
0x2c4: {  	v2 =	vld [tilespmem:s20+$0xC180]  }
0x2c5: {  	v3 =	vld [tilespmem:s20+$0x8180];
	_ =	sdelay $0x3  }
0x2c6: {  	s21 =	simm.s32 $0x80  }
0x2c7: {  	s30 =	sand.u32 $0x3C00, s21;
	v2 =	vadd.f32 v2, v3  }
0x2c8: {  	s25 =	sor.u32 s30, s12;
	s12 =	simm.s32 $0x20  }
.LBB2_52:
0x2c9: {  	p0 =	sne.s32 s12, $0x7F0;
	v3 =	vld [tilespmem:s25+$0xC180];
	[tilespmem:s20+$0x8180] =	vst v2;
	s20 =	smov.u32 s25  }
0x2ca: {  	v2 =	vld [tilespmem:s20+$0x8180];
	_ =	sdelay $0x1  }
.Ltmp25:
0x2cb: {  	(pc) =	sbr.rel @p0 .LBB2_52-.Ltmp25, $4  }
0x2cc: {  	_ = 	snop  }
0x2cd: {  	s21 =	sadd.s32 $0x80, s21  }
0x2ce: {  	s25 =	sand.u32 $0x70, s12;
	s26 =	sand.u32 $0x3C00, s21;
	v2 =	vadd.f32 v3, v2  }
0x2cf: {  	s12 =	sadd.s32 $0x10, s12;
	s25 =	sor.u32 s26, s25  }
0x2d0: {  	v3 =	vld [tilespmem:s25+$0xC180];
	[tilespmem:s20+$0x8180] =	vst v2  }
0x2d1: {  	v2 =	vld [tilespmem:s25+$0x8180];
	_ =	sdelay $0x4  }
0x2d2: {  	s12 =	simm.s32 $0x0;
	v2 =	vadd.f32 v3, v2  }
0x2d3: {  	s26 =	sand.u32 $0x70, s12;
	s12 =	sand.u32 $0x3C00, s12  }
0x2d4: {  	s20 =	sor.u32 s12, s26;
	[tilespmem:s25+$0x8180] =	vst v2  }
0x2d5: {  	v2 =	vld [tilespmem:s20+$0xC200]  }
0x2d6: {  	v3 =	vld [tilespmem:s20+$0x8200];
	_ =	sdelay $0x3  }
0x2d7: {  	s29 =	simm.s32 $0x10;
	s21 =	simm.s32 $0x80  }
0x2d8: {  	s30 =	sand.u32 $0x3C00, s21;
	s12 =	sand.u32 $0x70, s29;
	v2 =	vadd.f32 v2, v3  }
0x2d9: {  	s26 =	simm.s32 $0x20;
	s28 =	sor.u32 s30, s12;
	s25 =	smov.u32 s20  }
.LBB2_54:
0x2da: {  	p0 =	sne.s32 s26, $0x7F0;
	v3 =	vld [tilespmem:s28+$0xC200];
	[tilespmem:s25+$0x8200] =	vst v2;
	s25 =	smov.u32 s28  }
0x2db: {  	v2 =	vld [tilespmem:s25+$0x8200];
	_ =	sdelay $0x1  }
.Ltmp26:
0x2dc: {  	(pc) =	sbr.rel @p0 .LBB2_54-.Ltmp26, $4  }
0x2dd: {  	_ = 	snop  }
0x2de: {  	s21 =	sadd.s32 $0x80, s21  }
0x2df: {  	s28 =	sand.u32 $0x70, s26;
	s29 =	sand.u32 $0x3C00, s21;
	v2 =	vadd.f32 v3, v2  }
0x2e0: {  	s26 =	sadd.s32 $0x10, s26;
	s28 =	sor.u32 s29, s28  }
0x2e1: {  	v3 =	vld [tilespmem:s28+$0xC200];
	[tilespmem:s25+$0x8200] =	vst v2  }
0x2e2: {  	v2 =	vld [tilespmem:s28+$0x8200];
	_ =	sdelay $0x4  }
0x2e3: {  	v2 =	vadd.f32 v3, v2;
	_ =	sdelay $0x1  }
0x2e4: {  	[tilespmem:s28+$0x8200] =	vst v2  }
0x2e5: {  	v2 =	vld [tilespmem:s20+$0xC280]  }
0x2e6: {  	v3 =	vld [tilespmem:s20+$0x8280];
	_ =	sdelay $0x3  }
0x2e7: {  	s21 =	simm.s32 $0x80  }
0x2e8: {  	s30 =	sand.u32 $0x3C00, s21;
	v2 =	vadd.f32 v2, v3  }
0x2e9: {  	s25 =	sor.u32 s30, s12;
	s12 =	simm.s32 $0x20  }
.LBB2_56:
0x2ea: {  	p0 =	sne.s32 s12, $0x7F0;
	v3 =	vld [tilespmem:s25+$0xC280];
	[tilespmem:s20+$0x8280] =	vst v2;
	s20 =	smov.u32 s25  }
0x2eb: {  	v2 =	vld [tilespmem:s20+$0x8280];
	_ =	sdelay $0x1  }
.Ltmp27:
0x2ec: {  	(pc) =	sbr.rel @p0 .LBB2_56-.Ltmp27, $4  }
0x2ed: {  	_ = 	snop  }
0x2ee: {  	s21 =	sadd.s32 $0x80, s21  }
0x2ef: {  	s25 =	sand.u32 $0x70, s12;
	s26 =	sand.u32 $0x3C00, s21;
	v2 =	vadd.f32 v3, v2  }
0x2f0: {  	s12 =	sadd.s32 $0x10, s12;
	s25 =	sor.u32 s26, s25  }
0x2f1: {  	v3 =	vld [tilespmem:s25+$0xC280];
	[tilespmem:s20+$0x8280] =	vst v2  }
0x2f2: {  	v2 =	vld [tilespmem:s25+$0x8280];
	_ =	sdelay $0x4  }
0x2f3: {  	s12 =	simm.s32 $0x0;
	v2 =	vadd.f32 v3, v2  }
0x2f4: {  	s26 =	sand.u32 $0x70, s12;
	s12 =	sand.u32 $0x3C00, s12  }
0x2f5: {  	s20 =	sor.u32 s12, s26;
	[tilespmem:s25+$0x8280] =	vst v2  }
0x2f6: {  	v2 =	vld [tilespmem:s20+$0xC300]  }
0x2f7: {  	v3 =	vld [tilespmem:s20+$0x8300];
	_ =	sdelay $0x3  }
0x2f8: {  	s29 =	simm.s32 $0x10;
	s21 =	simm.s32 $0x80  }
0x2f9: {  	s30 =	sand.u32 $0x3C00, s21;
	s12 =	sand.u32 $0x70, s29;
	v2 =	vadd.f32 v2, v3  }
0x2fa: {  	s26 =	simm.s32 $0x20;
	s28 =	sor.u32 s30, s12;
	s25 =	smov.u32 s20  }
.LBB2_58:
0x2fb: {  	p0 =	sne.s32 s26, $0x7F0;
	v3 =	vld [tilespmem:s28+$0xC300];
	[tilespmem:s25+$0x8300] =	vst v2;
	s25 =	smov.u32 s28  }
0x2fc: {  	v2 =	vld [tilespmem:s25+$0x8300];
	_ =	sdelay $0x1  }
.Ltmp28:
0x2fd: {  	(pc) =	sbr.rel @p0 .LBB2_58-.Ltmp28, $4  }
0x2fe: {  	_ = 	snop  }
0x2ff: {  	s21 =	sadd.s32 $0x80, s21  }
0x300: {  	s28 =	sand.u32 $0x70, s26;
	s29 =	sand.u32 $0x3C00, s21;
	v2 =	vadd.f32 v3, v2  }
0x301: {  	s26 =	sadd.s32 $0x10, s26;
	s28 =	sor.u32 s29, s28  }
0x302: {  	v3 =	vld [tilespmem:s28+$0xC300];
	[tilespmem:s25+$0x8300] =	vst v2  }
0x303: {  	v2 =	vld [tilespmem:s28+$0x8300];
	_ =	sdelay $0x4  }
0x304: {  	v2 =	vadd.f32 v3, v2;
	_ =	sdelay $0x1  }
0x305: {  	[tilespmem:s28+$0x8300] =	vst v2  }
0x306: {  	v2 =	vld [tilespmem:s20+$0xC380]  }
0x307: {  	v3 =	vld [tilespmem:s20+$0x8380];
	_ =	sdelay $0x3  }
0x308: {  	s21 =	simm.s32 $0x80  }
0x309: {  	s30 =	sand.u32 $0x3C00, s21;
	v2 =	vadd.f32 v2, v3  }
0x30a: {  	s25 =	sor.u32 s30, s12;
	s12 =	simm.s32 $0x20  }
.LBB2_60:
0x30b: {  	p0 =	sne.s32 s12, $0x7F0;
	v3 =	vld [tilespmem:s25+$0xC380];
	[tilespmem:s20+$0x8380] =	vst v2;
	s20 =	smov.u32 s25  }
0x30c: {  	v2 =	vld [tilespmem:s20+$0x8380];
	_ =	sdelay $0x1  }
.Ltmp29:
0x30d: {  	(pc) =	sbr.rel @p0 .LBB2_60-.Ltmp29, $4  }
0x30e: {  	_ = 	snop  }
0x30f: {  	s21 =	sadd.s32 $0x80, s21  }
0x310: {  	s25 =	sand.u32 $0x70, s12;
	s26 =	sand.u32 $0x3C00, s21;
	v2 =	vadd.f32 v3, v2  }
0x311: {  	s12 =	sadd.s32 $0x10, s12;
	s25 =	sor.u32 s26, s25  }
0x312: {  	v3 =	vld [tilespmem:s25+$0xC380];
	[tilespmem:s20+$0x8380] =	vst v2  }
0x313: {  	v2 =	vld [tilespmem:s25+$0x8380];
	_ =	sdelay $0x4  }
0x314: {  	s20 =	simm.s32 $0x0;
	v2 =	vadd.f32 v3, v2  }
0x315: {  	s12 =	sand.u32 $0x70, s20;
	s21 =	sand.u32 $0x3C00, s20  }
0x316: {  	s12 =	sor.u32 s21, s12;
	[tilespmem:s25+$0x8380] =	vst v2  }
0x317: {  	v2 =	vld [tilespmem:s12+$0xC400]  }
0x318: {  	v3 =	vld [tilespmem:s12+$0x8400];
	_ =	sdelay $0x3  }
0x319: {  	s30 =	simm.s32 $0x10;
	s21 =	simm.s32 $0x80  }
0x31a: {  	s26 =	sand.u32 $0x3C00, s21;
	s25 =	sand.u32 $0x70, s30;
	v2 =	vadd.f32 v2, v3  }
0x31b: {  	s26 =	sor.u32 s26, s25;
	s25 =	simm.s32 $0x20  }
.LBB2_62:
0x31c: {  	p0 =	sne.s32 s25, $0x7F0;
	v3 =	vld [tilespmem:s26+$0xC400];
	[tilespmem:s12+$0x8400] =	vst v2;
	s12 =	smov.u32 s26  }
0x31d: {  	v2 =	vld [tilespmem:s12+$0x8400];
	_ =	sdelay $0x1  }
.Ltmp30:
0x31e: {  	(pc) =	sbr.rel @p0 .LBB2_62-.Ltmp30, $4  }
0x31f: {  	_ = 	snop  }
0x320: {  	s21 =	sadd.s32 $0x80, s21  }
0x321: {  	s26 =	sand.u32 $0x70, s25;
	s28 =	sand.u32 $0x3C00, s21;
	v2 =	vadd.f32 v3, v2  }
0x322: {  	s25 =	sadd.s32 $0x10, s25;
	s26 =	sor.u32 s28, s26  }
0x323: {  	v3 =	vld [tilespmem:s26+$0xC400];
	[tilespmem:s12+$0x8400] =	vst v2  }
0x324: {  	v2 =	vld [tilespmem:s26+$0x8400];
	_ =	sdelay $0x3  }
0x325: {  	s30 =	sand.u32 $0x7, s20  }
0x326: {  	s12 =	sshll.u32 s30, $0x4;
	v2 =	vadd.f32 v3, v2  }
0x327: {  	s12 =	sadd.s32 $0x0, s12  }
0x328: {  	s12 =	sor.u32 $0x380, s12;
	[tilespmem:s26+$0x8400] =	vst v2  }
0x329: {  	v2 =	vld [tilespmem:s12+$0xC100]  }
0x32a: {  	v3 =	vld [tilespmem:s12+$0x8100];
	_ =	sdelay $0x1  }
0x32b: {  	s20 =	simm.s32 $0x1  }
0x32c: {  	s21 =	sand.u32 $0x7, s20  }
0x32d: {  	s25 =	simm.s32 $0x20;
	s26 =	sshll.u32 s21, $0x4;
	s21 =	simm.s32 $0x80  }
.LBB2_64:
0x32e: {  	p0 =	sne.s32 s25, $0x7F0;
	s26 =	sadd.s32 s26, s21;
	v3 =	vadd.f32 v2, v3  }
0x32f: {  	s26 =	sor.u32 $0x380, s26  }
0x330: {  	v2 =	vld [tilespmem:s26+$0xC100];
	[tilespmem:s12+$0x8100] =	vst v3;
	s12 =	smov.u32 s26  }
.Ltmp31:
0x331: {  	v3 =	vld [tilespmem:s12+$0x8100];
	(pc) =	sbr.rel @p0 .LBB2_64-.Ltmp31, $4  }
0x332: {  	_ = 	snop  }
0x333: {  	s20 =	sadd.s32 $0x1, s20  }
0x334: {  	s26 =	sand.u32 $0x7, s20  }
0x335: {  	s25 =	sadd.s32 $0x10, s25;
	s21 =	sadd.s32 $0x80, s21;
	s26 =	sshll.u32 s26, $0x4  }
0x336: {  	s20 =	sadd.s32 s26, s21;
	v2 =	vadd.f32 v2, v3  }
0x337: {  	s20 =	sor.u32 $0x380, s20  }
0x338: {  	v3 =	vld [tilespmem:s20+$0xC100];
	[tilespmem:s12+$0x8100] =	vst v2  }
0x339: {  	v2 =	vld [tilespmem:s20+$0x8100];
	_ =	sdelay $0x4  }
0x33a: {  	v2 =	vadd.f32 v3, v2;
	_ =	sdelay $0x1  }
0x33b: {  	s25 =	rddreg [dreg:$0x8];
	s12 =	simm.s32 $0x0;
	[tilespmem:s20+$0x8100] =	vst v2  }
0x33c: {  	[hbm4b:s25+s12] =	stream.linear.scatter [tilespmem:s18], [sflag:$0x5], $0x4000, $0x38;
	[tilespmem:$0x10100] =	vst v63  }
0x33d: {  	_ =	swait.ge [sflag:s22], $0x4000  }
0x33e: {  	[sflag:s22] =	ssyncset.done $0x0  }
0x33f: {  	[sflag:s22] =	ssyncadd.s32 $0xFFFFC000  }
0x340: {  	v2 =	vld.msk [tilespmem:$0x28], $0xff;
	_ =	sdelay $0x4  }
0x341: {  	v3 =	vshll.u32 v2, $0x4  }
0x342: {  	v2 =	vand.u32 $0x7, v2;
	v3 =	vand.u32 $0xFFFFFF80, v3  }
0x343: {  	v2 =	vor.u32 v2, v3  }
0x344: {  	v2 =	vperm.xlane v2, v0;
	_ =	sdelay $0x1  }
0x345: {  	v2 =	vadd.s32 v1, v2;
	_ =	sdelay $0x4  }
0x346: {  	[tilespmem:s18], [sflag:$0x3] =	stream.indirect_vreg.gather [hbm4b:s3+s12], $0x80, v2, vm0, $0xb8;
	[tilespmem:$0x10100] =	vst v63  }
0x347: {  	s26 =	simm.s32 $0x8900  }
0x348: {  	[tilespmem:s26], [sflag:$0x3] =	stream.indirect_vreg.gather [hbm4b:s6+s12], $0x80, v2, vm0, $0xb8;
	[tilespmem:$0x10100] =	vst v63  }
0x349: {  	s30 =	simm.s32 $0x9100  }
0x34a: {  	[tilespmem:s30], [sflag:$0x3] =	stream.indirect_vreg.gather [hbm4b:s7+s12], $0x80, v2, vm0, $0xb8;
	[tilespmem:$0x10100] =	vst v63  }
0x34b: {  	s21 =	simm.s32 $0x9900  }
0x34c: {  	[tilespmem:s21], [sflag:$0x3] =	stream.indirect_vreg.gather [hbm4b:s8+s12], $0x80, v2, vm0, $0xb8;
	[tilespmem:$0x10100] =	vst v63  }
0x34d: {  	s25 =	simm.s32 $0xA100  }
0x34e: {  	[tilespmem:s25], [sflag:$0x3] =	stream.indirect_vreg.gather [hbm4b:s9+s12], $0x80, v2, vm0, $0xb8;
	[tilespmem:$0x10100] =	vst v63  }
0x34f: {  	s26 =	simm.s32 $0xA900  }
0x350: {  	[tilespmem:s26], [sflag:$0x3] =	stream.indirect_vreg.gather [hbm4b:s10+s12], $0x80, v2, vm0, $0xb8;
	[tilespmem:$0x10100] =	vst v63  }
0x351: {  	s30 =	simm.s32 $0xB100  }
0x352: {  	[tilespmem:s30], [sflag:$0x3] =	stream.indirect_vreg.gather [hbm4b:s11+s12], $0x80, v2, vm0, $0xb8;
	[tilespmem:$0x10100] =	vst v63  }
0x353: {  	s21 =	simm.s32 $0xB900  }
0x354: {  	[tilespmem:s21], [sflag:$0x3] =	stream.indirect_vreg.gather [hbm4b:s13+s12], $0x80, v2, vm0, $0xb8;
	[tilespmem:$0x10100] =	vst v63  }
0x355: {  	v2 =	vld.msk [tilespmem:$0xA8], $0xff;
	_ =	sdelay $0x4  }
0x356: {  	v3 =	vshll.u32 v2, $0x4  }
0x357: {  	v2 =	vand.u32 $0x7, v2;
	v3 =	vand.u32 $0xFFFFFF80, v3  }
0x358: {  	v2 =	vor.u32 v2, v3  }
0x359: {  	v2 =	vperm.xlane v2, v0;
	_ =	sdelay $0x1  }
0x35a: {  	v2 =	vadd.s32 v1, v2;
	_ =	sdelay $0x3  }
0x35b: {  	s25 =	simm.s32 $0xC100  }
0x35c: {  	[tilespmem:s25], [sflag:$0x4] =	stream.indirect_vreg.gather [hbm4b:s3+s12], $0x80, v2, vm0, $0xb8;
	[tilespmem:$0x10100] =	vst v63  }
0x35d: {  	s26 =	simm.s32 $0xC900  }
0x35e: {  	[tilespmem:s26], [sflag:$0x4] =	stream.indirect_vreg.gather [hbm4b:s6+s12], $0x80, v2, vm0, $0xb8;
	[tilespmem:$0x10100] =	vst v63  }
0x35f: {  	_ = 	snop  }
0x360: {  	[tilespmem:s31], [sflag:$0x4] =	stream.indirect_vreg.gather [hbm4b:s7+s12], $0x80, v2, vm0, $0xb8;
	[tilespmem:$0x10100] =	vst v63  }
0x361: {  	_ = 	snop  }
0x362: {  	[tilespmem:s0], [sflag:$0x4] =	stream.indirect_vreg.gather [hbm4b:s8+s12], $0x80, v2, vm0, $0xb8;
	[tilespmem:$0x10100] =	vst v63  }
0x363: {  	_ = 	snop  }
0x364: {  	[tilespmem:s1], [sflag:$0x4] =	stream.indirect_vreg.gather [hbm4b:s9+s12], $0x80, v2, vm0, $0xb8;
	[tilespmem:$0x10100] =	vst v63  }
0x365: {  	_ = 	snop  }
0x366: {  	[tilespmem:s23], [sflag:$0x4] =	stream.indirect_vreg.gather [hbm4b:s10+s12], $0x80, v2, vm0, $0xb8;
	[tilespmem:$0x10100] =	vst v63  }
0x367: {  	_ = 	snop  }
0x368: {  	[tilespmem:s4], [sflag:$0x4] =	stream.indirect_vreg.gather [hbm4b:s11+s12], $0x80, v2, vm0, $0xb8;
	[tilespmem:$0x10100] =	vst v63  }
0x369: {  	_ = 	snop  }
0x36a: {  	[tilespmem:s5], [sflag:$0x4] =	stream.indirect_vreg.gather [hbm4b:s13+s12], $0x80, v2, vm0, $0xb8;
	[tilespmem:$0x10100] =	vst v63  }
0x36b: {  	_ =	swait.ge [sflag:s14], $0x4000  }
0x36c: {  	[sflag:s14] =	ssyncset.done $0x0  }
0x36d: {  	[sflag:s14] =	ssyncadd.s32 $0xFFFFC000  }
0x36e: {  	_ =	swait.ge [sflag:s15], $0x4000  }
0x36f: {  	s20 =	sand.u32 $0x70, s12;
	s21 =	sand.u32 $0x3C00, s12;
	[sflag:s15] =	ssyncset.done $0x0  }
0x370: {  	s25 =	sor.u32 s20, s21;
	[sflag:s15] =	ssyncadd.s32 $0xFFFFC000  }
0x371: {  	v2 =	vld [tilespmem:s25+$0x4100]  }
0x372: {  	v3 =	vld [tilespmem:s25+$0x100];
	_ =	sdelay $0x3  }
0x373: {  	s30 =	simm.s32 $0x10;
	s26 =	simm.s32 $0x80  }
0x374: {  	s28 =	sand.u32 $0x3C00, s26;
	s12 =	sand.u32 $0x70, s30;
	v2 =	vadd.f32 v2, v3  }
0x375: {  	s29 =	sor.u32 s12, s28;
	s28 =	simm.s32 $0x20  }
.LBB2_66:
0x376: {  	p0 =	sne.s32 s28, $0x7F0;
	v3 =	vld [tilespmem:s29+$0x4100];
	[tilespmem:s25+$0x100] =	vst v2;
	s25 =	smov.u32 s29  }
0x377: {  	v2 =	vld [tilespmem:s25+$0x100];
	_ =	sdelay $0x1  }
.Ltmp32:
0x378: {  	(pc) =	sbr.rel @p0 .LBB2_66-.Ltmp32, $4  }
0x379: {  	_ = 	snop  }
0x37a: {  	s26 =	sadd.s32 $0x80, s26  }
0x37b: {  	s29 =	sand.u32 $0x70, s28;
	s30 =	sand.u32 $0x3C00, s26;
	v2 =	vadd.f32 v3, v2  }
0x37c: {  	s28 =	sadd.s32 $0x10, s28;
	s29 =	sor.u32 s29, s30  }
0x37d: {  	v3 =	vld [tilespmem:s29+$0x4100];
	[tilespmem:s25+$0x100] =	vst v2  }
0x37e: {  	v2 =	vld [tilespmem:s29+$0x100];
	_ =	sdelay $0x4  }
0x37f: {  	v2 =	vadd.f32 v3, v2;
	_ =	sdelay $0x1  }
0x380: {  	s20 =	sor.u32 s21, s20;
	[tilespmem:s29+$0x100] =	vst v2  }
0x381: {  	v2 =	vld [tilespmem:s20+$0x4180]  }
0x382: {  	v3 =	vld [tilespmem:s20+$0x180];
	_ =	sdelay $0x3  }
0x383: {  	s21 =	simm.s32 $0x80  }
0x384: {  	s30 =	sand.u32 $0x3C00, s21;
	v2 =	vadd.f32 v2, v3  }
0x385: {  	s25 =	sor.u32 s30, s12;
	s12 =	simm.s32 $0x20  }
.LBB2_68:
0x386: {  	p0 =	sne.s32 s12, $0x7F0;
	v3 =	vld [tilespmem:s25+$0x4180];
	[tilespmem:s20+$0x180] =	vst v2;
	s20 =	smov.u32 s25  }
0x387: {  	v2 =	vld [tilespmem:s20+$0x180];
	_ =	sdelay $0x1  }
.Ltmp33:
0x388: {  	(pc) =	sbr.rel @p0 .LBB2_68-.Ltmp33, $4  }
0x389: {  	_ = 	snop  }
0x38a: {  	s21 =	sadd.s32 $0x80, s21  }
0x38b: {  	s25 =	sand.u32 $0x70, s12;
	s26 =	sand.u32 $0x3C00, s21;
	v2 =	vadd.f32 v3, v2  }
0x38c: {  	s12 =	sadd.s32 $0x10, s12;
	s25 =	sor.u32 s26, s25  }
0x38d: {  	v3 =	vld [tilespmem:s25+$0x4180];
	[tilespmem:s20+$0x180] =	vst v2  }
0x38e: {  	v2 =	vld [tilespmem:s25+$0x180];
	_ =	sdelay $0x4  }
0x38f: {  	s12 =	simm.s32 $0x0;
	v2 =	vadd.f32 v3, v2  }
0x390: {  	s26 =	sand.u32 $0x70, s12;
	s12 =	sand.u32 $0x3C00, s12  }
0x391: {  	s20 =	sor.u32 s12, s26;
	[tilespmem:s25+$0x180] =	vst v2  }
0x392: {  	v2 =	vld [tilespmem:s20+$0x4200]  }
0x393: {  	v3 =	vld [tilespmem:s20+$0x200];
	_ =	sdelay $0x3  }
0x394: {  	s29 =	simm.s32 $0x10;
	s21 =	simm.s32 $0x80  }
0x395: {  	s30 =	sand.u32 $0x3C00, s21;
	s12 =	sand.u32 $0x70, s29;
	v2 =	vadd.f32 v2, v3  }
0x396: {  	s26 =	simm.s32 $0x20;
	s28 =	sor.u32 s30, s12;
	s25 =	smov.u32 s20  }
.LBB2_70:
0x397: {  	p0 =	sne.s32 s26, $0x7F0;
	v3 =	vld [tilespmem:s28+$0x4200];
	[tilespmem:s25+$0x200] =	vst v2;
	s25 =	smov.u32 s28  }
0x398: {  	v2 =	vld [tilespmem:s25+$0x200];
	_ =	sdelay $0x1  }
.Ltmp34:
0x399: {  	(pc) =	sbr.rel @p0 .LBB2_70-.Ltmp34, $4  }
0x39a: {  	_ = 	snop  }
0x39b: {  	s21 =	sadd.s32 $0x80, s21  }
0x39c: {  	s28 =	sand.u32 $0x70, s26;
	s29 =	sand.u32 $0x3C00, s21;
	v2 =	vadd.f32 v3, v2  }
0x39d: {  	s26 =	sadd.s32 $0x10, s26;
	s28 =	sor.u32 s29, s28  }
0x39e: {  	v3 =	vld [tilespmem:s28+$0x4200];
	[tilespmem:s25+$0x200] =	vst v2  }
0x39f: {  	v2 =	vld [tilespmem:s28+$0x200];
	_ =	sdelay $0x4  }
0x3a0: {  	v2 =	vadd.f32 v3, v2;
	_ =	sdelay $0x1  }
0x3a1: {  	[tilespmem:s28+$0x200] =	vst v2  }
0x3a2: {  	v2 =	vld [tilespmem:s20+$0x4280]  }
0x3a3: {  	v3 =	vld [tilespmem:s20+$0x280];
	_ =	sdelay $0x3  }
0x3a4: {  	s21 =	simm.s32 $0x80  }
0x3a5: {  	s30 =	sand.u32 $0x3C00, s21;
	v2 =	vadd.f32 v2, v3  }
0x3a6: {  	s25 =	sor.u32 s30, s12;
	s12 =	simm.s32 $0x20  }
.LBB2_72:
0x3a7: {  	p0 =	sne.s32 s12, $0x7F0;
	v3 =	vld [tilespmem:s25+$0x4280];
	[tilespmem:s20+$0x280] =	vst v2;
	s20 =	smov.u32 s25  }
0x3a8: {  	v2 =	vld [tilespmem:s20+$0x280];
	_ =	sdelay $0x1  }
.Ltmp35:
0x3a9: {  	(pc) =	sbr.rel @p0 .LBB2_72-.Ltmp35, $4  }
0x3aa: {  	_ = 	snop  }
0x3ab: {  	s21 =	sadd.s32 $0x80, s21  }
0x3ac: {  	s25 =	sand.u32 $0x70, s12;
	s26 =	sand.u32 $0x3C00, s21;
	v2 =	vadd.f32 v3, v2  }
0x3ad: {  	s12 =	sadd.s32 $0x10, s12;
	s25 =	sor.u32 s26, s25  }
0x3ae: {  	v3 =	vld [tilespmem:s25+$0x4280];
	[tilespmem:s20+$0x280] =	vst v2  }
0x3af: {  	v2 =	vld [tilespmem:s25+$0x280];
	_ =	sdelay $0x4  }
0x3b0: {  	s12 =	simm.s32 $0x0;
	v2 =	vadd.f32 v3, v2  }
0x3b1: {  	s26 =	sand.u32 $0x70, s12;
	s12 =	sand.u32 $0x3C00, s12  }
0x3b2: {  	s20 =	sor.u32 s12, s26;
	[tilespmem:s25+$0x280] =	vst v2  }
0x3b3: {  	v2 =	vld [tilespmem:s20+$0x4300]  }
0x3b4: {  	v3 =	vld [tilespmem:s20+$0x300];
	_ =	sdelay $0x3  }
0x3b5: {  	s29 =	simm.s32 $0x10;
	s21 =	simm.s32 $0x80  }
0x3b6: {  	s30 =	sand.u32 $0x3C00, s21;
	s12 =	sand.u32 $0x70, s29;
	v2 =	vadd.f32 v2, v3  }
0x3b7: {  	s26 =	simm.s32 $0x20;
	s28 =	sor.u32 s30, s12;
	s25 =	smov.u32 s20  }
.LBB2_74:
0x3b8: {  	p0 =	sne.s32 s26, $0x7F0;
	v3 =	vld [tilespmem:s28+$0x4300];
	[tilespmem:s25+$0x300] =	vst v2;
	s25 =	smov.u32 s28  }
0x3b9: {  	v2 =	vld [tilespmem:s25+$0x300];
	_ =	sdelay $0x1  }
.Ltmp36:
0x3ba: {  	(pc) =	sbr.rel @p0 .LBB2_74-.Ltmp36, $4  }
0x3bb: {  	_ = 	snop  }
0x3bc: {  	s21 =	sadd.s32 $0x80, s21  }
0x3bd: {  	s28 =	sand.u32 $0x70, s26;
	s29 =	sand.u32 $0x3C00, s21;
	v2 =	vadd.f32 v3, v2  }
0x3be: {  	s26 =	sadd.s32 $0x10, s26;
	s28 =	sor.u32 s29, s28  }
0x3bf: {  	v3 =	vld [tilespmem:s28+$0x4300];
	[tilespmem:s25+$0x300] =	vst v2  }
0x3c0: {  	v2 =	vld [tilespmem:s28+$0x300];
	_ =	sdelay $0x4  }
0x3c1: {  	v2 =	vadd.f32 v3, v2;
	_ =	sdelay $0x1  }
0x3c2: {  	[tilespmem:s28+$0x300] =	vst v2  }
0x3c3: {  	v2 =	vld [tilespmem:s20+$0x4380]  }
0x3c4: {  	v3 =	vld [tilespmem:s20+$0x380];
	_ =	sdelay $0x3  }
0x3c5: {  	s21 =	simm.s32 $0x80  }
0x3c6: {  	s30 =	sand.u32 $0x3C00, s21;
	v2 =	vadd.f32 v2, v3  }
0x3c7: {  	s25 =	sor.u32 s30, s12;
	s12 =	simm.s32 $0x20  }
.LBB2_76:
0x3c8: {  	p0 =	sne.s32 s12, $0x7F0;
	v3 =	vld [tilespmem:s25+$0x4380];
	[tilespmem:s20+$0x380] =	vst v2;
	s20 =	smov.u32 s25  }
0x3c9: {  	v2 =	vld [tilespmem:s20+$0x380];
	_ =	sdelay $0x1  }
.Ltmp37:
0x3ca: {  	(pc) =	sbr.rel @p0 .LBB2_76-.Ltmp37, $4  }
0x3cb: {  	_ = 	snop  }
0x3cc: {  	s21 =	sadd.s32 $0x80, s21  }
0x3cd: {  	s25 =	sand.u32 $0x70, s12;
	s26 =	sand.u32 $0x3C00, s21;
	v2 =	vadd.f32 v3, v2  }
0x3ce: {  	s12 =	sadd.s32 $0x10, s12;
	s25 =	sor.u32 s26, s25  }
0x3cf: {  	v3 =	vld [tilespmem:s25+$0x4380];
	[tilespmem:s20+$0x380] =	vst v2  }
0x3d0: {  	v2 =	vld [tilespmem:s25+$0x380];
	_ =	sdelay $0x4  }
0x3d1: {  	s20 =	simm.s32 $0x0;
	v2 =	vadd.f32 v3, v2  }
0x3d2: {  	s12 =	sand.u32 $0x70, s20;
	s21 =	sand.u32 $0x3C00, s20  }
0x3d3: {  	s12 =	sor.u32 s21, s12;
	[tilespmem:s25+$0x380] =	vst v2  }
0x3d4: {  	v2 =	vld [tilespmem:s12+$0x4400]  }
0x3d5: {  	v3 =	vld [tilespmem:s12+$0x400];
	_ =	sdelay $0x3  }
0x3d6: {  	s30 =	simm.s32 $0x10;
	s21 =	simm.s32 $0x80  }
0x3d7: {  	s26 =	sand.u32 $0x3C00, s21;
	s25 =	sand.u32 $0x70, s30;
	v2 =	vadd.f32 v2, v3  }
0x3d8: {  	s26 =	sor.u32 s26, s25;
	s25 =	simm.s32 $0x20  }
.LBB2_78:
0x3d9: {  	p0 =	sne.s32 s25, $0x7F0;
	v3 =	vld [tilespmem:s26+$0x4400];
	[tilespmem:s12+$0x400] =	vst v2;
	s12 =	smov.u32 s26  }
0x3da: {  	v2 =	vld [tilespmem:s12+$0x400];
	_ =	sdelay $0x1  }
.Ltmp38:
0x3db: {  	(pc) =	sbr.rel @p0 .LBB2_78-.Ltmp38, $4  }
0x3dc: {  	_ = 	snop  }
0x3dd: {  	s21 =	sadd.s32 $0x80, s21  }
0x3de: {  	s26 =	sand.u32 $0x70, s25;
	s28 =	sand.u32 $0x3C00, s21;
	v2 =	vadd.f32 v3, v2  }
0x3df: {  	s25 =	sadd.s32 $0x10, s25;
	s26 =	sor.u32 s28, s26  }
0x3e0: {  	v3 =	vld [tilespmem:s26+$0x4400];
	[tilespmem:s12+$0x400] =	vst v2  }
0x3e1: {  	v2 =	vld [tilespmem:s26+$0x400];
	_ =	sdelay $0x3  }
0x3e2: {  	s30 =	sand.u32 $0x7, s20  }
0x3e3: {  	s12 =	sshll.u32 s30, $0x4;
	v2 =	vadd.f32 v3, v2  }
0x3e4: {  	s12 =	sadd.s32 $0x0, s12  }
0x3e5: {  	s12 =	sor.u32 $0x380, s12;
	[tilespmem:s26+$0x400] =	vst v2  }
0x3e6: {  	v2 =	vld [tilespmem:s12+$0x4100]  }
0x3e7: {  	v3 =	vld [tilespmem:s12+$0x100];
	_ =	sdelay $0x1  }
0x3e8: {  	s20 =	simm.s32 $0x1  }
0x3e9: {  	s21 =	sand.u32 $0x7, s20  }
0x3ea: {  	s25 =	simm.s32 $0x20;
	s26 =	sshll.u32 s21, $0x4;
	s21 =	simm.s32 $0x80  }
.LBB2_80:
0x3eb: {  	p0 =	sne.s32 s25, $0x7F0;
	s26 =	sadd.s32 s26, s21;
	v3 =	vadd.f32 v2, v3  }
0x3ec: {  	s26 =	sor.u32 $0x380, s26  }
0x3ed: {  	v2 =	vld [tilespmem:s26+$0x4100];
	[tilespmem:s12+$0x100] =	vst v3;
	s12 =	smov.u32 s26  }
.Ltmp39:
0x3ee: {  	v3 =	vld [tilespmem:s12+$0x100];
	(pc) =	sbr.rel @p0 .LBB2_80-.Ltmp39, $4  }
0x3ef: {  	_ = 	snop  }
0x3f0: {  	s20 =	sadd.s32 $0x1, s20  }
0x3f1: {  	s26 =	sand.u32 $0x7, s20  }
0x3f2: {  	s25 =	sadd.s32 $0x10, s25;
	s21 =	sadd.s32 $0x80, s21;
	s26 =	sshll.u32 s26, $0x4  }
0x3f3: {  	s20 =	sadd.s32 s26, s21;
	v2 =	vadd.f32 v2, v3  }
0x3f4: {  	s20 =	sor.u32 $0x380, s20  }
0x3f5: {  	v3 =	vld [tilespmem:s20+$0x4100];
	[tilespmem:s12+$0x100] =	vst v2  }
0x3f6: {  	v2 =	vld [tilespmem:s20+$0x100];
	_ =	sdelay $0x4  }
0x3f7: {  	v2 =	vadd.f32 v3, v2;
	_ =	sdelay $0x1  }
0x3f8: {  	s30 =	rddreg [dreg:$0x9];
	s12 =	simm.s32 $0x0;
	[tilespmem:s20+$0x100] =	vst v2  }
0x3f9: {  	[hbm4b:s30+s12] =	stream.linear.scatter [tilespmem:s24], [sflag:$0x5], $0x4000, $0x38;
	[tilespmem:$0x10100] =	vst v63  }
0x3fa: {  	_ =	swait.ge [sflag:s22], $0x4000  }
0x3fb: {  	[sflag:s22] =	ssyncset.done $0x0  }
0x3fc: {  	[sflag:s22] =	ssyncadd.s32 $0xFFFFC000  }
0x3fd: {  	v2 =	vld.msk [tilespmem:$0x30], $0xff;
	_ =	sdelay $0x4  }
0x3fe: {  	v3 =	vshll.u32 v2, $0x4  }
0x3ff: {  	v2 =	vand.u32 $0x7, v2;
	v3 =	vand.u32 $0xFFFFFF80, v3  }
0x400: {  	v2 =	vor.u32 v2, v3  }
0x401: {  	v2 =	vperm.xlane v2, v0;
	_ =	sdelay $0x1  }
0x402: {  	v2 =	vadd.s32 v1, v2;
	_ =	sdelay $0x4  }
0x403: {  	[tilespmem:s24], [sflag:$0x1] =	stream.indirect_vreg.gather [hbm4b:s3+s12], $0x80, v2, vm0, $0xb8;
	[tilespmem:$0x10100] =	vst v63  }
0x404: {  	s21 =	simm.s32 $0x900  }
0x405: {  	[tilespmem:s21], [sflag:$0x1] =	stream.indirect_vreg.gather [hbm4b:s6+s12], $0x80, v2, vm0, $0xb8;
	[tilespmem:$0x10100] =	vst v63  }
0x406: {  	s25 =	simm.s32 $0x1100  }
0x407: {  	[tilespmem:s25], [sflag:$0x1] =	stream.indirect_vreg.gather [hbm4b:s7+s12], $0x80, v2, vm0, $0xb8;
	[tilespmem:$0x10100] =	vst v63  }
0x408: {  	s26 =	simm.s32 $0x1900  }
0x409: {  	[tilespmem:s26], [sflag:$0x1] =	stream.indirect_vreg.gather [hbm4b:s8+s12], $0x80, v2, vm0, $0xb8;
	[tilespmem:$0x10100] =	vst v63  }
0x40a: {  	s30 =	simm.s32 $0x2100  }
0x40b: {  	[tilespmem:s30], [sflag:$0x1] =	stream.indirect_vreg.gather [hbm4b:s9+s12], $0x80, v2, vm0, $0xb8;
	[tilespmem:$0x10100] =	vst v63  }
0x40c: {  	s21 =	simm.s32 $0x2900  }
0x40d: {  	[tilespmem:s21], [sflag:$0x1] =	stream.indirect_vreg.gather [hbm4b:s10+s12], $0x80, v2, vm0, $0xb8;
	[tilespmem:$0x10100] =	vst v63  }
0x40e: {  	s25 =	simm.s32 $0x3100  }
0x40f: {  	[tilespmem:s25], [sflag:$0x1] =	stream.indirect_vreg.gather [hbm4b:s11+s12], $0x80, v2, vm0, $0xb8;
	[tilespmem:$0x10100] =	vst v63  }
0x410: {  	s26 =	simm.s32 $0x3900  }
0x411: {  	[tilespmem:s26], [sflag:$0x1] =	stream.indirect_vreg.gather [hbm4b:s13+s12], $0x80, v2, vm0, $0xb8;
	[tilespmem:$0x10100] =	vst v63  }
0x412: {  	v2 =	vld.msk [tilespmem:$0xB0], $0xff;
	_ =	sdelay $0x4  }
0x413: {  	v3 =	vshll.u32 v2, $0x4  }
0x414: {  	v2 =	vand.u32 $0x7, v2;
	v3 =	vand.u32 $0xFFFFFF80, v3  }
0x415: {  	v2 =	vor.u32 v2, v3  }
0x416: {  	v2 =	vperm.xlane v2, v0;
	_ =	sdelay $0x1  }
0x417: {  	v2 =	vadd.s32 v1, v2;
	_ =	sdelay $0x3  }
0x418: {  	s30 =	simm.s32 $0x4100  }
0x419: {  	[tilespmem:s30], [sflag:$0x2] =	stream.indirect_vreg.gather [hbm4b:s3+s12], $0x80, v2, vm0, $0xb8;
	[tilespmem:$0x10100] =	vst v63  }
0x41a: {  	s21 =	simm.s32 $0x4900  }
0x41b: {  	[tilespmem:s21], [sflag:$0x2] =	stream.indirect_vreg.gather [hbm4b:s6+s12], $0x80, v2, vm0, $0xb8;
	[tilespmem:$0x10100] =	vst v63  }
0x41c: {  	s25 =	simm.s32 $0x5100  }
0x41d: {  	[tilespmem:s25], [sflag:$0x2] =	stream.indirect_vreg.gather [hbm4b:s7+s12], $0x80, v2, vm0, $0xb8;
	[tilespmem:$0x10100] =	vst v63  }
0x41e: {  	s26 =	simm.s32 $0x5900  }
0x41f: {  	[tilespmem:s26], [sflag:$0x2] =	stream.indirect_vreg.gather [hbm4b:s8+s12], $0x80, v2, vm0, $0xb8;
	[tilespmem:$0x10100] =	vst v63  }
0x420: {  	s30 =	simm.s32 $0x6100  }
0x421: {  	[tilespmem:s30], [sflag:$0x2] =	stream.indirect_vreg.gather [hbm4b:s9+s12], $0x80, v2, vm0, $0xb8;
	[tilespmem:$0x10100] =	vst v63  }
0x422: {  	s21 =	simm.s32 $0x6900  }
0x423: {  	[tilespmem:s21], [sflag:$0x2] =	stream.indirect_vreg.gather [hbm4b:s10+s12], $0x80, v2, vm0, $0xb8;
	[tilespmem:$0x10100] =	vst v63  }
0x424: {  	s25 =	simm.s32 $0x7100  }
0x425: {  	[tilespmem:s25], [sflag:$0x2] =	stream.indirect_vreg.gather [hbm4b:s11+s12], $0x80, v2, vm0, $0xb8;
	[tilespmem:$0x10100] =	vst v63  }
0x426: {  	s26 =	simm.s32 $0x7900  }
0x427: {  	[tilespmem:s26], [sflag:$0x2] =	stream.indirect_vreg.gather [hbm4b:s13+s12], $0x80, v2, vm0, $0xb8;
	[tilespmem:$0x10100] =	vst v63  }
0x428: {  	_ =	swait.ge [sflag:s16], $0x4000  }
0x429: {  	[sflag:s16] =	ssyncset.done $0x0  }
0x42a: {  	[sflag:s16] =	ssyncadd.s32 $0xFFFFC000  }
0x42b: {  	_ =	swait.ge [sflag:s17], $0x4000  }
0x42c: {  	s20 =	sand.u32 $0x70, s12;
	s21 =	sand.u32 $0x3C00, s12;
	[sflag:s17] =	ssyncset.done $0x0  }
0x42d: {  	s25 =	sor.u32 s20, s21;
	[sflag:s17] =	ssyncadd.s32 $0xFFFFC000  }
0x42e: {  	v2 =	vld [tilespmem:s25+$0xC100]  }
0x42f: {  	v3 =	vld [tilespmem:s25+$0x8100];
	_ =	sdelay $0x3  }
0x430: {  	s30 =	simm.s32 $0x10;
	s26 =	simm.s32 $0x80  }
0x431: {  	s12 =	sand.u32 $0x70, s30;
	s28 =	sand.u32 $0x3C00, s26;
	v2 =	vadd.f32 v2, v3  }
0x432: {  	s29 =	sor.u32 s12, s28;
	s28 =	simm.s32 $0x20  }
.LBB2_82:
0x433: {  	p0 =	sne.s32 s28, $0x7F0;
	v3 =	vld [tilespmem:s29+$0xC100];
	[tilespmem:s25+$0x8100] =	vst v2;
	s25 =	smov.u32 s29  }
0x434: {  	v2 =	vld [tilespmem:s25+$0x8100];
	_ =	sdelay $0x1  }
.Ltmp40:
0x435: {  	(pc) =	sbr.rel @p0 .LBB2_82-.Ltmp40, $4  }
0x436: {  	_ = 	snop  }
0x437: {  	s26 =	sadd.s32 $0x80, s26  }
0x438: {  	s29 =	sand.u32 $0x70, s28;
	s30 =	sand.u32 $0x3C00, s26;
	v2 =	vadd.f32 v3, v2  }
0x439: {  	s28 =	sadd.s32 $0x10, s28;
	s29 =	sor.u32 s29, s30  }
0x43a: {  	v3 =	vld [tilespmem:s29+$0xC100];
	[tilespmem:s25+$0x8100] =	vst v2  }
0x43b: {  	v2 =	vld [tilespmem:s29+$0x8100];
	_ =	sdelay $0x4  }
0x43c: {  	v2 =	vadd.f32 v3, v2;
	_ =	sdelay $0x1  }
0x43d: {  	s20 =	sor.u32 s21, s20;
	[tilespmem:s29+$0x8100] =	vst v2  }
0x43e: {  	v2 =	vld [tilespmem:s20+$0xC180]  }
0x43f: {  	v3 =	vld [tilespmem:s20+$0x8180];
	_ =	sdelay $0x3  }
0x440: {  	s21 =	simm.s32 $0x80  }
0x441: {  	s30 =	sand.u32 $0x3C00, s21;
	v2 =	vadd.f32 v2, v3  }
0x442: {  	s25 =	sor.u32 s30, s12;
	s12 =	simm.s32 $0x20  }
.LBB2_84:
0x443: {  	p0 =	sne.s32 s12, $0x7F0;
	v3 =	vld [tilespmem:s25+$0xC180];
	[tilespmem:s20+$0x8180] =	vst v2;
	s20 =	smov.u32 s25  }
0x444: {  	v2 =	vld [tilespmem:s20+$0x8180];
	_ =	sdelay $0x1  }
.Ltmp41:
0x445: {  	(pc) =	sbr.rel @p0 .LBB2_84-.Ltmp41, $4  }
0x446: {  	_ = 	snop  }
0x447: {  	s21 =	sadd.s32 $0x80, s21  }
0x448: {  	s25 =	sand.u32 $0x70, s12;
	s26 =	sand.u32 $0x3C00, s21;
	v2 =	vadd.f32 v3, v2  }
0x449: {  	s12 =	sadd.s32 $0x10, s12;
	s25 =	sor.u32 s26, s25  }
0x44a: {  	v3 =	vld [tilespmem:s25+$0xC180];
	[tilespmem:s20+$0x8180] =	vst v2  }
0x44b: {  	v2 =	vld [tilespmem:s25+$0x8180];
	_ =	sdelay $0x4  }
0x44c: {  	s12 =	simm.s32 $0x0;
	v2 =	vadd.f32 v3, v2  }
0x44d: {  	s26 =	sand.u32 $0x70, s12;
	s12 =	sand.u32 $0x3C00, s12  }
0x44e: {  	s20 =	sor.u32 s12, s26;
	[tilespmem:s25+$0x8180] =	vst v2  }
0x44f: {  	v2 =	vld [tilespmem:s20+$0xC200]  }
0x450: {  	v3 =	vld [tilespmem:s20+$0x8200];
	_ =	sdelay $0x3  }
0x451: {  	s29 =	simm.s32 $0x10;
	s21 =	simm.s32 $0x80  }
0x452: {  	s30 =	sand.u32 $0x3C00, s21;
	s12 =	sand.u32 $0x70, s29;
	v2 =	vadd.f32 v2, v3  }
0x453: {  	s26 =	simm.s32 $0x20;
	s28 =	sor.u32 s30, s12;
	s25 =	smov.u32 s20  }
.LBB2_86:
0x454: {  	p0 =	sne.s32 s26, $0x7F0;
	v3 =	vld [tilespmem:s28+$0xC200];
	[tilespmem:s25+$0x8200] =	vst v2;
	s25 =	smov.u32 s28  }
0x455: {  	v2 =	vld [tilespmem:s25+$0x8200];
	_ =	sdelay $0x1  }
.Ltmp42:
0x456: {  	(pc) =	sbr.rel @p0 .LBB2_86-.Ltmp42, $4  }
0x457: {  	_ = 	snop  }
0x458: {  	s21 =	sadd.s32 $0x80, s21  }
0x459: {  	s28 =	sand.u32 $0x70, s26;
	s29 =	sand.u32 $0x3C00, s21;
	v2 =	vadd.f32 v3, v2  }
0x45a: {  	s26 =	sadd.s32 $0x10, s26;
	s28 =	sor.u32 s29, s28  }
0x45b: {  	v3 =	vld [tilespmem:s28+$0xC200];
	[tilespmem:s25+$0x8200] =	vst v2  }
0x45c: {  	v2 =	vld [tilespmem:s28+$0x8200];
	_ =	sdelay $0x4  }
0x45d: {  	v2 =	vadd.f32 v3, v2;
	_ =	sdelay $0x1  }
0x45e: {  	[tilespmem:s28+$0x8200] =	vst v2  }
0x45f: {  	v2 =	vld [tilespmem:s20+$0xC280]  }
0x460: {  	v3 =	vld [tilespmem:s20+$0x8280];
	_ =	sdelay $0x3  }
0x461: {  	s21 =	simm.s32 $0x80  }
0x462: {  	s30 =	sand.u32 $0x3C00, s21;
	v2 =	vadd.f32 v2, v3  }
0x463: {  	s25 =	sor.u32 s30, s12;
	s12 =	simm.s32 $0x20  }
.LBB2_88:
0x464: {  	p0 =	sne.s32 s12, $0x7F0;
	v3 =	vld [tilespmem:s25+$0xC280];
	[tilespmem:s20+$0x8280] =	vst v2;
	s20 =	smov.u32 s25  }
0x465: {  	v2 =	vld [tilespmem:s20+$0x8280];
	_ =	sdelay $0x1  }
.Ltmp43:
0x466: {  	(pc) =	sbr.rel @p0 .LBB2_88-.Ltmp43, $4  }
0x467: {  	_ = 	snop  }
0x468: {  	s21 =	sadd.s32 $0x80, s21  }
0x469: {  	s25 =	sand.u32 $0x70, s12;
	s26 =	sand.u32 $0x3C00, s21;
	v2 =	vadd.f32 v3, v2  }
0x46a: {  	s12 =	sadd.s32 $0x10, s12;
	s25 =	sor.u32 s26, s25  }
0x46b: {  	v3 =	vld [tilespmem:s25+$0xC280];
	[tilespmem:s20+$0x8280] =	vst v2  }
0x46c: {  	v2 =	vld [tilespmem:s25+$0x8280];
	_ =	sdelay $0x4  }
0x46d: {  	s12 =	simm.s32 $0x0;
	v2 =	vadd.f32 v3, v2  }
0x46e: {  	s26 =	sand.u32 $0x70, s12;
	s12 =	sand.u32 $0x3C00, s12  }
0x46f: {  	s20 =	sor.u32 s12, s26;
	[tilespmem:s25+$0x8280] =	vst v2  }
0x470: {  	v2 =	vld [tilespmem:s20+$0xC300]  }
0x471: {  	v3 =	vld [tilespmem:s20+$0x8300];
	_ =	sdelay $0x3  }
0x472: {  	s29 =	simm.s32 $0x10;
	s21 =	simm.s32 $0x80  }
0x473: {  	s30 =	sand.u32 $0x3C00, s21;
	s12 =	sand.u32 $0x70, s29;
	v2 =	vadd.f32 v2, v3  }
0x474: {  	s26 =	simm.s32 $0x20;
	s28 =	sor.u32 s30, s12;
	s25 =	smov.u32 s20  }
.LBB2_90:
0x475: {  	p0 =	sne.s32 s26, $0x7F0;
	v3 =	vld [tilespmem:s28+$0xC300];
	[tilespmem:s25+$0x8300] =	vst v2;
	s25 =	smov.u32 s28  }
0x476: {  	v2 =	vld [tilespmem:s25+$0x8300];
	_ =	sdelay $0x1  }
.Ltmp44:
0x477: {  	(pc) =	sbr.rel @p0 .LBB2_90-.Ltmp44, $4  }
0x478: {  	_ = 	snop  }
0x479: {  	s21 =	sadd.s32 $0x80, s21  }
0x47a: {  	s28 =	sand.u32 $0x70, s26;
	s29 =	sand.u32 $0x3C00, s21;
	v2 =	vadd.f32 v3, v2  }
0x47b: {  	s26 =	sadd.s32 $0x10, s26;
	s28 =	sor.u32 s29, s28  }
0x47c: {  	v3 =	vld [tilespmem:s28+$0xC300];
	[tilespmem:s25+$0x8300] =	vst v2  }
0x47d: {  	v2 =	vld [tilespmem:s28+$0x8300];
	_ =	sdelay $0x4  }
0x47e: {  	v2 =	vadd.f32 v3, v2;
	_ =	sdelay $0x1  }
0x47f: {  	[tilespmem:s28+$0x8300] =	vst v2  }
0x480: {  	v2 =	vld [tilespmem:s20+$0xC380]  }
0x481: {  	v3 =	vld [tilespmem:s20+$0x8380];
	_ =	sdelay $0x3  }
0x482: {  	s21 =	simm.s32 $0x80  }
0x483: {  	s30 =	sand.u32 $0x3C00, s21;
	v2 =	vadd.f32 v2, v3  }
0x484: {  	s25 =	sor.u32 s30, s12;
	s12 =	simm.s32 $0x20  }
.LBB2_92:
0x485: {  	p0 =	sne.s32 s12, $0x7F0;
	v3 =	vld [tilespmem:s25+$0xC380];
	[tilespmem:s20+$0x8380] =	vst v2;
	s20 =	smov.u32 s25  }
0x486: {  	v2 =	vld [tilespmem:s20+$0x8380];
	_ =	sdelay $0x1  }
.Ltmp45:
0x487: {  	(pc) =	sbr.rel @p0 .LBB2_92-.Ltmp45, $4  }
0x488: {  	_ = 	snop  }
0x489: {  	s21 =	sadd.s32 $0x80, s21  }
0x48a: {  	s25 =	sand.u32 $0x70, s12;
	s26 =	sand.u32 $0x3C00, s21;
	v2 =	vadd.f32 v3, v2  }
0x48b: {  	s12 =	sadd.s32 $0x10, s12;
	s25 =	sor.u32 s26, s25  }
0x48c: {  	v3 =	vld [tilespmem:s25+$0xC380];
	[tilespmem:s20+$0x8380] =	vst v2  }
0x48d: {  	v2 =	vld [tilespmem:s25+$0x8380];
	_ =	sdelay $0x4  }
0x48e: {  	s20 =	simm.s32 $0x0;
	v2 =	vadd.f32 v3, v2  }
0x48f: {  	s12 =	sand.u32 $0x70, s20;
	s21 =	sand.u32 $0x3C00, s20  }
0x490: {  	s12 =	sor.u32 s21, s12;
	[tilespmem:s25+$0x8380] =	vst v2  }
0x491: {  	v2 =	vld [tilespmem:s12+$0xC400]  }
0x492: {  	v3 =	vld [tilespmem:s12+$0x8400];
	_ =	sdelay $0x3  }
0x493: {  	s30 =	simm.s32 $0x10;
	s21 =	simm.s32 $0x80  }
0x494: {  	s26 =	sand.u32 $0x3C00, s21;
	s25 =	sand.u32 $0x70, s30;
	v2 =	vadd.f32 v2, v3  }
0x495: {  	s26 =	sor.u32 s26, s25;
	s25 =	simm.s32 $0x20  }
.LBB2_94:
0x496: {  	p0 =	sne.s32 s25, $0x7F0;
	v3 =	vld [tilespmem:s26+$0xC400];
	[tilespmem:s12+$0x8400] =	vst v2;
	s12 =	smov.u32 s26  }
0x497: {  	v2 =	vld [tilespmem:s12+$0x8400];
	_ =	sdelay $0x1  }
.Ltmp46:
0x498: {  	(pc) =	sbr.rel @p0 .LBB2_94-.Ltmp46, $4  }
0x499: {  	_ = 	snop  }
0x49a: {  	s21 =	sadd.s32 $0x80, s21  }
0x49b: {  	s26 =	sand.u32 $0x70, s25;
	s28 =	sand.u32 $0x3C00, s21;
	v2 =	vadd.f32 v3, v2  }
0x49c: {  	s25 =	sadd.s32 $0x10, s25;
	s26 =	sor.u32 s28, s26  }
0x49d: {  	v3 =	vld [tilespmem:s26+$0xC400];
	[tilespmem:s12+$0x8400] =	vst v2  }
0x49e: {  	v2 =	vld [tilespmem:s26+$0x8400];
	_ =	sdelay $0x3  }
0x49f: {  	s30 =	sand.u32 $0x7, s20  }
0x4a0: {  	s12 =	sshll.u32 s30, $0x4;
	v2 =	vadd.f32 v3, v2  }
0x4a1: {  	s12 =	sadd.s32 $0x0, s12  }
0x4a2: {  	s12 =	sor.u32 $0x380, s12;
	[tilespmem:s26+$0x8400] =	vst v2  }
0x4a3: {  	v2 =	vld [tilespmem:s12+$0xC100]  }
0x4a4: {  	v3 =	vld [tilespmem:s12+$0x8100];
	_ =	sdelay $0x1  }
0x4a5: {  	s20 =	simm.s32 $0x1  }
0x4a6: {  	s21 =	sand.u32 $0x7, s20  }
0x4a7: {  	s25 =	simm.s32 $0x20;
	s26 =	sshll.u32 s21, $0x4;
	s21 =	simm.s32 $0x80  }
.LBB2_96:
0x4a8: {  	p0 =	sne.s32 s25, $0x7F0;
	s26 =	sadd.s32 s26, s21;
	v3 =	vadd.f32 v2, v3  }
0x4a9: {  	s26 =	sor.u32 $0x380, s26  }
0x4aa: {  	v2 =	vld [tilespmem:s26+$0xC100];
	[tilespmem:s12+$0x8100] =	vst v3;
	s12 =	smov.u32 s26  }
.Ltmp47:
0x4ab: {  	v3 =	vld [tilespmem:s12+$0x8100];
	(pc) =	sbr.rel @p0 .LBB2_96-.Ltmp47, $4  }
0x4ac: {  	_ = 	snop  }
0x4ad: {  	s20 =	sadd.s32 $0x1, s20  }
0x4ae: {  	s26 =	sand.u32 $0x7, s20  }
0x4af: {  	s25 =	sadd.s32 $0x10, s25;
	s21 =	sadd.s32 $0x80, s21;
	s26 =	sshll.u32 s26, $0x4  }
0x4b0: {  	s20 =	sadd.s32 s26, s21;
	v2 =	vadd.f32 v2, v3  }
0x4b1: {  	s20 =	sor.u32 $0x380, s20  }
0x4b2: {  	v3 =	vld [tilespmem:s20+$0xC100];
	[tilespmem:s12+$0x8100] =	vst v2  }
0x4b3: {  	v2 =	vld [tilespmem:s20+$0x8100];
	_ =	sdelay $0x4  }
0x4b4: {  	v2 =	vadd.f32 v3, v2;
	_ =	sdelay $0x1  }
0x4b5: {  	s25 =	rddreg [dreg:$0xa];
	s12 =	simm.s32 $0x0;
	[tilespmem:s20+$0x8100] =	vst v2  }
0x4b6: {  	[hbm4b:s25+s12] =	stream.linear.scatter [tilespmem:s18], [sflag:$0x5], $0x4000, $0x38;
	[tilespmem:$0x10100] =	vst v63  }
0x4b7: {  	_ =	swait.ge [sflag:s22], $0x4000  }
0x4b8: {  	[sflag:s22] =	ssyncset.done $0x0  }
0x4b9: {  	[sflag:s22] =	ssyncadd.s32 $0xFFFFC000  }
0x4ba: {  	v2 =	vld.msk [tilespmem:$0x38], $0xff;
	_ =	sdelay $0x4  }
0x4bb: {  	v3 =	vshll.u32 v2, $0x4  }
0x4bc: {  	v2 =	vand.u32 $0x7, v2;
	v3 =	vand.u32 $0xFFFFFF80, v3  }
0x4bd: {  	v2 =	vor.u32 v2, v3  }
0x4be: {  	v2 =	vperm.xlane v2, v0;
	_ =	sdelay $0x1  }
0x4bf: {  	v2 =	vadd.s32 v1, v2;
	_ =	sdelay $0x4  }
0x4c0: {  	[tilespmem:s18], [sflag:$0x3] =	stream.indirect_vreg.gather [hbm4b:s3+s12], $0x80, v2, vm0, $0xb8;
	[tilespmem:$0x10100] =	vst v63  }
0x4c1: {  	s26 =	simm.s32 $0x8900  }
0x4c2: {  	[tilespmem:s26], [sflag:$0x3] =	stream.indirect_vreg.gather [hbm4b:s6+s12], $0x80, v2, vm0, $0xb8;
	[tilespmem:$0x10100] =	vst v63  }
0x4c3: {  	s30 =	simm.s32 $0x9100  }
0x4c4: {  	[tilespmem:s30], [sflag:$0x3] =	stream.indirect_vreg.gather [hbm4b:s7+s12], $0x80, v2, vm0, $0xb8;
	[tilespmem:$0x10100] =	vst v63  }
0x4c5: {  	s21 =	simm.s32 $0x9900  }
0x4c6: {  	[tilespmem:s21], [sflag:$0x3] =	stream.indirect_vreg.gather [hbm4b:s8+s12], $0x80, v2, vm0, $0xb8;
	[tilespmem:$0x10100] =	vst v63  }
0x4c7: {  	s25 =	simm.s32 $0xA100  }
0x4c8: {  	[tilespmem:s25], [sflag:$0x3] =	stream.indirect_vreg.gather [hbm4b:s9+s12], $0x80, v2, vm0, $0xb8;
	[tilespmem:$0x10100] =	vst v63  }
0x4c9: {  	s26 =	simm.s32 $0xA900  }
0x4ca: {  	[tilespmem:s26], [sflag:$0x3] =	stream.indirect_vreg.gather [hbm4b:s10+s12], $0x80, v2, vm0, $0xb8;
	[tilespmem:$0x10100] =	vst v63  }
0x4cb: {  	s30 =	simm.s32 $0xB100  }
0x4cc: {  	[tilespmem:s30], [sflag:$0x3] =	stream.indirect_vreg.gather [hbm4b:s11+s12], $0x80, v2, vm0, $0xb8;
	[tilespmem:$0x10100] =	vst v63  }
0x4cd: {  	s21 =	simm.s32 $0xB900  }
0x4ce: {  	[tilespmem:s21], [sflag:$0x3] =	stream.indirect_vreg.gather [hbm4b:s13+s12], $0x80, v2, vm0, $0xb8;
	[tilespmem:$0x10100] =	vst v63  }
0x4cf: {  	v2 =	vld.msk [tilespmem:$0xB8], $0xff;
	_ =	sdelay $0x4  }
0x4d0: {  	v3 =	vshll.u32 v2, $0x4  }
0x4d1: {  	v2 =	vand.u32 $0x7, v2;
	v3 =	vand.u32 $0xFFFFFF80, v3  }
0x4d2: {  	v2 =	vor.u32 v2, v3  }
0x4d3: {  	v2 =	vperm.xlane v2, v0;
	_ =	sdelay $0x1  }
0x4d4: {  	v2 =	vadd.s32 v1, v2;
	_ =	sdelay $0x3  }
0x4d5: {  	s25 =	simm.s32 $0xC100  }
0x4d6: {  	[tilespmem:s25], [sflag:$0x4] =	stream.indirect_vreg.gather [hbm4b:s3+s12], $0x80, v2, vm0, $0xb8;
	[tilespmem:$0x10100] =	vst v63  }
0x4d7: {  	s26 =	simm.s32 $0xC900  }
0x4d8: {  	[tilespmem:s26], [sflag:$0x4] =	stream.indirect_vreg.gather [hbm4b:s6+s12], $0x80, v2, vm0, $0xb8;
	[tilespmem:$0x10100] =	vst v63  }
0x4d9: {  	_ = 	snop  }
0x4da: {  	[tilespmem:s31], [sflag:$0x4] =	stream.indirect_vreg.gather [hbm4b:s7+s12], $0x80, v2, vm0, $0xb8;
	[tilespmem:$0x10100] =	vst v63  }
0x4db: {  	_ = 	snop  }
0x4dc: {  	[tilespmem:s0], [sflag:$0x4] =	stream.indirect_vreg.gather [hbm4b:s8+s12], $0x80, v2, vm0, $0xb8;
	[tilespmem:$0x10100] =	vst v63  }
0x4dd: {  	_ = 	snop  }
0x4de: {  	[tilespmem:s1], [sflag:$0x4] =	stream.indirect_vreg.gather [hbm4b:s9+s12], $0x80, v2, vm0, $0xb8;
	[tilespmem:$0x10100] =	vst v63  }
0x4df: {  	_ = 	snop  }
0x4e0: {  	[tilespmem:s23], [sflag:$0x4] =	stream.indirect_vreg.gather [hbm4b:s10+s12], $0x80, v2, vm0, $0xb8;
	[tilespmem:$0x10100] =	vst v63  }
0x4e1: {  	_ = 	snop  }
0x4e2: {  	[tilespmem:s4], [sflag:$0x4] =	stream.indirect_vreg.gather [hbm4b:s11+s12], $0x80, v2, vm0, $0xb8;
	[tilespmem:$0x10100] =	vst v63  }
0x4e3: {  	_ = 	snop  }
0x4e4: {  	[tilespmem:s5], [sflag:$0x4] =	stream.indirect_vreg.gather [hbm4b:s13+s12], $0x80, v2, vm0, $0xb8;
	[tilespmem:$0x10100] =	vst v63  }
0x4e5: {  	_ =	swait.ge [sflag:s14], $0x4000  }
0x4e6: {  	[sflag:s14] =	ssyncset.done $0x0  }
0x4e7: {  	[sflag:s14] =	ssyncadd.s32 $0xFFFFC000  }
0x4e8: {  	_ =	swait.ge [sflag:s15], $0x4000  }
0x4e9: {  	s20 =	sand.u32 $0x70, s12;
	s21 =	sand.u32 $0x3C00, s12;
	[sflag:s15] =	ssyncset.done $0x0  }
0x4ea: {  	s25 =	sor.u32 s20, s21;
	[sflag:s15] =	ssyncadd.s32 $0xFFFFC000  }
0x4eb: {  	v2 =	vld [tilespmem:s25+$0x4100]  }
0x4ec: {  	v3 =	vld [tilespmem:s25+$0x100];
	_ =	sdelay $0x3  }
0x4ed: {  	s30 =	simm.s32 $0x10;
	s26 =	simm.s32 $0x80  }
0x4ee: {  	s28 =	sand.u32 $0x3C00, s26;
	s12 =	sand.u32 $0x70, s30;
	v2 =	vadd.f32 v2, v3  }
0x4ef: {  	s29 =	sor.u32 s12, s28;
	s28 =	simm.s32 $0x20  }
.LBB2_98:
0x4f0: {  	p0 =	sne.s32 s28, $0x7F0;
	v3 =	vld [tilespmem:s29+$0x4100];
	[tilespmem:s25+$0x100] =	vst v2;
	s25 =	smov.u32 s29  }
0x4f1: {  	v2 =	vld [tilespmem:s25+$0x100];
	_ =	sdelay $0x1  }
.Ltmp48:
0x4f2: {  	(pc) =	sbr.rel @p0 .LBB2_98-.Ltmp48, $4  }
0x4f3: {  	_ = 	snop  }
0x4f4: {  	s26 =	sadd.s32 $0x80, s26  }
0x4f5: {  	s29 =	sand.u32 $0x70, s28;
	s30 =	sand.u32 $0x3C00, s26;
	v2 =	vadd.f32 v3, v2  }
0x4f6: {  	s28 =	sadd.s32 $0x10, s28;
	s29 =	sor.u32 s29, s30  }
0x4f7: {  	v3 =	vld [tilespmem:s29+$0x4100];
	[tilespmem:s25+$0x100] =	vst v2  }
0x4f8: {  	v2 =	vld [tilespmem:s29+$0x100];
	_ =	sdelay $0x4  }
0x4f9: {  	v2 =	vadd.f32 v3, v2;
	_ =	sdelay $0x1  }
0x4fa: {  	s20 =	sor.u32 s21, s20;
	[tilespmem:s29+$0x100] =	vst v2  }
0x4fb: {  	v2 =	vld [tilespmem:s20+$0x4180]  }
0x4fc: {  	v3 =	vld [tilespmem:s20+$0x180];
	_ =	sdelay $0x3  }
0x4fd: {  	s21 =	simm.s32 $0x80  }
0x4fe: {  	s30 =	sand.u32 $0x3C00, s21;
	v2 =	vadd.f32 v2, v3  }
0x4ff: {  	s25 =	sor.u32 s30, s12;
	s12 =	simm.s32 $0x20  }
.LBB2_100:
0x500: {  	p0 =	sne.s32 s12, $0x7F0;
	v3 =	vld [tilespmem:s25+$0x4180];
	[tilespmem:s20+$0x180] =	vst v2;
	s20 =	smov.u32 s25  }
0x501: {  	v2 =	vld [tilespmem:s20+$0x180];
	_ =	sdelay $0x1  }
.Ltmp49:
0x502: {  	(pc) =	sbr.rel @p0 .LBB2_100-.Ltmp49, $4  }
0x503: {  	_ = 	snop  }
0x504: {  	s21 =	sadd.s32 $0x80, s21  }
0x505: {  	s25 =	sand.u32 $0x70, s12;
	s26 =	sand.u32 $0x3C00, s21;
	v2 =	vadd.f32 v3, v2  }
0x506: {  	s12 =	sadd.s32 $0x10, s12;
	s25 =	sor.u32 s26, s25  }
0x507: {  	v3 =	vld [tilespmem:s25+$0x4180];
	[tilespmem:s20+$0x180] =	vst v2  }
0x508: {  	v2 =	vld [tilespmem:s25+$0x180];
	_ =	sdelay $0x4  }
0x509: {  	s12 =	simm.s32 $0x0;
	v2 =	vadd.f32 v3, v2  }
0x50a: {  	s26 =	sand.u32 $0x70, s12;
	s12 =	sand.u32 $0x3C00, s12  }
0x50b: {  	s20 =	sor.u32 s12, s26;
	[tilespmem:s25+$0x180] =	vst v2  }
0x50c: {  	v2 =	vld [tilespmem:s20+$0x4200]  }
0x50d: {  	v3 =	vld [tilespmem:s20+$0x200];
	_ =	sdelay $0x3  }
0x50e: {  	s29 =	simm.s32 $0x10;
	s21 =	simm.s32 $0x80  }
0x50f: {  	s30 =	sand.u32 $0x3C00, s21;
	s12 =	sand.u32 $0x70, s29;
	v2 =	vadd.f32 v2, v3  }
0x510: {  	s26 =	simm.s32 $0x20;
	s28 =	sor.u32 s30, s12;
	s25 =	smov.u32 s20  }
.LBB2_102:
0x511: {  	p0 =	sne.s32 s26, $0x7F0;
	v3 =	vld [tilespmem:s28+$0x4200];
	[tilespmem:s25+$0x200] =	vst v2;
	s25 =	smov.u32 s28  }
0x512: {  	v2 =	vld [tilespmem:s25+$0x200];
	_ =	sdelay $0x1  }
.Ltmp50:
0x513: {  	(pc) =	sbr.rel @p0 .LBB2_102-.Ltmp50, $4  }
0x514: {  	_ = 	snop  }
0x515: {  	s21 =	sadd.s32 $0x80, s21  }
0x516: {  	s28 =	sand.u32 $0x70, s26;
	s29 =	sand.u32 $0x3C00, s21;
	v2 =	vadd.f32 v3, v2  }
0x517: {  	s26 =	sadd.s32 $0x10, s26;
	s28 =	sor.u32 s29, s28  }
0x518: {  	v3 =	vld [tilespmem:s28+$0x4200];
	[tilespmem:s25+$0x200] =	vst v2  }
0x519: {  	v2 =	vld [tilespmem:s28+$0x200];
	_ =	sdelay $0x4  }
0x51a: {  	v2 =	vadd.f32 v3, v2;
	_ =	sdelay $0x1  }
0x51b: {  	[tilespmem:s28+$0x200] =	vst v2  }
0x51c: {  	v2 =	vld [tilespmem:s20+$0x4280]  }
0x51d: {  	v3 =	vld [tilespmem:s20+$0x280];
	_ =	sdelay $0x3  }
0x51e: {  	s21 =	simm.s32 $0x80  }
0x51f: {  	s30 =	sand.u32 $0x3C00, s21;
	v2 =	vadd.f32 v2, v3  }
0x520: {  	s25 =	sor.u32 s30, s12;
	s12 =	simm.s32 $0x20  }
.LBB2_104:
0x521: {  	p0 =	sne.s32 s12, $0x7F0;
	v3 =	vld [tilespmem:s25+$0x4280];
	[tilespmem:s20+$0x280] =	vst v2;
	s20 =	smov.u32 s25  }
0x522: {  	v2 =	vld [tilespmem:s20+$0x280];
	_ =	sdelay $0x1  }
.Ltmp51:
0x523: {  	(pc) =	sbr.rel @p0 .LBB2_104-.Ltmp51, $4  }
0x524: {  	_ = 	snop  }
0x525: {  	s21 =	sadd.s32 $0x80, s21  }
0x526: {  	s25 =	sand.u32 $0x70, s12;
	s26 =	sand.u32 $0x3C00, s21;
	v2 =	vadd.f32 v3, v2  }
0x527: {  	s12 =	sadd.s32 $0x10, s12;
	s25 =	sor.u32 s26, s25  }
0x528: {  	v3 =	vld [tilespmem:s25+$0x4280];
	[tilespmem:s20+$0x280] =	vst v2  }
0x529: {  	v2 =	vld [tilespmem:s25+$0x280];
	_ =	sdelay $0x4  }
0x52a: {  	s12 =	simm.s32 $0x0;
	v2 =	vadd.f32 v3, v2  }
0x52b: {  	s26 =	sand.u32 $0x70, s12;
	s12 =	sand.u32 $0x3C00, s12  }
0x52c: {  	s20 =	sor.u32 s12, s26;
	[tilespmem:s25+$0x280] =	vst v2  }
0x52d: {  	v2 =	vld [tilespmem:s20+$0x4300]  }
0x52e: {  	v3 =	vld [tilespmem:s20+$0x300];
	_ =	sdelay $0x3  }
0x52f: {  	s29 =	simm.s32 $0x10;
	s21 =	simm.s32 $0x80  }
0x530: {  	s30 =	sand.u32 $0x3C00, s21;
	s12 =	sand.u32 $0x70, s29;
	v2 =	vadd.f32 v2, v3  }
0x531: {  	s26 =	simm.s32 $0x20;
	s28 =	sor.u32 s30, s12;
	s25 =	smov.u32 s20  }
.LBB2_106:
0x532: {  	p0 =	sne.s32 s26, $0x7F0;
	v3 =	vld [tilespmem:s28+$0x4300];
	[tilespmem:s25+$0x300] =	vst v2;
	s25 =	smov.u32 s28  }
0x533: {  	v2 =	vld [tilespmem:s25+$0x300];
	_ =	sdelay $0x1  }
.Ltmp52:
0x534: {  	(pc) =	sbr.rel @p0 .LBB2_106-.Ltmp52, $4  }
0x535: {  	_ = 	snop  }
0x536: {  	s21 =	sadd.s32 $0x80, s21  }
0x537: {  	s28 =	sand.u32 $0x70, s26;
	s29 =	sand.u32 $0x3C00, s21;
	v2 =	vadd.f32 v3, v2  }
0x538: {  	s26 =	sadd.s32 $0x10, s26;
	s28 =	sor.u32 s29, s28  }
0x539: {  	v3 =	vld [tilespmem:s28+$0x4300];
	[tilespmem:s25+$0x300] =	vst v2  }
0x53a: {  	v2 =	vld [tilespmem:s28+$0x300];
	_ =	sdelay $0x4  }
0x53b: {  	v2 =	vadd.f32 v3, v2;
	_ =	sdelay $0x1  }
0x53c: {  	[tilespmem:s28+$0x300] =	vst v2  }
0x53d: {  	v2 =	vld [tilespmem:s20+$0x4380]  }
0x53e: {  	v3 =	vld [tilespmem:s20+$0x380];
	_ =	sdelay $0x3  }
0x53f: {  	s21 =	simm.s32 $0x80  }
0x540: {  	s30 =	sand.u32 $0x3C00, s21;
	v2 =	vadd.f32 v2, v3  }
0x541: {  	s25 =	sor.u32 s30, s12;
	s12 =	simm.s32 $0x20  }
.LBB2_108:
0x542: {  	p0 =	sne.s32 s12, $0x7F0;
	v3 =	vld [tilespmem:s25+$0x4380];
	[tilespmem:s20+$0x380] =	vst v2;
	s20 =	smov.u32 s25  }
0x543: {  	v2 =	vld [tilespmem:s20+$0x380];
	_ =	sdelay $0x1  }
.Ltmp53:
0x544: {  	(pc) =	sbr.rel @p0 .LBB2_108-.Ltmp53, $4  }
0x545: {  	_ = 	snop  }
0x546: {  	s21 =	sadd.s32 $0x80, s21  }
0x547: {  	s25 =	sand.u32 $0x70, s12;
	s26 =	sand.u32 $0x3C00, s21;
	v2 =	vadd.f32 v3, v2  }
0x548: {  	s12 =	sadd.s32 $0x10, s12;
	s25 =	sor.u32 s26, s25  }
0x549: {  	v3 =	vld [tilespmem:s25+$0x4380];
	[tilespmem:s20+$0x380] =	vst v2  }
0x54a: {  	v2 =	vld [tilespmem:s25+$0x380];
	_ =	sdelay $0x4  }
0x54b: {  	s20 =	simm.s32 $0x0;
	v2 =	vadd.f32 v3, v2  }
0x54c: {  	s12 =	sand.u32 $0x70, s20;
	s21 =	sand.u32 $0x3C00, s20  }
0x54d: {  	s12 =	sor.u32 s21, s12;
	[tilespmem:s25+$0x380] =	vst v2  }
0x54e: {  	v2 =	vld [tilespmem:s12+$0x4400]  }
0x54f: {  	v3 =	vld [tilespmem:s12+$0x400];
	_ =	sdelay $0x3  }
0x550: {  	s30 =	simm.s32 $0x10;
	s21 =	simm.s32 $0x80  }
0x551: {  	s26 =	sand.u32 $0x3C00, s21;
	s25 =	sand.u32 $0x70, s30;
	v2 =	vadd.f32 v2, v3  }
0x552: {  	s26 =	sor.u32 s26, s25;
	s25 =	simm.s32 $0x20  }
.LBB2_110:
0x553: {  	p0 =	sne.s32 s25, $0x7F0;
	v3 =	vld [tilespmem:s26+$0x4400];
	[tilespmem:s12+$0x400] =	vst v2;
	s12 =	smov.u32 s26  }
0x554: {  	v2 =	vld [tilespmem:s12+$0x400];
	_ =	sdelay $0x1  }
.Ltmp54:
0x555: {  	(pc) =	sbr.rel @p0 .LBB2_110-.Ltmp54, $4  }
0x556: {  	_ = 	snop  }
0x557: {  	s21 =	sadd.s32 $0x80, s21  }
0x558: {  	s26 =	sand.u32 $0x70, s25;
	s28 =	sand.u32 $0x3C00, s21;
	v2 =	vadd.f32 v3, v2  }
0x559: {  	s25 =	sadd.s32 $0x10, s25;
	s26 =	sor.u32 s28, s26  }
0x55a: {  	v3 =	vld [tilespmem:s26+$0x4400];
	[tilespmem:s12+$0x400] =	vst v2  }
0x55b: {  	v2 =	vld [tilespmem:s26+$0x400];
	_ =	sdelay $0x3  }
0x55c: {  	s30 =	sand.u32 $0x7, s20  }
0x55d: {  	s12 =	sshll.u32 s30, $0x4;
	v2 =	vadd.f32 v3, v2  }
0x55e: {  	s12 =	sadd.s32 $0x0, s12  }
0x55f: {  	s12 =	sor.u32 $0x380, s12;
	[tilespmem:s26+$0x400] =	vst v2  }
0x560: {  	v2 =	vld [tilespmem:s12+$0x4100]  }
0x561: {  	v3 =	vld [tilespmem:s12+$0x100];
	_ =	sdelay $0x1  }
0x562: {  	s20 =	simm.s32 $0x1  }
0x563: {  	s21 =	sand.u32 $0x7, s20  }
0x564: {  	s25 =	simm.s32 $0x20;
	s26 =	sshll.u32 s21, $0x4;
	s21 =	simm.s32 $0x80  }
.LBB2_112:
0x565: {  	p0 =	sne.s32 s25, $0x7F0;
	s26 =	sadd.s32 s26, s21;
	v3 =	vadd.f32 v2, v3  }
0x566: {  	s26 =	sor.u32 $0x380, s26  }
0x567: {  	v2 =	vld [tilespmem:s26+$0x4100];
	[tilespmem:s12+$0x100] =	vst v3;
	s12 =	smov.u32 s26  }
.Ltmp55:
0x568: {  	v3 =	vld [tilespmem:s12+$0x100];
	(pc) =	sbr.rel @p0 .LBB2_112-.Ltmp55, $4  }
0x569: {  	_ = 	snop  }
0x56a: {  	s20 =	sadd.s32 $0x1, s20  }
0x56b: {  	s26 =	sand.u32 $0x7, s20  }
0x56c: {  	s25 =	sadd.s32 $0x10, s25;
	s21 =	sadd.s32 $0x80, s21;
	s26 =	sshll.u32 s26, $0x4  }
0x56d: {  	s20 =	sadd.s32 s26, s21;
	v2 =	vadd.f32 v2, v3  }
0x56e: {  	s20 =	sor.u32 $0x380, s20  }
0x56f: {  	v3 =	vld [tilespmem:s20+$0x4100];
	[tilespmem:s12+$0x100] =	vst v2  }
0x570: {  	v2 =	vld [tilespmem:s20+$0x100];
	_ =	sdelay $0x4  }
0x571: {  	v2 =	vadd.f32 v3, v2;
	_ =	sdelay $0x1  }
0x572: {  	s25 =	simm.s32 $0x0;
	s26 =	rddreg [dreg:$0xb];
	[tilespmem:s20+$0x100] =	vst v2  }
0x573: {  	[hbm4b:s26+s25] =	stream.linear.scatter [tilespmem:s24], [sflag:$0x5], $0x4000, $0x38;
	[tilespmem:$0x10100] =	vst v63  }
0x574: {  	_ =	swait.ge [sflag:s22], $0x4000  }
0x575: {  	[sflag:s22] =	ssyncset.done $0x0  }
0x576: {  	[sflag:s22] =	ssyncadd.s32 $0xFFFFC000  }
0x577: {  	_ =	swait.ge [sflag:s16], $0x4000  }
0x578: {  	[sflag:s16] =	ssyncset.done $0x0  }
0x579: {  	[sflag:s16] =	ssyncadd.s32 $0xFFFFC000  }
0x57a: {  	_ =	swait.ge [sflag:s17], $0x4000  }
0x57b: {  	s21 =	sand.u32 $0x3C00, s25;
	s20 =	sand.u32 $0x70, s25;
	[sflag:s17] =	ssyncset.done $0x0  }
0x57c: {  	s25 =	sor.u32 s20, s21;
	[sflag:s17] =	ssyncadd.s32 $0xFFFFC000  }
0x57d: {  	v2 =	vld [tilespmem:s25+$0xC100]  }
0x57e: {  	v3 =	vld [tilespmem:s25+$0x8100];
	_ =	sdelay $0x3  }
0x57f: {  	s30 =	simm.s32 $0x10;
	s26 =	simm.s32 $0x80  }
0x580: {  	s12 =	sand.u32 $0x70, s30;
	s28 =	sand.u32 $0x3C00, s26;
	v2 =	vadd.f32 v2, v3  }
0x581: {  	s29 =	sor.u32 s12, s28;
	s28 =	simm.s32 $0x20  }
.LBB2_114:
0x582: {  	p0 =	sne.s32 s28, $0x7F0;
	v3 =	vld [tilespmem:s29+$0xC100];
	[tilespmem:s25+$0x8100] =	vst v2;
	s25 =	smov.u32 s29  }
0x583: {  	v2 =	vld [tilespmem:s25+$0x8100];
	_ =	sdelay $0x1  }
.Ltmp56:
0x584: {  	(pc) =	sbr.rel @p0 .LBB2_114-.Ltmp56, $4  }
0x585: {  	_ = 	snop  }
0x586: {  	s26 =	sadd.s32 $0x80, s26  }
0x587: {  	s29 =	sand.u32 $0x70, s28;
	s30 =	sand.u32 $0x3C00, s26;
	v2 =	vadd.f32 v3, v2  }
0x588: {  	s28 =	sadd.s32 $0x10, s28;
	s29 =	sor.u32 s29, s30  }
0x589: {  	v3 =	vld [tilespmem:s29+$0xC100];
	[tilespmem:s25+$0x8100] =	vst v2  }
0x58a: {  	v2 =	vld [tilespmem:s29+$0x8100];
	_ =	sdelay $0x4  }
0x58b: {  	v2 =	vadd.f32 v3, v2;
	_ =	sdelay $0x1  }
0x58c: {  	s20 =	sor.u32 s21, s20;
	[tilespmem:s29+$0x8100] =	vst v2  }
0x58d: {  	v2 =	vld [tilespmem:s20+$0xC180]  }
0x58e: {  	v3 =	vld [tilespmem:s20+$0x8180];
	_ =	sdelay $0x3  }
0x58f: {  	s21 =	simm.s32 $0x80  }
0x590: {  	s30 =	sand.u32 $0x3C00, s21;
	v2 =	vadd.f32 v2, v3  }
0x591: {  	s25 =	sor.u32 s30, s12;
	s12 =	simm.s32 $0x20  }
.LBB2_116:
0x592: {  	p0 =	sne.s32 s12, $0x7F0;
	v3 =	vld [tilespmem:s25+$0xC180];
	[tilespmem:s20+$0x8180] =	vst v2;
	s20 =	smov.u32 s25  }
0x593: {  	v2 =	vld [tilespmem:s20+$0x8180];
	_ =	sdelay $0x1  }
.Ltmp57:
0x594: {  	(pc) =	sbr.rel @p0 .LBB2_116-.Ltmp57, $4  }
0x595: {  	_ = 	snop  }
0x596: {  	s21 =	sadd.s32 $0x80, s21  }
0x597: {  	s25 =	sand.u32 $0x70, s12;
	s26 =	sand.u32 $0x3C00, s21;
	v2 =	vadd.f32 v3, v2  }
0x598: {  	s12 =	sadd.s32 $0x10, s12;
	s25 =	sor.u32 s26, s25  }
0x599: {  	v3 =	vld [tilespmem:s25+$0xC180];
	[tilespmem:s20+$0x8180] =	vst v2  }
0x59a: {  	v2 =	vld [tilespmem:s25+$0x8180];
	_ =	sdelay $0x4  }
0x59b: {  	s12 =	simm.s32 $0x0;
	v2 =	vadd.f32 v3, v2  }
0x59c: {  	s26 =	sand.u32 $0x70, s12;
	s12 =	sand.u32 $0x3C00, s12  }
0x59d: {  	s20 =	sor.u32 s12, s26;
	[tilespmem:s25+$0x8180] =	vst v2  }
0x59e: {  	v2 =	vld [tilespmem:s20+$0xC200]  }
0x59f: {  	v3 =	vld [tilespmem:s20+$0x8200];
	_ =	sdelay $0x3  }
0x5a0: {  	s29 =	simm.s32 $0x10;
	s21 =	simm.s32 $0x80  }
0x5a1: {  	s30 =	sand.u32 $0x3C00, s21;
	s12 =	sand.u32 $0x70, s29;
	v2 =	vadd.f32 v2, v3  }
0x5a2: {  	s26 =	simm.s32 $0x20;
	s28 =	sor.u32 s30, s12;
	s25 =	smov.u32 s20  }
.LBB2_118:
0x5a3: {  	p0 =	sne.s32 s26, $0x7F0;
	v3 =	vld [tilespmem:s28+$0xC200];
	[tilespmem:s25+$0x8200] =	vst v2;
	s25 =	smov.u32 s28  }
0x5a4: {  	v2 =	vld [tilespmem:s25+$0x8200];
	_ =	sdelay $0x1  }
.Ltmp58:
0x5a5: {  	(pc) =	sbr.rel @p0 .LBB2_118-.Ltmp58, $4  }
0x5a6: {  	_ = 	snop  }
0x5a7: {  	s21 =	sadd.s32 $0x80, s21  }
0x5a8: {  	s28 =	sand.u32 $0x70, s26;
	s29 =	sand.u32 $0x3C00, s21;
	v2 =	vadd.f32 v3, v2  }
0x5a9: {  	s26 =	sadd.s32 $0x10, s26;
	s28 =	sor.u32 s29, s28  }
0x5aa: {  	v3 =	vld [tilespmem:s28+$0xC200];
	[tilespmem:s25+$0x8200] =	vst v2  }
0x5ab: {  	v2 =	vld [tilespmem:s28+$0x8200];
	_ =	sdelay $0x4  }
0x5ac: {  	v2 =	vadd.f32 v3, v2;
	_ =	sdelay $0x1  }
0x5ad: {  	[tilespmem:s28+$0x8200] =	vst v2  }
0x5ae: {  	v2 =	vld [tilespmem:s20+$0xC280]  }
0x5af: {  	v3 =	vld [tilespmem:s20+$0x8280];
	_ =	sdelay $0x3  }
0x5b0: {  	s21 =	simm.s32 $0x80  }
0x5b1: {  	s30 =	sand.u32 $0x3C00, s21;
	v2 =	vadd.f32 v2, v3  }
0x5b2: {  	s25 =	sor.u32 s30, s12;
	s12 =	simm.s32 $0x20  }
.LBB2_120:
0x5b3: {  	p0 =	sne.s32 s12, $0x7F0;
	v3 =	vld [tilespmem:s25+$0xC280];
	[tilespmem:s20+$0x8280] =	vst v2;
	s20 =	smov.u32 s25  }
0x5b4: {  	v2 =	vld [tilespmem:s20+$0x8280];
	_ =	sdelay $0x1  }
.Ltmp59:
0x5b5: {  	(pc) =	sbr.rel @p0 .LBB2_120-.Ltmp59, $4  }
0x5b6: {  	_ = 	snop  }
0x5b7: {  	s21 =	sadd.s32 $0x80, s21  }
0x5b8: {  	s25 =	sand.u32 $0x70, s12;
	s26 =	sand.u32 $0x3C00, s21;
	v2 =	vadd.f32 v3, v2  }
0x5b9: {  	s12 =	sadd.s32 $0x10, s12;
	s25 =	sor.u32 s26, s25  }
0x5ba: {  	v3 =	vld [tilespmem:s25+$0xC280];
	[tilespmem:s20+$0x8280] =	vst v2  }
0x5bb: {  	v2 =	vld [tilespmem:s25+$0x8280];
	_ =	sdelay $0x4  }
0x5bc: {  	s12 =	simm.s32 $0x0;
	v2 =	vadd.f32 v3, v2  }
0x5bd: {  	s26 =	sand.u32 $0x70, s12;
	s12 =	sand.u32 $0x3C00, s12  }
0x5be: {  	s20 =	sor.u32 s12, s26;
	[tilespmem:s25+$0x8280] =	vst v2  }
0x5bf: {  	v2 =	vld [tilespmem:s20+$0xC300]  }
0x5c0: {  	v3 =	vld [tilespmem:s20+$0x8300];
	_ =	sdelay $0x3  }
0x5c1: {  	s29 =	simm.s32 $0x10;
	s21 =	simm.s32 $0x80  }
0x5c2: {  	s30 =	sand.u32 $0x3C00, s21;
	s12 =	sand.u32 $0x70, s29;
	v2 =	vadd.f32 v2, v3  }
0x5c3: {  	s26 =	simm.s32 $0x20;
	s28 =	sor.u32 s30, s12;
	s25 =	smov.u32 s20  }
.LBB2_122:
0x5c4: {  	p0 =	sne.s32 s26, $0x7F0;
	v3 =	vld [tilespmem:s28+$0xC300];
	[tilespmem:s25+$0x8300] =	vst v2;
	s25 =	smov.u32 s28  }
0x5c5: {  	v2 =	vld [tilespmem:s25+$0x8300];
	_ =	sdelay $0x1  }
.Ltmp60:
0x5c6: {  	(pc) =	sbr.rel @p0 .LBB2_122-.Ltmp60, $4  }
0x5c7: {  	_ = 	snop  }
0x5c8: {  	s21 =	sadd.s32 $0x80, s21  }
0x5c9: {  	s28 =	sand.u32 $0x70, s26;
	s29 =	sand.u32 $0x3C00, s21;
	v2 =	vadd.f32 v3, v2  }
0x5ca: {  	s26 =	sadd.s32 $0x10, s26;
	s28 =	sor.u32 s29, s28  }
0x5cb: {  	v3 =	vld [tilespmem:s28+$0xC300];
	[tilespmem:s25+$0x8300] =	vst v2  }
0x5cc: {  	v2 =	vld [tilespmem:s28+$0x8300];
	_ =	sdelay $0x4  }
0x5cd: {  	v2 =	vadd.f32 v3, v2;
	_ =	sdelay $0x1  }
0x5ce: {  	[tilespmem:s28+$0x8300] =	vst v2  }
0x5cf: {  	v2 =	vld [tilespmem:s20+$0xC380]  }
0x5d0: {  	v3 =	vld [tilespmem:s20+$0x8380];
	_ =	sdelay $0x3  }
0x5d1: {  	s21 =	simm.s32 $0x80  }
0x5d2: {  	s30 =	sand.u32 $0x3C00, s21;
	v2 =	vadd.f32 v2, v3  }
0x5d3: {  	s25 =	sor.u32 s30, s12;
	s12 =	simm.s32 $0x20  }
.LBB2_124:
0x5d4: {  	p0 =	sne.s32 s12, $0x7F0;
	v3 =	vld [tilespmem:s25+$0xC380];
	[tilespmem:s20+$0x8380] =	vst v2;
	s20 =	smov.u32 s25  }
0x5d5: {  	v2 =	vld [tilespmem:s20+$0x8380];
	_ =	sdelay $0x1  }
.Ltmp61:
0x5d6: {  	(pc) =	sbr.rel @p0 .LBB2_124-.Ltmp61, $4  }
0x5d7: {  	_ = 	snop  }
0x5d8: {  	s21 =	sadd.s32 $0x80, s21  }
0x5d9: {  	s25 =	sand.u32 $0x70, s12;
	s26 =	sand.u32 $0x3C00, s21;
	v2 =	vadd.f32 v3, v2  }
0x5da: {  	s12 =	sadd.s32 $0x10, s12;
	s25 =	sor.u32 s26, s25  }
0x5db: {  	v3 =	vld [tilespmem:s25+$0xC380];
	[tilespmem:s20+$0x8380] =	vst v2  }
0x5dc: {  	v2 =	vld [tilespmem:s25+$0x8380];
	_ =	sdelay $0x4  }
0x5dd: {  	s20 =	simm.s32 $0x0;
	v2 =	vadd.f32 v3, v2  }
0x5de: {  	s12 =	sand.u32 $0x70, s20;
	s21 =	sand.u32 $0x3C00, s20  }
0x5df: {  	s12 =	sor.u32 s21, s12;
	[tilespmem:s25+$0x8380] =	vst v2  }
0x5e0: {  	v2 =	vld [tilespmem:s12+$0xC400]  }
0x5e1: {  	v3 =	vld [tilespmem:s12+$0x8400];
	_ =	sdelay $0x3  }
0x5e2: {  	s30 =	simm.s32 $0x10;
	s21 =	simm.s32 $0x80  }
0x5e3: {  	s26 =	sand.u32 $0x3C00, s21;
	s25 =	sand.u32 $0x70, s30;
	v2 =	vadd.f32 v2, v3  }
0x5e4: {  	s26 =	sor.u32 s26, s25;
	s25 =	simm.s32 $0x20  }
.LBB2_126:
0x5e5: {  	p0 =	sne.s32 s25, $0x7F0;
	v3 =	vld [tilespmem:s26+$0xC400];
	[tilespmem:s12+$0x8400] =	vst v2;
	s12 =	smov.u32 s26  }
0x5e6: {  	v2 =	vld [tilespmem:s12+$0x8400];
	_ =	sdelay $0x1  }
.Ltmp62:
0x5e7: {  	(pc) =	sbr.rel @p0 .LBB2_126-.Ltmp62, $4  }
0x5e8: {  	_ = 	snop  }
0x5e9: {  	s21 =	sadd.s32 $0x80, s21  }
0x5ea: {  	s26 =	sand.u32 $0x70, s25;
	s28 =	sand.u32 $0x3C00, s21;
	v2 =	vadd.f32 v3, v2  }
0x5eb: {  	s25 =	sadd.s32 $0x10, s25;
	s26 =	sor.u32 s28, s26  }
0x5ec: {  	v3 =	vld [tilespmem:s26+$0xC400];
	[tilespmem:s12+$0x8400] =	vst v2  }
0x5ed: {  	v2 =	vld [tilespmem:s26+$0x8400];
	_ =	sdelay $0x3  }
0x5ee: {  	s30 =	sand.u32 $0x7, s20  }
0x5ef: {  	s12 =	sshll.u32 s30, $0x4;
	v2 =	vadd.f32 v3, v2  }
0x5f0: {  	s12 =	sadd.s32 $0x0, s12  }
0x5f1: {  	s12 =	sor.u32 $0x380, s12;
	[tilespmem:s26+$0x8400] =	vst v2  }
0x5f2: {  	v2 =	vld [tilespmem:s12+$0xC100]  }
0x5f3: {  	v3 =	vld [tilespmem:s12+$0x8100];
	_ =	sdelay $0x1  }
0x5f4: {  	s20 =	simm.s32 $0x1  }
0x5f5: {  	s21 =	sand.u32 $0x7, s20  }
0x5f6: {  	s25 =	simm.s32 $0x20;
	s26 =	sshll.u32 s21, $0x4;
	s21 =	simm.s32 $0x80  }
.LBB2_128:
0x5f7: {  	p0 =	sne.s32 s25, $0x7F0;
	s26 =	sadd.s32 s26, s21;
	v3 =	vadd.f32 v2, v3  }
0x5f8: {  	s26 =	sor.u32 $0x380, s26  }
0x5f9: {  	v2 =	vld [tilespmem:s26+$0xC100];
	[tilespmem:s12+$0x8100] =	vst v3;
	s12 =	smov.u32 s26  }
.Ltmp63:
0x5fa: {  	v3 =	vld [tilespmem:s12+$0x8100];
	(pc) =	sbr.rel @p0 .LBB2_128-.Ltmp63, $4  }
0x5fb: {  	_ = 	snop  }
0x5fc: {  	s20 =	sadd.s32 $0x1, s20  }
0x5fd: {  	s26 =	sand.u32 $0x7, s20  }
0x5fe: {  	s25 =	sadd.s32 $0x10, s25;
	s21 =	sadd.s32 $0x80, s21;
	s26 =	sshll.u32 s26, $0x4  }
0x5ff: {  	s20 =	sadd.s32 s26, s21;
	v2 =	vadd.f32 v2, v3  }
0x600: {  	s20 =	sor.u32 $0x380, s20  }
0x601: {  	v3 =	vld [tilespmem:s20+$0xC100];
	[tilespmem:s12+$0x8100] =	vst v2  }
0x602: {  	v2 =	vld [tilespmem:s20+$0x8100];
	_ =	sdelay $0x4  }
0x603: {  	v2 =	vadd.f32 v3, v2;
	_ =	sdelay $0x1  }
0x604: {  	s29 =	rddreg [dreg:$0xc];
	[tilespmem:s20+$0x8100] =	vst v2  }
0x605: {  	[hbm4b:s29+s2] =	stream.linear.scatter [tilespmem:s18], [sflag:$0x5], $0x4000, $0x38;
	[tilespmem:$0x10100] =	vst v63  }
0x606: {  	_ =	swait.ge [sflag:s22], $0x4000  }
0x607: {  	s19 =	sadd.s32 $0x1, s19;
	s30 =	rddreg [dreg:$0xd]  }
0x608: {  	p0 =	sne.s32 s19, s30  }
.Ltmp64:
0x609: {  	_ = 	snop;
	(pc) =	sbr.rel @p0 .LBB2_1-.Ltmp64, $3  }
0x60a: {  	_ =	sdelay $0x1  }
0x60b: {  	[sflag:s22] =	ssyncset.done $0x0  }
0x60c: {  	[sflag:s22] =	ssyncadd.s32 $0xFFFFC000  }
0x60d: {  	_ =	sfence.sel $0x180000  }
0x60e: {  	[bflag:$0x0] =	sbarrier.arrive $0xFFFF  }
0x60f: {  	_ =	strace $0x90000050  }
0x610: {  	s0 =	stileid.u32;
	[bflag:$0x2] =	sbarrier.arrive $0xFFFF  }
0x611: {  	p0 =	sne.s32 s0, $0x0;
	s0 =	rddreg [dreg:$0x2]  }
0x612: {  	s0 =	sadd.s32 @!p0 $0x100000, s0  }
0x613: {  	[sflag:s0] =	ssyncadd.tile.s32 @!p0 $0x1;
	_ =	shalt  }
.Lfunc_end2:
_tile_overlayer_lowered:
.L_overlay_start_2:
0x614: {  	(tag) =	ssettag $0x2  }
0x615: {  	s0 =	rddreg [dreg:$0x0];
	s2 =	stileid.u32  }
0x616: {  	s1 =	rddreg [dreg:$0x1];
	p0 =	sne.s32 s2, $0x0  }
0x617: {  	s3 =	rddreg [dreg:$0x2];
	[bflag:$0x3] =	sbarrier.arrive $0xFFFF;
	s2 =	simm.s32 @!p0 $0x1C05  }
0x618: {  	[timem:s3], [sflag:s2] =	dma.local @!p0 [hbm:s0], s1  }
0x619: {  	s0 =	simm.s32 @!p0 $0x5  }
0x61a: {  	_ =	swait.ge @!p0 [sflag:s0], s1  }
0x61b: {  	s1 =	ssub.s32 @!p0 $0x0, s1;
	[sflag:s0] =	ssyncset.done @!p0 $0x0  }
0x61c: {  	[sflag:s0] =	ssyncadd.s32 @!p0 s1  }
0x61d: {  	[bflag:$0x3] =	sbarrier.arrive $0xFFFF  }
0x61e: {  	_ =	shalt  }

// kernel: sparse-core-data-format-call.cloned.1.call-start
scs
called_computation_lowered:
.L_overlay_start_0:
0x0: {  	s1 =	sld [smem:$0x3FD9]  }
0x1: {  	s2 =	sld [smem:$0x3FFE];
	_ =	sdelay $0x1  }
0x2: {  	s3 =	srdreg.scid  }
0x3: {  	s0 =	sand.u32 $0x1, s3  }
0x4: {  	s17 =	sshll.u32 s0, $0xA;
	s1 =	sadd.s32 s2, s1  }
0x5: {  	s1 =	sadd.s32 s1, s17  }
0x6: {  	[smem:$0x3FC3] =	sst s1  }
0x7: {  	_ = 	snop  }
0x8: {  	(tm) =	ssettm $0x1  }
0x9: {  	s18 =	sld [smem:$0x3FFB];
	_ =	sdelay $0x3  }
0xa: {  	_ =	strace s18  }
0xb: {  	s1 =	sld [smem:$0x3FFC];
	_ =	sdelay $0x3  }
0xc: {  	_ =	strace s1  }
0xd: {  	s1 =	sld [smem:$0x3FFD];
	_ =	sdelay $0x3  }
0xe: {  	_ =	strace s1  }
0xf: {  	_ =	strace $0x8FFFFFFF  }
0x10: {  	s19 =	sld [smem:$0x3FDB];
	_ =	sdelay $0x1  }
0x11: {  	s20 =	simm.s32 $_scs_section_size  }
0x12: {  	s4 =	simm.s32 $_size__tile_overlayer_lowered;
	s5 =	simm.s32 $_tile_overlayer_lowered  }
0x13: {  	s23 =	simm.s32 $0x1BFF;
	s22 =	sshll.u32 s5, $0x1;
	s1 =	sadd.s32 s20, s19  }
0x14: {  	s6 =	simm.s32 $0x0;
	s21 =	sshll.u32 s4, $0x1;
	s4 =	sadd.s32 s22, s1  }
0x15: {  	[timem:s6], [sflag:s23] =	dma.local [hbm:s4], s21  }
0x16: {  	_ =	swait.ge [sflag:s23], s21  }
0x17: {  	s2 =	ssub.s32 $0x0, s21;
	[sflag:s23] =	ssyncset.done $0x0  }
0x18: {  	[sflag:s23] =	ssyncadd.s32 s2;
	_ =	sdelay $0x1  }
0x19: {  	s24 =	simm.s32 $0x1B8B  }
0x1a: {  	_ =	swait.ge [sflag:s24], $0x1  }
0x1b: {  	[sflag:s24] =	ssyncset.done $0x0  }
0x1c: {  	s26 =	simm.s32 $0x1B8E;
	s25 =	sld [smem:$0x3FFE];
	[sflag:s24] =	ssyncadd.s32 $0xFFFFFFFF  }
0x1d: {  	s27 =	simm.s32 $execute0_lowered;
	[smem:$0x3FD2] =	sst s26  }
0x1e: {  	s4 =	sshll.u32 s27, $0x1;
	_ =	strace $0x8000004C;
	[dreg:$0x1] =	wrdreg $0xFFFFFFFF  }
0x1f: {  	s28 =	simm.s32 $_size_execute0_lowered;
	s1 =	sadd.s32 s1, s4;
	[dreg:$0x0] =	wrdreg $0x0  }
0x20: {  	s4 =	sshll.u32 s28, $0x1;
	[dreg:$0x2] =	wrdreg s1  }
0x21: {  	[dreg:$0x3] =	wrdreg s4  }
0x22: {  	[dreg:$0x4] =	wrdreg $0xC0  }
0x23: {  	_ =	task [dreg:s6], $0x5FFFF  }
0x24: {  	[dreg:$0x1] =	wrdreg $0xFFFFFFFF  }
0x25: {  	[dreg:$0x0] =	wrdreg $0x60  }
0x26: {  	[dreg:$0x2] =	wrdreg s25  }
0x27: {  	[dreg:$0x3] =	wrdreg $0x9  }
0x28: {  	_ =	task.clear_ibuf [dreg:s6], $0x4FFFF;
	_ =	strace $0x9000004C  }
0x29: {  	s29 =	simm.s32 $0x9;
	_ =	strace $0x8000004E  }
0x2a: {  	_ =	swait.ge [sflag:s29], $0x1  }
0x2b: {  	[sflag:s29] =	ssyncadd.s32 $0xFFFFFFFF  }
0x2c: {  	_ =	strace $0x9000004E  }
0x2d: {  	_ =	sfence  }
0x2e: {  	s30 =	sld [smem:$0x0];
	_ =	sdelay $0x2  }
0x2f: {  	s31 =	sshll.u32 s3, $0xD;
	s3 =	sshrl.u32 s3, $0x2  }
0x30: {  	s2 =	sand.u32 $0x4000, s31;
	s1 =	sadd.s32 s3, s30  }
0x31: {  	s0 =	sor.u32 s2, s0;
	s1 =	sshll.u32 s1, $0x11  }
0x32: {  	s0 =	sor.u32 s1, s0  }
0x33: {  	s0 =	sadd.s32 $0x8F2B, s0  }
0x34: {  	[sflag:s0] =	ssyncadd.remote.s32 $0x1  }
0x35: {  	_ =	sfence.sel $0xFFFF  }
0x36: {  	[dreg:$0x0] =	wrdreg $0xFFFFFFFF;
	(pc) =	sbr.abs _section_cstart, $3  }
0x37: {  	[dreg:$0x1] =	wrdreg $0xFFFFFFFF  }
0x38: {  	_ =	task.clear_ibuf [dreg:s6], $0x2FFFF;
	_ =	strace $0x9FFFFFFF  }
0x39: {  	(tm) =	ssettm $0x7FFFFFFF  }
tec
execute0_lowered:
.L_overlay_start_1:
0x0: {  	(tag) =	ssettag $0x1  }
0x1: {  	s7 =	rddreg [dreg:$0x0]  }
0x2: {  	s1 =	stileid.u32;
	s3 =	srdreg.scid  }
0x3: {  	s0 =	rddreg [dreg:$0x1];
	_ =	strace $0x8000004D;
	s8 =	simm.s32 $0x1  }
0x4: {  	s31 =	simm.s32 $0x2;
	s14 =	simm.s32 $0x0;
	s13 =	simm.s32 $0x0  }
0x5: {  	s12 =	simm.s32 $0x0;
	s2 =	sshll.u32 s1, $0x7;
	s3 =	sshll.u32 s3, $0x7  }
0x6: {  	s3 =	sand.u32 $0x80, s3;
	s4 =	ssub.s32 $0x800, s2;
	s11 =	smov.u32 s2  }
0x7: {  	s5 =	sshrl.u32 s4, $0xB;
	s4 =	sand.u32 $0x780, s4;
	s6 =	ssub.s32 $0x1800, s3  }
0x8: {  	p0 =	sne.s32 s4, $0x0;
	s30 =	sshrl.u32 s6, $0x7;
	s6 =	sshrl.u32 s6, $0x8  }
.Ltmp0:
0x9: {  	s8 =	simm.s32 @!p0 $0x0;
	s9 =	sand.u32 $0x1, s30;
	(pc) =	sbr.rel .LBB1_1-.Ltmp0, $4  }
0xa: {  	s4 =	simm.s32 $0x1;
	s5 =	sadd.s32 s8, s5;
	s6 =	sadd.s32 s6, s9  }
0xb: {  	s10 =	smov.u32 s3;
	[sflag:s4] =	ssyncpa.u1 $0x0;
	s5 =	smul.u32 s5, s6  }
0xc: {  	p0 =	por $0x0, $0x0;
	[sflag:s31] =	ssyncpa.u1 $0x0;
	s9 =	simm.s32 $0x4000  }
0xd: {  	s6 =	sadd.s32 $0x491800, s7;
	s7 =	sadd.s32 $0x311800, s7;
	s8 =	sadd.s32 $0x1, s5  }
.LBB1_4:
0xe: {  	v5 =	vld [tilespmem:s17+$0xFFFFFFD0];
	[tilespmem:s18+$0x2040 ss:$0x81] =	vst.msk $0xffff, v3  }
0xf: {  	v58 =	vld [tilespmem:s17+$0xFFFFFFE0];
	[tilespmem:s18+$0x2850 ss:$0x81] =	vst.msk $0xffff, v4;
	s20 =	sshll.u32 s14, $0xB;
	s21 =	sshll.u32 s13, $0x3  }
0x10: {  	s19 =	sshra.s32 s19, $0x2;
	v59 =	vld [tilespmem:s17+$0xFFFFFFF0];
	[tilespmem:s18+$0x3060 ss:$0x81] =	vst.msk $0xffff, v2;
	s20 =	sand.u32 $0xFFFFC000, s20;
	s22 =	sand.u32 $0xFFFFFC00, s21  }
0x11: {  	[tilespmem:s18+$0x0 ss:$0x81] =	vst.msk $0xffff, v0;
	v60 =	vld [tilespmem:s17+$0x0];
	s16 =	sadd.s32 s19, s16;
	s25 =	sadd.s32 s22, s20  }
0x12: {  	v61 =	vld [tilespmem:s17+$0x10];
	[tilespmem:s16+$0x3870 ss:$0x81] =	vst.msk $0xffff, v1;
	s18 =	sshrl.u32 s25, $0xB  }
0x13: {  	v62 =	vld [tilespmem:s17+$0x20];
	s26 =	smulhi.u32 $0xAAAAB, s18;
	[tilespmem:s16+$0x810 ss:$0x81] =	vst.msk $0xffff, v5  }
0x14: {  	v63 =	vld [tilespmem:s17+$0xFFFFFFC0];
	s27 =	sand.u32 $0x78, s13;
	s28 =	sshll.u32 s14, $0x7;
	s29 =	sand.u32 $0x400, s21;
	[tilespmem:s16+$0x1020 ss:$0x81] =	vst.msk $0xffff, v58  }
0x15: {  	s14 =	sand.u32 $0x380, s28;
	s17 =	sor.u32 s27, s29;
	[tilespmem:s16+$0x1830 ss:$0x81] =	vst.msk $0xffff, v59;
	s19 =	smul.u32 $0x1800, s26  }
0x16: {  	s14 =	sor.u32 s14, s17;
	[tilespmem:s16+$0x2040 ss:$0x81] =	vst.msk $0xffff, v60  }
0x17: {  	s31 =	sand.u32 $0x7, s13;
	s14 =	sshrl.u32 s14, $0x3;
	[tilespmem:s16+$0x2850 ss:$0x81] =	vst.msk $0xffff, v61;
	s30 =	ssub.s32 s18, s19  }
0x18: {  	s13 =	sshll.u32 s31, $0x12;
	[tilespmem:s16+$0x3060 ss:$0x81] =	vst.msk $0xffff, v62;
	s14 =	sadd.s32 s7, s14;
	s17 =	sshll.u32 s30, $0x8  }
0x19: {  	s13 =	sor.u32 $0x400, s13;
	[tilespmem:s16+$0x0 ss:$0x81] =	vst.msk $0xffff, v63;
	s14 =	sadd.s32 s17, s14  }
0x1a: {  	[hbm4b:s14+s13] =	stream.strided.scatter [tilespmem:s15], [sflag:$0x2], $0x4000, s9, s13, $0x20;
	[tilespmem:$0x10100] =	vst v63  }
.LBB1_5:
0x1b: {  	s15 =	sadd.s32 $0x100, s10  }
0x1c: {  	s13 =	sadd.s32 $0x800, s11;
	s17 =	smov.u32 s11;
	p2 =	sgt.s32 s15, $0x17FF  }
0x1d: {  	s17 =	smov.u32 @p2 s13  }
0x1e: {  	s15 =	smov.u32 @p2 s3;
	p2 =	sgt.s32 s17, $0x7FF  }
0x1f: {  	s17 =	smov.u32 @p2 s2;
	p2 =	sne.s32 s12, s8  }
.Ltmp1:
0x20: {  	p1 =	slt.u32 s12, $0x2;
	(pc) =	sbr.rel @!p2 .LBB1_6-.Ltmp1, $4  }
0x21: {  	s16 =	simm.s32 @!p1 $0x2  }
0x22: {  	s14 =	smov.u32 s10;
	p0 =	por !p0, !p0;
	_ =	swait.ge @!p1 [sflag:s16], $0x4000  }
0x23: {  	s13 =	smov.u32 s11;
	[sflag:s16] =	ssyncset.done @!p1 $0x0;
	s10 =	smov.u32 s15  }
0x24: {  	s12 =	sadd.s32 $0x1, s12;
	[sflag:s16] =	ssyncadd.s32 @!p1 $0xFFFFC000;
	s11 =	smov.u32 s17  }
.LBB1_1:
0x25: {  	p1 =	sge.u32 s12, s5  }
0x26: {  	s15 =	sshrl.u32 @!p1 s11, $0x3  }
0x27: {  	s16 =	sshll.u32 @!p1 s10, $0x3;
	s17 =	sshll.u32 @!p1 s11, $0x7;
	s15 =	smul.u32 @!p1 $0xC000, s15  }
0x28: {  	s18 =	sand.u32 @!p1 $0x7F, s10;
	s16 =	sand.u32 @!p1 $0xFFFFFC00, s16;
	s17 =	sand.u32 @!p1 $0x380, s17  }
0x29: {  	s15 =	sadd.s32 @!p1 s15, s16;
	s16 =	sor.u32 @!p1 s18, s17  }
0x2a: {  	s16 =	sor.u32 @!p1 s15, s16  }
0x2b: {  	s17 =	smulhi.u32 @!p1 $0xAAAAAAAB, s16;
	_ =	sdelay $0x1  }
0x2c: {  	s15 =	smulhi.u32 @!p1 $0xAAAAAAAB, s15;
	s17 =	sshrl.u32 @!p1 s17, $0xC  }
0x2d: {  	s17 =	smul.u32 @!p1 $0x1800, s17  }
0x2e: {  	s31 =	sadd.s32 $0xFFFFFFFF, s12;
	s18 =	sxor.u32 @!p1 $0xFFFFFFFF, s12;
	s15 =	sshrl.u32 @!p1 s15, $0xC  }
0x2f: {  	s18 =	sshll.u32 @!p1 s18, $0xE;
	s15 =	sand.u32 @!p1 $0x7FF, s15;
	s16 =	ssub.s32 @!p1 s16, s17  }
0x30: {  	s15 =	smul.u32 @!p1 $0x300, s15;
	s17 =	sshrl.u32 @!p1 s16, $0x3;
	s16 =	sand.u32 @!p1 $0x7, s16  }
0x31: {  	s18 =	sand.u32 @!p1 $0x4000, s18;
	s17 =	sadd.s32 @!p1 s6, s17;
	s16 =	sshll.u32 @!p1 s16, $0x12  }
0x32: {  	s15 =	sadd.s32 @!p1 s15, s17;
	s16 =	sor.u32 @!p1 $0x400, s16;
	s17 =	simm.s32 @!p1 $0xC000  }
0x33: {  	[tilespmem:s18], [sflag:$0x1] =	stream.strided.gather @!p1 [hbm4b:s15+s16], $0x4000, s17, s16, $0x38;
	[tilespmem:$0x10100] =	vst v63  }
0x34: {  	p1 =	sge.u32 s31, s5  }
.Ltmp2:
0x35: {  	_ = 	snop;
	(pc) =	sbr.rel @p1 .LBB1_5-.Ltmp2, $1  }
0x36: {  	_ =	sdelay $0x3  }
0x37: {  	s15 =	simm.s32 $0x1  }
0x38: {  	_ =	swait.ge [sflag:s4], $0x4000;
	s15 =	simm.s32 @!p0 $0x0  }
0x39: {  	[sflag:s4] =	ssyncset.done $0x0;
	s16 =	sshll.u32 s15, $0xE  }
0x3a: {  	[sflag:s4] =	ssyncadd.s32 $0xFFFFC000;
	s17 =	sor.u32 $0x40, s16  }
0x3b: {  	s15 =	smul.u32 $0x10200, s15;
	v0 =	vld [tilespmem:s17+$0x30]  }
0x3c: {  	v1 =	vld [tilespmem:s17+$0xFFFFFFD0]  }
0x3d: {  	s15 =	sshrl.u32 s15, $0x2;
	v5 =	vld [tilespmem:s17+$0xFFFFFFE0]  }
0x3e: {  	v6 =	vld [tilespmem:s17+$0xFFFFFFF0];
	s16 =	sor.u32 $0x8000, s15  }
0x3f: {  	s31 =	sand.u32 $0x1, s12;
	v3 =	vld [tilespmem:s17+$0x0];
	s18 =	sadd.s32 $0x0, s16  }
0x40: {  	v4 =	vld [tilespmem:s17+$0x10];
	s15 =	smul.u32 $0x10200, s31;
	[tilespmem:s18+$0x3870 ss:$0x81] =	vst.msk $0xffff, v0  }
0x41: {  	v2 =	vld [tilespmem:s17+$0x20];
	[tilespmem:s18+$0x810 ss:$0x81] =	vst.msk $0xffff, v1  }
0x42: {  	s15 =	sshrl.u32 s15, $0x2;
	v0 =	vld [tilespmem:s17+$0xFFFFFFC0];
	[tilespmem:s18+$0x1020 ss:$0x81] =	vst.msk $0xffff, v5;
	s17 =	sadd.s32 $0x80, s17  }
0x43: {  	s19 =	simm.s32 $0x4;
	s20 =	simm.s32 $0x8;
	s15 =	sor.u32 $0x8000, s15;
	[tilespmem:s18+$0x1830 ss:$0x81] =	vst.msk $0xffff, v6;
	v1 =	vld [tilespmem:s17+$0x30]  }
.LBB1_3:
0x44: {  	p1 =	sne.s32 s20, $0x1FC;
	v5 =	vld [tilespmem:s17+$0xFFFFFFD0];
	[tilespmem:s18+$0x2040 ss:$0x81] =	vst.msk $0xffff, v3  }
0x45: {  	v6 =	vld [tilespmem:s17+$0xFFFFFFE0];
	[tilespmem:s18+$0x2850 ss:$0x81] =	vst.msk $0xffff, v4  }
0x46: {  	s21 =	sshra.s32 s19, $0x2;
	s19 =	smov.u32 s20;
	v7 =	vld [tilespmem:s17+$0xFFFFFFF0];
	[tilespmem:s18+$0x3060 ss:$0x81] =	vst.msk $0xffff, v2  }
.Ltmp3:
0x47: {  	v3 =	vld [tilespmem:s17+$0x0];
	[tilespmem:s18+$0x0 ss:$0x81] =	vst.msk $0xffff, v0;
	s18 =	sadd.s32 s21, s16;
	(pc) =	sbr.rel @p1 .LBB1_3-.Ltmp3, $4  }
0x48: {  	v4 =	vld [tilespmem:s17+$0x10];
	[tilespmem:s18+$0x3870 ss:$0x81] =	vst.msk $0xffff, v1  }
0x49: {  	[tilespmem:s18+$0x810 ss:$0x81] =	vst.msk $0xffff, v5;
	v2 =	vld [tilespmem:s17+$0x20]  }
0x4a: {  	v0 =	vld [tilespmem:s17+$0xFFFFFFC0];
	[tilespmem:s18+$0x1020 ss:$0x81] =	vst.msk $0xffff, v6;
	s17 =	sadd.s32 $0x80, s17  }
0x4b: {  	s20 =	sadd.s32 $0x4, s20;
	v1 =	vld [tilespmem:s17+$0x30];
	[tilespmem:s18+$0x1830 ss:$0x81] =	vst.msk $0xffff, v7  }
.Ltmp4:
0x4c: {  	_ = 	snop;
	(pc) =	sbr.rel .LBB1_4-.Ltmp4, $1  }
0x4d: {  	_ =	sdelay $0x3  }
.LBB1_6:
0x4e: {  	_ =	sfence.sel $0x180000  }
0x4f: {  	s2 =	simm.s32 $0x1;
	[bflag:$0x0] =	sbarrier.arrive $0xFFFF  }
0x50: {  	s31 =	simm.s32 $0x2;
	[sflag:s2] =	ssyncpa.u1 $0x1  }
0x51: {  	[sflag:s31] =	ssyncpa.u1 $0x1  }
0x52: {  	p0 =	sne.s32 s1, $0x0;
	_ =	strace $0x9000004D  }
0x53: {  	s0 =	sadd.s32 @!p0 $0x100000, s0;
	[bflag:$0x2] =	sbarrier.arrive $0xFFFF  }
0x54: {  	[sflag:s0] =	ssyncadd.tile.s32 @!p0 $0x1;
	_ =	shalt  }
.Lfunc_end1:
_tile_overlayer_lowered:
.L_overlay_start_2:
0x55: {  	(tag) =	ssettag $0x2  }
0x56: {  	s0 =	rddreg [dreg:$0x0];
	s2 =	stileid.u32  }
0x57: {  	s1 =	rddreg [dreg:$0x1];
	p0 =	sne.s32 s2, $0x0  }
0x58: {  	s3 =	rddreg [dreg:$0x2];
	[bflag:$0x3] =	sbarrier.arrive $0xFFFF;
	s2 =	simm.s32 @!p0 $0x1C01  }
0x59: {  	[timem:s3], [sflag:s2] =	dma.local @!p0 [hbm:s0], s1  }
0x5a: {  	s0 =	simm.s32 @!p0 $0x1  }
0x5b: {  	_ =	swait.ge @!p0 [sflag:s0], s1  }
0x5c: {  	s1 =	ssub.s32 @!p0 $0x0, s1;
	[sflag:s0] =	ssyncset.done @!p0 $0x0  }
0x5d: {  	[sflag:s0] =	ssyncadd.s32 @!p0 s1  }
0x5e: {  	[bflag:$0x3] =	sbarrier.arrive $0xFFFF  }
0x5f: {  	_ =	shalt  }

</sc_bundles>
